<compile_context>
chip_gen: v7x
topology: tpu7x:2x2x1
jax: 0.10.2.dev20260603
libtpu: 0.0.44.dev20260713+nightly
codegen_flags: <defaults>
</compile_context>

<pallas_src>
import functools

import jax
import jax.numpy as jnp
from jax import lax
from jax.experimental import pallas as pl
from jax.experimental.pallas import tpu as pltpu
from jax.experimental.pallas import tpu_sc as plsc

B, V, C = 1024, 20, 20
D = 64
RPB = V * C
NCHUNK = 5
CHUNK = RPB // NCHUNK
L = 16
NCOL = D // L

_PK_BT = 512
_PK_NB = 98
HOFF = _PK_BT * _PK_NB


def _pack_body(a_ref, b_ref, out_ref):
  eye = jnp.eye(D, dtype=jnp.float32)
  dn = (((0,), (0,)), ((), ()))
  ta = lax.dot_general(a_ref[...], eye, dn,
                       preferred_element_type=jnp.float32)
  tb = lax.dot_general(b_ref[...], eye, dn,
                       preferred_element_type=jnp.float32)
  out_ref[...] = jnp.concatenate([ta, tb], axis=1)


def _tc_pack_table(wt):
  return pl.pallas_call(
      _pack_body,
      grid=(_PK_NB,),
      in_specs=[
          pl.BlockSpec((D, _PK_BT), lambda g: (0, g)),
          pl.BlockSpec((D, _PK_BT), lambda g: (0, g + _PK_NB)),
      ],
      out_specs=pl.BlockSpec((_PK_BT, 2 * D), lambda g: (g, 0)),
      out_shape=jax.ShapeDtypeStruct((HOFF, 2 * D), jnp.float32),
  )(wt, wt)


_DNUMS = lax.GatherDimensionNumbers(
    offset_dims=(), collapsed_slice_dims=(0,), start_index_map=(0,))


def _shuffle(v, idx):
  return lax.gather(v, idx[:, None], _DNUMS, slice_sizes=(1,),
                    mode=lax.GatherScatterMode.PROMISE_IN_BOUNDS)


def _scaled_rows4(rows_ref, r0):
  lanes = lax.iota(jnp.int32, L)
  data = [[rows_ref[r0 + u, pl.ds(L * c, L)] for c in range(NCOL)]
          for u in range(4)]
  ssv = [d[0] * d[0] + d[1] * d[1] + d[2] * d[2] + d[3] * d[3] for d in data]
  red = []
  for s in ssv:
    s = s + _shuffle(s, lanes ^ 8)
    s = s + _shuffle(s, lanes ^ 4)
    red.append(s)
  gid = lanes >> 2
  m = red[0]
  for k in range(1, 4):
    m = jnp.where(gid == k, red[k], m)
  m = m + _shuffle(m, lanes ^ 2)
  m = m + _shuffle(m, lanes ^ 1)
  i = lax.bitcast_convert_type(m, jnp.int32)
  y = lax.bitcast_convert_type(jnp.int32(0x5F3759DF) - (i >> 1), jnp.float32)
  xh = 0.5 * m
  y = y * (1.5 - xh * y * y)
  y = y * (1.5 - xh * y * y)
  scale = jnp.where(m > 1.0, y - 1e-7 * (y * y), 1.0)
  out = []
  for u in range(4):
    su = _shuffle(scale, jnp.full((L,), 4 * u, jnp.int32))
    out.append([d * su for d in data[u]])
  return out


def _make_kernel():
  info = plsc.get_sparse_core_info()
  nc, ns = info.num_cores, info.num_subcores
  nw = nc * ns
  bpw = B // nw
  ipw = bpw * RPB

  mesh = plsc.VectorSubcoreMesh(core_axis_name="c", subcore_axis_name="s")

  @functools.partial(
      pl.kernel,
      mesh=mesh,
      out_type=jax.ShapeDtypeStruct((B * V * D,), jnp.float32),
      compiler_params=pltpu.CompilerParams(use_tc_tiling_on_sc=False),
      scratch_types=[
          pltpu.VMEM((ipw,), jnp.int32),
          pltpu.VMEM((2, RPB, D), jnp.float32),
          pltpu.VMEM((V * D,), jnp.float32),
          pltpu.SemaphoreType.DMA,
          pltpu.SemaphoreType.DMA,
      ],
  )
  def k(x_hbm, w_hbm, out_hbm, idx_v, rows_v, out_v, sem0, sem1):
    sems = (sem0, sem1)
    wid = lax.axis_index("s") * nc + lax.axis_index("c")
    base = wid * bpw

    pltpu.sync_copy(x_hbm.at[pl.ds(wid * ipw, ipw)], idx_v)

    def remap(t, carry):
      v = idx_v[pl.ds(t * L, L)]
      j = (v << 1) - jnp.where(v >= HOFF, jnp.int32(2 * HOFF - 1),
                               jnp.int32(0))
      idx_v[pl.ds(t * L, L)] = j
      return carry

    lax.fori_loop(0, ipw // L, remap, 0)

    def fire(b, slot):
      for j in range(NCHUNK):
        pltpu.async_copy(
            w_hbm.at[idx_v.at[pl.ds(b * RPB + j * CHUNK, CHUNK)]],
            rows_v.at[slot, pl.ds(j * CHUNK, CHUNK)],
            sems[slot],
        )

    def drain(slot):
      pltpu.make_async_copy(
          w_hbm.at[pl.ds(0, RPB)], rows_v.at[slot], sems[slot]
      ).wait()

    def compute(slot, b):
      rows = rows_v.at[slot]

      def store_row(r, vs):
        for c in range(NCOL):
          out_v[pl.ds(r * D + L * c, L)] = vs[c]

      def head(g, carry):
        r0 = 4 * g
        quad = _scaled_rows4(rows, r0)
        for u in range(4):
          store_row(r0 + u, quad[u])
        return carry

      lax.fori_loop(0, 4, head, 0)

      quad = _scaled_rows4(rows, 16)
      for u in range(3):
        store_row(16 + u, quad[u])
      acc = quad[3]

      def tail(g, acc):
        quad = _scaled_rows4(rows, 20 + 4 * g)
        return tuple(
            a + ((quad[0][c] + quad[1][c]) + (quad[2][c] + quad[3][c]))
            for c, a in enumerate(acc)
        )

      acc = lax.fori_loop(0, (RPB - 20) // 4, tail, tuple(acc))
      for c in range(NCOL):
        out_v[pl.ds((V - 1) * D + L * c, L)] = acc[c]

      pltpu.sync_copy(out_v, out_hbm.at[pl.ds((base + b) * V * D, V * D)])

    fire(0, 0)
    fire(1, 1)

    def pair(g, carry):
      for s in range(2):
        b = 2 * g + s
        drain(s)
        compute(s, b)

        @pl.when(b + 2 < bpw)
        def _():
          fire(b + 2, s)

      return carry

    lax.fori_loop(0, bpw // 2, pair, 0)

  return k


_kernel = _make_kernel()


def kernel(x, weight):
  xf = x.astype(jnp.int32).reshape(B * V * C)
  table = _tc_pack_table(weight.T).reshape(2 * HOFF, D)
  return _kernel(xf, table).reshape(B, V, D)

# --- scband reference (transcript-rebuilt; emitter-appended) ---
"""Pipeline reference for scband-clinical-embedding-68762426409609 (READ-ONLY COPY).

The authoritative reference and input builder live on the scoring server;
editing this copy changes nothing except your own understanding.
"""

import jax, jax.numpy as jnp
import numpy as np

NUM_CONCEPTS = 100000
EMB_SZ = 64
MAX_NORM = 1.0
B, V, C = 1024, 20, 20


def setup_inputs(seed: int = 0) -> dict:
    key = jax.random.key(seed)
    k1, k2 = jax.random.split(key)
    x = jax.random.randint(k1, (B, V, C), 0, NUM_CONCEPTS)
    weight = jax.random.normal(k2, (NUM_CONCEPTS, EMB_SZ), dtype=jnp.float32)
    return {"x": x, "weight": weight}


def reference(x, weight):
    # Faithful translation of ClinicalEmbedding.forward.
    # expand_visits flattens all codes of a sequence and (note: as written in the
    # original code) produces offsets = arange(num_visits). With C codes per visit,
    # flattened has length V*C, so EmbeddingBag(mode='sum') yields:
    #   bag i (i < V-1): single element flattened[i]
    #   bag V-1:         sum of flattened[V-1:]
    # max_norm=1 renormalizes any looked-up row whose L2 norm exceeds 1.
    b, v, c = x.shape
    flat = x.reshape(b, v * c)                       # [B, V*C]
    rows = jnp.take(weight, flat, axis=0)            # [B, V*C, D] gather
    norms = jnp.linalg.norm(rows, axis=-1, keepdims=True)
    scale = jnp.where(norms > MAX_NORM, MAX_NORM / (norms + 1e-7), 1.0)
    rows = rows * jax.lax.stop_gradient(scale)       # renorm is non-differentiable in torch
    # EmbeddingBag with offsets = arange(V):
    first = rows[:, : v - 1, :]                      # bags 0..V-2, one code each
    last = jnp.sum(rows[:, v - 1 :, :], axis=1, keepdims=True)  # bag V-1 sums the tail
    embeds = jnp.concatenate([first, last], axis=1)  # [B, V, D]
    # batch_max_visits == V for every sequence here, so F.pad is a no-op;
    # torch.stack(embeds) -> [B, V, D]
    return embeds

if __name__ == "__main__":
    import jax
    _d = setup_inputs()
    print(jax.jit(kernel)(*tuple(_d.values())))

</pallas_src>

<mosaic_0001>
#map = affine_map<(d0, d1) -> (0)>
#map1 = affine_map<(d0, d1) -> (0, 0)>
module attributes {stable_mosaic.version = 14 : i64} {
  func.func @k(%arg0: i32, %arg1: i32, %arg2: memref<409600xi32, #tpu.memory_space<hbm>>, %arg3: memref<100352x64xf32, #tpu.memory_space<hbm>>, %arg4: memref<1310720xf32, #tpu.memory_space<hbm>>, %arg5: memref<12800xi32, #tpu.memory_space<vmem>>, %arg6: memref<2x400x64xf32, #tpu.memory_space<vmem>>, %arg7: memref<1280xf32, #tpu.memory_space<vmem>>, %arg8: memref<!tpu.dma_semaphore, #tpu.memory_space<semaphore_mem>>, %arg9: memref<!tpu.dma_semaphore, #tpu.memory_space<semaphore_mem>>) attributes {dimension_semantics = [#tpu.dimension_semantics<core_parallel>, #tpu.dimension_semantics<subcore_parallel>], iteration_bounds = array<i64: 2, 16>, scalar_prefetch = 0 : i64, scratch_operands = 5 : i64, tpu.core_type = #tpu.core_type<sc_vector_subcore>, window_params = [{transform_indices = #map}, {transform_indices = #map1}, {transform_indices = #map}]} {
    %mul3A = arith.constant 2 : i32
    %mul3A_0 = arith.muli %arg1, %mul3A : i32
    %add3A = arith.addi %mul3A_0, %arg0 : i32
    %mul3A_1 = arith.constant 32 : i32
    %mul3A_2 = arith.muli %add3A, %mul3A_1 : i32
    %mul3A_3 = arith.constant 12800 : i32
    %mul3A_4 = arith.muli %add3A, %mul3A_3 : i32
    "tpu.region"() ({
      %run_scoped3A = tpu.sem_alloc : memref<!tpu.dma_semaphore, #tpu.memory_space<semaphore_mem>>
      %dma_start3A_115 = tpu.memref_slice %arg2[%mul3A_4] : memref<409600xi32, #tpu.memory_space<hbm>> -> memref<12800xi32, #tpu.memory_space<hbm>>
      %dma_start3A_116 = tpu.memref_slice %arg2[%mul3A_4] : memref<409600xi32, #tpu.memory_space<hbm>> -> memref<12800xi32, #tpu.memory_space<hbm>>
      tpu.enqueue_dma source(%dma_start3A_116 : memref<12800xi32, #tpu.memory_space<hbm>>) target(%arg5 : memref<12800xi32, #tpu.memory_space<vmem>>) target_semaphore(%run_scoped3A : memref<!tpu.dma_semaphore, #tpu.memory_space<semaphore_mem>>)
      %dma_wait3A = tpu.memref_slice %arg2[%mul3A_4] : memref<409600xi32, #tpu.memory_space<hbm>> -> memref<12800xi32, #tpu.memory_space<hbm>>
      %dma_wait3A_117 = tpu.memref_slice %arg2[%mul3A_4] : memref<409600xi32, #tpu.memory_space<hbm>> -> memref<12800xi32, #tpu.memory_space<hbm>>
      tpu.wait_dma2 semaphore(%run_scoped3A : memref<!tpu.dma_semaphore, #tpu.memory_space<semaphore_mem>>) src(%dma_wait3A_117 : memref<12800xi32, #tpu.memory_space<hbm>>) dst(%arg5 : memref<12800xi32, #tpu.memory_space<vmem>>)
      tpu.yield
    }) : () -> ()
    %scan3A = arith.constant 0 : i32
    %scan3A_5 = arith.constant 0 : i32
    %scan3A_6 = arith.constant 800 : i32
    %scan3A_7 = arith.addi %scan3A_5, %scan3A_6 : i32
    %scan3A_8 = arith.constant 1 : i32
    scf.for %scan3A_115 = %scan3A_5 to %scan3A_7 step %scan3A_8  : i32 {
      %mul3A_116 = arith.constant 16 : i32
      %mul3A_117 = arith.muli %scan3A_115, %mul3A_116 : i32
      %get3A = arith.index_cast %mul3A_117 : i32 to index
      %get3A_118 = tpu.vector_load %arg5[%get3A] {strides = array<i32>} : memref<12800xi32, #tpu.memory_space<vmem>>, vector<16xi32>,
      %get3A_119 = vector.shape_cast %get3A_118 : vector<16xi32> to vector<16xi32>
      %shift_left3A = arith.constant 1 : i32
      %shift_left3A_120 = vector.broadcast %shift_left3A : i32 to vector<16xi32>
      %shift_left3A_121 = arith.shli %get3A_119, %shift_left3A_120 : vector<16xi32>
      %ge3A = arith.constant 50176 : i32
      %ge3A_122 = vector.broadcast %ge3A : i32 to vector<16xi32>
      %ge3A_123 = arith.cmpi sge, %get3A_119, %ge3A_122 : vector<16xi32>
      %jit3A = arith.constant 100351 : i32
      %jit3A_124 = arith.constant 0 : i32
      %broadcast_in_dim3A = vector.broadcast %jit3A : i32 to vector<16xi32>
      %broadcast_in_dim3A_125 = vector.broadcast %jit3A_124 : i32 to vector<16xi32>
      %select_n3A = arith.select %ge3A_123, %broadcast_in_dim3A, %broadcast_in_dim3A_125 : vector<16xi1>, vector<16xi32>
      %sub3A = arith.subi %shift_left3A_121, %select_n3A : vector<16xi32>
      %mul3A_126 = arith.constant 16 : i32
      %mul3A_127 = arith.muli %scan3A_115, %mul3A_126 : i32
      %swap3A = arith.index_cast %mul3A_127 : i32 to index
      %swap3A_128 = tpu.vector_load %arg5[%swap3A] {strides = array<i32>} : memref<12800xi32, #tpu.memory_space<vmem>>, vector<16xi32>,
      %swap3A_129 = vector.shape_cast %swap3A_128 : vector<16xi32> to vector<16xi32>
      %swap3A_130 = vector.shape_cast %sub3A : vector<16xi32> to vector<16xi32>
      tpu.vector_store %arg5[%swap3A], %swap3A_130 {strides = array<i32>} : memref<12800xi32, #tpu.memory_space<vmem>>, vector<16xi32>,
    }
    %scan3A_9 = arith.constant 800 : i32
    %dma_start3A = arith.constant 0 : i32
    %dma_start3A_10 = arith.constant 0 : i32
    %dma_start3A_11 = arith.constant 0 : i32
    %dma_start3A_12 = tpu.memref_slice %arg6[%dma_start3A, %dma_start3A_10, %dma_start3A_11] : memref<2x400x64xf32, #tpu.memory_space<vmem>> -> memref<1x80x64xf32, #tpu.memory_space<vmem>>
    %dma_start3A_13 = tpu.memref_squeeze %dma_start3A_12 : memref<1x80x64xf32, #tpu.memory_space<vmem>> -> memref<80x64xf32, #tpu.memory_space<vmem>>
    %dma_start3A_14 = arith.constant 0 : i32
    %dma_start3A_15 = tpu.memref_slice %arg5[%dma_start3A_14] : memref<12800xi32, #tpu.memory_space<vmem>> -> memref<80xi32, #tpu.memory_space<vmem>>
    %dma_start3A_16 = arith.constant 0 : i32
    %dma_start3A_17 = arith.constant 0 : i32
    %dma_start3A_18 = tpu.memref_slice %arg3[%dma_start3A_16, %dma_start3A_17] : memref<100352x64xf32, #tpu.memory_space<hbm>> -> memref<100352x64xf32, #tpu.memory_space<hbm>>
    tpu.enqueue_indirect_dma source(%dma_start3A_18 : memref<100352x64xf32, #tpu.memory_space<hbm>>) target(%dma_start3A_13 : memref<80x64xf32, #tpu.memory_space<vmem>>) offsets(%dma_start3A_15 : memref<80xi32, #tpu.memory_space<vmem>>) semaphore(%arg8 : memref<!tpu.dma_semaphore, #tpu.memory_space<semaphore_mem>>)
    %dma_start3A_19 = arith.constant 0 : i32
    %dma_start3A_20 = arith.constant 80 : i32
    %dma_start3A_21 = arith.constant 0 : i32
    %dma_start3A_22 = tpu.memref_slice %arg6[%dma_start3A_19, %dma_start3A_20, %dma_start3A_21] : memref<2x400x64xf32, #tpu.memory_space<vmem>> -> memref<1x80x64xf32, #tpu.memory_space<vmem>>
    %dma_start3A_23 = tpu.memref_squeeze %dma_start3A_22 : memref<1x80x64xf32, #tpu.memory_space<vmem>> -> memref<80x64xf32, #tpu.memory_space<vmem>>
    %dma_start3A_24 = arith.constant 80 : i32
    %dma_start3A_25 = tpu.memref_slice %arg5[%dma_start3A_24] : memref<12800xi32, #tpu.memory_space<vmem>> -> memref<80xi32, #tpu.memory_space<vmem>>
    %dma_start3A_26 = arith.constant 0 : i32
    %dma_start3A_27 = arith.constant 0 : i32
    %dma_start3A_28 = tpu.memref_slice %arg3[%dma_start3A_26, %dma_start3A_27] : memref<100352x64xf32, #tpu.memory_space<hbm>> -> memref<100352x64xf32, #tpu.memory_space<hbm>>
    tpu.enqueue_indirect_dma source(%dma_start3A_28 : memref<100352x64xf32, #tpu.memory_space<hbm>>) target(%dma_start3A_23 : memref<80x64xf32, #tpu.memory_space<vmem>>) offsets(%dma_start3A_25 : memref<80xi32, #tpu.memory_space<vmem>>) semaphore(%arg8 : memref<!tpu.dma_semaphore, #tpu.memory_space<semaphore_mem>>)
    %dma_start3A_29 = arith.constant 0 : i32
    %dma_start3A_30 = arith.constant 160 : i32
    %dma_start3A_31 = arith.constant 0 : i32
    %dma_start3A_32 = tpu.memref_slice %arg6[%dma_start3A_29, %dma_start3A_30, %dma_start3A_31] : memref<2x400x64xf32, #tpu.memory_space<vmem>> -> memref<1x80x64xf32, #tpu.memory_space<vmem>>
    %dma_start3A_33 = tpu.memref_squeeze %dma_start3A_32 : memref<1x80x64xf32, #tpu.memory_space<vmem>> -> memref<80x64xf32, #tpu.memory_space<vmem>>
    %dma_start3A_34 = arith.constant 160 : i32
    %dma_start3A_35 = tpu.memref_slice %arg5[%dma_start3A_34] : memref<12800xi32, #tpu.memory_space<vmem>> -> memref<80xi32, #tpu.memory_space<vmem>>
    %dma_start3A_36 = arith.constant 0 : i32
    %dma_start3A_37 = arith.constant 0 : i32
    %dma_start3A_38 = tpu.memref_slice %arg3[%dma_start3A_36, %dma_start3A_37] : memref<100352x64xf32, #tpu.memory_space<hbm>> -> memref<100352x64xf32, #tpu.memory_space<hbm>>
    tpu.enqueue_indirect_dma source(%dma_start3A_38 : memref<100352x64xf32, #tpu.memory_space<hbm>>) target(%dma_start3A_33 : memref<80x64xf32, #tpu.memory_space<vmem>>) offsets(%dma_start3A_35 : memref<80xi32, #tpu.memory_space<vmem>>) semaphore(%arg8 : memref<!tpu.dma_semaphore, #tpu.memory_space<semaphore_mem>>)
    %dma_start3A_39 = arith.constant 0 : i32
    %dma_start3A_40 = arith.constant 240 : i32
    %dma_start3A_41 = arith.constant 0 : i32
    %dma_start3A_42 = tpu.memref_slice %arg6[%dma_start3A_39, %dma_start3A_40, %dma_start3A_41] : memref<2x400x64xf32, #tpu.memory_space<vmem>> -> memref<1x80x64xf32, #tpu.memory_space<vmem>>
    %dma_start3A_43 = tpu.memref_squeeze %dma_start3A_42 : memref<1x80x64xf32, #tpu.memory_space<vmem>> -> memref<80x64xf32, #tpu.memory_space<vmem>>
    %dma_start3A_44 = arith.constant 240 : i32
    %dma_start3A_45 = tpu.memref_slice %arg5[%dma_start3A_44] : memref<12800xi32, #tpu.memory_space<vmem>> -> memref<80xi32, #tpu.memory_space<vmem>>
    %dma_start3A_46 = arith.constant 0 : i32
    %dma_start3A_47 = arith.constant 0 : i32
    %dma_start3A_48 = tpu.memref_slice %arg3[%dma_start3A_46, %dma_start3A_47] : memref<100352x64xf32, #tpu.memory_space<hbm>> -> memref<100352x64xf32, #tpu.memory_space<hbm>>
    tpu.enqueue_indirect_dma source(%dma_start3A_48 : memref<100352x64xf32, #tpu.memory_space<hbm>>) target(%dma_start3A_43 : memref<80x64xf32, #tpu.memory_space<vmem>>) offsets(%dma_start3A_45 : memref<80xi32, #tpu.memory_space<vmem>>) semaphore(%arg8 : memref<!tpu.dma_semaphore, #tpu.memory_space<semaphore_mem>>)
    %dma_start3A_49 = arith.constant 0 : i32
    %dma_start3A_50 = arith.constant 320 : i32
    %dma_start3A_51 = arith.constant 0 : i32
    %dma_start3A_52 = tpu.memref_slice %arg6[%dma_start3A_49, %dma_start3A_50, %dma_start3A_51] : memref<2x400x64xf32, #tpu.memory_space<vmem>> -> memref<1x80x64xf32, #tpu.memory_space<vmem>>
    %dma_start3A_53 = tpu.memref_squeeze %dma_start3A_52 : memref<1x80x64xf32, #tpu.memory_space<vmem>> -> memref<80x64xf32, #tpu.memory_space<vmem>>
    %dma_start3A_54 = arith.constant 320 : i32
    %dma_start3A_55 = tpu.memref_slice %arg5[%dma_start3A_54] : memref<12800xi32, #tpu.memory_space<vmem>> -> memref<80xi32, #tpu.memory_space<vmem>>
    %dma_start3A_56 = arith.constant 0 : i32
    %dma_start3A_57 = arith.constant 0 : i32
    %dma_start3A_58 = tpu.memref_slice %arg3[%dma_start3A_56, %dma_start3A_57] : memref<100352x64xf32, #tpu.memory_space<hbm>> -> memref<100352x64xf32, #tpu.memory_space<hbm>>
    tpu.enqueue_indirect_dma source(%dma_start3A_58 : memref<100352x64xf32, #tpu.memory_space<hbm>>) target(%dma_start3A_53 : memref<80x64xf32, #tpu.memory_space<vmem>>) offsets(%dma_start3A_55 : memref<80xi32, #tpu.memory_space<vmem>>) semaphore(%arg8 : memref<!tpu.dma_semaphore, #tpu.memory_space<semaphore_mem>>)
    %dma_start3A_59 = arith.constant 1 : i32
    %dma_start3A_60 = arith.constant 0 : i32
    %dma_start3A_61 = arith.constant 0 : i32
    %dma_start3A_62 = tpu.memref_slice %arg6[%dma_start3A_59, %dma_start3A_60, %dma_start3A_61] : memref<2x400x64xf32, #tpu.memory_space<vmem>> -> memref<1x80x64xf32, #tpu.memory_space<vmem>>
    %dma_start3A_63 = tpu.memref_squeeze %dma_start3A_62 : memref<1x80x64xf32, #tpu.memory_space<vmem>> -> memref<80x64xf32, #tpu.memory_space<vmem>>
    %dma_start3A_64 = arith.constant 400 : i32
    %dma_start3A_65 = tpu.memref_slice %arg5[%dma_start3A_64] : memref<12800xi32, #tpu.memory_space<vmem>> -> memref<80xi32, #tpu.memory_space<vmem>>
    %dma_start3A_66 = arith.constant 0 : i32
    %dma_start3A_67 = arith.constant 0 : i32
    %dma_start3A_68 = tpu.memref_slice %arg3[%dma_start3A_66, %dma_start3A_67] : memref<100352x64xf32, #tpu.memory_space<hbm>> -> memref<100352x64xf32, #tpu.memory_space<hbm>>
    tpu.enqueue_indirect_dma source(%dma_start3A_68 : memref<100352x64xf32, #tpu.memory_space<hbm>>) target(%dma_start3A_63 : memref<80x64xf32, #tpu.memory_space<vmem>>) offsets(%dma_start3A_65 : memref<80xi32, #tpu.memory_space<vmem>>) semaphore(%arg9 : memref<!tpu.dma_semaphore, #tpu.memory_space<semaphore_mem>>)
    %dma_start3A_69 = arith.constant 1 : i32
    %dma_start3A_70 = arith.constant 80 : i32
    %dma_start3A_71 = arith.constant 0 : i32
    %dma_start3A_72 = tpu.memref_slice %arg6[%dma_start3A_69, %dma_start3A_70, %dma_start3A_71] : memref<2x400x64xf32, #tpu.memory_space<vmem>> -> memref<1x80x64xf32, #tpu.memory_space<vmem>>
    %dma_start3A_73 = tpu.memref_squeeze %dma_start3A_72 : memref<1x80x64xf32, #tpu.memory_space<vmem>> -> memref<80x64xf32, #tpu.memory_space<vmem>>
    %dma_start3A_74 = arith.constant 480 : i32
    %dma_start3A_75 = tpu.memref_slice %arg5[%dma_start3A_74] : memref<12800xi32, #tpu.memory_space<vmem>> -> memref<80xi32, #tpu.memory_space<vmem>>
    %dma_start3A_76 = arith.constant 0 : i32
    %dma_start3A_77 = arith.constant 0 : i32
    %dma_start3A_78 = tpu.memref_slice %arg3[%dma_start3A_76, %dma_start3A_77] : memref<100352x64xf32, #tpu.memory_space<hbm>> -> memref<100352x64xf32, #tpu.memory_space<hbm>>
    tpu.enqueue_indirect_dma source(%dma_start3A_78 : memref<100352x64xf32, #tpu.memory_space<hbm>>) target(%dma_start3A_73 : memref<80x64xf32, #tpu.memory_space<vmem>>) offsets(%dma_start3A_75 : memref<80xi32, #tpu.memory_space<vmem>>) semaphore(%arg9 : memref<!tpu.dma_semaphore, #tpu.memory_space<semaphore_mem>>)
    %dma_start3A_79 = arith.constant 1 : i32
    %dma_start3A_80 = arith.constant 160 : i32
    %dma_start3A_81 = arith.constant 0 : i32
    %dma_start3A_82 = tpu.memref_slice %arg6[%dma_start3A_79, %dma_start3A_80, %dma_start3A_81] : memref<2x400x64xf32, #tpu.memory_space<vmem>> -> memref<1x80x64xf32, #tpu.memory_space<vmem>>
    %dma_start3A_83 = tpu.memref_squeeze %dma_start3A_82 : memref<1x80x64xf32, #tpu.memory_space<vmem>> -> memref<80x64xf32, #tpu.memory_space<vmem>>
    %dma_start3A_84 = arith.constant 560 : i32
    %dma_start3A_85 = tpu.memref_slice %arg5[%dma_start3A_84] : memref<12800xi32, #tpu.memory_space<vmem>> -> memref<80xi32, #tpu.memory_space<vmem>>
    %dma_start3A_86 = arith.constant 0 : i32
    %dma_start3A_87 = arith.constant 0 : i32
    %dma_start3A_88 = tpu.memref_slice %arg3[%dma_start3A_86, %dma_start3A_87] : memref<100352x64xf32, #tpu.memory_space<hbm>> -> memref<100352x64xf32, #tpu.memory_space<hbm>>
    tpu.enqueue_indirect_dma source(%dma_start3A_88 : memref<100352x64xf32, #tpu.memory_space<hbm>>) target(%dma_start3A_83 : memref<80x64xf32, #tpu.memory_space<vmem>>) offsets(%dma_start3A_85 : memref<80xi32, #tpu.memory_space<vmem>>) semaphore(%arg9 : memref<!tpu.dma_semaphore, #tpu.memory_space<semaphore_mem>>)
    %dma_start3A_89 = arith.constant 1 : i32
    %dma_start3A_90 = arith.constant 240 : i32
    %dma_start3A_91 = arith.constant 0 : i32
    %dma_start3A_92 = tpu.memref_slice %arg6[%dma_start3A_89, %dma_start3A_90, %dma_start3A_91] : memref<2x400x64xf32, #tpu.memory_space<vmem>> -> memref<1x80x64xf32, #tpu.memory_space<vmem>>
    %dma_start3A_93 = tpu.memref_squeeze %dma_start3A_92 : memref<1x80x64xf32, #tpu.memory_space<vmem>> -> memref<80x64xf32, #tpu.memory_space<vmem>>
    %dma_start3A_94 = arith.constant 640 : i32
    %dma_start3A_95 = tpu.memref_slice %arg5[%dma_start3A_94] : memref<12800xi32, #tpu.memory_space<vmem>> -> memref<80xi32, #tpu.memory_space<vmem>>
    %dma_start3A_96 = arith.constant 0 : i32
    %dma_start3A_97 = arith.constant 0 : i32
    %dma_start3A_98 = tpu.memref_slice %arg3[%dma_start3A_96, %dma_start3A_97] : memref<100352x64xf32, #tpu.memory_space<hbm>> -> memref<100352x64xf32, #tpu.memory_space<hbm>>
    tpu.enqueue_indirect_dma source(%dma_start3A_98 : memref<100352x64xf32, #tpu.memory_space<hbm>>) target(%dma_start3A_93 : memref<80x64xf32, #tpu.memory_space<vmem>>) offsets(%dma_start3A_95 : memref<80xi32, #tpu.memory_space<vmem>>) semaphore(%arg9 : memref<!tpu.dma_semaphore, #tpu.memory_space<semaphore_mem>>)
    %dma_start3A_99 = arith.constant 1 : i32
    %dma_start3A_100 = arith.constant 320 : i32
    %dma_start3A_101 = arith.constant 0 : i32
    %dma_start3A_102 = tpu.memref_slice %arg6[%dma_start3A_99, %dma_start3A_100, %dma_start3A_101] : memref<2x400x64xf32, #tpu.memory_space<vmem>> -> memref<1x80x64xf32, #tpu.memory_space<vmem>>
    %dma_start3A_103 = tpu.memref_squeeze %dma_start3A_102 : memref<1x80x64xf32, #tpu.memory_space<vmem>> -> memref<80x64xf32, #tpu.memory_space<vmem>>
    %dma_start3A_104 = arith.constant 720 : i32
    %dma_start3A_105 = tpu.memref_slice %arg5[%dma_start3A_104] : memref<12800xi32, #tpu.memory_space<vmem>> -> memref<80xi32, #tpu.memory_space<vmem>>
    %dma_start3A_106 = arith.constant 0 : i32
    %dma_start3A_107 = arith.constant 0 : i32
    %dma_start3A_108 = tpu.memref_slice %arg3[%dma_start3A_106, %dma_start3A_107] : memref<100352x64xf32, #tpu.memory_space<hbm>> -> memref<100352x64xf32, #tpu.memory_space<hbm>>
    tpu.enqueue_indirect_dma source(%dma_start3A_108 : memref<100352x64xf32, #tpu.memory_space<hbm>>) target(%dma_start3A_103 : memref<80x64xf32, #tpu.memory_space<vmem>>) offsets(%dma_start3A_105 : memref<80xi32, #tpu.memory_space<vmem>>) semaphore(%arg9 : memref<!tpu.dma_semaphore, #tpu.memory_space<semaphore_mem>>)
    %scan3A_109 = arith.constant 0 : i32
    %scan3A_110 = arith.constant 0 : i32
    %scan3A_111 = arith.constant 16 : i32
    %scan3A_112 = arith.addi %scan3A_110, %scan3A_111 : i32
    %scan3A_113 = arith.constant 1 : i32
    scf.for %scan3A_115 = %scan3A_110 to %scan3A_112 step %scan3A_113  : i32 {
      %mul3A_116 = arith.constant 2 : i32
      %mul3A_117 = arith.muli %mul3A_116, %scan3A_115 : i32
      %add3A_118 = arith.constant 0 : i32
      %add3A_119 = arith.addi %mul3A_117, %add3A_118 : i32
      %dma_wait3A = arith.constant 0 : i32
      %dma_wait3A_120 = arith.constant 0 : i32
      %dma_wait3A_121 = arith.constant 0 : i32
      %dma_wait3A_122 = tpu.memref_slice %arg6[%dma_wait3A, %dma_wait3A_120, %dma_wait3A_121] : memref<2x400x64xf32, #tpu.memory_space<vmem>> -> memref<1x400x64xf32, #tpu.memory_space<vmem>>
      %dma_wait3A_123 = tpu.memref_squeeze %dma_wait3A_122 : memref<1x400x64xf32, #tpu.memory_space<vmem>> -> memref<400x64xf32, #tpu.memory_space<vmem>>
      %dma_wait3A_124 = arith.constant 0 : i32
      %dma_wait3A_125 = arith.constant 0 : i32
      %dma_wait3A_126 = tpu.memref_slice %arg3[%dma_wait3A_124, %dma_wait3A_125] : memref<100352x64xf32, #tpu.memory_space<hbm>> -> memref<400x64xf32, #tpu.memory_space<hbm>>
      %dma_wait3A_127 = arith.constant 0 : i32
      %dma_wait3A_128 = arith.constant 0 : i32
      %dma_wait3A_129 = tpu.memref_slice %arg6[%dma_wait3A, %dma_wait3A_127, %dma_wait3A_128] : memref<2x400x64xf32, #tpu.memory_space<vmem>> -> memref<1x400x64xf32, #tpu.memory_space<vmem>>
      %dma_wait3A_130 = tpu.memref_squeeze %dma_wait3A_129 : memref<1x400x64xf32, #tpu.memory_space<vmem>> -> memref<400x64xf32, #tpu.memory_space<vmem>>
      %dma_wait3A_131 = arith.constant 0 : i32
      %dma_wait3A_132 = arith.constant 0 : i32
      %dma_wait3A_133 = tpu.memref_slice %arg3[%dma_wait3A_131, %dma_wait3A_132] : memref<100352x64xf32, #tpu.memory_space<hbm>> -> memref<400x64xf32, #tpu.memory_space<hbm>>
      tpu.wait_dma2 semaphore(%arg8 : memref<!tpu.dma_semaphore, #tpu.memory_space<semaphore_mem>>) src(%dma_wait3A_133 : memref<400x64xf32, #tpu.memory_space<hbm>>) dst(%dma_wait3A_130 : memref<400x64xf32, #tpu.memory_space<vmem>>)
      %scan3A_134 = arith.constant 0 : i32
      %scan3A_135 = arith.constant 0 : i32
      %scan3A_136 = arith.constant 0 : i32
      %scan3A_137 = arith.constant 4 : i32
      %scan3A_138 = arith.addi %scan3A_136, %scan3A_137 : i32
      %scan3A_139 = arith.constant 1 : i32
      scf.for %scan3A_1005 = %scan3A_136 to %scan3A_138 step %scan3A_139  : i32 {
        %mul3A_1006 = arith.constant 4 : i32
        %mul3A_1007 = arith.muli %mul3A_1006, %scan3A_1005 : i32
        %iota3A_1008 = tpu.iota {dimensions = array<i32: 0>} : vector<16xi32>
        %add3A_1009 = arith.constant 0 : i32
        %add3A_1010 = arith.addi %mul3A_1007, %add3A_1009 : i32
        %get3A_1011 = arith.constant 0 : i32
        %get3A_1012 = arith.constant 0 : i32
        %get3A_1013 = tpu.memref_slice %arg6[%scan3A_135, %get3A_1011, %get3A_1012] : memref<2x400x64xf32, #tpu.memory_space<vmem>> -> memref<1x400x64xf32, #tpu.memory_space<vmem>>
        %get3A_1014 = tpu.memref_squeeze %get3A_1013 : memref<1x400x64xf32, #tpu.memory_space<vmem>> -> memref<400x64xf32, #tpu.memory_space<vmem>>
        %get3A_1015 = arith.index_cast %add3A_1010 : i32 to index
        %get3A_1016 = arith.constant 0 : index
        %get3A_1017 = tpu.vector_load %get3A_1014[%get3A_1015, %get3A_1016] {strides = array<i32>} : memref<400x64xf32, #tpu.memory_space<vmem>>, vector<1x16xf32>,
        %get3A_1018 = vector.shape_cast %get3A_1017 : vector<1x16xf32> to vector<16xf32>
        %add3A_1019 = arith.constant 0 : i32
        %add3A_1020 = arith.addi %mul3A_1007, %add3A_1019 : i32
        %get3A_1021 = arith.constant 0 : i32
        %get3A_1022 = arith.constant 0 : i32
        %get3A_1023 = tpu.memref_slice %arg6[%scan3A_135, %get3A_1021, %get3A_1022] : memref<2x400x64xf32, #tpu.memory_space<vmem>> -> memref<1x400x64xf32, #tpu.memory_space<vmem>>
        %get3A_1024 = tpu.memref_squeeze %get3A_1023 : memref<1x400x64xf32, #tpu.memory_space<vmem>> -> memref<400x64xf32, #tpu.memory_space<vmem>>
        %get3A_1025 = arith.index_cast %add3A_1020 : i32 to index
        %get3A_1026 = arith.constant 16 : index
        %get3A_1027 = tpu.vector_load %get3A_1024[%get3A_1025, %get3A_1026] {strides = array<i32>} : memref<400x64xf32, #tpu.memory_space<vmem>>, vector<1x16xf32>,
        %get3A_1028 = vector.shape_cast %get3A_1027 : vector<1x16xf32> to vector<16xf32>
        %add3A_1029 = arith.constant 0 : i32
        %add3A_1030 = arith.addi %mul3A_1007, %add3A_1029 : i32
        %get3A_1031 = arith.constant 0 : i32
        %get3A_1032 = arith.constant 0 : i32
        %get3A_1033 = tpu.memref_slice %arg6[%scan3A_135, %get3A_1031, %get3A_1032] : memref<2x400x64xf32, #tpu.memory_space<vmem>> -> memref<1x400x64xf32, #tpu.memory_space<vmem>>
        %get3A_1034 = tpu.memref_squeeze %get3A_1033 : memref<1x400x64xf32, #tpu.memory_space<vmem>> -> memref<400x64xf32, #tpu.memory_space<vmem>>
        %get3A_1035 = arith.index_cast %add3A_1030 : i32 to index
        %get3A_1036 = arith.constant 32 : index
        %get3A_1037 = tpu.vector_load %get3A_1034[%get3A_1035, %get3A_1036] {strides = array<i32>} : memref<400x64xf32, #tpu.memory_space<vmem>>, vector<1x16xf32>,
        %get3A_1038 = vector.shape_cast %get3A_1037 : vector<1x16xf32> to vector<16xf32>
        %add3A_1039 = arith.constant 0 : i32
        %add3A_1040 = arith.addi %mul3A_1007, %add3A_1039 : i32
        %get3A_1041 = arith.constant 0 : i32
        %get3A_1042 = arith.constant 0 : i32
        %get3A_1043 = tpu.memref_slice %arg6[%scan3A_135, %get3A_1041, %get3A_1042] : memref<2x400x64xf32, #tpu.memory_space<vmem>> -> memref<1x400x64xf32, #tpu.memory_space<vmem>>
        %get3A_1044 = tpu.memref_squeeze %get3A_1043 : memref<1x400x64xf32, #tpu.memory_space<vmem>> -> memref<400x64xf32, #tpu.memory_space<vmem>>
        %get3A_1045 = arith.index_cast %add3A_1040 : i32 to index
        %get3A_1046 = arith.constant 48 : index
        %get3A_1047 = tpu.vector_load %get3A_1044[%get3A_1045, %get3A_1046] {strides = array<i32>} : memref<400x64xf32, #tpu.memory_space<vmem>>, vector<1x16xf32>,
        %get3A_1048 = vector.shape_cast %get3A_1047 : vector<1x16xf32> to vector<16xf32>
        %add3A_1049 = arith.constant 1 : i32
        %add3A_1050 = arith.addi %mul3A_1007, %add3A_1049 : i32
        %get3A_1051 = arith.constant 0 : i32
        %get3A_1052 = arith.constant 0 : i32
        %get3A_1053 = tpu.memref_slice %arg6[%scan3A_135, %get3A_1051, %get3A_1052] : memref<2x400x64xf32, #tpu.memory_space<vmem>> -> memref<1x400x64xf32, #tpu.memory_space<vmem>>
        %get3A_1054 = tpu.memref_squeeze %get3A_1053 : memref<1x400x64xf32, #tpu.memory_space<vmem>> -> memref<400x64xf32, #tpu.memory_space<vmem>>
        %get3A_1055 = arith.index_cast %add3A_1050 : i32 to index
        %get3A_1056 = arith.constant 0 : index
        %get3A_1057 = tpu.vector_load %get3A_1054[%get3A_1055, %get3A_1056] {strides = array<i32>} : memref<400x64xf32, #tpu.memory_space<vmem>>, vector<1x16xf32>,
        %get3A_1058 = vector.shape_cast %get3A_1057 : vector<1x16xf32> to vector<16xf32>
        %add3A_1059 = arith.constant 1 : i32
        %add3A_1060 = arith.addi %mul3A_1007, %add3A_1059 : i32
        %get3A_1061 = arith.constant 0 : i32
        %get3A_1062 = arith.constant 0 : i32
        %get3A_1063 = tpu.memref_slice %arg6[%scan3A_135, %get3A_1061, %get3A_1062] : memref<2x400x64xf32, #tpu.memory_space<vmem>> -> memref<1x400x64xf32, #tpu.memory_space<vmem>>
        %get3A_1064 = tpu.memref_squeeze %get3A_1063 : memref<1x400x64xf32, #tpu.memory_space<vmem>> -> memref<400x64xf32, #tpu.memory_space<vmem>>
        %get3A_1065 = arith.index_cast %add3A_1060 : i32 to index
        %get3A_1066 = arith.constant 16 : index
        %get3A_1067 = tpu.vector_load %get3A_1064[%get3A_1065, %get3A_1066] {strides = array<i32>} : memref<400x64xf32, #tpu.memory_space<vmem>>, vector<1x16xf32>,
        %get3A_1068 = vector.shape_cast %get3A_1067 : vector<1x16xf32> to vector<16xf32>
        %add3A_1069 = arith.constant 1 : i32
        %add3A_1070 = arith.addi %mul3A_1007, %add3A_1069 : i32
        %get3A_1071 = arith.constant 0 : i32
        %get3A_1072 = arith.constant 0 : i32
        %get3A_1073 = tpu.memref_slice %arg6[%scan3A_135, %get3A_1071, %get3A_1072] : memref<2x400x64xf32, #tpu.memory_space<vmem>> -> memref<1x400x64xf32, #tpu.memory_space<vmem>>
        %get3A_1074 = tpu.memref_squeeze %get3A_1073 : memref<1x400x64xf32, #tpu.memory_space<vmem>> -> memref<400x64xf32, #tpu.memory_space<vmem>>
        %get3A_1075 = arith.index_cast %add3A_1070 : i32 to index
        %get3A_1076 = arith.constant 32 : index
        %get3A_1077 = tpu.vector_load %get3A_1074[%get3A_1075, %get3A_1076] {strides = array<i32>} : memref<400x64xf32, #tpu.memory_space<vmem>>, vector<1x16xf32>,
        %get3A_1078 = vector.shape_cast %get3A_1077 : vector<1x16xf32> to vector<16xf32>
        %add3A_1079 = arith.constant 1 : i32
        %add3A_1080 = arith.addi %mul3A_1007, %add3A_1079 : i32
        %get3A_1081 = arith.constant 0 : i32
        %get3A_1082 = arith.constant 0 : i32
        %get3A_1083 = tpu.memref_slice %arg6[%scan3A_135, %get3A_1081, %get3A_1082] : memref<2x400x64xf32, #tpu.memory_space<vmem>> -> memref<1x400x64xf32, #tpu.memory_space<vmem>>
        %get3A_1084 = tpu.memref_squeeze %get3A_1083 : memref<1x400x64xf32, #tpu.memory_space<vmem>> -> memref<400x64xf32, #tpu.memory_space<vmem>>
        %get3A_1085 = arith.index_cast %add3A_1080 : i32 to index
        %get3A_1086 = arith.constant 48 : index
        %get3A_1087 = tpu.vector_load %get3A_1084[%get3A_1085, %get3A_1086] {strides = array<i32>} : memref<400x64xf32, #tpu.memory_space<vmem>>, vector<1x16xf32>,
        %get3A_1088 = vector.shape_cast %get3A_1087 : vector<1x16xf32> to vector<16xf32>
        %add3A_1089 = arith.constant 2 : i32
        %add3A_1090 = arith.addi %mul3A_1007, %add3A_1089 : i32
        %get3A_1091 = arith.constant 0 : i32
        %get3A_1092 = arith.constant 0 : i32
        %get3A_1093 = tpu.memref_slice %arg6[%scan3A_135, %get3A_1091, %get3A_1092] : memref<2x400x64xf32, #tpu.memory_space<vmem>> -> memref<1x400x64xf32, #tpu.memory_space<vmem>>
        %get3A_1094 = tpu.memref_squeeze %get3A_1093 : memref<1x400x64xf32, #tpu.memory_space<vmem>> -> memref<400x64xf32, #tpu.memory_space<vmem>>
        %get3A_1095 = arith.index_cast %add3A_1090 : i32 to index
        %get3A_1096 = arith.constant 0 : index
        %get3A_1097 = tpu.vector_load %get3A_1094[%get3A_1095, %get3A_1096] {strides = array<i32>} : memref<400x64xf32, #tpu.memory_space<vmem>>, vector<1x16xf32>,
        %get3A_1098 = vector.shape_cast %get3A_1097 : vector<1x16xf32> to vector<16xf32>
        %add3A_1099 = arith.constant 2 : i32
        %add3A_1100 = arith.addi %mul3A_1007, %add3A_1099 : i32
        %get3A_1101 = arith.constant 0 : i32
        %get3A_1102 = arith.constant 0 : i32
        %get3A_1103 = tpu.memref_slice %arg6[%scan3A_135, %get3A_1101, %get3A_1102] : memref<2x400x64xf32, #tpu.memory_space<vmem>> -> memref<1x400x64xf32, #tpu.memory_space<vmem>>
        %get3A_1104 = tpu.memref_squeeze %get3A_1103 : memref<1x400x64xf32, #tpu.memory_space<vmem>> -> memref<400x64xf32, #tpu.memory_space<vmem>>
        %get3A_1105 = arith.index_cast %add3A_1100 : i32 to index
        %get3A_1106 = arith.constant 16 : index
        %get3A_1107 = tpu.vector_load %get3A_1104[%get3A_1105, %get3A_1106] {strides = array<i32>} : memref<400x64xf32, #tpu.memory_space<vmem>>, vector<1x16xf32>,
        %get3A_1108 = vector.shape_cast %get3A_1107 : vector<1x16xf32> to vector<16xf32>
        %add3A_1109 = arith.constant 2 : i32
        %add3A_1110 = arith.addi %mul3A_1007, %add3A_1109 : i32
        %get3A_1111 = arith.constant 0 : i32
        %get3A_1112 = arith.constant 0 : i32
        %get3A_1113 = tpu.memref_slice %arg6[%scan3A_135, %get3A_1111, %get3A_1112] : memref<2x400x64xf32, #tpu.memory_space<vmem>> -> memref<1x400x64xf32, #tpu.memory_space<vmem>>
        %get3A_1114 = tpu.memref_squeeze %get3A_1113 : memref<1x400x64xf32, #tpu.memory_space<vmem>> -> memref<400x64xf32, #tpu.memory_space<vmem>>
        %get3A_1115 = arith.index_cast %add3A_1110 : i32 to index
        %get3A_1116 = arith.constant 32 : index
        %get3A_1117 = tpu.vector_load %get3A_1114[%get3A_1115, %get3A_1116] {strides = array<i32>} : memref<400x64xf32, #tpu.memory_space<vmem>>, vector<1x16xf32>,
        %get3A_1118 = vector.shape_cast %get3A_1117 : vector<1x16xf32> to vector<16xf32>
        %add3A_1119 = arith.constant 2 : i32
        %add3A_1120 = arith.addi %mul3A_1007, %add3A_1119 : i32
        %get3A_1121 = arith.constant 0 : i32
        %get3A_1122 = arith.constant 0 : i32
        %get3A_1123 = tpu.memref_slice %arg6[%scan3A_135, %get3A_1121, %get3A_1122] : memref<2x400x64xf32, #tpu.memory_space<vmem>> -> memref<1x400x64xf32, #tpu.memory_space<vmem>>
        %get3A_1124 = tpu.memref_squeeze %get3A_1123 : memref<1x400x64xf32, #tpu.memory_space<vmem>> -> memref<400x64xf32, #tpu.memory_space<vmem>>
        %get3A_1125 = arith.index_cast %add3A_1120 : i32 to index
        %get3A_1126 = arith.constant 48 : index
        %get3A_1127 = tpu.vector_load %get3A_1124[%get3A_1125, %get3A_1126] {strides = array<i32>} : memref<400x64xf32, #tpu.memory_space<vmem>>, vector<1x16xf32>,
        %get3A_1128 = vector.shape_cast %get3A_1127 : vector<1x16xf32> to vector<16xf32>
        %add3A_1129 = arith.constant 3 : i32
        %add3A_1130 = arith.addi %mul3A_1007, %add3A_1129 : i32
        %get3A_1131 = arith.constant 0 : i32
        %get3A_1132 = arith.constant 0 : i32
        %get3A_1133 = tpu.memref_slice %arg6[%scan3A_135, %get3A_1131, %get3A_1132] : memref<2x400x64xf32, #tpu.memory_space<vmem>> -> memref<1x400x64xf32, #tpu.memory_space<vmem>>
        %get3A_1134 = tpu.memref_squeeze %get3A_1133 : memref<1x400x64xf32, #tpu.memory_space<vmem>> -> memref<400x64xf32, #tpu.memory_space<vmem>>
        %get3A_1135 = arith.index_cast %add3A_1130 : i32 to index
        %get3A_1136 = arith.constant 0 : index
        %get3A_1137 = tpu.vector_load %get3A_1134[%get3A_1135, %get3A_1136] {strides = array<i32>} : memref<400x64xf32, #tpu.memory_space<vmem>>, vector<1x16xf32>,
        %get3A_1138 = vector.shape_cast %get3A_1137 : vector<1x16xf32> to vector<16xf32>
        %add3A_1139 = arith.constant 3 : i32
        %add3A_1140 = arith.addi %mul3A_1007, %add3A_1139 : i32
        %get3A_1141 = arith.constant 0 : i32
        %get3A_1142 = arith.constant 0 : i32
        %get3A_1143 = tpu.memref_slice %arg6[%scan3A_135, %get3A_1141, %get3A_1142] : memref<2x400x64xf32, #tpu.memory_space<vmem>> -> memref<1x400x64xf32, #tpu.memory_space<vmem>>
        %get3A_1144 = tpu.memref_squeeze %get3A_1143 : memref<1x400x64xf32, #tpu.memory_space<vmem>> -> memref<400x64xf32, #tpu.memory_space<vmem>>
        %get3A_1145 = arith.index_cast %add3A_1140 : i32 to index
        %get3A_1146 = arith.constant 16 : index
        %get3A_1147 = tpu.vector_load %get3A_1144[%get3A_1145, %get3A_1146] {strides = array<i32>} : memref<400x64xf32, #tpu.memory_space<vmem>>, vector<1x16xf32>,
        %get3A_1148 = vector.shape_cast %get3A_1147 : vector<1x16xf32> to vector<16xf32>
        %add3A_1149 = arith.constant 3 : i32
        %add3A_1150 = arith.addi %mul3A_1007, %add3A_1149 : i32
        %get3A_1151 = arith.constant 0 : i32
        %get3A_1152 = arith.constant 0 : i32
        %get3A_1153 = tpu.memref_slice %arg6[%scan3A_135, %get3A_1151, %get3A_1152] : memref<2x400x64xf32, #tpu.memory_space<vmem>> -> memref<1x400x64xf32, #tpu.memory_space<vmem>>
        %get3A_1154 = tpu.memref_squeeze %get3A_1153 : memref<1x400x64xf32, #tpu.memory_space<vmem>> -> memref<400x64xf32, #tpu.memory_space<vmem>>
        %get3A_1155 = arith.index_cast %add3A_1150 : i32 to index
        %get3A_1156 = arith.constant 32 : index
        %get3A_1157 = tpu.vector_load %get3A_1154[%get3A_1155, %get3A_1156] {strides = array<i32>} : memref<400x64xf32, #tpu.memory_space<vmem>>, vector<1x16xf32>,
        %get3A_1158 = vector.shape_cast %get3A_1157 : vector<1x16xf32> to vector<16xf32>
        %add3A_1159 = arith.constant 3 : i32
        %add3A_1160 = arith.addi %mul3A_1007, %add3A_1159 : i32
        %get3A_1161 = arith.constant 0 : i32
        %get3A_1162 = arith.constant 0 : i32
        %get3A_1163 = tpu.memref_slice %arg6[%scan3A_135, %get3A_1161, %get3A_1162] : memref<2x400x64xf32, #tpu.memory_space<vmem>> -> memref<1x400x64xf32, #tpu.memory_space<vmem>>
        %get3A_1164 = tpu.memref_squeeze %get3A_1163 : memref<1x400x64xf32, #tpu.memory_space<vmem>> -> memref<400x64xf32, #tpu.memory_space<vmem>>
        %get3A_1165 = arith.index_cast %add3A_1160 : i32 to index
        %get3A_1166 = arith.constant 48 : index
        %get3A_1167 = tpu.vector_load %get3A_1164[%get3A_1165, %get3A_1166] {strides = array<i32>} : memref<400x64xf32, #tpu.memory_space<vmem>>, vector<1x16xf32>,
        %get3A_1168 = vector.shape_cast %get3A_1167 : vector<1x16xf32> to vector<16xf32>
        %mul3A_1169 = arith.mulf %get3A_1018, %get3A_1018 : vector<16xf32>
        %mul3A_1170 = arith.mulf %get3A_1028, %get3A_1028 : vector<16xf32>
        %add3A_1171 = arith.addf %mul3A_1169, %mul3A_1170 : vector<16xf32>
        %mul3A_1172 = arith.mulf %get3A_1038, %get3A_1038 : vector<16xf32>
        %add3A_1173 = arith.addf %add3A_1171, %mul3A_1172 : vector<16xf32>
        %mul3A_1174 = arith.mulf %get3A_1048, %get3A_1048 : vector<16xf32>
        %add3A_1175 = arith.addf %add3A_1173, %mul3A_1174 : vector<16xf32>
        %mul3A_1176 = arith.mulf %get3A_1058, %get3A_1058 : vector<16xf32>
        %mul3A_1177 = arith.mulf %get3A_1068, %get3A_1068 : vector<16xf32>
        %add3A_1178 = arith.addf %mul3A_1176, %mul3A_1177 : vector<16xf32>
        %mul3A_1179 = arith.mulf %get3A_1078, %get3A_1078 : vector<16xf32>
        %add3A_1180 = arith.addf %add3A_1178, %mul3A_1179 : vector<16xf32>
        %mul3A_1181 = arith.mulf %get3A_1088, %get3A_1088 : vector<16xf32>
        %add3A_1182 = arith.addf %add3A_1180, %mul3A_1181 : vector<16xf32>
        %mul3A_1183 = arith.mulf %get3A_1098, %get3A_1098 : vector<16xf32>
        %mul3A_1184 = arith.mulf %get3A_1108, %get3A_1108 : vector<16xf32>
        %add3A_1185 = arith.addf %mul3A_1183, %mul3A_1184 : vector<16xf32>
        %mul3A_1186 = arith.mulf %get3A_1118, %get3A_1118 : vector<16xf32>
        %add3A_1187 = arith.addf %add3A_1185, %mul3A_1186 : vector<16xf32>
        %mul3A_1188 = arith.mulf %get3A_1128, %get3A_1128 : vector<16xf32>
        %add3A_1189 = arith.addf %add3A_1187, %mul3A_1188 : vector<16xf32>
        %mul3A_1190 = arith.mulf %get3A_1138, %get3A_1138 : vector<16xf32>
        %mul3A_1191 = arith.mulf %get3A_1148, %get3A_1148 : vector<16xf32>
        %add3A_1192 = arith.addf %mul3A_1190, %mul3A_1191 : vector<16xf32>
        %mul3A_1193 = arith.mulf %get3A_1158, %get3A_1158 : vector<16xf32>
        %add3A_1194 = arith.addf %add3A_1192, %mul3A_1193 : vector<16xf32>
        %mul3A_1195 = arith.mulf %get3A_1168, %get3A_1168 : vector<16xf32>
        %add3A_1196 = arith.addf %add3A_1194, %mul3A_1195 : vector<16xf32>
        %xor3A_1197 = arith.constant 8 : i32
        %xor3A_1198 = vector.broadcast %xor3A_1197 : i32 to vector<16xi32>
        %xor3A_1199 = arith.xori %iota3A_1008, %xor3A_1198 : vector<16xi32>
        %broadcast_in_dim3A_1200 = vector.shape_cast %xor3A_1199 : vector<16xi32> to vector<16x1xi32>
        %gather3A_1201 = vector.shape_cast %broadcast_in_dim3A_1200 : vector<16x1xi32> to vector<16xi32>
        %gather3A_1202 = tpu.dynamic_gather %add3A_1175[%gather3A_1201] in [0] : vector<16xf32>, vector<16xi32> -> vector<16xf32>
        %add3A_1203 = arith.addf %add3A_1175, %gather3A_1202 : vector<16xf32>
        %xor3A_1204 = arith.constant 4 : i32
        %xor3A_1205 = vector.broadcast %xor3A_1204 : i32 to vector<16xi32>
        %xor3A_1206 = arith.xori %iota3A_1008, %xor3A_1205 : vector<16xi32>
        %broadcast_in_dim3A_1207 = vector.shape_cast %xor3A_1206 : vector<16xi32> to vector<16x1xi32>
        %gather3A_1208 = vector.shape_cast %broadcast_in_dim3A_1207 : vector<16x1xi32> to vector<16xi32>
        %gather3A_1209 = tpu.dynamic_gather %add3A_1203[%gather3A_1208] in [0] : vector<16xf32>, vector<16xi32> -> vector<16xf32>
        %add3A_1210 = arith.addf %add3A_1203, %gather3A_1209 : vector<16xf32>
        %xor3A_1211 = arith.constant 8 : i32
        %xor3A_1212 = vector.broadcast %xor3A_1211 : i32 to vector<16xi32>
        %xor3A_1213 = arith.xori %iota3A_1008, %xor3A_1212 : vector<16xi32>
        %broadcast_in_dim3A_1214 = vector.shape_cast %xor3A_1213 : vector<16xi32> to vector<16x1xi32>
        %gather3A_1215 = vector.shape_cast %broadcast_in_dim3A_1214 : vector<16x1xi32> to vector<16xi32>
        %gather3A_1216 = tpu.dynamic_gather %add3A_1182[%gather3A_1215] in [0] : vector<16xf32>, vector<16xi32> -> vector<16xf32>
        %add3A_1217 = arith.addf %add3A_1182, %gather3A_1216 : vector<16xf32>
        %xor3A_1218 = arith.constant 4 : i32
        %xor3A_1219 = vector.broadcast %xor3A_1218 : i32 to vector<16xi32>
        %xor3A_1220 = arith.xori %iota3A_1008, %xor3A_1219 : vector<16xi32>
        %broadcast_in_dim3A_1221 = vector.shape_cast %xor3A_1220 : vector<16xi32> to vector<16x1xi32>
        %gather3A_1222 = vector.shape_cast %broadcast_in_dim3A_1221 : vector<16x1xi32> to vector<16xi32>
        %gather3A_1223 = tpu.dynamic_gather %add3A_1217[%gather3A_1222] in [0] : vector<16xf32>, vector<16xi32> -> vector<16xf32>
        %add3A_1224 = arith.addf %add3A_1217, %gather3A_1223 : vector<16xf32>
        %xor3A_1225 = arith.constant 8 : i32
        %xor3A_1226 = vector.broadcast %xor3A_1225 : i32 to vector<16xi32>
        %xor3A_1227 = arith.xori %iota3A_1008, %xor3A_1226 : vector<16xi32>
        %broadcast_in_dim3A_1228 = vector.shape_cast %xor3A_1227 : vector<16xi32> to vector<16x1xi32>
        %gather3A_1229 = vector.shape_cast %broadcast_in_dim3A_1228 : vector<16x1xi32> to vector<16xi32>
        %gather3A_1230 = tpu.dynamic_gather %add3A_1189[%gather3A_1229] in [0] : vector<16xf32>, vector<16xi32> -> vector<16xf32>
        %add3A_1231 = arith.addf %add3A_1189, %gather3A_1230 : vector<16xf32>
        %xor3A_1232 = arith.constant 4 : i32
        %xor3A_1233 = vector.broadcast %xor3A_1232 : i32 to vector<16xi32>
        %xor3A_1234 = arith.xori %iota3A_1008, %xor3A_1233 : vector<16xi32>
        %broadcast_in_dim3A_1235 = vector.shape_cast %xor3A_1234 : vector<16xi32> to vector<16x1xi32>
        %gather3A_1236 = vector.shape_cast %broadcast_in_dim3A_1235 : vector<16x1xi32> to vector<16xi32>
        %gather3A_1237 = tpu.dynamic_gather %add3A_1231[%gather3A_1236] in [0] : vector<16xf32>, vector<16xi32> -> vector<16xf32>
        %add3A_1238 = arith.addf %add3A_1231, %gather3A_1237 : vector<16xf32>
        %xor3A_1239 = arith.constant 8 : i32
        %xor3A_1240 = vector.broadcast %xor3A_1239 : i32 to vector<16xi32>
        %xor3A_1241 = arith.xori %iota3A_1008, %xor3A_1240 : vector<16xi32>
        %broadcast_in_dim3A_1242 = vector.shape_cast %xor3A_1241 : vector<16xi32> to vector<16x1xi32>
        %gather3A_1243 = vector.shape_cast %broadcast_in_dim3A_1242 : vector<16x1xi32> to vector<16xi32>
        %gather3A_1244 = tpu.dynamic_gather %add3A_1196[%gather3A_1243] in [0] : vector<16xf32>, vector<16xi32> -> vector<16xf32>
        %add3A_1245 = arith.addf %add3A_1196, %gather3A_1244 : vector<16xf32>
        %xor3A_1246 = arith.constant 4 : i32
        %xor3A_1247 = vector.broadcast %xor3A_1246 : i32 to vector<16xi32>
        %xor3A_1248 = arith.xori %iota3A_1008, %xor3A_1247 : vector<16xi32>
        %broadcast_in_dim3A_1249 = vector.shape_cast %xor3A_1248 : vector<16xi32> to vector<16x1xi32>
        %gather3A_1250 = vector.shape_cast %broadcast_in_dim3A_1249 : vector<16x1xi32> to vector<16xi32>
        %gather3A_1251 = tpu.dynamic_gather %add3A_1245[%gather3A_1250] in [0] : vector<16xf32>, vector<16xi32> -> vector<16xf32>
        %add3A_1252 = arith.addf %add3A_1245, %gather3A_1251 : vector<16xf32>
        %shift_right_arithmetic3A_1253 = arith.constant 2 : i32
        %shift_right_arithmetic3A_1254 = vector.broadcast %shift_right_arithmetic3A_1253 : i32 to vector<16xi32>
        %shift_right_arithmetic3A_1255 = arith.shrsi %iota3A_1008, %shift_right_arithmetic3A_1254 : vector<16xi32>
        %eq3A_1256 = arith.constant 1 : i32
        %eq3A_1257 = vector.broadcast %eq3A_1256 : i32 to vector<16xi32>
        %eq3A_1258 = arith.cmpi eq, %shift_right_arithmetic3A_1255, %eq3A_1257 : vector<16xi32>
        %select_n3A_1259 = arith.select %eq3A_1258, %add3A_1224, %add3A_1210 : vector<16xi1>, vector<16xf32>
        %eq3A_1260 = arith.constant 2 : i32
        %eq3A_1261 = vector.broadcast %eq3A_1260 : i32 to vector<16xi32>
        %eq3A_1262 = arith.cmpi eq, %shift_right_arithmetic3A_1255, %eq3A_1261 : vector<16xi32>
        %select_n3A_1263 = arith.select %eq3A_1262, %add3A_1238, %select_n3A_1259 : vector<16xi1>, vector<16xf32>
        %eq3A_1264 = arith.constant 3 : i32
        %eq3A_1265 = vector.broadcast %eq3A_1264 : i32 to vector<16xi32>
        %eq3A_1266 = arith.cmpi eq, %shift_right_arithmetic3A_1255, %eq3A_1265 : vector<16xi32>
        %select_n3A_1267 = arith.select %eq3A_1266, %add3A_1252, %select_n3A_1263 : vector<16xi1>, vector<16xf32>
        %xor3A_1268 = arith.constant 2 : i32
        %xor3A_1269 = vector.broadcast %xor3A_1268 : i32 to vector<16xi32>
        %xor3A_1270 = arith.xori %iota3A_1008, %xor3A_1269 : vector<16xi32>
        %broadcast_in_dim3A_1271 = vector.shape_cast %xor3A_1270 : vector<16xi32> to vector<16x1xi32>
        %gather3A_1272 = vector.shape_cast %broadcast_in_dim3A_1271 : vector<16x1xi32> to vector<16xi32>
        %gather3A_1273 = tpu.dynamic_gather %select_n3A_1267[%gather3A_1272] in [0] : vector<16xf32>, vector<16xi32> -> vector<16xf32>
        %add3A_1274 = arith.addf %select_n3A_1267, %gather3A_1273 : vector<16xf32>
        %xor3A_1275 = arith.constant 1 : i32
        %xor3A_1276 = vector.broadcast %xor3A_1275 : i32 to vector<16xi32>
        %xor3A_1277 = arith.xori %iota3A_1008, %xor3A_1276 : vector<16xi32>
        %broadcast_in_dim3A_1278 = vector.shape_cast %xor3A_1277 : vector<16xi32> to vector<16x1xi32>
        %gather3A_1279 = vector.shape_cast %broadcast_in_dim3A_1278 : vector<16x1xi32> to vector<16xi32>
        %gather3A_1280 = tpu.dynamic_gather %add3A_1274[%gather3A_1279] in [0] : vector<16xf32>, vector<16xi32> -> vector<16xf32>
        %add3A_1281 = arith.addf %add3A_1274, %gather3A_1280 : vector<16xf32>
        %bitcast_convert_type3A_1282 = tpu.bitcast %add3A_1281 : vector<16xf32> -> vector<16xi32>
        %shift_right_arithmetic3A_1283 = arith.constant 1 : i32
        %shift_right_arithmetic3A_1284 = vector.broadcast %shift_right_arithmetic3A_1283 : i32 to vector<16xi32>
        %shift_right_arithmetic3A_1285 = arith.shrsi %bitcast_convert_type3A_1282, %shift_right_arithmetic3A_1284 : vector<16xi32>
        %sub3A_1286 = arith.constant 1597463007 : i32
        %sub3A_1287 = vector.broadcast %sub3A_1286 : i32 to vector<16xi32>
        %sub3A_1288 = arith.subi %sub3A_1287, %shift_right_arithmetic3A_1285 : vector<16xi32>
        %bitcast_convert_type3A_1289 = tpu.bitcast %sub3A_1288 : vector<16xi32> -> vector<16xf32>
        %mul3A_1290 = arith.constant 5.000000e-01 : f32
        %mul3A_1291 = vector.broadcast %mul3A_1290 : f32 to vector<16xf32>
        %mul3A_1292 = arith.mulf %mul3A_1291, %add3A_1281 : vector<16xf32>
        %mul3A_1293 = arith.mulf %mul3A_1292, %bitcast_convert_type3A_1289 : vector<16xf32>
        %mul3A_1294 = arith.mulf %mul3A_1293, %bitcast_convert_type3A_1289 : vector<16xf32>
        %sub3A_1295 = arith.constant 1.500000e+00 : f32
        %sub3A_1296 = vector.broadcast %sub3A_1295 : f32 to vector<16xf32>
        %sub3A_1297 = arith.subf %sub3A_1296, %mul3A_1294 : vector<16xf32>
        %mul3A_1298 = arith.mulf %bitcast_convert_type3A_1289, %sub3A_1297 : vector<16xf32>
        %mul3A_1299 = arith.mulf %mul3A_1292, %mul3A_1298 : vector<16xf32>
        %mul3A_1300 = arith.mulf %mul3A_1299, %mul3A_1298 : vector<16xf32>
        %sub3A_1301 = arith.constant 1.500000e+00 : f32
        %sub3A_1302 = vector.broadcast %sub3A_1301 : f32 to vector<16xf32>
        %sub3A_1303 = arith.subf %sub3A_1302, %mul3A_1300 : vector<16xf32>
        %mul3A_1304 = arith.mulf %mul3A_1298, %sub3A_1303 : vector<16xf32>
        %gt3A_1305 = arith.constant 1.000000e+00 : f32
        %gt3A_1306 = vector.broadcast %gt3A_1305 : f32 to vector<16xf32>
        %gt3A_1307 = arith.cmpf ogt, %add3A_1281, %gt3A_1306 : vector<16xf32>
        %mul3A_1308 = arith.mulf %mul3A_1304, %mul3A_1304 : vector<16xf32>
        %mul3A_1309 = arith.constant 1.000000e-07 : f32
        %mul3A_1310 = vector.broadcast %mul3A_1309 : f32 to vector<16xf32>
        %mul3A_1311 = arith.mulf %mul3A_1310, %mul3A_1308 : vector<16xf32>
        %sub3A_1312 = arith.subf %mul3A_1304, %mul3A_1311 : vector<16xf32>
        %jit3A_1313 = arith.constant 1.000000e+00 : f32
        %broadcast_in_dim3A_1314 = vector.broadcast %jit3A_1313 : f32 to vector<16xf32>
        %select_n3A_1315 = arith.select %gt3A_1307, %sub3A_1312, %broadcast_in_dim3A_1314 : vector<16xi1>, vector<16xf32>
        %broadcast_in_dim3A_1316 = arith.constant 0 : i32
        %broadcast_in_dim3A_1317 = vector.broadcast %broadcast_in_dim3A_1316 : i32 to vector<16xi32>
        %broadcast_in_dim3A_1318 = vector.shape_cast %broadcast_in_dim3A_1317 : vector<16xi32> to vector<16x1xi32>
        %gather3A_1319 = vector.shape_cast %broadcast_in_dim3A_1318 : vector<16x1xi32> to vector<16xi32>
        %gather3A_1320 = tpu.dynamic_gather %select_n3A_1315[%gather3A_1319] in [0] : vector<16xf32>, vector<16xi32> -> vector<16xf32>
        %mul3A_1321 = arith.mulf %get3A_1018, %gather3A_1320 : vector<16xf32>
        %mul3A_1322 = arith.mulf %get3A_1028, %gather3A_1320 : vector<16xf32>
        %mul3A_1323 = arith.mulf %get3A_1038, %gather3A_1320 : vector<16xf32>
        %mul3A_1324 = arith.mulf %get3A_1048, %gather3A_1320 : vector<16xf32>
        %broadcast_in_dim3A_1325 = arith.constant 4 : i32
        %broadcast_in_dim3A_1326 = vector.broadcast %broadcast_in_dim3A_1325 : i32 to vector<16xi32>
        %broadcast_in_dim3A_1327 = vector.shape_cast %broadcast_in_dim3A_1326 : vector<16xi32> to vector<16x1xi32>
        %gather3A_1328 = vector.shape_cast %broadcast_in_dim3A_1327 : vector<16x1xi32> to vector<16xi32>
        %gather3A_1329 = tpu.dynamic_gather %select_n3A_1315[%gather3A_1328] in [0] : vector<16xf32>, vector<16xi32> -> vector<16xf32>
        %mul3A_1330 = arith.mulf %get3A_1058, %gather3A_1329 : vector<16xf32>
        %mul3A_1331 = arith.mulf %get3A_1068, %gather3A_1329 : vector<16xf32>
        %mul3A_1332 = arith.mulf %get3A_1078, %gather3A_1329 : vector<16xf32>
        %mul3A_1333 = arith.mulf %get3A_1088, %gather3A_1329 : vector<16xf32>
        %broadcast_in_dim3A_1334 = arith.constant 8 : i32
        %broadcast_in_dim3A_1335 = vector.broadcast %broadcast_in_dim3A_1334 : i32 to vector<16xi32>
        %broadcast_in_dim3A_1336 = vector.shape_cast %broadcast_in_dim3A_1335 : vector<16xi32> to vector<16x1xi32>
        %gather3A_1337 = vector.shape_cast %broadcast_in_dim3A_1336 : vector<16x1xi32> to vector<16xi32>
        %gather3A_1338 = tpu.dynamic_gather %select_n3A_1315[%gather3A_1337] in [0] : vector<16xf32>, vector<16xi32> -> vector<16xf32>
        %mul3A_1339 = arith.mulf %get3A_1098, %gather3A_1338 : vector<16xf32>
        %mul3A_1340 = arith.mulf %get3A_1108, %gather3A_1338 : vector<16xf32>
        %mul3A_1341 = arith.mulf %get3A_1118, %gather3A_1338 : vector<16xf32>
        %mul3A_1342 = arith.mulf %get3A_1128, %gather3A_1338 : vector<16xf32>
        %broadcast_in_dim3A_1343 = arith.constant 12 : i32
        %broadcast_in_dim3A_1344 = vector.broadcast %broadcast_in_dim3A_1343 : i32 to vector<16xi32>
        %broadcast_in_dim3A_1345 = vector.shape_cast %broadcast_in_dim3A_1344 : vector<16xi32> to vector<16x1xi32>
        %gather3A_1346 = vector.shape_cast %broadcast_in_dim3A_1345 : vector<16x1xi32> to vector<16xi32>
        %gather3A_1347 = tpu.dynamic_gather %select_n3A_1315[%gather3A_1346] in [0] : vector<16xf32>, vector<16xi32> -> vector<16xf32>
        %mul3A_1348 = arith.mulf %get3A_1138, %gather3A_1347 : vector<16xf32>
        %mul3A_1349 = arith.mulf %get3A_1148, %gather3A_1347 : vector<16xf32>
        %mul3A_1350 = arith.mulf %get3A_1158, %gather3A_1347 : vector<16xf32>
        %mul3A_1351 = arith.mulf %get3A_1168, %gather3A_1347 : vector<16xf32>
        %add3A_1352 = arith.constant 0 : i32
        %add3A_1353 = arith.addi %mul3A_1007, %add3A_1352 : i32
        %mul3A_1354 = arith.constant 64 : i32
        %mul3A_1355 = arith.muli %add3A_1353, %mul3A_1354 : i32
        %add3A_1356 = arith.constant 0 : i32
        %add3A_1357 = arith.addi %mul3A_1355, %add3A_1356 : i32
        %swap3A_1358 = arith.index_cast %add3A_1357 : i32 to index
        %swap3A_1359 = tpu.vector_load %arg7[%swap3A_1358] {strides = array<i32>} : memref<1280xf32, #tpu.memory_space<vmem>>, vector<16xf32>,
        %swap3A_1360 = vector.shape_cast %swap3A_1359 : vector<16xf32> to vector<16xf32>
        %swap3A_1361 = vector.shape_cast %mul3A_1321 : vector<16xf32> to vector<16xf32>
        tpu.vector_store %arg7[%swap3A_1358], %swap3A_1361 {strides = array<i32>} : memref<1280xf32, #tpu.memory_space<vmem>>, vector<16xf32>,
        %mul3A_1362 = arith.constant 64 : i32
        %mul3A_1363 = arith.muli %add3A_1353, %mul3A_1362 : i32
        %add3A_1364 = arith.constant 16 : i32
        %add3A_1365 = arith.addi %mul3A_1363, %add3A_1364 : i32
        %swap3A_1366 = arith.index_cast %add3A_1365 : i32 to index
        %swap3A_1367 = tpu.vector_load %arg7[%swap3A_1366] {strides = array<i32>} : memref<1280xf32, #tpu.memory_space<vmem>>, vector<16xf32>,
        %swap3A_1368 = vector.shape_cast %swap3A_1367 : vector<16xf32> to vector<16xf32>
        %swap3A_1369 = vector.shape_cast %mul3A_1322 : vector<16xf32> to vector<16xf32>
        tpu.vector_store %arg7[%swap3A_1366], %swap3A_1369 {strides = array<i32>} : memref<1280xf32, #tpu.memory_space<vmem>>, vector<16xf32>,
        %mul3A_1370 = arith.constant 64 : i32
        %mul3A_1371 = arith.muli %add3A_1353, %mul3A_1370 : i32
        %add3A_1372 = arith.constant 32 : i32
        %add3A_1373 = arith.addi %mul3A_1371, %add3A_1372 : i32
        %swap3A_1374 = arith.index_cast %add3A_1373 : i32 to index
        %swap3A_1375 = tpu.vector_load %arg7[%swap3A_1374] {strides = array<i32>} : memref<1280xf32, #tpu.memory_space<vmem>>, vector<16xf32>,
        %swap3A_1376 = vector.shape_cast %swap3A_1375 : vector<16xf32> to vector<16xf32>
        %swap3A_1377 = vector.shape_cast %mul3A_1323 : vector<16xf32> to vector<16xf32>
        tpu.vector_store %arg7[%swap3A_1374], %swap3A_1377 {strides = array<i32>} : memref<1280xf32, #tpu.memory_space<vmem>>, vector<16xf32>,
        %mul3A_1378 = arith.constant 64 : i32
        %mul3A_1379 = arith.muli %add3A_1353, %mul3A_1378 : i32
        %add3A_1380 = arith.constant 48 : i32
        %add3A_1381 = arith.addi %mul3A_1379, %add3A_1380 : i32
        %swap3A_1382 = arith.index_cast %add3A_1381 : i32 to index
        %swap3A_1383 = tpu.vector_load %arg7[%swap3A_1382] {strides = array<i32>} : memref<1280xf32, #tpu.memory_space<vmem>>, vector<16xf32>,
        %swap3A_1384 = vector.shape_cast %swap3A_1383 : vector<16xf32> to vector<16xf32>
        %swap3A_1385 = vector.shape_cast %mul3A_1324 : vector<16xf32> to vector<16xf32>
        tpu.vector_store %arg7[%swap3A_1382], %swap3A_1385 {strides = array<i32>} : memref<1280xf32, #tpu.memory_space<vmem>>, vector<16xf32>,
        %add3A_1386 = arith.constant 1 : i32
        %add3A_1387 = arith.addi %mul3A_1007, %add3A_1386 : i32
        %mul3A_1388 = arith.constant 64 : i32
        %mul3A_1389 = arith.muli %add3A_1387, %mul3A_1388 : i32
        %add3A_1390 = arith.constant 0 : i32
        %add3A_1391 = arith.addi %mul3A_1389, %add3A_1390 : i32
        %swap3A_1392 = arith.index_cast %add3A_1391 : i32 to index
        %swap3A_1393 = tpu.vector_load %arg7[%swap3A_1392] {strides = array<i32>} : memref<1280xf32, #tpu.memory_space<vmem>>, vector<16xf32>,
        %swap3A_1394 = vector.shape_cast %swap3A_1393 : vector<16xf32> to vector<16xf32>
        %swap3A_1395 = vector.shape_cast %mul3A_1330 : vector<16xf32> to vector<16xf32>
        tpu.vector_store %arg7[%swap3A_1392], %swap3A_1395 {strides = array<i32>} : memref<1280xf32, #tpu.memory_space<vmem>>, vector<16xf32>,
        %mul3A_1396 = arith.constant 64 : i32
        %mul3A_1397 = arith.muli %add3A_1387, %mul3A_1396 : i32
        %add3A_1398 = arith.constant 16 : i32
        %add3A_1399 = arith.addi %mul3A_1397, %add3A_1398 : i32
        %swap3A_1400 = arith.index_cast %add3A_1399 : i32 to index
        %swap3A_1401 = tpu.vector_load %arg7[%swap3A_1400] {strides = array<i32>} : memref<1280xf32, #tpu.memory_space<vmem>>, vector<16xf32>,
        %swap3A_1402 = vector.shape_cast %swap3A_1401 : vector<16xf32> to vector<16xf32>
        %swap3A_1403 = vector.shape_cast %mul3A_1331 : vector<16xf32> to vector<16xf32>
        tpu.vector_store %arg7[%swap3A_1400], %swap3A_1403 {strides = array<i32>} : memref<1280xf32, #tpu.memory_space<vmem>>, vector<16xf32>,
        %mul3A_1404 = arith.constant 64 : i32
        %mul3A_1405 = arith.muli %add3A_1387, %mul3A_1404 : i32
        %add3A_1406 = arith.constant 32 : i32
        %add3A_1407 = arith.addi %mul3A_1405, %add3A_1406 : i32
        %swap3A_1408 = arith.index_cast %add3A_1407 : i32 to index
        %swap3A_1409 = tpu.vector_load %arg7[%swap3A_1408] {strides = array<i32>} : memref<1280xf32, #tpu.memory_space<vmem>>, vector<16xf32>,
        %swap3A_1410 = vector.shape_cast %swap3A_1409 : vector<16xf32> to vector<16xf32>
        %swap3A_1411 = vector.shape_cast %mul3A_1332 : vector<16xf32> to vector<16xf32>
        tpu.vector_store %arg7[%swap3A_1408], %swap3A_1411 {strides = array<i32>} : memref<1280xf32, #tpu.memory_space<vmem>>, vector<16xf32>,
        %mul3A_1412 = arith.constant 64 : i32
        %mul3A_1413 = arith.muli %add3A_1387, %mul3A_1412 : i32
        %add3A_1414 = arith.constant 48 : i32
        %add3A_1415 = arith.addi %mul3A_1413, %add3A_1414 : i32
        %swap3A_1416 = arith.index_cast %add3A_1415 : i32 to index
        %swap3A_1417 = tpu.vector_load %arg7[%swap3A_1416] {strides = array<i32>} : memref<1280xf32, #tpu.memory_space<vmem>>, vector<16xf32>,
        %swap3A_1418 = vector.shape_cast %swap3A_1417 : vector<16xf32> to vector<16xf32>
        %swap3A_1419 = vector.shape_cast %mul3A_1333 : vector<16xf32> to vector<16xf32>
        tpu.vector_store %arg7[%swap3A_1416], %swap3A_1419 {strides = array<i32>} : memref<1280xf32, #tpu.memory_space<vmem>>, vector<16xf32>,
        %add3A_1420 = arith.constant 2 : i32
        %add3A_1421 = arith.addi %mul3A_1007, %add3A_1420 : i32
        %mul3A_1422 = arith.constant 64 : i32
        %mul3A_1423 = arith.muli %add3A_1421, %mul3A_1422 : i32
        %add3A_1424 = arith.constant 0 : i32
        %add3A_1425 = arith.addi %mul3A_1423, %add3A_1424 : i32
        %swap3A_1426 = arith.index_cast %add3A_1425 : i32 to index
        %swap3A_1427 = tpu.vector_load %arg7[%swap3A_1426] {strides = array<i32>} : memref<1280xf32, #tpu.memory_space<vmem>>, vector<16xf32>,
        %swap3A_1428 = vector.shape_cast %swap3A_1427 : vector<16xf32> to vector<16xf32>
        %swap3A_1429 = vector.shape_cast %mul3A_1339 : vector<16xf32> to vector<16xf32>
        tpu.vector_store %arg7[%swap3A_1426], %swap3A_1429 {strides = array<i32>} : memref<1280xf32, #tpu.memory_space<vmem>>, vector<16xf32>,
        %mul3A_1430 = arith.constant 64 : i32
        %mul3A_1431 = arith.muli %add3A_1421, %mul3A_1430 : i32
        %add3A_1432 = arith.constant 16 : i32
        %add3A_1433 = arith.addi %mul3A_1431, %add3A_1432 : i32
        %swap3A_1434 = arith.index_cast %add3A_1433 : i32 to index
        %swap3A_1435 = tpu.vector_load %arg7[%swap3A_1434] {strides = array<i32>} : memref<1280xf32, #tpu.memory_space<vmem>>, vector<16xf32>,
        %swap3A_1436 = vector.shape_cast %swap3A_1435 : vector<16xf32> to vector<16xf32>
        %swap3A_1437 = vector.shape_cast %mul3A_1340 : vector<16xf32> to vector<16xf32>
        tpu.vector_store %arg7[%swap3A_1434], %swap3A_1437 {strides = array<i32>} : memref<1280xf32, #tpu.memory_space<vmem>>, vector<16xf32>,
        %mul3A_1438 = arith.constant 64 : i32
        %mul3A_1439 = arith.muli %add3A_1421, %mul3A_1438 : i32
        %add3A_1440 = arith.constant 32 : i32
        %add3A_1441 = arith.addi %mul3A_1439, %add3A_1440 : i32
        %swap3A_1442 = arith.index_cast %add3A_1441 : i32 to index
        %swap3A_1443 = tpu.vector_load %arg7[%swap3A_1442] {strides = array<i32>} : memref<1280xf32, #tpu.memory_space<vmem>>, vector<16xf32>,
        %swap3A_1444 = vector.shape_cast %swap3A_1443 : vector<16xf32> to vector<16xf32>
        %swap3A_1445 = vector.shape_cast %mul3A_1341 : vector<16xf32> to vector<16xf32>
        tpu.vector_store %arg7[%swap3A_1442], %swap3A_1445 {strides = array<i32>} : memref<1280xf32, #tpu.memory_space<vmem>>, vector<16xf32>,
        %mul3A_1446 = arith.constant 64 : i32
        %mul3A_1447 = arith.muli %add3A_1421, %mul3A_1446 : i32
        %add3A_1448 = arith.constant 48 : i32
        %add3A_1449 = arith.addi %mul3A_1447, %add3A_1448 : i32
        %swap3A_1450 = arith.index_cast %add3A_1449 : i32 to index
        %swap3A_1451 = tpu.vector_load %arg7[%swap3A_1450] {strides = array<i32>} : memref<1280xf32, #tpu.memory_space<vmem>>, vector<16xf32>,
        %swap3A_1452 = vector.shape_cast %swap3A_1451 : vector<16xf32> to vector<16xf32>
        %swap3A_1453 = vector.shape_cast %mul3A_1342 : vector<16xf32> to vector<16xf32>
        tpu.vector_store %arg7[%swap3A_1450], %swap3A_1453 {strides = array<i32>} : memref<1280xf32, #tpu.memory_space<vmem>>, vector<16xf32>,
        %add3A_1454 = arith.constant 3 : i32
        %add3A_1455 = arith.addi %mul3A_1007, %add3A_1454 : i32
        %mul3A_1456 = arith.constant 64 : i32
        %mul3A_1457 = arith.muli %add3A_1455, %mul3A_1456 : i32
        %add3A_1458 = arith.constant 0 : i32
        %add3A_1459 = arith.addi %mul3A_1457, %add3A_1458 : i32
        %swap3A_1460 = arith.index_cast %add3A_1459 : i32 to index
        %swap3A_1461 = tpu.vector_load %arg7[%swap3A_1460] {strides = array<i32>} : memref<1280xf32, #tpu.memory_space<vmem>>, vector<16xf32>,
        %swap3A_1462 = vector.shape_cast %swap3A_1461 : vector<16xf32> to vector<16xf32>
        %swap3A_1463 = vector.shape_cast %mul3A_1348 : vector<16xf32> to vector<16xf32>
        tpu.vector_store %arg7[%swap3A_1460], %swap3A_1463 {strides = array<i32>} : memref<1280xf32, #tpu.memory_space<vmem>>, vector<16xf32>,
        %mul3A_1464 = arith.constant 64 : i32
        %mul3A_1465 = arith.muli %add3A_1455, %mul3A_1464 : i32
        %add3A_1466 = arith.constant 16 : i32
        %add3A_1467 = arith.addi %mul3A_1465, %add3A_1466 : i32
        %swap3A_1468 = arith.index_cast %add3A_1467 : i32 to index
        %swap3A_1469 = tpu.vector_load %arg7[%swap3A_1468] {strides = array<i32>} : memref<1280xf32, #tpu.memory_space<vmem>>, vector<16xf32>,
        %swap3A_1470 = vector.shape_cast %swap3A_1469 : vector<16xf32> to vector<16xf32>
        %swap3A_1471 = vector.shape_cast %mul3A_1349 : vector<16xf32> to vector<16xf32>
        tpu.vector_store %arg7[%swap3A_1468], %swap3A_1471 {strides = array<i32>} : memref<1280xf32, #tpu.memory_space<vmem>>, vector<16xf32>,
        %mul3A_1472 = arith.constant 64 : i32
        %mul3A_1473 = arith.muli %add3A_1455, %mul3A_1472 : i32
        %add3A_1474 = arith.constant 32 : i32
        %add3A_1475 = arith.addi %mul3A_1473, %add3A_1474 : i32
        %swap3A_1476 = arith.index_cast %add3A_1475 : i32 to index
        %swap3A_1477 = tpu.vector_load %arg7[%swap3A_1476] {strides = array<i32>} : memref<1280xf32, #tpu.memory_space<vmem>>, vector<16xf32>,
        %swap3A_1478 = vector.shape_cast %swap3A_1477 : vector<16xf32> to vector<16xf32>
        %swap3A_1479 = vector.shape_cast %mul3A_1350 : vector<16xf32> to vector<16xf32>
        tpu.vector_store %arg7[%swap3A_1476], %swap3A_1479 {strides = array<i32>} : memref<1280xf32, #tpu.memory_space<vmem>>, vector<16xf32>,
        %mul3A_1480 = arith.constant 64 : i32
        %mul3A_1481 = arith.muli %add3A_1455, %mul3A_1480 : i32
        %add3A_1482 = arith.constant 48 : i32
        %add3A_1483 = arith.addi %mul3A_1481, %add3A_1482 : i32
        %swap3A_1484 = arith.index_cast %add3A_1483 : i32 to index
        %swap3A_1485 = tpu.vector_load %arg7[%swap3A_1484] {strides = array<i32>} : memref<1280xf32, #tpu.memory_space<vmem>>, vector<16xf32>,
        %swap3A_1486 = vector.shape_cast %swap3A_1485 : vector<16xf32> to vector<16xf32>
        %swap3A_1487 = vector.shape_cast %mul3A_1351 : vector<16xf32> to vector<16xf32>
        tpu.vector_store %arg7[%swap3A_1484], %swap3A_1487 {strides = array<i32>} : memref<1280xf32, #tpu.memory_space<vmem>>, vector<16xf32>,
      }
      %scan3A_140 = arith.constant 4 : i32
      %iota3A = tpu.iota {dimensions = array<i32: 0>} : vector<16xi32>
      %get3A = arith.constant 0 : i32
      %get3A_141 = arith.constant 16 : i32
      %get3A_142 = arith.constant 0 : i32
      %get3A_143 = arith.constant 0 : i32
      %get3A_144 = tpu.memref_slice %arg6[%get3A, %get3A_142, %get3A_143] : memref<2x400x64xf32, #tpu.memory_space<vmem>> -> memref<1x400x64xf32, #tpu.memory_space<vmem>>
      %get3A_145 = tpu.memref_squeeze %get3A_144 : memref<1x400x64xf32, #tpu.memory_space<vmem>> -> memref<400x64xf32, #tpu.memory_space<vmem>>
      %get3A_146 = arith.index_cast %get3A_141 : i32 to index
      %get3A_147 = arith.constant 0 : index
      %get3A_148 = tpu.vector_load %get3A_145[%get3A_146, %get3A_147] {strides = array<i32>} : memref<400x64xf32, #tpu.memory_space<vmem>>, vector<1x16xf32>,
      %get3A_149 = vector.shape_cast %get3A_148 : vector<1x16xf32> to vector<16xf32>
      %get3A_150 = arith.constant 0 : i32
      %get3A_151 = arith.constant 16 : i32
      %get3A_152 = arith.constant 0 : i32
      %get3A_153 = arith.constant 0 : i32
      %get3A_154 = tpu.memref_slice %arg6[%get3A_150, %get3A_152, %get3A_153] : memref<2x400x64xf32, #tpu.memory_space<vmem>> -> memref<1x400x64xf32, #tpu.memory_space<vmem>>
      %get3A_155 = tpu.memref_squeeze %get3A_154 : memref<1x400x64xf32, #tpu.memory_space<vmem>> -> memref<400x64xf32, #tpu.memory_space<vmem>>
      %get3A_156 = arith.index_cast %get3A_151 : i32 to index
      %get3A_157 = arith.constant 16 : index
      %get3A_158 = tpu.vector_load %get3A_155[%get3A_156, %get3A_157] {strides = array<i32>} : memref<400x64xf32, #tpu.memory_space<vmem>>, vector<1x16xf32>,
      %get3A_159 = vector.shape_cast %get3A_158 : vector<1x16xf32> to vector<16xf32>
      %get3A_160 = arith.constant 0 : i32
      %get3A_161 = arith.constant 16 : i32
      %get3A_162 = arith.constant 0 : i32
      %get3A_163 = arith.constant 0 : i32
      %get3A_164 = tpu.memref_slice %arg6[%get3A_160, %get3A_162, %get3A_163] : memref<2x400x64xf32, #tpu.memory_space<vmem>> -> memref<1x400x64xf32, #tpu.memory_space<vmem>>
      %get3A_165 = tpu.memref_squeeze %get3A_164 : memref<1x400x64xf32, #tpu.memory_space<vmem>> -> memref<400x64xf32, #tpu.memory_space<vmem>>
      %get3A_166 = arith.index_cast %get3A_161 : i32 to index
      %get3A_167 = arith.constant 32 : index
      %get3A_168 = tpu.vector_load %get3A_165[%get3A_166, %get3A_167] {strides = array<i32>} : memref<400x64xf32, #tpu.memory_space<vmem>>, vector<1x16xf32>,
      %get3A_169 = vector.shape_cast %get3A_168 : vector<1x16xf32> to vector<16xf32>
      %get3A_170 = arith.constant 0 : i32
      %get3A_171 = arith.constant 16 : i32
      %get3A_172 = arith.constant 0 : i32
      %get3A_173 = arith.constant 0 : i32
      %get3A_174 = tpu.memref_slice %arg6[%get3A_170, %get3A_172, %get3A_173] : memref<2x400x64xf32, #tpu.memory_space<vmem>> -> memref<1x400x64xf32, #tpu.memory_space<vmem>>
      %get3A_175 = tpu.memref_squeeze %get3A_174 : memref<1x400x64xf32, #tpu.memory_space<vmem>> -> memref<400x64xf32, #tpu.memory_space<vmem>>
      %get3A_176 = arith.index_cast %get3A_171 : i32 to index
      %get3A_177 = arith.constant 48 : index
      %get3A_178 = tpu.vector_load %get3A_175[%get3A_176, %get3A_177] {strides = array<i32>} : memref<400x64xf32, #tpu.memory_space<vmem>>, vector<1x16xf32>,
      %get3A_179 = vector.shape_cast %get3A_178 : vector<1x16xf32> to vector<16xf32>
      %get3A_180 = arith.constant 0 : i32
      %get3A_181 = arith.constant 17 : i32
      %get3A_182 = arith.constant 0 : i32
      %get3A_183 = arith.constant 0 : i32
      %get3A_184 = tpu.memref_slice %arg6[%get3A_180, %get3A_182, %get3A_183] : memref<2x400x64xf32, #tpu.memory_space<vmem>> -> memref<1x400x64xf32, #tpu.memory_space<vmem>>
      %get3A_185 = tpu.memref_squeeze %get3A_184 : memref<1x400x64xf32, #tpu.memory_space<vmem>> -> memref<400x64xf32, #tpu.memory_space<vmem>>
      %get3A_186 = arith.index_cast %get3A_181 : i32 to index
      %get3A_187 = arith.constant 0 : index
      %get3A_188 = tpu.vector_load %get3A_185[%get3A_186, %get3A_187] {strides = array<i32>} : memref<400x64xf32, #tpu.memory_space<vmem>>, vector<1x16xf32>,
      %get3A_189 = vector.shape_cast %get3A_188 : vector<1x16xf32> to vector<16xf32>
      %get3A_190 = arith.constant 0 : i32
      %get3A_191 = arith.constant 17 : i32
      %get3A_192 = arith.constant 0 : i32
      %get3A_193 = arith.constant 0 : i32
      %get3A_194 = tpu.memref_slice %arg6[%get3A_190, %get3A_192, %get3A_193] : memref<2x400x64xf32, #tpu.memory_space<vmem>> -> memref<1x400x64xf32, #tpu.memory_space<vmem>>
      %get3A_195 = tpu.memref_squeeze %get3A_194 : memref<1x400x64xf32, #tpu.memory_space<vmem>> -> memref<400x64xf32, #tpu.memory_space<vmem>>
      %get3A_196 = arith.index_cast %get3A_191 : i32 to index
      %get3A_197 = arith.constant 16 : index
      %get3A_198 = tpu.vector_load %get3A_195[%get3A_196, %get3A_197] {strides = array<i32>} : memref<400x64xf32, #tpu.memory_space<vmem>>, vector<1x16xf32>,
      %get3A_199 = vector.shape_cast %get3A_198 : vector<1x16xf32> to vector<16xf32>
      %get3A_200 = arith.constant 0 : i32
      %get3A_201 = arith.constant 17 : i32
      %get3A_202 = arith.constant 0 : i32
      %get3A_203 = arith.constant 0 : i32
      %get3A_204 = tpu.memref_slice %arg6[%get3A_200, %get3A_202, %get3A_203] : memref<2x400x64xf32, #tpu.memory_space<vmem>> -> memref<1x400x64xf32, #tpu.memory_space<vmem>>
      %get3A_205 = tpu.memref_squeeze %get3A_204 : memref<1x400x64xf32, #tpu.memory_space<vmem>> -> memref<400x64xf32, #tpu.memory_space<vmem>>
      %get3A_206 = arith.index_cast %get3A_201 : i32 to index
      %get3A_207 = arith.constant 32 : index
      %get3A_208 = tpu.vector_load %get3A_205[%get3A_206, %get3A_207] {strides = array<i32>} : memref<400x64xf32, #tpu.memory_space<vmem>>, vector<1x16xf32>,
      %get3A_209 = vector.shape_cast %get3A_208 : vector<1x16xf32> to vector<16xf32>
      %get3A_210 = arith.constant 0 : i32
      %get3A_211 = arith.constant 17 : i32
      %get3A_212 = arith.constant 0 : i32
      %get3A_213 = arith.constant 0 : i32
      %get3A_214 = tpu.memref_slice %arg6[%get3A_210, %get3A_212, %get3A_213] : memref<2x400x64xf32, #tpu.memory_space<vmem>> -> memref<1x400x64xf32, #tpu.memory_space<vmem>>
      %get3A_215 = tpu.memref_squeeze %get3A_214 : memref<1x400x64xf32, #tpu.memory_space<vmem>> -> memref<400x64xf32, #tpu.memory_space<vmem>>
      %get3A_216 = arith.index_cast %get3A_211 : i32 to index
      %get3A_217 = arith.constant 48 : index
      %get3A_218 = tpu.vector_load %get3A_215[%get3A_216, %get3A_217] {strides = array<i32>} : memref<400x64xf32, #tpu.memory_space<vmem>>, vector<1x16xf32>,
      %get3A_219 = vector.shape_cast %get3A_218 : vector<1x16xf32> to vector<16xf32>
      %get3A_220 = arith.constant 0 : i32
      %get3A_221 = arith.constant 18 : i32
      %get3A_222 = arith.constant 0 : i32
      %get3A_223 = arith.constant 0 : i32
      %get3A_224 = tpu.memref_slice %arg6[%get3A_220, %get3A_222, %get3A_223] : memref<2x400x64xf32, #tpu.memory_space<vmem>> -> memref<1x400x64xf32, #tpu.memory_space<vmem>>
      %get3A_225 = tpu.memref_squeeze %get3A_224 : memref<1x400x64xf32, #tpu.memory_space<vmem>> -> memref<400x64xf32, #tpu.memory_space<vmem>>
      %get3A_226 = arith.index_cast %get3A_221 : i32 to index
      %get3A_227 = arith.constant 0 : index
      %get3A_228 = tpu.vector_load %get3A_225[%get3A_226, %get3A_227] {strides = array<i32>} : memref<400x64xf32, #tpu.memory_space<vmem>>, vector<1x16xf32>,
      %get3A_229 = vector.shape_cast %get3A_228 : vector<1x16xf32> to vector<16xf32>
      %get3A_230 = arith.constant 0 : i32
      %get3A_231 = arith.constant 18 : i32
      %get3A_232 = arith.constant 0 : i32
      %get3A_233 = arith.constant 0 : i32
      %get3A_234 = tpu.memref_slice %arg6[%get3A_230, %get3A_232, %get3A_233] : memref<2x400x64xf32, #tpu.memory_space<vmem>> -> memref<1x400x64xf32, #tpu.memory_space<vmem>>
      %get3A_235 = tpu.memref_squeeze %get3A_234 : memref<1x400x64xf32, #tpu.memory_space<vmem>> -> memref<400x64xf32, #tpu.memory_space<vmem>>
      %get3A_236 = arith.index_cast %get3A_231 : i32 to index
      %get3A_237 = arith.constant 16 : index
      %get3A_238 = tpu.vector_load %get3A_235[%get3A_236, %get3A_237] {strides = array<i32>} : memref<400x64xf32, #tpu.memory_space<vmem>>, vector<1x16xf32>,
      %get3A_239 = vector.shape_cast %get3A_238 : vector<1x16xf32> to vector<16xf32>
      %get3A_240 = arith.constant 0 : i32
      %get3A_241 = arith.constant 18 : i32
      %get3A_242 = arith.constant 0 : i32
      %get3A_243 = arith.constant 0 : i32
      %get3A_244 = tpu.memref_slice %arg6[%get3A_240, %get3A_242, %get3A_243] : memref<2x400x64xf32, #tpu.memory_space<vmem>> -> memref<1x400x64xf32, #tpu.memory_space<vmem>>
      %get3A_245 = tpu.memref_squeeze %get3A_244 : memref<1x400x64xf32, #tpu.memory_space<vmem>> -> memref<400x64xf32, #tpu.memory_space<vmem>>
      %get3A_246 = arith.index_cast %get3A_241 : i32 to index
      %get3A_247 = arith.constant 32 : index
      %get3A_248 = tpu.vector_load %get3A_245[%get3A_246, %get3A_247] {strides = array<i32>} : memref<400x64xf32, #tpu.memory_space<vmem>>, vector<1x16xf32>,
      %get3A_249 = vector.shape_cast %get3A_248 : vector<1x16xf32> to vector<16xf32>
      %get3A_250 = arith.constant 0 : i32
      %get3A_251 = arith.constant 18 : i32
      %get3A_252 = arith.constant 0 : i32
      %get3A_253 = arith.constant 0 : i32
      %get3A_254 = tpu.memref_slice %arg6[%get3A_250, %get3A_252, %get3A_253] : memref<2x400x64xf32, #tpu.memory_space<vmem>> -> memref<1x400x64xf32, #tpu.memory_space<vmem>>
      %get3A_255 = tpu.memref_squeeze %get3A_254 : memref<1x400x64xf32, #tpu.memory_space<vmem>> -> memref<400x64xf32, #tpu.memory_space<vmem>>
      %get3A_256 = arith.index_cast %get3A_251 : i32 to index
      %get3A_257 = arith.constant 48 : index
      %get3A_258 = tpu.vector_load %get3A_255[%get3A_256, %get3A_257] {strides = array<i32>} : memref<400x64xf32, #tpu.memory_space<vmem>>, vector<1x16xf32>,
      %get3A_259 = vector.shape_cast %get3A_258 : vector<1x16xf32> to vector<16xf32>
      %get3A_260 = arith.constant 0 : i32
      %get3A_261 = arith.constant 19 : i32
      %get3A_262 = arith.constant 0 : i32
      %get3A_263 = arith.constant 0 : i32
      %get3A_264 = tpu.memref_slice %arg6[%get3A_260, %get3A_262, %get3A_263] : memref<2x400x64xf32, #tpu.memory_space<vmem>> -> memref<1x400x64xf32, #tpu.memory_space<vmem>>
      %get3A_265 = tpu.memref_squeeze %get3A_264 : memref<1x400x64xf32, #tpu.memory_space<vmem>> -> memref<400x64xf32, #tpu.memory_space<vmem>>
      %get3A_266 = arith.index_cast %get3A_261 : i32 to index
      %get3A_267 = arith.constant 0 : index
      %get3A_268 = tpu.vector_load %get3A_265[%get3A_266, %get3A_267] {strides = array<i32>} : memref<400x64xf32, #tpu.memory_space<vmem>>, vector<1x16xf32>,
      %get3A_269 = vector.shape_cast %get3A_268 : vector<1x16xf32> to vector<16xf32>
      %get3A_270 = arith.constant 0 : i32
      %get3A_271 = arith.constant 19 : i32
      %get3A_272 = arith.constant 0 : i32
      %get3A_273 = arith.constant 0 : i32
      %get3A_274 = tpu.memref_slice %arg6[%get3A_270, %get3A_272, %get3A_273] : memref<2x400x64xf32, #tpu.memory_space<vmem>> -> memref<1x400x64xf32, #tpu.memory_space<vmem>>
      %get3A_275 = tpu.memref_squeeze %get3A_274 : memref<1x400x64xf32, #tpu.memory_space<vmem>> -> memref<400x64xf32, #tpu.memory_space<vmem>>
      %get3A_276 = arith.index_cast %get3A_271 : i32 to index
      %get3A_277 = arith.constant 16 : index
      %get3A_278 = tpu.vector_load %get3A_275[%get3A_276, %get3A_277] {strides = array<i32>} : memref<400x64xf32, #tpu.memory_space<vmem>>, vector<1x16xf32>,
      %get3A_279 = vector.shape_cast %get3A_278 : vector<1x16xf32> to vector<16xf32>
      %get3A_280 = arith.constant 0 : i32
      %get3A_281 = arith.constant 19 : i32
      %get3A_282 = arith.constant 0 : i32
      %get3A_283 = arith.constant 0 : i32
      %get3A_284 = tpu.memref_slice %arg6[%get3A_280, %get3A_282, %get3A_283] : memref<2x400x64xf32, #tpu.memory_space<vmem>> -> memref<1x400x64xf32, #tpu.memory_space<vmem>>
      %get3A_285 = tpu.memref_squeeze %get3A_284 : memref<1x400x64xf32, #tpu.memory_space<vmem>> -> memref<400x64xf32, #tpu.memory_space<vmem>>
      %get3A_286 = arith.index_cast %get3A_281 : i32 to index
      %get3A_287 = arith.constant 32 : index
      %get3A_288 = tpu.vector_load %get3A_285[%get3A_286, %get3A_287] {strides = array<i32>} : memref<400x64xf32, #tpu.memory_space<vmem>>, vector<1x16xf32>,
      %get3A_289 = vector.shape_cast %get3A_288 : vector<1x16xf32> to vector<16xf32>
      %get3A_290 = arith.constant 0 : i32
      %get3A_291 = arith.constant 19 : i32
      %get3A_292 = arith.constant 0 : i32
      %get3A_293 = arith.constant 0 : i32
      %get3A_294 = tpu.memref_slice %arg6[%get3A_290, %get3A_292, %get3A_293] : memref<2x400x64xf32, #tpu.memory_space<vmem>> -> memref<1x400x64xf32, #tpu.memory_space<vmem>>
      %get3A_295 = tpu.memref_squeeze %get3A_294 : memref<1x400x64xf32, #tpu.memory_space<vmem>> -> memref<400x64xf32, #tpu.memory_space<vmem>>
      %get3A_296 = arith.index_cast %get3A_291 : i32 to index
      %get3A_297 = arith.constant 48 : index
      %get3A_298 = tpu.vector_load %get3A_295[%get3A_296, %get3A_297] {strides = array<i32>} : memref<400x64xf32, #tpu.memory_space<vmem>>, vector<1x16xf32>,
      %get3A_299 = vector.shape_cast %get3A_298 : vector<1x16xf32> to vector<16xf32>
      %mul3A_300 = arith.mulf %get3A_149, %get3A_149 : vector<16xf32>
      %mul3A_301 = arith.mulf %get3A_159, %get3A_159 : vector<16xf32>
      %add3A_302 = arith.addf %mul3A_300, %mul3A_301 : vector<16xf32>
      %mul3A_303 = arith.mulf %get3A_169, %get3A_169 : vector<16xf32>
      %add3A_304 = arith.addf %add3A_302, %mul3A_303 : vector<16xf32>
      %mul3A_305 = arith.mulf %get3A_179, %get3A_179 : vector<16xf32>
      %add3A_306 = arith.addf %add3A_304, %mul3A_305 : vector<16xf32>
      %mul3A_307 = arith.mulf %get3A_189, %get3A_189 : vector<16xf32>
      %mul3A_308 = arith.mulf %get3A_199, %get3A_199 : vector<16xf32>
      %add3A_309 = arith.addf %mul3A_307, %mul3A_308 : vector<16xf32>
      %mul3A_310 = arith.mulf %get3A_209, %get3A_209 : vector<16xf32>
      %add3A_311 = arith.addf %add3A_309, %mul3A_310 : vector<16xf32>
      %mul3A_312 = arith.mulf %get3A_219, %get3A_219 : vector<16xf32>
      %add3A_313 = arith.addf %add3A_311, %mul3A_312 : vector<16xf32>
      %mul3A_314 = arith.mulf %get3A_229, %get3A_229 : vector<16xf32>
      %mul3A_315 = arith.mulf %get3A_239, %get3A_239 : vector<16xf32>
      %add3A_316 = arith.addf %mul3A_314, %mul3A_315 : vector<16xf32>
      %mul3A_317 = arith.mulf %get3A_249, %get3A_249 : vector<16xf32>
      %add3A_318 = arith.addf %add3A_316, %mul3A_317 : vector<16xf32>
      %mul3A_319 = arith.mulf %get3A_259, %get3A_259 : vector<16xf32>
      %add3A_320 = arith.addf %add3A_318, %mul3A_319 : vector<16xf32>
      %mul3A_321 = arith.mulf %get3A_269, %get3A_269 : vector<16xf32>
      %mul3A_322 = arith.mulf %get3A_279, %get3A_279 : vector<16xf32>
      %add3A_323 = arith.addf %mul3A_321, %mul3A_322 : vector<16xf32>
      %mul3A_324 = arith.mulf %get3A_289, %get3A_289 : vector<16xf32>
      %add3A_325 = arith.addf %add3A_323, %mul3A_324 : vector<16xf32>
      %mul3A_326 = arith.mulf %get3A_299, %get3A_299 : vector<16xf32>
      %add3A_327 = arith.addf %add3A_325, %mul3A_326 : vector<16xf32>
      %xor3A = arith.constant 8 : i32
      %xor3A_328 = vector.broadcast %xor3A : i32 to vector<16xi32>
      %xor3A_329 = arith.xori %iota3A, %xor3A_328 : vector<16xi32>
      %broadcast_in_dim3A = vector.shape_cast %xor3A_329 : vector<16xi32> to vector<16x1xi32>
      %gather3A = vector.shape_cast %broadcast_in_dim3A : vector<16x1xi32> to vector<16xi32>
      %gather3A_330 = tpu.dynamic_gather %add3A_306[%gather3A] in [0] : vector<16xf32>, vector<16xi32> -> vector<16xf32>
      %add3A_331 = arith.addf %add3A_306, %gather3A_330 : vector<16xf32>
      %xor3A_332 = arith.constant 4 : i32
      %xor3A_333 = vector.broadcast %xor3A_332 : i32 to vector<16xi32>
      %xor3A_334 = arith.xori %iota3A, %xor3A_333 : vector<16xi32>
      %broadcast_in_dim3A_335 = vector.shape_cast %xor3A_334 : vector<16xi32> to vector<16x1xi32>
      %gather3A_336 = vector.shape_cast %broadcast_in_dim3A_335 : vector<16x1xi32> to vector<16xi32>
      %gather3A_337 = tpu.dynamic_gather %add3A_331[%gather3A_336] in [0] : vector<16xf32>, vector<16xi32> -> vector<16xf32>
      %add3A_338 = arith.addf %add3A_331, %gather3A_337 : vector<16xf32>
      %xor3A_339 = arith.constant 8 : i32
      %xor3A_340 = vector.broadcast %xor3A_339 : i32 to vector<16xi32>
      %xor3A_341 = arith.xori %iota3A, %xor3A_340 : vector<16xi32>
      %broadcast_in_dim3A_342 = vector.shape_cast %xor3A_341 : vector<16xi32> to vector<16x1xi32>
      %gather3A_343 = vector.shape_cast %broadcast_in_dim3A_342 : vector<16x1xi32> to vector<16xi32>
      %gather3A_344 = tpu.dynamic_gather %add3A_313[%gather3A_343] in [0] : vector<16xf32>, vector<16xi32> -> vector<16xf32>
      %add3A_345 = arith.addf %add3A_313, %gather3A_344 : vector<16xf32>
      %xor3A_346 = arith.constant 4 : i32
      %xor3A_347 = vector.broadcast %xor3A_346 : i32 to vector<16xi32>
      %xor3A_348 = arith.xori %iota3A, %xor3A_347 : vector<16xi32>
      %broadcast_in_dim3A_349 = vector.shape_cast %xor3A_348 : vector<16xi32> to vector<16x1xi32>
      %gather3A_350 = vector.shape_cast %broadcast_in_dim3A_349 : vector<16x1xi32> to vector<16xi32>
      %gather3A_351 = tpu.dynamic_gather %add3A_345[%gather3A_350] in [0] : vector<16xf32>, vector<16xi32> -> vector<16xf32>
      %add3A_352 = arith.addf %add3A_345, %gather3A_351 : vector<16xf32>
      %xor3A_353 = arith.constant 8 : i32
      %xor3A_354 = vector.broadcast %xor3A_353 : i32 to vector<16xi32>
      %xor3A_355 = arith.xori %iota3A, %xor3A_354 : vector<16xi32>
      %broadcast_in_dim3A_356 = vector.shape_cast %xor3A_355 : vector<16xi32> to vector<16x1xi32>
      %gather3A_357 = vector.shape_cast %broadcast_in_dim3A_356 : vector<16x1xi32> to vector<16xi32>
      %gather3A_358 = tpu.dynamic_gather %add3A_320[%gather3A_357] in [0] : vector<16xf32>, vector<16xi32> -> vector<16xf32>
      %add3A_359 = arith.addf %add3A_320, %gather3A_358 : vector<16xf32>
      %xor3A_360 = arith.constant 4 : i32
      %xor3A_361 = vector.broadcast %xor3A_360 : i32 to vector<16xi32>
      %xor3A_362 = arith.xori %iota3A, %xor3A_361 : vector<16xi32>
      %broadcast_in_dim3A_363 = vector.shape_cast %xor3A_362 : vector<16xi32> to vector<16x1xi32>
      %gather3A_364 = vector.shape_cast %broadcast_in_dim3A_363 : vector<16x1xi32> to vector<16xi32>
      %gather3A_365 = tpu.dynamic_gather %add3A_359[%gather3A_364] in [0] : vector<16xf32>, vector<16xi32> -> vector<16xf32>
      %add3A_366 = arith.addf %add3A_359, %gather3A_365 : vector<16xf32>
      %xor3A_367 = arith.constant 8 : i32
      %xor3A_368 = vector.broadcast %xor3A_367 : i32 to vector<16xi32>
      %xor3A_369 = arith.xori %iota3A, %xor3A_368 : vector<16xi32>
      %broadcast_in_dim3A_370 = vector.shape_cast %xor3A_369 : vector<16xi32> to vector<16x1xi32>
      %gather3A_371 = vector.shape_cast %broadcast_in_dim3A_370 : vector<16x1xi32> to vector<16xi32>
      %gather3A_372 = tpu.dynamic_gather %add3A_327[%gather3A_371] in [0] : vector<16xf32>, vector<16xi32> -> vector<16xf32>
      %add3A_373 = arith.addf %add3A_327, %gather3A_372 : vector<16xf32>
      %xor3A_374 = arith.constant 4 : i32
      %xor3A_375 = vector.broadcast %xor3A_374 : i32 to vector<16xi32>
      %xor3A_376 = arith.xori %iota3A, %xor3A_375 : vector<16xi32>
      %broadcast_in_dim3A_377 = vector.shape_cast %xor3A_376 : vector<16xi32> to vector<16x1xi32>
      %gather3A_378 = vector.shape_cast %broadcast_in_dim3A_377 : vector<16x1xi32> to vector<16xi32>
      %gather3A_379 = tpu.dynamic_gather %add3A_373[%gather3A_378] in [0] : vector<16xf32>, vector<16xi32> -> vector<16xf32>
      %add3A_380 = arith.addf %add3A_373, %gather3A_379 : vector<16xf32>
      %shift_right_arithmetic3A = arith.constant 2 : i32
      %shift_right_arithmetic3A_381 = vector.broadcast %shift_right_arithmetic3A : i32 to vector<16xi32>
      %shift_right_arithmetic3A_382 = arith.shrsi %iota3A, %shift_right_arithmetic3A_381 : vector<16xi32>
      %eq3A = arith.constant 1 : i32
      %eq3A_383 = vector.broadcast %eq3A : i32 to vector<16xi32>
      %eq3A_384 = arith.cmpi eq, %shift_right_arithmetic3A_382, %eq3A_383 : vector<16xi32>
      %select_n3A = arith.select %eq3A_384, %add3A_352, %add3A_338 : vector<16xi1>, vector<16xf32>
      %eq3A_385 = arith.constant 2 : i32
      %eq3A_386 = vector.broadcast %eq3A_385 : i32 to vector<16xi32>
      %eq3A_387 = arith.cmpi eq, %shift_right_arithmetic3A_382, %eq3A_386 : vector<16xi32>
      %select_n3A_388 = arith.select %eq3A_387, %add3A_366, %select_n3A : vector<16xi1>, vector<16xf32>
      %eq3A_389 = arith.constant 3 : i32
      %eq3A_390 = vector.broadcast %eq3A_389 : i32 to vector<16xi32>
      %eq3A_391 = arith.cmpi eq, %shift_right_arithmetic3A_382, %eq3A_390 : vector<16xi32>
      %select_n3A_392 = arith.select %eq3A_391, %add3A_380, %select_n3A_388 : vector<16xi1>, vector<16xf32>
      %xor3A_393 = arith.constant 2 : i32
      %xor3A_394 = vector.broadcast %xor3A_393 : i32 to vector<16xi32>
      %xor3A_395 = arith.xori %iota3A, %xor3A_394 : vector<16xi32>
      %broadcast_in_dim3A_396 = vector.shape_cast %xor3A_395 : vector<16xi32> to vector<16x1xi32>
      %gather3A_397 = vector.shape_cast %broadcast_in_dim3A_396 : vector<16x1xi32> to vector<16xi32>
      %gather3A_398 = tpu.dynamic_gather %select_n3A_392[%gather3A_397] in [0] : vector<16xf32>, vector<16xi32> -> vector<16xf32>
      %add3A_399 = arith.addf %select_n3A_392, %gather3A_398 : vector<16xf32>
      %xor3A_400 = arith.constant 1 : i32
      %xor3A_401 = vector.broadcast %xor3A_400 : i32 to vector<16xi32>
      %xor3A_402 = arith.xori %iota3A, %xor3A_401 : vector<16xi32>
      %broadcast_in_dim3A_403 = vector.shape_cast %xor3A_402 : vector<16xi32> to vector<16x1xi32>
      %gather3A_404 = vector.shape_cast %broadcast_in_dim3A_403 : vector<16x1xi32> to vector<16xi32>
      %gather3A_405 = tpu.dynamic_gather %add3A_399[%gather3A_404] in [0] : vector<16xf32>, vector<16xi32> -> vector<16xf32>
      %add3A_406 = arith.addf %add3A_399, %gather3A_405 : vector<16xf32>
      %bitcast_convert_type3A = tpu.bitcast %add3A_406 : vector<16xf32> -> vector<16xi32>
      %shift_right_arithmetic3A_407 = arith.constant 1 : i32
      %shift_right_arithmetic3A_408 = vector.broadcast %shift_right_arithmetic3A_407 : i32 to vector<16xi32>
      %shift_right_arithmetic3A_409 = arith.shrsi %bitcast_convert_type3A, %shift_right_arithmetic3A_408 : vector<16xi32>
      %sub3A = arith.constant 1597463007 : i32
      %sub3A_410 = vector.broadcast %sub3A : i32 to vector<16xi32>
      %sub3A_411 = arith.subi %sub3A_410, %shift_right_arithmetic3A_409 : vector<16xi32>
      %bitcast_convert_type3A_412 = tpu.bitcast %sub3A_411 : vector<16xi32> -> vector<16xf32>
      %mul3A_413 = arith.constant 5.000000e-01 : f32
      %mul3A_414 = vector.broadcast %mul3A_413 : f32 to vector<16xf32>
      %mul3A_415 = arith.mulf %mul3A_414, %add3A_406 : vector<16xf32>
      %mul3A_416 = arith.mulf %mul3A_415, %bitcast_convert_type3A_412 : vector<16xf32>
      %mul3A_417 = arith.mulf %mul3A_416, %bitcast_convert_type3A_412 : vector<16xf32>
      %sub3A_418 = arith.constant 1.500000e+00 : f32
      %sub3A_419 = vector.broadcast %sub3A_418 : f32 to vector<16xf32>
      %sub3A_420 = arith.subf %sub3A_419, %mul3A_417 : vector<16xf32>
      %mul3A_421 = arith.mulf %bitcast_convert_type3A_412, %sub3A_420 : vector<16xf32>
      %mul3A_422 = arith.mulf %mul3A_415, %mul3A_421 : vector<16xf32>
      %mul3A_423 = arith.mulf %mul3A_422, %mul3A_421 : vector<16xf32>
      %sub3A_424 = arith.constant 1.500000e+00 : f32
      %sub3A_425 = vector.broadcast %sub3A_424 : f32 to vector<16xf32>
      %sub3A_426 = arith.subf %sub3A_425, %mul3A_423 : vector<16xf32>
      %mul3A_427 = arith.mulf %mul3A_421, %sub3A_426 : vector<16xf32>
      %gt3A = arith.constant 1.000000e+00 : f32
      %gt3A_428 = vector.broadcast %gt3A : f32 to vector<16xf32>
      %gt3A_429 = arith.cmpf ogt, %add3A_406, %gt3A_428 : vector<16xf32>
      %mul3A_430 = arith.mulf %mul3A_427, %mul3A_427 : vector<16xf32>
      %mul3A_431 = arith.constant 1.000000e-07 : f32
      %mul3A_432 = vector.broadcast %mul3A_431 : f32 to vector<16xf32>
      %mul3A_433 = arith.mulf %mul3A_432, %mul3A_430 : vector<16xf32>
      %sub3A_434 = arith.subf %mul3A_427, %mul3A_433 : vector<16xf32>
      %jit3A = arith.constant 1.000000e+00 : f32
      %broadcast_in_dim3A_435 = vector.broadcast %jit3A : f32 to vector<16xf32>
      %select_n3A_436 = arith.select %gt3A_429, %sub3A_434, %broadcast_in_dim3A_435 : vector<16xi1>, vector<16xf32>
      %broadcast_in_dim3A_437 = arith.constant 0 : i32
      %broadcast_in_dim3A_438 = vector.broadcast %broadcast_in_dim3A_437 : i32 to vector<16xi32>
      %broadcast_in_dim3A_439 = vector.shape_cast %broadcast_in_dim3A_438 : vector<16xi32> to vector<16x1xi32>
      %gather3A_440 = vector.shape_cast %broadcast_in_dim3A_439 : vector<16x1xi32> to vector<16xi32>
      %gather3A_441 = tpu.dynamic_gather %select_n3A_436[%gather3A_440] in [0] : vector<16xf32>, vector<16xi32> -> vector<16xf32>
      %mul3A_442 = arith.mulf %get3A_149, %gather3A_441 : vector<16xf32>
      %mul3A_443 = arith.mulf %get3A_159, %gather3A_441 : vector<16xf32>
      %mul3A_444 = arith.mulf %get3A_169, %gather3A_441 : vector<16xf32>
      %mul3A_445 = arith.mulf %get3A_179, %gather3A_441 : vector<16xf32>
      %broadcast_in_dim3A_446 = arith.constant 4 : i32
      %broadcast_in_dim3A_447 = vector.broadcast %broadcast_in_dim3A_446 : i32 to vector<16xi32>
      %broadcast_in_dim3A_448 = vector.shape_cast %broadcast_in_dim3A_447 : vector<16xi32> to vector<16x1xi32>
      %gather3A_449 = vector.shape_cast %broadcast_in_dim3A_448 : vector<16x1xi32> to vector<16xi32>
      %gather3A_450 = tpu.dynamic_gather %select_n3A_436[%gather3A_449] in [0] : vector<16xf32>, vector<16xi32> -> vector<16xf32>
      %mul3A_451 = arith.mulf %get3A_189, %gather3A_450 : vector<16xf32>
      %mul3A_452 = arith.mulf %get3A_199, %gather3A_450 : vector<16xf32>
      %mul3A_453 = arith.mulf %get3A_209, %gather3A_450 : vector<16xf32>
      %mul3A_454 = arith.mulf %get3A_219, %gather3A_450 : vector<16xf32>
      %broadcast_in_dim3A_455 = arith.constant 8 : i32
      %broadcast_in_dim3A_456 = vector.broadcast %broadcast_in_dim3A_455 : i32 to vector<16xi32>
      %broadcast_in_dim3A_457 = vector.shape_cast %broadcast_in_dim3A_456 : vector<16xi32> to vector<16x1xi32>
      %gather3A_458 = vector.shape_cast %broadcast_in_dim3A_457 : vector<16x1xi32> to vector<16xi32>
      %gather3A_459 = tpu.dynamic_gather %select_n3A_436[%gather3A_458] in [0] : vector<16xf32>, vector<16xi32> -> vector<16xf32>
      %mul3A_460 = arith.mulf %get3A_229, %gather3A_459 : vector<16xf32>
      %mul3A_461 = arith.mulf %get3A_239, %gather3A_459 : vector<16xf32>
      %mul3A_462 = arith.mulf %get3A_249, %gather3A_459 : vector<16xf32>
      %mul3A_463 = arith.mulf %get3A_259, %gather3A_459 : vector<16xf32>
      %broadcast_in_dim3A_464 = arith.constant 12 : i32
      %broadcast_in_dim3A_465 = vector.broadcast %broadcast_in_dim3A_464 : i32 to vector<16xi32>
      %broadcast_in_dim3A_466 = vector.shape_cast %broadcast_in_dim3A_465 : vector<16xi32> to vector<16x1xi32>
      %gather3A_467 = vector.shape_cast %broadcast_in_dim3A_466 : vector<16x1xi32> to vector<16xi32>
      %gather3A_468 = tpu.dynamic_gather %select_n3A_436[%gather3A_467] in [0] : vector<16xf32>, vector<16xi32> -> vector<16xf32>
      %mul3A_469 = arith.mulf %get3A_269, %gather3A_468 : vector<16xf32>
      %mul3A_470 = arith.mulf %get3A_279, %gather3A_468 : vector<16xf32>
      %mul3A_471 = arith.mulf %get3A_289, %gather3A_468 : vector<16xf32>
      %mul3A_472 = arith.mulf %get3A_299, %gather3A_468 : vector<16xf32>
      %swap3A = arith.constant 1024 : index
      %swap3A_473 = tpu.vector_load %arg7[%swap3A] {strides = array<i32>} : memref<1280xf32, #tpu.memory_space<vmem>>, vector<16xf32>,
      %swap3A_474 = vector.shape_cast %swap3A_473 : vector<16xf32> to vector<16xf32>
      %swap3A_475 = vector.shape_cast %mul3A_442 : vector<16xf32> to vector<16xf32>
      tpu.vector_store %arg7[%swap3A], %swap3A_475 {strides = array<i32>} : memref<1280xf32, #tpu.memory_space<vmem>>, vector<16xf32>,
      %swap3A_476 = arith.constant 1040 : index
      %swap3A_477 = tpu.vector_load %arg7[%swap3A_476] {strides = array<i32>} : memref<1280xf32, #tpu.memory_space<vmem>>, vector<16xf32>,
      %swap3A_478 = vector.shape_cast %swap3A_477 : vector<16xf32> to vector<16xf32>
      %swap3A_479 = vector.shape_cast %mul3A_443 : vector<16xf32> to vector<16xf32>
      tpu.vector_store %arg7[%swap3A_476], %swap3A_479 {strides = array<i32>} : memref<1280xf32, #tpu.memory_space<vmem>>, vector<16xf32>,
      %swap3A_480 = arith.constant 1056 : index
      %swap3A_481 = tpu.vector_load %arg7[%swap3A_480] {strides = array<i32>} : memref<1280xf32, #tpu.memory_space<vmem>>, vector<16xf32>,
      %swap3A_482 = vector.shape_cast %swap3A_481 : vector<16xf32> to vector<16xf32>
      %swap3A_483 = vector.shape_cast %mul3A_444 : vector<16xf32> to vector<16xf32>
      tpu.vector_store %arg7[%swap3A_480], %swap3A_483 {strides = array<i32>} : memref<1280xf32, #tpu.memory_space<vmem>>, vector<16xf32>,
      %swap3A_484 = arith.constant 1072 : index
      %swap3A_485 = tpu.vector_load %arg7[%swap3A_484] {strides = array<i32>} : memref<1280xf32, #tpu.memory_space<vmem>>, vector<16xf32>,
      %swap3A_486 = vector.shape_cast %swap3A_485 : vector<16xf32> to vector<16xf32>
      %swap3A_487 = vector.shape_cast %mul3A_445 : vector<16xf32> to vector<16xf32>
      tpu.vector_store %arg7[%swap3A_484], %swap3A_487 {strides = array<i32>} : memref<1280xf32, #tpu.memory_space<vmem>>, vector<16xf32>,
      %swap3A_488 = arith.constant 1088 : index
      %swap3A_489 = tpu.vector_load %arg7[%swap3A_488] {strides = array<i32>} : memref<1280xf32, #tpu.memory_space<vmem>>, vector<16xf32>,
      %swap3A_490 = vector.shape_cast %swap3A_489 : vector<16xf32> to vector<16xf32>
      %swap3A_491 = vector.shape_cast %mul3A_451 : vector<16xf32> to vector<16xf32>
      tpu.vector_store %arg7[%swap3A_488], %swap3A_491 {strides = array<i32>} : memref<1280xf32, #tpu.memory_space<vmem>>, vector<16xf32>,
      %swap3A_492 = arith.constant 1104 : index
      %swap3A_493 = tpu.vector_load %arg7[%swap3A_492] {strides = array<i32>} : memref<1280xf32, #tpu.memory_space<vmem>>, vector<16xf32>,
      %swap3A_494 = vector.shape_cast %swap3A_493 : vector<16xf32> to vector<16xf32>
      %swap3A_495 = vector.shape_cast %mul3A_452 : vector<16xf32> to vector<16xf32>
      tpu.vector_store %arg7[%swap3A_492], %swap3A_495 {strides = array<i32>} : memref<1280xf32, #tpu.memory_space<vmem>>, vector<16xf32>,
      %swap3A_496 = arith.constant 1120 : index
      %swap3A_497 = tpu.vector_load %arg7[%swap3A_496] {strides = array<i32>} : memref<1280xf32, #tpu.memory_space<vmem>>, vector<16xf32>,
      %swap3A_498 = vector.shape_cast %swap3A_497 : vector<16xf32> to vector<16xf32>
      %swap3A_499 = vector.shape_cast %mul3A_453 : vector<16xf32> to vector<16xf32>
      tpu.vector_store %arg7[%swap3A_496], %swap3A_499 {strides = array<i32>} : memref<1280xf32, #tpu.memory_space<vmem>>, vector<16xf32>,
      %swap3A_500 = arith.constant 1136 : index
      %swap3A_501 = tpu.vector_load %arg7[%swap3A_500] {strides = array<i32>} : memref<1280xf32, #tpu.memory_space<vmem>>, vector<16xf32>,
      %swap3A_502 = vector.shape_cast %swap3A_501 : vector<16xf32> to vector<16xf32>
      %swap3A_503 = vector.shape_cast %mul3A_454 : vector<16xf32> to vector<16xf32>
      tpu.vector_store %arg7[%swap3A_500], %swap3A_503 {strides = array<i32>} : memref<1280xf32, #tpu.memory_space<vmem>>, vector<16xf32>,
      %swap3A_504 = arith.constant 1152 : index
      %swap3A_505 = tpu.vector_load %arg7[%swap3A_504] {strides = array<i32>} : memref<1280xf32, #tpu.memory_space<vmem>>, vector<16xf32>,
      %swap3A_506 = vector.shape_cast %swap3A_505 : vector<16xf32> to vector<16xf32>
      %swap3A_507 = vector.shape_cast %mul3A_460 : vector<16xf32> to vector<16xf32>
      tpu.vector_store %arg7[%swap3A_504], %swap3A_507 {strides = array<i32>} : memref<1280xf32, #tpu.memory_space<vmem>>, vector<16xf32>,
      %swap3A_508 = arith.constant 1168 : index
      %swap3A_509 = tpu.vector_load %arg7[%swap3A_508] {strides = array<i32>} : memref<1280xf32, #tpu.memory_space<vmem>>, vector<16xf32>,
      %swap3A_510 = vector.shape_cast %swap3A_509 : vector<16xf32> to vector<16xf32>
      %swap3A_511 = vector.shape_cast %mul3A_461 : vector<16xf32> to vector<16xf32>
      tpu.vector_store %arg7[%swap3A_508], %swap3A_511 {strides = array<i32>} : memref<1280xf32, #tpu.memory_space<vmem>>, vector<16xf32>,
      %swap3A_512 = arith.constant 1184 : index
      %swap3A_513 = tpu.vector_load %arg7[%swap3A_512] {strides = array<i32>} : memref<1280xf32, #tpu.memory_space<vmem>>, vector<16xf32>,
      %swap3A_514 = vector.shape_cast %swap3A_513 : vector<16xf32> to vector<16xf32>
      %swap3A_515 = vector.shape_cast %mul3A_462 : vector<16xf32> to vector<16xf32>
      tpu.vector_store %arg7[%swap3A_512], %swap3A_515 {strides = array<i32>} : memref<1280xf32, #tpu.memory_space<vmem>>, vector<16xf32>,
      %swap3A_516 = arith.constant 1200 : index
      %swap3A_517 = tpu.vector_load %arg7[%swap3A_516] {strides = array<i32>} : memref<1280xf32, #tpu.memory_space<vmem>>, vector<16xf32>,
      %swap3A_518 = vector.shape_cast %swap3A_517 : vector<16xf32> to vector<16xf32>
      %swap3A_519 = vector.shape_cast %mul3A_463 : vector<16xf32> to vector<16xf32>
      tpu.vector_store %arg7[%swap3A_516], %swap3A_519 {strides = array<i32>} : memref<1280xf32, #tpu.memory_space<vmem>>, vector<16xf32>,
      %scan3A_520 = arith.constant 0 : i32
      %scan3A_521 = arith.constant 0 : i32
      %scan3A_522 = arith.constant 95 : i32
      %scan3A_523 = arith.addi %scan3A_521, %scan3A_522 : i32
      %scan3A_524 = arith.constant 1 : i32
      %scan3A_525:4 = scf.for %scan3A_1005 = %scan3A_521 to %scan3A_523 step %scan3A_524 iter_args(%scan3A_1006 = %mul3A_469, %scan3A_1007 = %mul3A_470, %scan3A_1008 = %mul3A_471, %scan3A_1009 = %mul3A_472) -> (vector<16xf32>, vector<16xf32>, vector<16xf32>, vector<16xf32>)  : i32 {
        %mul3A_1010 = arith.constant 4 : i32
        %mul3A_1011 = arith.muli %mul3A_1010, %scan3A_1005 : i32
        %add3A_1012 = arith.constant 20 : i32
        %add3A_1013 = arith.addi %add3A_1012, %mul3A_1011 : i32
        %iota3A_1014 = tpu.iota {dimensions = array<i32: 0>} : vector<16xi32>
        %add3A_1015 = arith.constant 0 : i32
        %add3A_1016 = arith.addi %add3A_1013, %add3A_1015 : i32
        %get3A_1017 = arith.constant 0 : i32
        %get3A_1018 = arith.constant 0 : i32
        %get3A_1019 = tpu.memref_slice %arg6[%scan3A_520, %get3A_1017, %get3A_1018] : memref<2x400x64xf32, #tpu.memory_space<vmem>> -> memref<1x400x64xf32, #tpu.memory_space<vmem>>
        %get3A_1020 = tpu.memref_squeeze %get3A_1019 : memref<1x400x64xf32, #tpu.memory_space<vmem>> -> memref<400x64xf32, #tpu.memory_space<vmem>>
        %get3A_1021 = arith.index_cast %add3A_1016 : i32 to index
        %get3A_1022 = arith.constant 0 : index
        %get3A_1023 = tpu.vector_load %get3A_1020[%get3A_1021, %get3A_1022] {strides = array<i32>} : memref<400x64xf32, #tpu.memory_space<vmem>>, vector<1x16xf32>,
        %get3A_1024 = vector.shape_cast %get3A_1023 : vector<1x16xf32> to vector<16xf32>
        %add3A_1025 = arith.constant 0 : i32
        %add3A_1026 = arith.addi %add3A_1013, %add3A_1025 : i32
        %get3A_1027 = arith.constant 0 : i32
        %get3A_1028 = arith.constant 0 : i32
        %get3A_1029 = tpu.memref_slice %arg6[%scan3A_520, %get3A_1027, %get3A_1028] : memref<2x400x64xf32, #tpu.memory_space<vmem>> -> memref<1x400x64xf32, #tpu.memory_space<vmem>>
        %get3A_1030 = tpu.memref_squeeze %get3A_1029 : memref<1x400x64xf32, #tpu.memory_space<vmem>> -> memref<400x64xf32, #tpu.memory_space<vmem>>
        %get3A_1031 = arith.index_cast %add3A_1026 : i32 to index
        %get3A_1032 = arith.constant 16 : index
        %get3A_1033 = tpu.vector_load %get3A_1030[%get3A_1031, %get3A_1032] {strides = array<i32>} : memref<400x64xf32, #tpu.memory_space<vmem>>, vector<1x16xf32>,
        %get3A_1034 = vector.shape_cast %get3A_1033 : vector<1x16xf32> to vector<16xf32>
        %add3A_1035 = arith.constant 0 : i32
        %add3A_1036 = arith.addi %add3A_1013, %add3A_1035 : i32
        %get3A_1037 = arith.constant 0 : i32
        %get3A_1038 = arith.constant 0 : i32
        %get3A_1039 = tpu.memref_slice %arg6[%scan3A_520, %get3A_1037, %get3A_1038] : memref<2x400x64xf32, #tpu.memory_space<vmem>> -> memref<1x400x64xf32, #tpu.memory_space<vmem>>
        %get3A_1040 = tpu.memref_squeeze %get3A_1039 : memref<1x400x64xf32, #tpu.memory_space<vmem>> -> memref<400x64xf32, #tpu.memory_space<vmem>>
        %get3A_1041 = arith.index_cast %add3A_1036 : i32 to index
        %get3A_1042 = arith.constant 32 : index
        %get3A_1043 = tpu.vector_load %get3A_1040[%get3A_1041, %get3A_1042] {strides = array<i32>} : memref<400x64xf32, #tpu.memory_space<vmem>>, vector<1x16xf32>,
        %get3A_1044 = vector.shape_cast %get3A_1043 : vector<1x16xf32> to vector<16xf32>
        %add3A_1045 = arith.constant 0 : i32
        %add3A_1046 = arith.addi %add3A_1013, %add3A_1045 : i32
        %get3A_1047 = arith.constant 0 : i32
        %get3A_1048 = arith.constant 0 : i32
        %get3A_1049 = tpu.memref_slice %arg6[%scan3A_520, %get3A_1047, %get3A_1048] : memref<2x400x64xf32, #tpu.memory_space<vmem>> -> memref<1x400x64xf32, #tpu.memory_space<vmem>>
        %get3A_1050 = tpu.memref_squeeze %get3A_1049 : memref<1x400x64xf32, #tpu.memory_space<vmem>> -> memref<400x64xf32, #tpu.memory_space<vmem>>
        %get3A_1051 = arith.index_cast %add3A_1046 : i32 to index
        %get3A_1052 = arith.constant 48 : index
        %get3A_1053 = tpu.vector_load %get3A_1050[%get3A_1051, %get3A_1052] {strides = array<i32>} : memref<400x64xf32, #tpu.memory_space<vmem>>, vector<1x16xf32>,
        %get3A_1054 = vector.shape_cast %get3A_1053 : vector<1x16xf32> to vector<16xf32>
        %add3A_1055 = arith.constant 1 : i32
        %add3A_1056 = arith.addi %add3A_1013, %add3A_1055 : i32
        %get3A_1057 = arith.constant 0 : i32
        %get3A_1058 = arith.constant 0 : i32
        %get3A_1059 = tpu.memref_slice %arg6[%scan3A_520, %get3A_1057, %get3A_1058] : memref<2x400x64xf32, #tpu.memory_space<vmem>> -> memref<1x400x64xf32, #tpu.memory_space<vmem>>
        %get3A_1060 = tpu.memref_squeeze %get3A_1059 : memref<1x400x64xf32, #tpu.memory_space<vmem>> -> memref<400x64xf32, #tpu.memory_space<vmem>>
        %get3A_1061 = arith.index_cast %add3A_1056 : i32 to index
        %get3A_1062 = arith.constant 0 : index
        %get3A_1063 = tpu.vector_load %get3A_1060[%get3A_1061, %get3A_1062] {strides = array<i32>} : memref<400x64xf32, #tpu.memory_space<vmem>>, vector<1x16xf32>,
        %get3A_1064 = vector.shape_cast %get3A_1063 : vector<1x16xf32> to vector<16xf32>
        %add3A_1065 = arith.constant 1 : i32
        %add3A_1066 = arith.addi %add3A_1013, %add3A_1065 : i32
        %get3A_1067 = arith.constant 0 : i32
        %get3A_1068 = arith.constant 0 : i32
        %get3A_1069 = tpu.memref_slice %arg6[%scan3A_520, %get3A_1067, %get3A_1068] : memref<2x400x64xf32, #tpu.memory_space<vmem>> -> memref<1x400x64xf32, #tpu.memory_space<vmem>>
        %get3A_1070 = tpu.memref_squeeze %get3A_1069 : memref<1x400x64xf32, #tpu.memory_space<vmem>> -> memref<400x64xf32, #tpu.memory_space<vmem>>
        %get3A_1071 = arith.index_cast %add3A_1066 : i32 to index
        %get3A_1072 = arith.constant 16 : index
        %get3A_1073 = tpu.vector_load %get3A_1070[%get3A_1071, %get3A_1072] {strides = array<i32>} : memref<400x64xf32, #tpu.memory_space<vmem>>, vector<1x16xf32>,
        %get3A_1074 = vector.shape_cast %get3A_1073 : vector<1x16xf32> to vector<16xf32>
        %add3A_1075 = arith.constant 1 : i32
        %add3A_1076 = arith.addi %add3A_1013, %add3A_1075 : i32
        %get3A_1077 = arith.constant 0 : i32
        %get3A_1078 = arith.constant 0 : i32
        %get3A_1079 = tpu.memref_slice %arg6[%scan3A_520, %get3A_1077, %get3A_1078] : memref<2x400x64xf32, #tpu.memory_space<vmem>> -> memref<1x400x64xf32, #tpu.memory_space<vmem>>
        %get3A_1080 = tpu.memref_squeeze %get3A_1079 : memref<1x400x64xf32, #tpu.memory_space<vmem>> -> memref<400x64xf32, #tpu.memory_space<vmem>>
        %get3A_1081 = arith.index_cast %add3A_1076 : i32 to index
        %get3A_1082 = arith.constant 32 : index
        %get3A_1083 = tpu.vector_load %get3A_1080[%get3A_1081, %get3A_1082] {strides = array<i32>} : memref<400x64xf32, #tpu.memory_space<vmem>>, vector<1x16xf32>,
        %get3A_1084 = vector.shape_cast %get3A_1083 : vector<1x16xf32> to vector<16xf32>
        %add3A_1085 = arith.constant 1 : i32
        %add3A_1086 = arith.addi %add3A_1013, %add3A_1085 : i32
        %get3A_1087 = arith.constant 0 : i32
        %get3A_1088 = arith.constant 0 : i32
        %get3A_1089 = tpu.memref_slice %arg6[%scan3A_520, %get3A_1087, %get3A_1088] : memref<2x400x64xf32, #tpu.memory_space<vmem>> -> memref<1x400x64xf32, #tpu.memory_space<vmem>>
        %get3A_1090 = tpu.memref_squeeze %get3A_1089 : memref<1x400x64xf32, #tpu.memory_space<vmem>> -> memref<400x64xf32, #tpu.memory_space<vmem>>
        %get3A_1091 = arith.index_cast %add3A_1086 : i32 to index
        %get3A_1092 = arith.constant 48 : index
        %get3A_1093 = tpu.vector_load %get3A_1090[%get3A_1091, %get3A_1092] {strides = array<i32>} : memref<400x64xf32, #tpu.memory_space<vmem>>, vector<1x16xf32>,
        %get3A_1094 = vector.shape_cast %get3A_1093 : vector<1x16xf32> to vector<16xf32>
        %add3A_1095 = arith.constant 2 : i32
        %add3A_1096 = arith.addi %add3A_1013, %add3A_1095 : i32
        %get3A_1097 = arith.constant 0 : i32
        %get3A_1098 = arith.constant 0 : i32
        %get3A_1099 = tpu.memref_slice %arg6[%scan3A_520, %get3A_1097, %get3A_1098] : memref<2x400x64xf32, #tpu.memory_space<vmem>> -> memref<1x400x64xf32, #tpu.memory_space<vmem>>
        %get3A_1100 = tpu.memref_squeeze %get3A_1099 : memref<1x400x64xf32, #tpu.memory_space<vmem>> -> memref<400x64xf32, #tpu.memory_space<vmem>>
        %get3A_1101 = arith.index_cast %add3A_1096 : i32 to index
        %get3A_1102 = arith.constant 0 : index
        %get3A_1103 = tpu.vector_load %get3A_1100[%get3A_1101, %get3A_1102] {strides = array<i32>} : memref<400x64xf32, #tpu.memory_space<vmem>>, vector<1x16xf32>,
        %get3A_1104 = vector.shape_cast %get3A_1103 : vector<1x16xf32> to vector<16xf32>
        %add3A_1105 = arith.constant 2 : i32
        %add3A_1106 = arith.addi %add3A_1013, %add3A_1105 : i32
        %get3A_1107 = arith.constant 0 : i32
        %get3A_1108 = arith.constant 0 : i32
        %get3A_1109 = tpu.memref_slice %arg6[%scan3A_520, %get3A_1107, %get3A_1108] : memref<2x400x64xf32, #tpu.memory_space<vmem>> -> memref<1x400x64xf32, #tpu.memory_space<vmem>>
        %get3A_1110 = tpu.memref_squeeze %get3A_1109 : memref<1x400x64xf32, #tpu.memory_space<vmem>> -> memref<400x64xf32, #tpu.memory_space<vmem>>
        %get3A_1111 = arith.index_cast %add3A_1106 : i32 to index
        %get3A_1112 = arith.constant 16 : index
        %get3A_1113 = tpu.vector_load %get3A_1110[%get3A_1111, %get3A_1112] {strides = array<i32>} : memref<400x64xf32, #tpu.memory_space<vmem>>, vector<1x16xf32>,
        %get3A_1114 = vector.shape_cast %get3A_1113 : vector<1x16xf32> to vector<16xf32>
        %add3A_1115 = arith.constant 2 : i32
        %add3A_1116 = arith.addi %add3A_1013, %add3A_1115 : i32
        %get3A_1117 = arith.constant 0 : i32
        %get3A_1118 = arith.constant 0 : i32
        %get3A_1119 = tpu.memref_slice %arg6[%scan3A_520, %get3A_1117, %get3A_1118] : memref<2x400x64xf32, #tpu.memory_space<vmem>> -> memref<1x400x64xf32, #tpu.memory_space<vmem>>
        %get3A_1120 = tpu.memref_squeeze %get3A_1119 : memref<1x400x64xf32, #tpu.memory_space<vmem>> -> memref<400x64xf32, #tpu.memory_space<vmem>>
        %get3A_1121 = arith.index_cast %add3A_1116 : i32 to index
        %get3A_1122 = arith.constant 32 : index
        %get3A_1123 = tpu.vector_load %get3A_1120[%get3A_1121, %get3A_1122] {strides = array<i32>} : memref<400x64xf32, #tpu.memory_space<vmem>>, vector<1x16xf32>,
        %get3A_1124 = vector.shape_cast %get3A_1123 : vector<1x16xf32> to vector<16xf32>
        %add3A_1125 = arith.constant 2 : i32
        %add3A_1126 = arith.addi %add3A_1013, %add3A_1125 : i32
        %get3A_1127 = arith.constant 0 : i32
        %get3A_1128 = arith.constant 0 : i32
        %get3A_1129 = tpu.memref_slice %arg6[%scan3A_520, %get3A_1127, %get3A_1128] : memref<2x400x64xf32, #tpu.memory_space<vmem>> -> memref<1x400x64xf32, #tpu.memory_space<vmem>>
        %get3A_1130 = tpu.memref_squeeze %get3A_1129 : memref<1x400x64xf32, #tpu.memory_space<vmem>> -> memref<400x64xf32, #tpu.memory_space<vmem>>
        %get3A_1131 = arith.index_cast %add3A_1126 : i32 to index
        %get3A_1132 = arith.constant 48 : index
        %get3A_1133 = tpu.vector_load %get3A_1130[%get3A_1131, %get3A_1132] {strides = array<i32>} : memref<400x64xf32, #tpu.memory_space<vmem>>, vector<1x16xf32>,
        %get3A_1134 = vector.shape_cast %get3A_1133 : vector<1x16xf32> to vector<16xf32>
        %add3A_1135 = arith.constant 3 : i32
        %add3A_1136 = arith.addi %add3A_1013, %add3A_1135 : i32
        %get3A_1137 = arith.constant 0 : i32
        %get3A_1138 = arith.constant 0 : i32
        %get3A_1139 = tpu.memref_slice %arg6[%scan3A_520, %get3A_1137, %get3A_1138] : memref<2x400x64xf32, #tpu.memory_space<vmem>> -> memref<1x400x64xf32, #tpu.memory_space<vmem>>
        %get3A_1140 = tpu.memref_squeeze %get3A_1139 : memref<1x400x64xf32, #tpu.memory_space<vmem>> -> memref<400x64xf32, #tpu.memory_space<vmem>>
        %get3A_1141 = arith.index_cast %add3A_1136 : i32 to index
        %get3A_1142 = arith.constant 0 : index
        %get3A_1143 = tpu.vector_load %get3A_1140[%get3A_1141, %get3A_1142] {strides = array<i32>} : memref<400x64xf32, #tpu.memory_space<vmem>>, vector<1x16xf32>,
        %get3A_1144 = vector.shape_cast %get3A_1143 : vector<1x16xf32> to vector<16xf32>
        %add3A_1145 = arith.constant 3 : i32
        %add3A_1146 = arith.addi %add3A_1013, %add3A_1145 : i32
        %get3A_1147 = arith.constant 0 : i32
        %get3A_1148 = arith.constant 0 : i32
        %get3A_1149 = tpu.memref_slice %arg6[%scan3A_520, %get3A_1147, %get3A_1148] : memref<2x400x64xf32, #tpu.memory_space<vmem>> -> memref<1x400x64xf32, #tpu.memory_space<vmem>>
        %get3A_1150 = tpu.memref_squeeze %get3A_1149 : memref<1x400x64xf32, #tpu.memory_space<vmem>> -> memref<400x64xf32, #tpu.memory_space<vmem>>
        %get3A_1151 = arith.index_cast %add3A_1146 : i32 to index
        %get3A_1152 = arith.constant 16 : index
        %get3A_1153 = tpu.vector_load %get3A_1150[%get3A_1151, %get3A_1152] {strides = array<i32>} : memref<400x64xf32, #tpu.memory_space<vmem>>, vector<1x16xf32>,
        %get3A_1154 = vector.shape_cast %get3A_1153 : vector<1x16xf32> to vector<16xf32>
        %add3A_1155 = arith.constant 3 : i32
        %add3A_1156 = arith.addi %add3A_1013, %add3A_1155 : i32
        %get3A_1157 = arith.constant 0 : i32
        %get3A_1158 = arith.constant 0 : i32
        %get3A_1159 = tpu.memref_slice %arg6[%scan3A_520, %get3A_1157, %get3A_1158] : memref<2x400x64xf32, #tpu.memory_space<vmem>> -> memref<1x400x64xf32, #tpu.memory_space<vmem>>
        %get3A_1160 = tpu.memref_squeeze %get3A_1159 : memref<1x400x64xf32, #tpu.memory_space<vmem>> -> memref<400x64xf32, #tpu.memory_space<vmem>>
        %get3A_1161 = arith.index_cast %add3A_1156 : i32 to index
        %get3A_1162 = arith.constant 32 : index
        %get3A_1163 = tpu.vector_load %get3A_1160[%get3A_1161, %get3A_1162] {strides = array<i32>} : memref<400x64xf32, #tpu.memory_space<vmem>>, vector<1x16xf32>,
        %get3A_1164 = vector.shape_cast %get3A_1163 : vector<1x16xf32> to vector<16xf32>
        %add3A_1165 = arith.constant 3 : i32
        %add3A_1166 = arith.addi %add3A_1013, %add3A_1165 : i32
        %get3A_1167 = arith.constant 0 : i32
        %get3A_1168 = arith.constant 0 : i32
        %get3A_1169 = tpu.memref_slice %arg6[%scan3A_520, %get3A_1167, %get3A_1168] : memref<2x400x64xf32, #tpu.memory_space<vmem>> -> memref<1x400x64xf32, #tpu.memory_space<vmem>>
        %get3A_1170 = tpu.memref_squeeze %get3A_1169 : memref<1x400x64xf32, #tpu.memory_space<vmem>> -> memref<400x64xf32, #tpu.memory_space<vmem>>
        %get3A_1171 = arith.index_cast %add3A_1166 : i32 to index
        %get3A_1172 = arith.constant 48 : index
        %get3A_1173 = tpu.vector_load %get3A_1170[%get3A_1171, %get3A_1172] {strides = array<i32>} : memref<400x64xf32, #tpu.memory_space<vmem>>, vector<1x16xf32>,
        %get3A_1174 = vector.shape_cast %get3A_1173 : vector<1x16xf32> to vector<16xf32>
        %mul3A_1175 = arith.mulf %get3A_1024, %get3A_1024 : vector<16xf32>
        %mul3A_1176 = arith.mulf %get3A_1034, %get3A_1034 : vector<16xf32>
        %add3A_1177 = arith.addf %mul3A_1175, %mul3A_1176 : vector<16xf32>
        %mul3A_1178 = arith.mulf %get3A_1044, %get3A_1044 : vector<16xf32>
        %add3A_1179 = arith.addf %add3A_1177, %mul3A_1178 : vector<16xf32>
        %mul3A_1180 = arith.mulf %get3A_1054, %get3A_1054 : vector<16xf32>
        %add3A_1181 = arith.addf %add3A_1179, %mul3A_1180 : vector<16xf32>
        %mul3A_1182 = arith.mulf %get3A_1064, %get3A_1064 : vector<16xf32>
        %mul3A_1183 = arith.mulf %get3A_1074, %get3A_1074 : vector<16xf32>
        %add3A_1184 = arith.addf %mul3A_1182, %mul3A_1183 : vector<16xf32>
        %mul3A_1185 = arith.mulf %get3A_1084, %get3A_1084 : vector<16xf32>
        %add3A_1186 = arith.addf %add3A_1184, %mul3A_1185 : vector<16xf32>
        %mul3A_1187 = arith.mulf %get3A_1094, %get3A_1094 : vector<16xf32>
        %add3A_1188 = arith.addf %add3A_1186, %mul3A_1187 : vector<16xf32>
        %mul3A_1189 = arith.mulf %get3A_1104, %get3A_1104 : vector<16xf32>
        %mul3A_1190 = arith.mulf %get3A_1114, %get3A_1114 : vector<16xf32>
        %add3A_1191 = arith.addf %mul3A_1189, %mul3A_1190 : vector<16xf32>
        %mul3A_1192 = arith.mulf %get3A_1124, %get3A_1124 : vector<16xf32>
        %add3A_1193 = arith.addf %add3A_1191, %mul3A_1192 : vector<16xf32>
        %mul3A_1194 = arith.mulf %get3A_1134, %get3A_1134 : vector<16xf32>
        %add3A_1195 = arith.addf %add3A_1193, %mul3A_1194 : vector<16xf32>
        %mul3A_1196 = arith.mulf %get3A_1144, %get3A_1144 : vector<16xf32>
        %mul3A_1197 = arith.mulf %get3A_1154, %get3A_1154 : vector<16xf32>
        %add3A_1198 = arith.addf %mul3A_1196, %mul3A_1197 : vector<16xf32>
        %mul3A_1199 = arith.mulf %get3A_1164, %get3A_1164 : vector<16xf32>
        %add3A_1200 = arith.addf %add3A_1198, %mul3A_1199 : vector<16xf32>
        %mul3A_1201 = arith.mulf %get3A_1174, %get3A_1174 : vector<16xf32>
        %add3A_1202 = arith.addf %add3A_1200, %mul3A_1201 : vector<16xf32>
        %xor3A_1203 = arith.constant 8 : i32
        %xor3A_1204 = vector.broadcast %xor3A_1203 : i32 to vector<16xi32>
        %xor3A_1205 = arith.xori %iota3A_1014, %xor3A_1204 : vector<16xi32>
        %broadcast_in_dim3A_1206 = vector.shape_cast %xor3A_1205 : vector<16xi32> to vector<16x1xi32>
        %gather3A_1207 = vector.shape_cast %broadcast_in_dim3A_1206 : vector<16x1xi32> to vector<16xi32>
        %gather3A_1208 = tpu.dynamic_gather %add3A_1181[%gather3A_1207] in [0] : vector<16xf32>, vector<16xi32> -> vector<16xf32>
        %add3A_1209 = arith.addf %add3A_1181, %gather3A_1208 : vector<16xf32>
        %xor3A_1210 = arith.constant 4 : i32
        %xor3A_1211 = vector.broadcast %xor3A_1210 : i32 to vector<16xi32>
        %xor3A_1212 = arith.xori %iota3A_1014, %xor3A_1211 : vector<16xi32>
        %broadcast_in_dim3A_1213 = vector.shape_cast %xor3A_1212 : vector<16xi32> to vector<16x1xi32>
        %gather3A_1214 = vector.shape_cast %broadcast_in_dim3A_1213 : vector<16x1xi32> to vector<16xi32>
        %gather3A_1215 = tpu.dynamic_gather %add3A_1209[%gather3A_1214] in [0] : vector<16xf32>, vector<16xi32> -> vector<16xf32>
        %add3A_1216 = arith.addf %add3A_1209, %gather3A_1215 : vector<16xf32>
        %xor3A_1217 = arith.constant 8 : i32
        %xor3A_1218 = vector.broadcast %xor3A_1217 : i32 to vector<16xi32>
        %xor3A_1219 = arith.xori %iota3A_1014, %xor3A_1218 : vector<16xi32>
        %broadcast_in_dim3A_1220 = vector.shape_cast %xor3A_1219 : vector<16xi32> to vector<16x1xi32>
        %gather3A_1221 = vector.shape_cast %broadcast_in_dim3A_1220 : vector<16x1xi32> to vector<16xi32>
        %gather3A_1222 = tpu.dynamic_gather %add3A_1188[%gather3A_1221] in [0] : vector<16xf32>, vector<16xi32> -> vector<16xf32>
        %add3A_1223 = arith.addf %add3A_1188, %gather3A_1222 : vector<16xf32>
        %xor3A_1224 = arith.constant 4 : i32
        %xor3A_1225 = vector.broadcast %xor3A_1224 : i32 to vector<16xi32>
        %xor3A_1226 = arith.xori %iota3A_1014, %xor3A_1225 : vector<16xi32>
        %broadcast_in_dim3A_1227 = vector.shape_cast %xor3A_1226 : vector<16xi32> to vector<16x1xi32>
        %gather3A_1228 = vector.shape_cast %broadcast_in_dim3A_1227 : vector<16x1xi32> to vector<16xi32>
        %gather3A_1229 = tpu.dynamic_gather %add3A_1223[%gather3A_1228] in [0] : vector<16xf32>, vector<16xi32> -> vector<16xf32>
        %add3A_1230 = arith.addf %add3A_1223, %gather3A_1229 : vector<16xf32>
        %xor3A_1231 = arith.constant 8 : i32
        %xor3A_1232 = vector.broadcast %xor3A_1231 : i32 to vector<16xi32>
        %xor3A_1233 = arith.xori %iota3A_1014, %xor3A_1232 : vector<16xi32>
        %broadcast_in_dim3A_1234 = vector.shape_cast %xor3A_1233 : vector<16xi32> to vector<16x1xi32>
        %gather3A_1235 = vector.shape_cast %broadcast_in_dim3A_1234 : vector<16x1xi32> to vector<16xi32>
        %gather3A_1236 = tpu.dynamic_gather %add3A_1195[%gather3A_1235] in [0] : vector<16xf32>, vector<16xi32> -> vector<16xf32>
        %add3A_1237 = arith.addf %add3A_1195, %gather3A_1236 : vector<16xf32>
        %xor3A_1238 = arith.constant 4 : i32
        %xor3A_1239 = vector.broadcast %xor3A_1238 : i32 to vector<16xi32>
        %xor3A_1240 = arith.xori %iota3A_1014, %xor3A_1239 : vector<16xi32>
        %broadcast_in_dim3A_1241 = vector.shape_cast %xor3A_1240 : vector<16xi32> to vector<16x1xi32>
        %gather3A_1242 = vector.shape_cast %broadcast_in_dim3A_1241 : vector<16x1xi32> to vector<16xi32>
        %gather3A_1243 = tpu.dynamic_gather %add3A_1237[%gather3A_1242] in [0] : vector<16xf32>, vector<16xi32> -> vector<16xf32>
        %add3A_1244 = arith.addf %add3A_1237, %gather3A_1243 : vector<16xf32>
        %xor3A_1245 = arith.constant 8 : i32
        %xor3A_1246 = vector.broadcast %xor3A_1245 : i32 to vector<16xi32>
        %xor3A_1247 = arith.xori %iota3A_1014, %xor3A_1246 : vector<16xi32>
        %broadcast_in_dim3A_1248 = vector.shape_cast %xor3A_1247 : vector<16xi32> to vector<16x1xi32>
        %gather3A_1249 = vector.shape_cast %broadcast_in_dim3A_1248 : vector<16x1xi32> to vector<16xi32>
        %gather3A_1250 = tpu.dynamic_gather %add3A_1202[%gather3A_1249] in [0] : vector<16xf32>, vector<16xi32> -> vector<16xf32>
        %add3A_1251 = arith.addf %add3A_1202, %gather3A_1250 : vector<16xf32>
        %xor3A_1252 = arith.constant 4 : i32
        %xor3A_1253 = vector.broadcast %xor3A_1252 : i32 to vector<16xi32>
        %xor3A_1254 = arith.xori %iota3A_1014, %xor3A_1253 : vector<16xi32>
        %broadcast_in_dim3A_1255 = vector.shape_cast %xor3A_1254 : vector<16xi32> to vector<16x1xi32>
        %gather3A_1256 = vector.shape_cast %broadcast_in_dim3A_1255 : vector<16x1xi32> to vector<16xi32>
        %gather3A_1257 = tpu.dynamic_gather %add3A_1251[%gather3A_1256] in [0] : vector<16xf32>, vector<16xi32> -> vector<16xf32>
        %add3A_1258 = arith.addf %add3A_1251, %gather3A_1257 : vector<16xf32>
        %shift_right_arithmetic3A_1259 = arith.constant 2 : i32
        %shift_right_arithmetic3A_1260 = vector.broadcast %shift_right_arithmetic3A_1259 : i32 to vector<16xi32>
        %shift_right_arithmetic3A_1261 = arith.shrsi %iota3A_1014, %shift_right_arithmetic3A_1260 : vector<16xi32>
        %eq3A_1262 = arith.constant 1 : i32
        %eq3A_1263 = vector.broadcast %eq3A_1262 : i32 to vector<16xi32>
        %eq3A_1264 = arith.cmpi eq, %shift_right_arithmetic3A_1261, %eq3A_1263 : vector<16xi32>
        %select_n3A_1265 = arith.select %eq3A_1264, %add3A_1230, %add3A_1216 : vector<16xi1>, vector<16xf32>
        %eq3A_1266 = arith.constant 2 : i32
        %eq3A_1267 = vector.broadcast %eq3A_1266 : i32 to vector<16xi32>
        %eq3A_1268 = arith.cmpi eq, %shift_right_arithmetic3A_1261, %eq3A_1267 : vector<16xi32>
        %select_n3A_1269 = arith.select %eq3A_1268, %add3A_1244, %select_n3A_1265 : vector<16xi1>, vector<16xf32>
        %eq3A_1270 = arith.constant 3 : i32
        %eq3A_1271 = vector.broadcast %eq3A_1270 : i32 to vector<16xi32>
        %eq3A_1272 = arith.cmpi eq, %shift_right_arithmetic3A_1261, %eq3A_1271 : vector<16xi32>
        %select_n3A_1273 = arith.select %eq3A_1272, %add3A_1258, %select_n3A_1269 : vector<16xi1>, vector<16xf32>
        %xor3A_1274 = arith.constant 2 : i32
        %xor3A_1275 = vector.broadcast %xor3A_1274 : i32 to vector<16xi32>
        %xor3A_1276 = arith.xori %iota3A_1014, %xor3A_1275 : vector<16xi32>
        %broadcast_in_dim3A_1277 = vector.shape_cast %xor3A_1276 : vector<16xi32> to vector<16x1xi32>
        %gather3A_1278 = vector.shape_cast %broadcast_in_dim3A_1277 : vector<16x1xi32> to vector<16xi32>
        %gather3A_1279 = tpu.dynamic_gather %select_n3A_1273[%gather3A_1278] in [0] : vector<16xf32>, vector<16xi32> -> vector<16xf32>
        %add3A_1280 = arith.addf %select_n3A_1273, %gather3A_1279 : vector<16xf32>
        %xor3A_1281 = arith.constant 1 : i32
        %xor3A_1282 = vector.broadcast %xor3A_1281 : i32 to vector<16xi32>
        %xor3A_1283 = arith.xori %iota3A_1014, %xor3A_1282 : vector<16xi32>
        %broadcast_in_dim3A_1284 = vector.shape_cast %xor3A_1283 : vector<16xi32> to vector<16x1xi32>
        %gather3A_1285 = vector.shape_cast %broadcast_in_dim3A_1284 : vector<16x1xi32> to vector<16xi32>
        %gather3A_1286 = tpu.dynamic_gather %add3A_1280[%gather3A_1285] in [0] : vector<16xf32>, vector<16xi32> -> vector<16xf32>
        %add3A_1287 = arith.addf %add3A_1280, %gather3A_1286 : vector<16xf32>
        %bitcast_convert_type3A_1288 = tpu.bitcast %add3A_1287 : vector<16xf32> -> vector<16xi32>
        %shift_right_arithmetic3A_1289 = arith.constant 1 : i32
        %shift_right_arithmetic3A_1290 = vector.broadcast %shift_right_arithmetic3A_1289 : i32 to vector<16xi32>
        %shift_right_arithmetic3A_1291 = arith.shrsi %bitcast_convert_type3A_1288, %shift_right_arithmetic3A_1290 : vector<16xi32>
        %sub3A_1292 = arith.constant 1597463007 : i32
        %sub3A_1293 = vector.broadcast %sub3A_1292 : i32 to vector<16xi32>
        %sub3A_1294 = arith.subi %sub3A_1293, %shift_right_arithmetic3A_1291 : vector<16xi32>
        %bitcast_convert_type3A_1295 = tpu.bitcast %sub3A_1294 : vector<16xi32> -> vector<16xf32>
        %mul3A_1296 = arith.constant 5.000000e-01 : f32
        %mul3A_1297 = vector.broadcast %mul3A_1296 : f32 to vector<16xf32>
        %mul3A_1298 = arith.mulf %mul3A_1297, %add3A_1287 : vector<16xf32>
        %mul3A_1299 = arith.mulf %mul3A_1298, %bitcast_convert_type3A_1295 : vector<16xf32>
        %mul3A_1300 = arith.mulf %mul3A_1299, %bitcast_convert_type3A_1295 : vector<16xf32>
        %sub3A_1301 = arith.constant 1.500000e+00 : f32
        %sub3A_1302 = vector.broadcast %sub3A_1301 : f32 to vector<16xf32>
        %sub3A_1303 = arith.subf %sub3A_1302, %mul3A_1300 : vector<16xf32>
        %mul3A_1304 = arith.mulf %bitcast_convert_type3A_1295, %sub3A_1303 : vector<16xf32>
        %mul3A_1305 = arith.mulf %mul3A_1298, %mul3A_1304 : vector<16xf32>
        %mul3A_1306 = arith.mulf %mul3A_1305, %mul3A_1304 : vector<16xf32>
        %sub3A_1307 = arith.constant 1.500000e+00 : f32
        %sub3A_1308 = vector.broadcast %sub3A_1307 : f32 to vector<16xf32>
        %sub3A_1309 = arith.subf %sub3A_1308, %mul3A_1306 : vector<16xf32>
        %mul3A_1310 = arith.mulf %mul3A_1304, %sub3A_1309 : vector<16xf32>
        %gt3A_1311 = arith.constant 1.000000e+00 : f32
        %gt3A_1312 = vector.broadcast %gt3A_1311 : f32 to vector<16xf32>
        %gt3A_1313 = arith.cmpf ogt, %add3A_1287, %gt3A_1312 : vector<16xf32>
        %mul3A_1314 = arith.mulf %mul3A_1310, %mul3A_1310 : vector<16xf32>
        %mul3A_1315 = arith.constant 1.000000e-07 : f32
        %mul3A_1316 = vector.broadcast %mul3A_1315 : f32 to vector<16xf32>
        %mul3A_1317 = arith.mulf %mul3A_1316, %mul3A_1314 : vector<16xf32>
        %sub3A_1318 = arith.subf %mul3A_1310, %mul3A_1317 : vector<16xf32>
        %jit3A_1319 = arith.constant 1.000000e+00 : f32
        %broadcast_in_dim3A_1320 = vector.broadcast %jit3A_1319 : f32 to vector<16xf32>
        %select_n3A_1321 = arith.select %gt3A_1313, %sub3A_1318, %broadcast_in_dim3A_1320 : vector<16xi1>, vector<16xf32>
        %broadcast_in_dim3A_1322 = arith.constant 0 : i32
        %broadcast_in_dim3A_1323 = vector.broadcast %broadcast_in_dim3A_1322 : i32 to vector<16xi32>
        %broadcast_in_dim3A_1324 = vector.shape_cast %broadcast_in_dim3A_1323 : vector<16xi32> to vector<16x1xi32>
        %gather3A_1325 = vector.shape_cast %broadcast_in_dim3A_1324 : vector<16x1xi32> to vector<16xi32>
        %gather3A_1326 = tpu.dynamic_gather %select_n3A_1321[%gather3A_1325] in [0] : vector<16xf32>, vector<16xi32> -> vector<16xf32>
        %mul3A_1327 = arith.mulf %get3A_1024, %gather3A_1326 : vector<16xf32>
        %mul3A_1328 = arith.mulf %get3A_1034, %gather3A_1326 : vector<16xf32>
        %mul3A_1329 = arith.mulf %get3A_1044, %gather3A_1326 : vector<16xf32>
        %mul3A_1330 = arith.mulf %get3A_1054, %gather3A_1326 : vector<16xf32>
        %broadcast_in_dim3A_1331 = arith.constant 4 : i32
        %broadcast_in_dim3A_1332 = vector.broadcast %broadcast_in_dim3A_1331 : i32 to vector<16xi32>
        %broadcast_in_dim3A_1333 = vector.shape_cast %broadcast_in_dim3A_1332 : vector<16xi32> to vector<16x1xi32>
        %gather3A_1334 = vector.shape_cast %broadcast_in_dim3A_1333 : vector<16x1xi32> to vector<16xi32>
        %gather3A_1335 = tpu.dynamic_gather %select_n3A_1321[%gather3A_1334] in [0] : vector<16xf32>, vector<16xi32> -> vector<16xf32>
        %mul3A_1336 = arith.mulf %get3A_1064, %gather3A_1335 : vector<16xf32>
        %mul3A_1337 = arith.mulf %get3A_1074, %gather3A_1335 : vector<16xf32>
        %mul3A_1338 = arith.mulf %get3A_1084, %gather3A_1335 : vector<16xf32>
        %mul3A_1339 = arith.mulf %get3A_1094, %gather3A_1335 : vector<16xf32>
        %broadcast_in_dim3A_1340 = arith.constant 8 : i32
        %broadcast_in_dim3A_1341 = vector.broadcast %broadcast_in_dim3A_1340 : i32 to vector<16xi32>
        %broadcast_in_dim3A_1342 = vector.shape_cast %broadcast_in_dim3A_1341 : vector<16xi32> to vector<16x1xi32>
        %gather3A_1343 = vector.shape_cast %broadcast_in_dim3A_1342 : vector<16x1xi32> to vector<16xi32>
        %gather3A_1344 = tpu.dynamic_gather %select_n3A_1321[%gather3A_1343] in [0] : vector<16xf32>, vector<16xi32> -> vector<16xf32>
        %mul3A_1345 = arith.mulf %get3A_1104, %gather3A_1344 : vector<16xf32>
        %mul3A_1346 = arith.mulf %get3A_1114, %gather3A_1344 : vector<16xf32>
        %mul3A_1347 = arith.mulf %get3A_1124, %gather3A_1344 : vector<16xf32>
        %mul3A_1348 = arith.mulf %get3A_1134, %gather3A_1344 : vector<16xf32>
        %broadcast_in_dim3A_1349 = arith.constant 12 : i32
        %broadcast_in_dim3A_1350 = vector.broadcast %broadcast_in_dim3A_1349 : i32 to vector<16xi32>
        %broadcast_in_dim3A_1351 = vector.shape_cast %broadcast_in_dim3A_1350 : vector<16xi32> to vector<16x1xi32>
        %gather3A_1352 = vector.shape_cast %broadcast_in_dim3A_1351 : vector<16x1xi32> to vector<16xi32>
        %gather3A_1353 = tpu.dynamic_gather %select_n3A_1321[%gather3A_1352] in [0] : vector<16xf32>, vector<16xi32> -> vector<16xf32>
        %mul3A_1354 = arith.mulf %get3A_1144, %gather3A_1353 : vector<16xf32>
        %mul3A_1355 = arith.mulf %get3A_1154, %gather3A_1353 : vector<16xf32>
        %mul3A_1356 = arith.mulf %get3A_1164, %gather3A_1353 : vector<16xf32>
        %mul3A_1357 = arith.mulf %get3A_1174, %gather3A_1353 : vector<16xf32>
        %add3A_1358 = arith.addf %mul3A_1327, %mul3A_1336 : vector<16xf32>
        %add3A_1359 = arith.addf %mul3A_1345, %mul3A_1354 : vector<16xf32>
        %add3A_1360 = arith.addf %add3A_1358, %add3A_1359 : vector<16xf32>
        %add3A_1361 = arith.addf %scan3A_1006, %add3A_1360 : vector<16xf32>
        %add3A_1362 = arith.addf %mul3A_1328, %mul3A_1337 : vector<16xf32>
        %add3A_1363 = arith.addf %mul3A_1346, %mul3A_1355 : vector<16xf32>
        %add3A_1364 = arith.addf %add3A_1362, %add3A_1363 : vector<16xf32>
        %add3A_1365 = arith.addf %scan3A_1007, %add3A_1364 : vector<16xf32>
        %add3A_1366 = arith.addf %mul3A_1329, %mul3A_1338 : vector<16xf32>
        %add3A_1367 = arith.addf %mul3A_1347, %mul3A_1356 : vector<16xf32>
        %add3A_1368 = arith.addf %add3A_1366, %add3A_1367 : vector<16xf32>
        %add3A_1369 = arith.addf %scan3A_1008, %add3A_1368 : vector<16xf32>
        %add3A_1370 = arith.addf %mul3A_1330, %mul3A_1339 : vector<16xf32>
        %add3A_1371 = arith.addf %mul3A_1348, %mul3A_1357 : vector<16xf32>
        %add3A_1372 = arith.addf %add3A_1370, %add3A_1371 : vector<16xf32>
        %add3A_1373 = arith.addf %scan3A_1009, %add3A_1372 : vector<16xf32>
        scf.yield %add3A_1361, %add3A_1365, %add3A_1369, %add3A_1373 : vector<16xf32>, vector<16xf32>, vector<16xf32>, vector<16xf32>
      }
      %scan3A_526 = arith.constant 95 : i32
      %swap3A_527 = arith.constant 1216 : index
      %swap3A_528 = tpu.vector_load %arg7[%swap3A_527] {strides = array<i32>} : memref<1280xf32, #tpu.memory_space<vmem>>, vector<16xf32>,
      %swap3A_529 = vector.shape_cast %swap3A_528 : vector<16xf32> to vector<16xf32>
      %swap3A_530 = vector.shape_cast %scan3A_525#0 : vector<16xf32> to vector<16xf32>
      tpu.vector_store %arg7[%swap3A_527], %swap3A_530 {strides = array<i32>} : memref<1280xf32, #tpu.memory_space<vmem>>, vector<16xf32>,
      %swap3A_531 = arith.constant 1232 : index
      %swap3A_532 = tpu.vector_load %arg7[%swap3A_531] {strides = array<i32>} : memref<1280xf32, #tpu.memory_space<vmem>>, vector<16xf32>,
      %swap3A_533 = vector.shape_cast %swap3A_532 : vector<16xf32> to vector<16xf32>
      %swap3A_534 = vector.shape_cast %scan3A_525#1 : vector<16xf32> to vector<16xf32>
      tpu.vector_store %arg7[%swap3A_531], %swap3A_534 {strides = array<i32>} : memref<1280xf32, #tpu.memory_space<vmem>>, vector<16xf32>,
      %swap3A_535 = arith.constant 1248 : index
      %swap3A_536 = tpu.vector_load %arg7[%swap3A_535] {strides = array<i32>} : memref<1280xf32, #tpu.memory_space<vmem>>, vector<16xf32>,
      %swap3A_537 = vector.shape_cast %swap3A_536 : vector<16xf32> to vector<16xf32>
      %swap3A_538 = vector.shape_cast %scan3A_525#2 : vector<16xf32> to vector<16xf32>
      tpu.vector_store %arg7[%swap3A_535], %swap3A_538 {strides = array<i32>} : memref<1280xf32, #tpu.memory_space<vmem>>, vector<16xf32>,
      %swap3A_539 = arith.constant 1264 : index
      %swap3A_540 = tpu.vector_load %arg7[%swap3A_539] {strides = array<i32>} : memref<1280xf32, #tpu.memory_space<vmem>>, vector<16xf32>,
      %swap3A_541 = vector.shape_cast %swap3A_540 : vector<16xf32> to vector<16xf32>
      %swap3A_542 = vector.shape_cast %scan3A_525#3 : vector<16xf32> to vector<16xf32>
      tpu.vector_store %arg7[%swap3A_539], %swap3A_542 {strides = array<i32>} : memref<1280xf32, #tpu.memory_space<vmem>>, vector<16xf32>,
      %add3A_543 = arith.addi %mul3A_2, %add3A_119 : i32
      %mul3A_544 = arith.constant 20 : i32
      %mul3A_545 = arith.muli %add3A_543, %mul3A_544 : i32
      %mul3A_546 = arith.constant 64 : i32
      %mul3A_547 = arith.muli %mul3A_545, %mul3A_546 : i32
      "tpu.region"() ({
        %run_scoped3A = tpu.sem_alloc : memref<!tpu.dma_semaphore, #tpu.memory_space<semaphore_mem>>
        %dma_start3A_1005 = tpu.memref_slice %arg4[%mul3A_547] : memref<1310720xf32, #tpu.memory_space<hbm>> -> memref<1280xf32, #tpu.memory_space<hbm>>
        %dma_start3A_1006 = tpu.memref_slice %arg4[%mul3A_547] : memref<1310720xf32, #tpu.memory_space<hbm>> -> memref<1280xf32, #tpu.memory_space<hbm>>
        tpu.enqueue_dma source(%arg7 : memref<1280xf32, #tpu.memory_space<vmem>>) target(%dma_start3A_1006 : memref<1280xf32, #tpu.memory_space<hbm>>) target_semaphore(%run_scoped3A : memref<!tpu.dma_semaphore, #tpu.memory_space<semaphore_mem>>)
        %dma_wait3A_1007 = tpu.memref_slice %arg4[%mul3A_547] : memref<1310720xf32, #tpu.memory_space<hbm>> -> memref<1280xf32, #tpu.memory_space<hbm>>
        %dma_wait3A_1008 = tpu.memref_slice %arg4[%mul3A_547] : memref<1310720xf32, #tpu.memory_space<hbm>> -> memref<1280xf32, #tpu.memory_space<hbm>>
        tpu.wait_dma2 semaphore(%run_scoped3A : memref<!tpu.dma_semaphore, #tpu.memory_space<semaphore_mem>>) src(%arg7 : memref<1280xf32, #tpu.memory_space<vmem>>) dst(%dma_wait3A_1008 : memref<1280xf32, #tpu.memory_space<hbm>>)
        tpu.yield
      }) : () -> ()
      %add3A_548 = arith.constant 2 : i32
      %add3A_549 = arith.addi %add3A_119, %add3A_548 : i32
      %lt3A = arith.constant 32 : i32
      %lt3A_550 = arith.cmpi slt, %add3A_549, %lt3A : i32
      %convert_element_type3A = arith.extui %lt3A_550 : i1 to i32
      %cond3A = arith.constant 0 : i32
      %cond3A_551 = arith.cmpi ne, %convert_element_type3A, %cond3A : i32
      scf.if %cond3A_551 {
        %add3A_1005 = arith.constant 2 : i32
        %add3A_1006 = arith.addi %add3A_119, %add3A_1005 : i32
        %mul3A_1007 = arith.constant 400 : i32
        %mul3A_1008 = arith.muli %add3A_1006, %mul3A_1007 : i32
        %add3A_1009 = arith.constant 0 : i32
        %add3A_1010 = arith.addi %mul3A_1008, %add3A_1009 : i32
        %dma_start3A_1011 = arith.constant 0 : i32
        %dma_start3A_1012 = arith.constant 0 : i32
        %dma_start3A_1013 = arith.constant 0 : i32
        %dma_start3A_1014 = tpu.memref_slice %arg6[%dma_start3A_1011, %dma_start3A_1012, %dma_start3A_1013] : memref<2x400x64xf32, #tpu.memory_space<vmem>> -> memref<1x80x64xf32, #tpu.memory_space<vmem>>
        %dma_start3A_1015 = tpu.memref_squeeze %dma_start3A_1014 : memref<1x80x64xf32, #tpu.memory_space<vmem>> -> memref<80x64xf32, #tpu.memory_space<vmem>>
        %dma_start3A_1016 = tpu.memref_slice %arg5[%add3A_1010] : memref<12800xi32, #tpu.memory_space<vmem>> -> memref<80xi32, #tpu.memory_space<vmem>>
        %dma_start3A_1017 = arith.constant 0 : i32
        %dma_start3A_1018 = arith.constant 0 : i32
        %dma_start3A_1019 = tpu.memref_slice %arg3[%dma_start3A_1017, %dma_start3A_1018] : memref<100352x64xf32, #tpu.memory_space<hbm>> -> memref<100352x64xf32, #tpu.memory_space<hbm>>
        tpu.enqueue_indirect_dma source(%dma_start3A_1019 : memref<100352x64xf32, #tpu.memory_space<hbm>>) target(%dma_start3A_1015 : memref<80x64xf32, #tpu.memory_space<vmem>>) offsets(%dma_start3A_1016 : memref<80xi32, #tpu.memory_space<vmem>>) semaphore(%arg8 : memref<!tpu.dma_semaphore, #tpu.memory_space<semaphore_mem>>)
        %mul3A_1020 = arith.constant 400 : i32
        %mul3A_1021 = arith.muli %add3A_1006, %mul3A_1020 : i32
        %add3A_1022 = arith.constant 80 : i32
        %add3A_1023 = arith.addi %mul3A_1021, %add3A_1022 : i32
        %dma_start3A_1024 = arith.constant 0 : i32
        %dma_start3A_1025 = arith.constant 80 : i32
        %dma_start3A_1026 = arith.constant 0 : i32
        %dma_start3A_1027 = tpu.memref_slice %arg6[%dma_start3A_1024, %dma_start3A_1025, %dma_start3A_1026] : memref<2x400x64xf32, #tpu.memory_space<vmem>> -> memref<1x80x64xf32, #tpu.memory_space<vmem>>
        %dma_start3A_1028 = tpu.memref_squeeze %dma_start3A_1027 : memref<1x80x64xf32, #tpu.memory_space<vmem>> -> memref<80x64xf32, #tpu.memory_space<vmem>>
        %dma_start3A_1029 = tpu.memref_slice %arg5[%add3A_1023] : memref<12800xi32, #tpu.memory_space<vmem>> -> memref<80xi32, #tpu.memory_space<vmem>>
        %dma_start3A_1030 = arith.constant 0 : i32
        %dma_start3A_1031 = arith.constant 0 : i32
        %dma_start3A_1032 = tpu.memref_slice %arg3[%dma_start3A_1030, %dma_start3A_1031] : memref<100352x64xf32, #tpu.memory_space<hbm>> -> memref<100352x64xf32, #tpu.memory_space<hbm>>
        tpu.enqueue_indirect_dma source(%dma_start3A_1032 : memref<100352x64xf32, #tpu.memory_space<hbm>>) target(%dma_start3A_1028 : memref<80x64xf32, #tpu.memory_space<vmem>>) offsets(%dma_start3A_1029 : memref<80xi32, #tpu.memory_space<vmem>>) semaphore(%arg8 : memref<!tpu.dma_semaphore, #tpu.memory_space<semaphore_mem>>)
        %mul3A_1033 = arith.constant 400 : i32
        %mul3A_1034 = arith.muli %add3A_1006, %mul3A_1033 : i32
        %add3A_1035 = arith.constant 160 : i32
        %add3A_1036 = arith.addi %mul3A_1034, %add3A_1035 : i32
        %dma_start3A_1037 = arith.constant 0 : i32
        %dma_start3A_1038 = arith.constant 160 : i32
        %dma_start3A_1039 = arith.constant 0 : i32
        %dma_start3A_1040 = tpu.memref_slice %arg6[%dma_start3A_1037, %dma_start3A_1038, %dma_start3A_1039] : memref<2x400x64xf32, #tpu.memory_space<vmem>> -> memref<1x80x64xf32, #tpu.memory_space<vmem>>
        %dma_start3A_1041 = tpu.memref_squeeze %dma_start3A_1040 : memref<1x80x64xf32, #tpu.memory_space<vmem>> -> memref<80x64xf32, #tpu.memory_space<vmem>>
        %dma_start3A_1042 = tpu.memref_slice %arg5[%add3A_1036] : memref<12800xi32, #tpu.memory_space<vmem>> -> memref<80xi32, #tpu.memory_space<vmem>>
        %dma_start3A_1043 = arith.constant 0 : i32
        %dma_start3A_1044 = arith.constant 0 : i32
        %dma_start3A_1045 = tpu.memref_slice %arg3[%dma_start3A_1043, %dma_start3A_1044] : memref<100352x64xf32, #tpu.memory_space<hbm>> -> memref<100352x64xf32, #tpu.memory_space<hbm>>
        tpu.enqueue_indirect_dma source(%dma_start3A_1045 : memref<100352x64xf32, #tpu.memory_space<hbm>>) target(%dma_start3A_1041 : memref<80x64xf32, #tpu.memory_space<vmem>>) offsets(%dma_start3A_1042 : memref<80xi32, #tpu.memory_space<vmem>>) semaphore(%arg8 : memref<!tpu.dma_semaphore, #tpu.memory_space<semaphore_mem>>)
        %mul3A_1046 = arith.constant 400 : i32
        %mul3A_1047 = arith.muli %add3A_1006, %mul3A_1046 : i32
        %add3A_1048 = arith.constant 240 : i32
        %add3A_1049 = arith.addi %mul3A_1047, %add3A_1048 : i32
        %dma_start3A_1050 = arith.constant 0 : i32
        %dma_start3A_1051 = arith.constant 240 : i32
        %dma_start3A_1052 = arith.constant 0 : i32
        %dma_start3A_1053 = tpu.memref_slice %arg6[%dma_start3A_1050, %dma_start3A_1051, %dma_start3A_1052] : memref<2x400x64xf32, #tpu.memory_space<vmem>> -> memref<1x80x64xf32, #tpu.memory_space<vmem>>
        %dma_start3A_1054 = tpu.memref_squeeze %dma_start3A_1053 : memref<1x80x64xf32, #tpu.memory_space<vmem>> -> memref<80x64xf32, #tpu.memory_space<vmem>>
        %dma_start3A_1055 = tpu.memref_slice %arg5[%add3A_1049] : memref<12800xi32, #tpu.memory_space<vmem>> -> memref<80xi32, #tpu.memory_space<vmem>>
        %dma_start3A_1056 = arith.constant 0 : i32
        %dma_start3A_1057 = arith.constant 0 : i32
        %dma_start3A_1058 = tpu.memref_slice %arg3[%dma_start3A_1056, %dma_start3A_1057] : memref<100352x64xf32, #tpu.memory_space<hbm>> -> memref<100352x64xf32, #tpu.memory_space<hbm>>
        tpu.enqueue_indirect_dma source(%dma_start3A_1058 : memref<100352x64xf32, #tpu.memory_space<hbm>>) target(%dma_start3A_1054 : memref<80x64xf32, #tpu.memory_space<vmem>>) offsets(%dma_start3A_1055 : memref<80xi32, #tpu.memory_space<vmem>>) semaphore(%arg8 : memref<!tpu.dma_semaphore, #tpu.memory_space<semaphore_mem>>)
        %mul3A_1059 = arith.constant 400 : i32
        %mul3A_1060 = arith.muli %add3A_1006, %mul3A_1059 : i32
        %add3A_1061 = arith.constant 320 : i32
        %add3A_1062 = arith.addi %mul3A_1060, %add3A_1061 : i32
        %dma_start3A_1063 = arith.constant 0 : i32
        %dma_start3A_1064 = arith.constant 320 : i32
        %dma_start3A_1065 = arith.constant 0 : i32
        %dma_start3A_1066 = tpu.memref_slice %arg6[%dma_start3A_1063, %dma_start3A_1064, %dma_start3A_1065] : memref<2x400x64xf32, #tpu.memory_space<vmem>> -> memref<1x80x64xf32, #tpu.memory_space<vmem>>
        %dma_start3A_1067 = tpu.memref_squeeze %dma_start3A_1066 : memref<1x80x64xf32, #tpu.memory_space<vmem>> -> memref<80x64xf32, #tpu.memory_space<vmem>>
        %dma_start3A_1068 = tpu.memref_slice %arg5[%add3A_1062] : memref<12800xi32, #tpu.memory_space<vmem>> -> memref<80xi32, #tpu.memory_space<vmem>>
        %dma_start3A_1069 = arith.constant 0 : i32
        %dma_start3A_1070 = arith.constant 0 : i32
        %dma_start3A_1071 = tpu.memref_slice %arg3[%dma_start3A_1069, %dma_start3A_1070] : memref<100352x64xf32, #tpu.memory_space<hbm>> -> memref<100352x64xf32, #tpu.memory_space<hbm>>
        tpu.enqueue_indirect_dma source(%dma_start3A_1071 : memref<100352x64xf32, #tpu.memory_space<hbm>>) target(%dma_start3A_1067 : memref<80x64xf32, #tpu.memory_space<vmem>>) offsets(%dma_start3A_1068 : memref<80xi32, #tpu.memory_space<vmem>>) semaphore(%arg8 : memref<!tpu.dma_semaphore, #tpu.memory_space<semaphore_mem>>)
      } else {
      }
      %mul3A_552 = arith.constant 2 : i32
      %mul3A_553 = arith.muli %mul3A_552, %scan3A_115 : i32
      %add3A_554 = arith.constant 1 : i32
      %add3A_555 = arith.addi %mul3A_553, %add3A_554 : i32
      %dma_wait3A_556 = arith.constant 1 : i32
      %dma_wait3A_557 = arith.constant 0 : i32
      %dma_wait3A_558 = arith.constant 0 : i32
      %dma_wait3A_559 = tpu.memref_slice %arg6[%dma_wait3A_556, %dma_wait3A_557, %dma_wait3A_558] : memref<2x400x64xf32, #tpu.memory_space<vmem>> -> memref<1x400x64xf32, #tpu.memory_space<vmem>>
      %dma_wait3A_560 = tpu.memref_squeeze %dma_wait3A_559 : memref<1x400x64xf32, #tpu.memory_space<vmem>> -> memref<400x64xf32, #tpu.memory_space<vmem>>
      %dma_wait3A_561 = arith.constant 0 : i32
      %dma_wait3A_562 = arith.constant 0 : i32
      %dma_wait3A_563 = tpu.memref_slice %arg3[%dma_wait3A_561, %dma_wait3A_562] : memref<100352x64xf32, #tpu.memory_space<hbm>> -> memref<400x64xf32, #tpu.memory_space<hbm>>
      %dma_wait3A_564 = arith.constant 0 : i32
      %dma_wait3A_565 = arith.constant 0 : i32
      %dma_wait3A_566 = tpu.memref_slice %arg6[%dma_wait3A_556, %dma_wait3A_564, %dma_wait3A_565] : memref<2x400x64xf32, #tpu.memory_space<vmem>> -> memref<1x400x64xf32, #tpu.memory_space<vmem>>
      %dma_wait3A_567 = tpu.memref_squeeze %dma_wait3A_566 : memref<1x400x64xf32, #tpu.memory_space<vmem>> -> memref<400x64xf32, #tpu.memory_space<vmem>>
      %dma_wait3A_568 = arith.constant 0 : i32
      %dma_wait3A_569 = arith.constant 0 : i32
      %dma_wait3A_570 = tpu.memref_slice %arg3[%dma_wait3A_568, %dma_wait3A_569] : memref<100352x64xf32, #tpu.memory_space<hbm>> -> memref<400x64xf32, #tpu.memory_space<hbm>>
      tpu.wait_dma2 semaphore(%arg9 : memref<!tpu.dma_semaphore, #tpu.memory_space<semaphore_mem>>) src(%dma_wait3A_570 : memref<400x64xf32, #tpu.memory_space<hbm>>) dst(%dma_wait3A_567 : memref<400x64xf32, #tpu.memory_space<vmem>>)
      %scan3A_571 = arith.constant 0 : i32
      %scan3A_572 = arith.constant 1 : i32
      %scan3A_573 = arith.constant 0 : i32
      %scan3A_574 = arith.constant 4 : i32
      %scan3A_575 = arith.addi %scan3A_573, %scan3A_574 : i32
      %scan3A_576 = arith.constant 1 : i32
      scf.for %scan3A_1005 = %scan3A_573 to %scan3A_575 step %scan3A_576  : i32 {
        %mul3A_1006 = arith.constant 4 : i32
        %mul3A_1007 = arith.muli %mul3A_1006, %scan3A_1005 : i32
        %iota3A_1008 = tpu.iota {dimensions = array<i32: 0>} : vector<16xi32>
        %add3A_1009 = arith.constant 0 : i32
        %add3A_1010 = arith.addi %mul3A_1007, %add3A_1009 : i32
        %get3A_1011 = arith.constant 0 : i32
        %get3A_1012 = arith.constant 0 : i32
        %get3A_1013 = tpu.memref_slice %arg6[%scan3A_572, %get3A_1011, %get3A_1012] : memref<2x400x64xf32, #tpu.memory_space<vmem>> -> memref<1x400x64xf32, #tpu.memory_space<vmem>>
        %get3A_1014 = tpu.memref_squeeze %get3A_1013 : memref<1x400x64xf32, #tpu.memory_space<vmem>> -> memref<400x64xf32, #tpu.memory_space<vmem>>
        %get3A_1015 = arith.index_cast %add3A_1010 : i32 to index
        %get3A_1016 = arith.constant 0 : index
        %get3A_1017 = tpu.vector_load %get3A_1014[%get3A_1015, %get3A_1016] {strides = array<i32>} : memref<400x64xf32, #tpu.memory_space<vmem>>, vector<1x16xf32>,
        %get3A_1018 = vector.shape_cast %get3A_1017 : vector<1x16xf32> to vector<16xf32>
        %add3A_1019 = arith.constant 0 : i32
        %add3A_1020 = arith.addi %mul3A_1007, %add3A_1019 : i32
        %get3A_1021 = arith.constant 0 : i32
        %get3A_1022 = arith.constant 0 : i32
        %get3A_1023 = tpu.memref_slice %arg6[%scan3A_572, %get3A_1021, %get3A_1022] : memref<2x400x64xf32, #tpu.memory_space<vmem>> -> memref<1x400x64xf32, #tpu.memory_space<vmem>>
        %get3A_1024 = tpu.memref_squeeze %get3A_1023 : memref<1x400x64xf32, #tpu.memory_space<vmem>> -> memref<400x64xf32, #tpu.memory_space<vmem>>
        %get3A_1025 = arith.index_cast %add3A_1020 : i32 to index
        %get3A_1026 = arith.constant 16 : index
        %get3A_1027 = tpu.vector_load %get3A_1024[%get3A_1025, %get3A_1026] {strides = array<i32>} : memref<400x64xf32, #tpu.memory_space<vmem>>, vector<1x16xf32>,
        %get3A_1028 = vector.shape_cast %get3A_1027 : vector<1x16xf32> to vector<16xf32>
        %add3A_1029 = arith.constant 0 : i32
        %add3A_1030 = arith.addi %mul3A_1007, %add3A_1029 : i32
        %get3A_1031 = arith.constant 0 : i32
        %get3A_1032 = arith.constant 0 : i32
        %get3A_1033 = tpu.memref_slice %arg6[%scan3A_572, %get3A_1031, %get3A_1032] : memref<2x400x64xf32, #tpu.memory_space<vmem>> -> memref<1x400x64xf32, #tpu.memory_space<vmem>>
        %get3A_1034 = tpu.memref_squeeze %get3A_1033 : memref<1x400x64xf32, #tpu.memory_space<vmem>> -> memref<400x64xf32, #tpu.memory_space<vmem>>
        %get3A_1035 = arith.index_cast %add3A_1030 : i32 to index
        %get3A_1036 = arith.constant 32 : index
        %get3A_1037 = tpu.vector_load %get3A_1034[%get3A_1035, %get3A_1036] {strides = array<i32>} : memref<400x64xf32, #tpu.memory_space<vmem>>, vector<1x16xf32>,
        %get3A_1038 = vector.shape_cast %get3A_1037 : vector<1x16xf32> to vector<16xf32>
        %add3A_1039 = arith.constant 0 : i32
        %add3A_1040 = arith.addi %mul3A_1007, %add3A_1039 : i32
        %get3A_1041 = arith.constant 0 : i32
        %get3A_1042 = arith.constant 0 : i32
        %get3A_1043 = tpu.memref_slice %arg6[%scan3A_572, %get3A_1041, %get3A_1042] : memref<2x400x64xf32, #tpu.memory_space<vmem>> -> memref<1x400x64xf32, #tpu.memory_space<vmem>>
        %get3A_1044 = tpu.memref_squeeze %get3A_1043 : memref<1x400x64xf32, #tpu.memory_space<vmem>> -> memref<400x64xf32, #tpu.memory_space<vmem>>
        %get3A_1045 = arith.index_cast %add3A_1040 : i32 to index
        %get3A_1046 = arith.constant 48 : index
        %get3A_1047 = tpu.vector_load %get3A_1044[%get3A_1045, %get3A_1046] {strides = array<i32>} : memref<400x64xf32, #tpu.memory_space<vmem>>, vector<1x16xf32>,
        %get3A_1048 = vector.shape_cast %get3A_1047 : vector<1x16xf32> to vector<16xf32>
        %add3A_1049 = arith.constant 1 : i32
        %add3A_1050 = arith.addi %mul3A_1007, %add3A_1049 : i32
        %get3A_1051 = arith.constant 0 : i32
        %get3A_1052 = arith.constant 0 : i32
        %get3A_1053 = tpu.memref_slice %arg6[%scan3A_572, %get3A_1051, %get3A_1052] : memref<2x400x64xf32, #tpu.memory_space<vmem>> -> memref<1x400x64xf32, #tpu.memory_space<vmem>>
        %get3A_1054 = tpu.memref_squeeze %get3A_1053 : memref<1x400x64xf32, #tpu.memory_space<vmem>> -> memref<400x64xf32, #tpu.memory_space<vmem>>
        %get3A_1055 = arith.index_cast %add3A_1050 : i32 to index
        %get3A_1056 = arith.constant 0 : index
        %get3A_1057 = tpu.vector_load %get3A_1054[%get3A_1055, %get3A_1056] {strides = array<i32>} : memref<400x64xf32, #tpu.memory_space<vmem>>, vector<1x16xf32>,
        %get3A_1058 = vector.shape_cast %get3A_1057 : vector<1x16xf32> to vector<16xf32>
        %add3A_1059 = arith.constant 1 : i32
        %add3A_1060 = arith.addi %mul3A_1007, %add3A_1059 : i32
        %get3A_1061 = arith.constant 0 : i32
        %get3A_1062 = arith.constant 0 : i32
        %get3A_1063 = tpu.memref_slice %arg6[%scan3A_572, %get3A_1061, %get3A_1062] : memref<2x400x64xf32, #tpu.memory_space<vmem>> -> memref<1x400x64xf32, #tpu.memory_space<vmem>>
        %get3A_1064 = tpu.memref_squeeze %get3A_1063 : memref<1x400x64xf32, #tpu.memory_space<vmem>> -> memref<400x64xf32, #tpu.memory_space<vmem>>
        %get3A_1065 = arith.index_cast %add3A_1060 : i32 to index
        %get3A_1066 = arith.constant 16 : index
        %get3A_1067 = tpu.vector_load %get3A_1064[%get3A_1065, %get3A_1066] {strides = array<i32>} : memref<400x64xf32, #tpu.memory_space<vmem>>, vector<1x16xf32>,
        %get3A_1068 = vector.shape_cast %get3A_1067 : vector<1x16xf32> to vector<16xf32>
        %add3A_1069 = arith.constant 1 : i32
        %add3A_1070 = arith.addi %mul3A_1007, %add3A_1069 : i32
        %get3A_1071 = arith.constant 0 : i32
        %get3A_1072 = arith.constant 0 : i32
        %get3A_1073 = tpu.memref_slice %arg6[%scan3A_572, %get3A_1071, %get3A_1072] : memref<2x400x64xf32, #tpu.memory_space<vmem>> -> memref<1x400x64xf32, #tpu.memory_space<vmem>>
        %get3A_1074 = tpu.memref_squeeze %get3A_1073 : memref<1x400x64xf32, #tpu.memory_space<vmem>> -> memref<400x64xf32, #tpu.memory_space<vmem>>
        %get3A_1075 = arith.index_cast %add3A_1070 : i32 to index
        %get3A_1076 = arith.constant 32 : index
        %get3A_1077 = tpu.vector_load %get3A_1074[%get3A_1075, %get3A_1076] {strides = array<i32>} : memref<400x64xf32, #tpu.memory_space<vmem>>, vector<1x16xf32>,
        %get3A_1078 = vector.shape_cast %get3A_1077 : vector<1x16xf32> to vector<16xf32>
        %add3A_1079 = arith.constant 1 : i32
        %add3A_1080 = arith.addi %mul3A_1007, %add3A_1079 : i32
        %get3A_1081 = arith.constant 0 : i32
        %get3A_1082 = arith.constant 0 : i32
        %get3A_1083 = tpu.memref_slice %arg6[%scan3A_572, %get3A_1081, %get3A_1082] : memref<2x400x64xf32, #tpu.memory_space<vmem>> -> memref<1x400x64xf32, #tpu.memory_space<vmem>>
        %get3A_1084 = tpu.memref_squeeze %get3A_1083 : memref<1x400x64xf32, #tpu.memory_space<vmem>> -> memref<400x64xf32, #tpu.memory_space<vmem>>
        %get3A_1085 = arith.index_cast %add3A_1080 : i32 to index
        %get3A_1086 = arith.constant 48 : index
        %get3A_1087 = tpu.vector_load %get3A_1084[%get3A_1085, %get3A_1086] {strides = array<i32>} : memref<400x64xf32, #tpu.memory_space<vmem>>, vector<1x16xf32>,
        %get3A_1088 = vector.shape_cast %get3A_1087 : vector<1x16xf32> to vector<16xf32>
        %add3A_1089 = arith.constant 2 : i32
        %add3A_1090 = arith.addi %mul3A_1007, %add3A_1089 : i32
        %get3A_1091 = arith.constant 0 : i32
        %get3A_1092 = arith.constant 0 : i32
        %get3A_1093 = tpu.memref_slice %arg6[%scan3A_572, %get3A_1091, %get3A_1092] : memref<2x400x64xf32, #tpu.memory_space<vmem>> -> memref<1x400x64xf32, #tpu.memory_space<vmem>>
        %get3A_1094 = tpu.memref_squeeze %get3A_1093 : memref<1x400x64xf32, #tpu.memory_space<vmem>> -> memref<400x64xf32, #tpu.memory_space<vmem>>
        %get3A_1095 = arith.index_cast %add3A_1090 : i32 to index
        %get3A_1096 = arith.constant 0 : index
        %get3A_1097 = tpu.vector_load %get3A_1094[%get3A_1095, %get3A_1096] {strides = array<i32>} : memref<400x64xf32, #tpu.memory_space<vmem>>, vector<1x16xf32>,
        %get3A_1098 = vector.shape_cast %get3A_1097 : vector<1x16xf32> to vector<16xf32>
        %add3A_1099 = arith.constant 2 : i32
        %add3A_1100 = arith.addi %mul3A_1007, %add3A_1099 : i32
        %get3A_1101 = arith.constant 0 : i32
        %get3A_1102 = arith.constant 0 : i32
        %get3A_1103 = tpu.memref_slice %arg6[%scan3A_572, %get3A_1101, %get3A_1102] : memref<2x400x64xf32, #tpu.memory_space<vmem>> -> memref<1x400x64xf32, #tpu.memory_space<vmem>>
        %get3A_1104 = tpu.memref_squeeze %get3A_1103 : memref<1x400x64xf32, #tpu.memory_space<vmem>> -> memref<400x64xf32, #tpu.memory_space<vmem>>
        %get3A_1105 = arith.index_cast %add3A_1100 : i32 to index
        %get3A_1106 = arith.constant 16 : index
        %get3A_1107 = tpu.vector_load %get3A_1104[%get3A_1105, %get3A_1106] {strides = array<i32>} : memref<400x64xf32, #tpu.memory_space<vmem>>, vector<1x16xf32>,
        %get3A_1108 = vector.shape_cast %get3A_1107 : vector<1x16xf32> to vector<16xf32>
        %add3A_1109 = arith.constant 2 : i32
        %add3A_1110 = arith.addi %mul3A_1007, %add3A_1109 : i32
        %get3A_1111 = arith.constant 0 : i32
        %get3A_1112 = arith.constant 0 : i32
        %get3A_1113 = tpu.memref_slice %arg6[%scan3A_572, %get3A_1111, %get3A_1112] : memref<2x400x64xf32, #tpu.memory_space<vmem>> -> memref<1x400x64xf32, #tpu.memory_space<vmem>>
        %get3A_1114 = tpu.memref_squeeze %get3A_1113 : memref<1x400x64xf32, #tpu.memory_space<vmem>> -> memref<400x64xf32, #tpu.memory_space<vmem>>
        %get3A_1115 = arith.index_cast %add3A_1110 : i32 to index
        %get3A_1116 = arith.constant 32 : index
        %get3A_1117 = tpu.vector_load %get3A_1114[%get3A_1115, %get3A_1116] {strides = array<i32>} : memref<400x64xf32, #tpu.memory_space<vmem>>, vector<1x16xf32>,
        %get3A_1118 = vector.shape_cast %get3A_1117 : vector<1x16xf32> to vector<16xf32>
        %add3A_1119 = arith.constant 2 : i32
        %add3A_1120 = arith.addi %mul3A_1007, %add3A_1119 : i32
        %get3A_1121 = arith.constant 0 : i32
        %get3A_1122 = arith.constant 0 : i32
        %get3A_1123 = tpu.memref_slice %arg6[%scan3A_572, %get3A_1121, %get3A_1122] : memref<2x400x64xf32, #tpu.memory_space<vmem>> -> memref<1x400x64xf32, #tpu.memory_space<vmem>>
        %get3A_1124 = tpu.memref_squeeze %get3A_1123 : memref<1x400x64xf32, #tpu.memory_space<vmem>> -> memref<400x64xf32, #tpu.memory_space<vmem>>
        %get3A_1125 = arith.index_cast %add3A_1120 : i32 to index
        %get3A_1126 = arith.constant 48 : index
        %get3A_1127 = tpu.vector_load %get3A_1124[%get3A_1125, %get3A_1126] {strides = array<i32>} : memref<400x64xf32, #tpu.memory_space<vmem>>, vector<1x16xf32>,
        %get3A_1128 = vector.shape_cast %get3A_1127 : vector<1x16xf32> to vector<16xf32>
        %add3A_1129 = arith.constant 3 : i32
        %add3A_1130 = arith.addi %mul3A_1007, %add3A_1129 : i32
        %get3A_1131 = arith.constant 0 : i32
        %get3A_1132 = arith.constant 0 : i32
        %get3A_1133 = tpu.memref_slice %arg6[%scan3A_572, %get3A_1131, %get3A_1132] : memref<2x400x64xf32, #tpu.memory_space<vmem>> -> memref<1x400x64xf32, #tpu.memory_space<vmem>>
        %get3A_1134 = tpu.memref_squeeze %get3A_1133 : memref<1x400x64xf32, #tpu.memory_space<vmem>> -> memref<400x64xf32, #tpu.memory_space<vmem>>
        %get3A_1135 = arith.index_cast %add3A_1130 : i32 to index
        %get3A_1136 = arith.constant 0 : index
        %get3A_1137 = tpu.vector_load %get3A_1134[%get3A_1135, %get3A_1136] {strides = array<i32>} : memref<400x64xf32, #tpu.memory_space<vmem>>, vector<1x16xf32>,
        %get3A_1138 = vector.shape_cast %get3A_1137 : vector<1x16xf32> to vector<16xf32>
        %add3A_1139 = arith.constant 3 : i32
        %add3A_1140 = arith.addi %mul3A_1007, %add3A_1139 : i32
        %get3A_1141 = arith.constant 0 : i32
        %get3A_1142 = arith.constant 0 : i32
        %get3A_1143 = tpu.memref_slice %arg6[%scan3A_572, %get3A_1141, %get3A_1142] : memref<2x400x64xf32, #tpu.memory_space<vmem>> -> memref<1x400x64xf32, #tpu.memory_space<vmem>>
        %get3A_1144 = tpu.memref_squeeze %get3A_1143 : memref<1x400x64xf32, #tpu.memory_space<vmem>> -> memref<400x64xf32, #tpu.memory_space<vmem>>
        %get3A_1145 = arith.index_cast %add3A_1140 : i32 to index
        %get3A_1146 = arith.constant 16 : index
        %get3A_1147 = tpu.vector_load %get3A_1144[%get3A_1145, %get3A_1146] {strides = array<i32>} : memref<400x64xf32, #tpu.memory_space<vmem>>, vector<1x16xf32>,
        %get3A_1148 = vector.shape_cast %get3A_1147 : vector<1x16xf32> to vector<16xf32>
        %add3A_1149 = arith.constant 3 : i32
        %add3A_1150 = arith.addi %mul3A_1007, %add3A_1149 : i32
        %get3A_1151 = arith.constant 0 : i32
        %get3A_1152 = arith.constant 0 : i32
        %get3A_1153 = tpu.memref_slice %arg6[%scan3A_572, %get3A_1151, %get3A_1152] : memref<2x400x64xf32, #tpu.memory_space<vmem>> -> memref<1x400x64xf32, #tpu.memory_space<vmem>>
        %get3A_1154 = tpu.memref_squeeze %get3A_1153 : memref<1x400x64xf32, #tpu.memory_space<vmem>> -> memref<400x64xf32, #tpu.memory_space<vmem>>
        %get3A_1155 = arith.index_cast %add3A_1150 : i32 to index
        %get3A_1156 = arith.constant 32 : index
        %get3A_1157 = tpu.vector_load %get3A_1154[%get3A_1155, %get3A_1156] {strides = array<i32>} : memref<400x64xf32, #tpu.memory_space<vmem>>, vector<1x16xf32>,
        %get3A_1158 = vector.shape_cast %get3A_1157 : vector<1x16xf32> to vector<16xf32>
        %add3A_1159 = arith.constant 3 : i32
        %add3A_1160 = arith.addi %mul3A_1007, %add3A_1159 : i32
        %get3A_1161 = arith.constant 0 : i32
        %get3A_1162 = arith.constant 0 : i32
        %get3A_1163 = tpu.memref_slice %arg6[%scan3A_572, %get3A_1161, %get3A_1162] : memref<2x400x64xf32, #tpu.memory_space<vmem>> -> memref<1x400x64xf32, #tpu.memory_space<vmem>>
        %get3A_1164 = tpu.memref_squeeze %get3A_1163 : memref<1x400x64xf32, #tpu.memory_space<vmem>> -> memref<400x64xf32, #tpu.memory_space<vmem>>
        %get3A_1165 = arith.index_cast %add3A_1160 : i32 to index
        %get3A_1166 = arith.constant 48 : index
        %get3A_1167 = tpu.vector_load %get3A_1164[%get3A_1165, %get3A_1166] {strides = array<i32>} : memref<400x64xf32, #tpu.memory_space<vmem>>, vector<1x16xf32>,
        %get3A_1168 = vector.shape_cast %get3A_1167 : vector<1x16xf32> to vector<16xf32>
        %mul3A_1169 = arith.mulf %get3A_1018, %get3A_1018 : vector<16xf32>
        %mul3A_1170 = arith.mulf %get3A_1028, %get3A_1028 : vector<16xf32>
        %add3A_1171 = arith.addf %mul3A_1169, %mul3A_1170 : vector<16xf32>
        %mul3A_1172 = arith.mulf %get3A_1038, %get3A_1038 : vector<16xf32>
        %add3A_1173 = arith.addf %add3A_1171, %mul3A_1172 : vector<16xf32>
        %mul3A_1174 = arith.mulf %get3A_1048, %get3A_1048 : vector<16xf32>
        %add3A_1175 = arith.addf %add3A_1173, %mul3A_1174 : vector<16xf32>
        %mul3A_1176 = arith.mulf %get3A_1058, %get3A_1058 : vector<16xf32>
        %mul3A_1177 = arith.mulf %get3A_1068, %get3A_1068 : vector<16xf32>
        %add3A_1178 = arith.addf %mul3A_1176, %mul3A_1177 : vector<16xf32>
        %mul3A_1179 = arith.mulf %get3A_1078, %get3A_1078 : vector<16xf32>
        %add3A_1180 = arith.addf %add3A_1178, %mul3A_1179 : vector<16xf32>
        %mul3A_1181 = arith.mulf %get3A_1088, %get3A_1088 : vector<16xf32>
        %add3A_1182 = arith.addf %add3A_1180, %mul3A_1181 : vector<16xf32>
        %mul3A_1183 = arith.mulf %get3A_1098, %get3A_1098 : vector<16xf32>
        %mul3A_1184 = arith.mulf %get3A_1108, %get3A_1108 : vector<16xf32>
        %add3A_1185 = arith.addf %mul3A_1183, %mul3A_1184 : vector<16xf32>
        %mul3A_1186 = arith.mulf %get3A_1118, %get3A_1118 : vector<16xf32>
        %add3A_1187 = arith.addf %add3A_1185, %mul3A_1186 : vector<16xf32>
        %mul3A_1188 = arith.mulf %get3A_1128, %get3A_1128 : vector<16xf32>
        %add3A_1189 = arith.addf %add3A_1187, %mul3A_1188 : vector<16xf32>
        %mul3A_1190 = arith.mulf %get3A_1138, %get3A_1138 : vector<16xf32>
        %mul3A_1191 = arith.mulf %get3A_1148, %get3A_1148 : vector<16xf32>
        %add3A_1192 = arith.addf %mul3A_1190, %mul3A_1191 : vector<16xf32>
        %mul3A_1193 = arith.mulf %get3A_1158, %get3A_1158 : vector<16xf32>
        %add3A_1194 = arith.addf %add3A_1192, %mul3A_1193 : vector<16xf32>
        %mul3A_1195 = arith.mulf %get3A_1168, %get3A_1168 : vector<16xf32>
        %add3A_1196 = arith.addf %add3A_1194, %mul3A_1195 : vector<16xf32>
        %xor3A_1197 = arith.constant 8 : i32
        %xor3A_1198 = vector.broadcast %xor3A_1197 : i32 to vector<16xi32>
        %xor3A_1199 = arith.xori %iota3A_1008, %xor3A_1198 : vector<16xi32>
        %broadcast_in_dim3A_1200 = vector.shape_cast %xor3A_1199 : vector<16xi32> to vector<16x1xi32>
        %gather3A_1201 = vector.shape_cast %broadcast_in_dim3A_1200 : vector<16x1xi32> to vector<16xi32>
        %gather3A_1202 = tpu.dynamic_gather %add3A_1175[%gather3A_1201] in [0] : vector<16xf32>, vector<16xi32> -> vector<16xf32>
        %add3A_1203 = arith.addf %add3A_1175, %gather3A_1202 : vector<16xf32>
        %xor3A_1204 = arith.constant 4 : i32
        %xor3A_1205 = vector.broadcast %xor3A_1204 : i32 to vector<16xi32>
        %xor3A_1206 = arith.xori %iota3A_1008, %xor3A_1205 : vector<16xi32>
        %broadcast_in_dim3A_1207 = vector.shape_cast %xor3A_1206 : vector<16xi32> to vector<16x1xi32>
        %gather3A_1208 = vector.shape_cast %broadcast_in_dim3A_1207 : vector<16x1xi32> to vector<16xi32>
        %gather3A_1209 = tpu.dynamic_gather %add3A_1203[%gather3A_1208] in [0] : vector<16xf32>, vector<16xi32> -> vector<16xf32>
        %add3A_1210 = arith.addf %add3A_1203, %gather3A_1209 : vector<16xf32>
        %xor3A_1211 = arith.constant 8 : i32
        %xor3A_1212 = vector.broadcast %xor3A_1211 : i32 to vector<16xi32>
        %xor3A_1213 = arith.xori %iota3A_1008, %xor3A_1212 : vector<16xi32>
        %broadcast_in_dim3A_1214 = vector.shape_cast %xor3A_1213 : vector<16xi32> to vector<16x1xi32>
        %gather3A_1215 = vector.shape_cast %broadcast_in_dim3A_1214 : vector<16x1xi32> to vector<16xi32>
        %gather3A_1216 = tpu.dynamic_gather %add3A_1182[%gather3A_1215] in [0] : vector<16xf32>, vector<16xi32> -> vector<16xf32>
        %add3A_1217 = arith.addf %add3A_1182, %gather3A_1216 : vector<16xf32>
        %xor3A_1218 = arith.constant 4 : i32
        %xor3A_1219 = vector.broadcast %xor3A_1218 : i32 to vector<16xi32>
        %xor3A_1220 = arith.xori %iota3A_1008, %xor3A_1219 : vector<16xi32>
        %broadcast_in_dim3A_1221 = vector.shape_cast %xor3A_1220 : vector<16xi32> to vector<16x1xi32>
        %gather3A_1222 = vector.shape_cast %broadcast_in_dim3A_1221 : vector<16x1xi32> to vector<16xi32>
        %gather3A_1223 = tpu.dynamic_gather %add3A_1217[%gather3A_1222] in [0] : vector<16xf32>, vector<16xi32> -> vector<16xf32>
        %add3A_1224 = arith.addf %add3A_1217, %gather3A_1223 : vector<16xf32>
        %xor3A_1225 = arith.constant 8 : i32
        %xor3A_1226 = vector.broadcast %xor3A_1225 : i32 to vector<16xi32>
        %xor3A_1227 = arith.xori %iota3A_1008, %xor3A_1226 : vector<16xi32>
        %broadcast_in_dim3A_1228 = vector.shape_cast %xor3A_1227 : vector<16xi32> to vector<16x1xi32>
        %gather3A_1229 = vector.shape_cast %broadcast_in_dim3A_1228 : vector<16x1xi32> to vector<16xi32>
        %gather3A_1230 = tpu.dynamic_gather %add3A_1189[%gather3A_1229] in [0] : vector<16xf32>, vector<16xi32> -> vector<16xf32>
        %add3A_1231 = arith.addf %add3A_1189, %gather3A_1230 : vector<16xf32>
        %xor3A_1232 = arith.constant 4 : i32
        %xor3A_1233 = vector.broadcast %xor3A_1232 : i32 to vector<16xi32>
        %xor3A_1234 = arith.xori %iota3A_1008, %xor3A_1233 : vector<16xi32>
        %broadcast_in_dim3A_1235 = vector.shape_cast %xor3A_1234 : vector<16xi32> to vector<16x1xi32>
        %gather3A_1236 = vector.shape_cast %broadcast_in_dim3A_1235 : vector<16x1xi32> to vector<16xi32>
        %gather3A_1237 = tpu.dynamic_gather %add3A_1231[%gather3A_1236] in [0] : vector<16xf32>, vector<16xi32> -> vector<16xf32>
        %add3A_1238 = arith.addf %add3A_1231, %gather3A_1237 : vector<16xf32>
        %xor3A_1239 = arith.constant 8 : i32
        %xor3A_1240 = vector.broadcast %xor3A_1239 : i32 to vector<16xi32>
        %xor3A_1241 = arith.xori %iota3A_1008, %xor3A_1240 : vector<16xi32>
        %broadcast_in_dim3A_1242 = vector.shape_cast %xor3A_1241 : vector<16xi32> to vector<16x1xi32>
        %gather3A_1243 = vector.shape_cast %broadcast_in_dim3A_1242 : vector<16x1xi32> to vector<16xi32>
        %gather3A_1244 = tpu.dynamic_gather %add3A_1196[%gather3A_1243] in [0] : vector<16xf32>, vector<16xi32> -> vector<16xf32>
        %add3A_1245 = arith.addf %add3A_1196, %gather3A_1244 : vector<16xf32>
        %xor3A_1246 = arith.constant 4 : i32
        %xor3A_1247 = vector.broadcast %xor3A_1246 : i32 to vector<16xi32>
        %xor3A_1248 = arith.xori %iota3A_1008, %xor3A_1247 : vector<16xi32>
        %broadcast_in_dim3A_1249 = vector.shape_cast %xor3A_1248 : vector<16xi32> to vector<16x1xi32>
        %gather3A_1250 = vector.shape_cast %broadcast_in_dim3A_1249 : vector<16x1xi32> to vector<16xi32>
        %gather3A_1251 = tpu.dynamic_gather %add3A_1245[%gather3A_1250] in [0] : vector<16xf32>, vector<16xi32> -> vector<16xf32>
        %add3A_1252 = arith.addf %add3A_1245, %gather3A_1251 : vector<16xf32>
        %shift_right_arithmetic3A_1253 = arith.constant 2 : i32
        %shift_right_arithmetic3A_1254 = vector.broadcast %shift_right_arithmetic3A_1253 : i32 to vector<16xi32>
        %shift_right_arithmetic3A_1255 = arith.shrsi %iota3A_1008, %shift_right_arithmetic3A_1254 : vector<16xi32>
        %eq3A_1256 = arith.constant 1 : i32
        %eq3A_1257 = vector.broadcast %eq3A_1256 : i32 to vector<16xi32>
        %eq3A_1258 = arith.cmpi eq, %shift_right_arithmetic3A_1255, %eq3A_1257 : vector<16xi32>
        %select_n3A_1259 = arith.select %eq3A_1258, %add3A_1224, %add3A_1210 : vector<16xi1>, vector<16xf32>
        %eq3A_1260 = arith.constant 2 : i32
        %eq3A_1261 = vector.broadcast %eq3A_1260 : i32 to vector<16xi32>
        %eq3A_1262 = arith.cmpi eq, %shift_right_arithmetic3A_1255, %eq3A_1261 : vector<16xi32>
        %select_n3A_1263 = arith.select %eq3A_1262, %add3A_1238, %select_n3A_1259 : vector<16xi1>, vector<16xf32>
        %eq3A_1264 = arith.constant 3 : i32
        %eq3A_1265 = vector.broadcast %eq3A_1264 : i32 to vector<16xi32>
        %eq3A_1266 = arith.cmpi eq, %shift_right_arithmetic3A_1255, %eq3A_1265 : vector<16xi32>
        %select_n3A_1267 = arith.select %eq3A_1266, %add3A_1252, %select_n3A_1263 : vector<16xi1>, vector<16xf32>
        %xor3A_1268 = arith.constant 2 : i32
        %xor3A_1269 = vector.broadcast %xor3A_1268 : i32 to vector<16xi32>
        %xor3A_1270 = arith.xori %iota3A_1008, %xor3A_1269 : vector<16xi32>
        %broadcast_in_dim3A_1271 = vector.shape_cast %xor3A_1270 : vector<16xi32> to vector<16x1xi32>
        %gather3A_1272 = vector.shape_cast %broadcast_in_dim3A_1271 : vector<16x1xi32> to vector<16xi32>
        %gather3A_1273 = tpu.dynamic_gather %select_n3A_1267[%gather3A_1272] in [0] : vector<16xf32>, vector<16xi32> -> vector<16xf32>
        %add3A_1274 = arith.addf %select_n3A_1267, %gather3A_1273 : vector<16xf32>
        %xor3A_1275 = arith.constant 1 : i32
        %xor3A_1276 = vector.broadcast %xor3A_1275 : i32 to vector<16xi32>
        %xor3A_1277 = arith.xori %iota3A_1008, %xor3A_1276 : vector<16xi32>
        %broadcast_in_dim3A_1278 = vector.shape_cast %xor3A_1277 : vector<16xi32> to vector<16x1xi32>
        %gather3A_1279 = vector.shape_cast %broadcast_in_dim3A_1278 : vector<16x1xi32> to vector<16xi32>
        %gather3A_1280 = tpu.dynamic_gather %add3A_1274[%gather3A_1279] in [0] : vector<16xf32>, vector<16xi32> -> vector<16xf32>
        %add3A_1281 = arith.addf %add3A_1274, %gather3A_1280 : vector<16xf32>
        %bitcast_convert_type3A_1282 = tpu.bitcast %add3A_1281 : vector<16xf32> -> vector<16xi32>
        %shift_right_arithmetic3A_1283 = arith.constant 1 : i32
        %shift_right_arithmetic3A_1284 = vector.broadcast %shift_right_arithmetic3A_1283 : i32 to vector<16xi32>
        %shift_right_arithmetic3A_1285 = arith.shrsi %bitcast_convert_type3A_1282, %shift_right_arithmetic3A_1284 : vector<16xi32>
        %sub3A_1286 = arith.constant 1597463007 : i32
        %sub3A_1287 = vector.broadcast %sub3A_1286 : i32 to vector<16xi32>
        %sub3A_1288 = arith.subi %sub3A_1287, %shift_right_arithmetic3A_1285 : vector<16xi32>
        %bitcast_convert_type3A_1289 = tpu.bitcast %sub3A_1288 : vector<16xi32> -> vector<16xf32>
        %mul3A_1290 = arith.constant 5.000000e-01 : f32
        %mul3A_1291 = vector.broadcast %mul3A_1290 : f32 to vector<16xf32>
        %mul3A_1292 = arith.mulf %mul3A_1291, %add3A_1281 : vector<16xf32>
        %mul3A_1293 = arith.mulf %mul3A_1292, %bitcast_convert_type3A_1289 : vector<16xf32>
        %mul3A_1294 = arith.mulf %mul3A_1293, %bitcast_convert_type3A_1289 : vector<16xf32>
        %sub3A_1295 = arith.constant 1.500000e+00 : f32
        %sub3A_1296 = vector.broadcast %sub3A_1295 : f32 to vector<16xf32>
        %sub3A_1297 = arith.subf %sub3A_1296, %mul3A_1294 : vector<16xf32>
        %mul3A_1298 = arith.mulf %bitcast_convert_type3A_1289, %sub3A_1297 : vector<16xf32>
        %mul3A_1299 = arith.mulf %mul3A_1292, %mul3A_1298 : vector<16xf32>
        %mul3A_1300 = arith.mulf %mul3A_1299, %mul3A_1298 : vector<16xf32>
        %sub3A_1301 = arith.constant 1.500000e+00 : f32
        %sub3A_1302 = vector.broadcast %sub3A_1301 : f32 to vector<16xf32>
        %sub3A_1303 = arith.subf %sub3A_1302, %mul3A_1300 : vector<16xf32>
        %mul3A_1304 = arith.mulf %mul3A_1298, %sub3A_1303 : vector<16xf32>
        %gt3A_1305 = arith.constant 1.000000e+00 : f32
        %gt3A_1306 = vector.broadcast %gt3A_1305 : f32 to vector<16xf32>
        %gt3A_1307 = arith.cmpf ogt, %add3A_1281, %gt3A_1306 : vector<16xf32>
        %mul3A_1308 = arith.mulf %mul3A_1304, %mul3A_1304 : vector<16xf32>
        %mul3A_1309 = arith.constant 1.000000e-07 : f32
        %mul3A_1310 = vector.broadcast %mul3A_1309 : f32 to vector<16xf32>
        %mul3A_1311 = arith.mulf %mul3A_1310, %mul3A_1308 : vector<16xf32>
        %sub3A_1312 = arith.subf %mul3A_1304, %mul3A_1311 : vector<16xf32>
        %jit3A_1313 = arith.constant 1.000000e+00 : f32
        %broadcast_in_dim3A_1314 = vector.broadcast %jit3A_1313 : f32 to vector<16xf32>
        %select_n3A_1315 = arith.select %gt3A_1307, %sub3A_1312, %broadcast_in_dim3A_1314 : vector<16xi1>, vector<16xf32>
        %broadcast_in_dim3A_1316 = arith.constant 0 : i32
        %broadcast_in_dim3A_1317 = vector.broadcast %broadcast_in_dim3A_1316 : i32 to vector<16xi32>
        %broadcast_in_dim3A_1318 = vector.shape_cast %broadcast_in_dim3A_1317 : vector<16xi32> to vector<16x1xi32>
        %gather3A_1319 = vector.shape_cast %broadcast_in_dim3A_1318 : vector<16x1xi32> to vector<16xi32>
        %gather3A_1320 = tpu.dynamic_gather %select_n3A_1315[%gather3A_1319] in [0] : vector<16xf32>, vector<16xi32> -> vector<16xf32>
        %mul3A_1321 = arith.mulf %get3A_1018, %gather3A_1320 : vector<16xf32>
        %mul3A_1322 = arith.mulf %get3A_1028, %gather3A_1320 : vector<16xf32>
        %mul3A_1323 = arith.mulf %get3A_1038, %gather3A_1320 : vector<16xf32>
        %mul3A_1324 = arith.mulf %get3A_1048, %gather3A_1320 : vector<16xf32>
        %broadcast_in_dim3A_1325 = arith.constant 4 : i32
        %broadcast_in_dim3A_1326 = vector.broadcast %broadcast_in_dim3A_1325 : i32 to vector<16xi32>
        %broadcast_in_dim3A_1327 = vector.shape_cast %broadcast_in_dim3A_1326 : vector<16xi32> to vector<16x1xi32>
        %gather3A_1328 = vector.shape_cast %broadcast_in_dim3A_1327 : vector<16x1xi32> to vector<16xi32>
        %gather3A_1329 = tpu.dynamic_gather %select_n3A_1315[%gather3A_1328] in [0] : vector<16xf32>, vector<16xi32> -> vector<16xf32>
        %mul3A_1330 = arith.mulf %get3A_1058, %gather3A_1329 : vector<16xf32>
        %mul3A_1331 = arith.mulf %get3A_1068, %gather3A_1329 : vector<16xf32>
        %mul3A_1332 = arith.mulf %get3A_1078, %gather3A_1329 : vector<16xf32>
        %mul3A_1333 = arith.mulf %get3A_1088, %gather3A_1329 : vector<16xf32>
        %broadcast_in_dim3A_1334 = arith.constant 8 : i32
        %broadcast_in_dim3A_1335 = vector.broadcast %broadcast_in_dim3A_1334 : i32 to vector<16xi32>
        %broadcast_in_dim3A_1336 = vector.shape_cast %broadcast_in_dim3A_1335 : vector<16xi32> to vector<16x1xi32>
        %gather3A_1337 = vector.shape_cast %broadcast_in_dim3A_1336 : vector<16x1xi32> to vector<16xi32>
        %gather3A_1338 = tpu.dynamic_gather %select_n3A_1315[%gather3A_1337] in [0] : vector<16xf32>, vector<16xi32> -> vector<16xf32>
        %mul3A_1339 = arith.mulf %get3A_1098, %gather3A_1338 : vector<16xf32>
        %mul3A_1340 = arith.mulf %get3A_1108, %gather3A_1338 : vector<16xf32>
        %mul3A_1341 = arith.mulf %get3A_1118, %gather3A_1338 : vector<16xf32>
        %mul3A_1342 = arith.mulf %get3A_1128, %gather3A_1338 : vector<16xf32>
        %broadcast_in_dim3A_1343 = arith.constant 12 : i32
        %broadcast_in_dim3A_1344 = vector.broadcast %broadcast_in_dim3A_1343 : i32 to vector<16xi32>
        %broadcast_in_dim3A_1345 = vector.shape_cast %broadcast_in_dim3A_1344 : vector<16xi32> to vector<16x1xi32>
        %gather3A_1346 = vector.shape_cast %broadcast_in_dim3A_1345 : vector<16x1xi32> to vector<16xi32>
        %gather3A_1347 = tpu.dynamic_gather %select_n3A_1315[%gather3A_1346] in [0] : vector<16xf32>, vector<16xi32> -> vector<16xf32>
        %mul3A_1348 = arith.mulf %get3A_1138, %gather3A_1347 : vector<16xf32>
        %mul3A_1349 = arith.mulf %get3A_1148, %gather3A_1347 : vector<16xf32>
        %mul3A_1350 = arith.mulf %get3A_1158, %gather3A_1347 : vector<16xf32>
        %mul3A_1351 = arith.mulf %get3A_1168, %gather3A_1347 : vector<16xf32>
        %add3A_1352 = arith.constant 0 : i32
        %add3A_1353 = arith.addi %mul3A_1007, %add3A_1352 : i32
        %mul3A_1354 = arith.constant 64 : i32
        %mul3A_1355 = arith.muli %add3A_1353, %mul3A_1354 : i32
        %add3A_1356 = arith.constant 0 : i32
        %add3A_1357 = arith.addi %mul3A_1355, %add3A_1356 : i32
        %swap3A_1358 = arith.index_cast %add3A_1357 : i32 to index
        %swap3A_1359 = tpu.vector_load %arg7[%swap3A_1358] {strides = array<i32>} : memref<1280xf32, #tpu.memory_space<vmem>>, vector<16xf32>,
        %swap3A_1360 = vector.shape_cast %swap3A_1359 : vector<16xf32> to vector<16xf32>
        %swap3A_1361 = vector.shape_cast %mul3A_1321 : vector<16xf32> to vector<16xf32>
        tpu.vector_store %arg7[%swap3A_1358], %swap3A_1361 {strides = array<i32>} : memref<1280xf32, #tpu.memory_space<vmem>>, vector<16xf32>,
        %mul3A_1362 = arith.constant 64 : i32
        %mul3A_1363 = arith.muli %add3A_1353, %mul3A_1362 : i32
        %add3A_1364 = arith.constant 16 : i32
        %add3A_1365 = arith.addi %mul3A_1363, %add3A_1364 : i32
        %swap3A_1366 = arith.index_cast %add3A_1365 : i32 to index
        %swap3A_1367 = tpu.vector_load %arg7[%swap3A_1366] {strides = array<i32>} : memref<1280xf32, #tpu.memory_space<vmem>>, vector<16xf32>,
        %swap3A_1368 = vector.shape_cast %swap3A_1367 : vector<16xf32> to vector<16xf32>
        %swap3A_1369 = vector.shape_cast %mul3A_1322 : vector<16xf32> to vector<16xf32>
        tpu.vector_store %arg7[%swap3A_1366], %swap3A_1369 {strides = array<i32>} : memref<1280xf32, #tpu.memory_space<vmem>>, vector<16xf32>,
        %mul3A_1370 = arith.constant 64 : i32
        %mul3A_1371 = arith.muli %add3A_1353, %mul3A_1370 : i32
        %add3A_1372 = arith.constant 32 : i32
        %add3A_1373 = arith.addi %mul3A_1371, %add3A_1372 : i32
        %swap3A_1374 = arith.index_cast %add3A_1373 : i32 to index
        %swap3A_1375 = tpu.vector_load %arg7[%swap3A_1374] {strides = array<i32>} : memref<1280xf32, #tpu.memory_space<vmem>>, vector<16xf32>,
        %swap3A_1376 = vector.shape_cast %swap3A_1375 : vector<16xf32> to vector<16xf32>
        %swap3A_1377 = vector.shape_cast %mul3A_1323 : vector<16xf32> to vector<16xf32>
        tpu.vector_store %arg7[%swap3A_1374], %swap3A_1377 {strides = array<i32>} : memref<1280xf32, #tpu.memory_space<vmem>>, vector<16xf32>,
        %mul3A_1378 = arith.constant 64 : i32
        %mul3A_1379 = arith.muli %add3A_1353, %mul3A_1378 : i32
        %add3A_1380 = arith.constant 48 : i32
        %add3A_1381 = arith.addi %mul3A_1379, %add3A_1380 : i32
        %swap3A_1382 = arith.index_cast %add3A_1381 : i32 to index
        %swap3A_1383 = tpu.vector_load %arg7[%swap3A_1382] {strides = array<i32>} : memref<1280xf32, #tpu.memory_space<vmem>>, vector<16xf32>,
        %swap3A_1384 = vector.shape_cast %swap3A_1383 : vector<16xf32> to vector<16xf32>
        %swap3A_1385 = vector.shape_cast %mul3A_1324 : vector<16xf32> to vector<16xf32>
        tpu.vector_store %arg7[%swap3A_1382], %swap3A_1385 {strides = array<i32>} : memref<1280xf32, #tpu.memory_space<vmem>>, vector<16xf32>,
        %add3A_1386 = arith.constant 1 : i32
        %add3A_1387 = arith.addi %mul3A_1007, %add3A_1386 : i32
        %mul3A_1388 = arith.constant 64 : i32
        %mul3A_1389 = arith.muli %add3A_1387, %mul3A_1388 : i32
        %add3A_1390 = arith.constant 0 : i32
        %add3A_1391 = arith.addi %mul3A_1389, %add3A_1390 : i32
        %swap3A_1392 = arith.index_cast %add3A_1391 : i32 to index
        %swap3A_1393 = tpu.vector_load %arg7[%swap3A_1392] {strides = array<i32>} : memref<1280xf32, #tpu.memory_space<vmem>>, vector<16xf32>,
        %swap3A_1394 = vector.shape_cast %swap3A_1393 : vector<16xf32> to vector<16xf32>
        %swap3A_1395 = vector.shape_cast %mul3A_1330 : vector<16xf32> to vector<16xf32>
        tpu.vector_store %arg7[%swap3A_1392], %swap3A_1395 {strides = array<i32>} : memref<1280xf32, #tpu.memory_space<vmem>>, vector<16xf32>,
        %mul3A_1396 = arith.constant 64 : i32
        %mul3A_1397 = arith.muli %add3A_1387, %mul3A_1396 : i32
        %add3A_1398 = arith.constant 16 : i32
        %add3A_1399 = arith.addi %mul3A_1397, %add3A_1398 : i32
        %swap3A_1400 = arith.index_cast %add3A_1399 : i32 to index
        %swap3A_1401 = tpu.vector_load %arg7[%swap3A_1400] {strides = array<i32>} : memref<1280xf32, #tpu.memory_space<vmem>>, vector<16xf32>,
        %swap3A_1402 = vector.shape_cast %swap3A_1401 : vector<16xf32> to vector<16xf32>
        %swap3A_1403 = vector.shape_cast %mul3A_1331 : vector<16xf32> to vector<16xf32>
        tpu.vector_store %arg7[%swap3A_1400], %swap3A_1403 {strides = array<i32>} : memref<1280xf32, #tpu.memory_space<vmem>>, vector<16xf32>,
        %mul3A_1404 = arith.constant 64 : i32
        %mul3A_1405 = arith.muli %add3A_1387, %mul3A_1404 : i32
        %add3A_1406 = arith.constant 32 : i32
        %add3A_1407 = arith.addi %mul3A_1405, %add3A_1406 : i32
        %swap3A_1408 = arith.index_cast %add3A_1407 : i32 to index
        %swap3A_1409 = tpu.vector_load %arg7[%swap3A_1408] {strides = array<i32>} : memref<1280xf32, #tpu.memory_space<vmem>>, vector<16xf32>,
        %swap3A_1410 = vector.shape_cast %swap3A_1409 : vector<16xf32> to vector<16xf32>
        %swap3A_1411 = vector.shape_cast %mul3A_1332 : vector<16xf32> to vector<16xf32>
        tpu.vector_store %arg7[%swap3A_1408], %swap3A_1411 {strides = array<i32>} : memref<1280xf32, #tpu.memory_space<vmem>>, vector<16xf32>,
        %mul3A_1412 = arith.constant 64 : i32
        %mul3A_1413 = arith.muli %add3A_1387, %mul3A_1412 : i32
        %add3A_1414 = arith.constant 48 : i32
        %add3A_1415 = arith.addi %mul3A_1413, %add3A_1414 : i32
        %swap3A_1416 = arith.index_cast %add3A_1415 : i32 to index
        %swap3A_1417 = tpu.vector_load %arg7[%swap3A_1416] {strides = array<i32>} : memref<1280xf32, #tpu.memory_space<vmem>>, vector<16xf32>,
        %swap3A_1418 = vector.shape_cast %swap3A_1417 : vector<16xf32> to vector<16xf32>
        %swap3A_1419 = vector.shape_cast %mul3A_1333 : vector<16xf32> to vector<16xf32>
        tpu.vector_store %arg7[%swap3A_1416], %swap3A_1419 {strides = array<i32>} : memref<1280xf32, #tpu.memory_space<vmem>>, vector<16xf32>,
        %add3A_1420 = arith.constant 2 : i32
        %add3A_1421 = arith.addi %mul3A_1007, %add3A_1420 : i32
        %mul3A_1422 = arith.constant 64 : i32
        %mul3A_1423 = arith.muli %add3A_1421, %mul3A_1422 : i32
        %add3A_1424 = arith.constant 0 : i32
        %add3A_1425 = arith.addi %mul3A_1423, %add3A_1424 : i32
        %swap3A_1426 = arith.index_cast %add3A_1425 : i32 to index
        %swap3A_1427 = tpu.vector_load %arg7[%swap3A_1426] {strides = array<i32>} : memref<1280xf32, #tpu.memory_space<vmem>>, vector<16xf32>,
        %swap3A_1428 = vector.shape_cast %swap3A_1427 : vector<16xf32> to vector<16xf32>
        %swap3A_1429 = vector.shape_cast %mul3A_1339 : vector<16xf32> to vector<16xf32>
        tpu.vector_store %arg7[%swap3A_1426], %swap3A_1429 {strides = array<i32>} : memref<1280xf32, #tpu.memory_space<vmem>>, vector<16xf32>,
        %mul3A_1430 = arith.constant 64 : i32
        %mul3A_1431 = arith.muli %add3A_1421, %mul3A_1430 : i32
        %add3A_1432 = arith.constant 16 : i32
        %add3A_1433 = arith.addi %mul3A_1431, %add3A_1432 : i32
        %swap3A_1434 = arith.index_cast %add3A_1433 : i32 to index
        %swap3A_1435 = tpu.vector_load %arg7[%swap3A_1434] {strides = array<i32>} : memref<1280xf32, #tpu.memory_space<vmem>>, vector<16xf32>,
        %swap3A_1436 = vector.shape_cast %swap3A_1435 : vector<16xf32> to vector<16xf32>
        %swap3A_1437 = vector.shape_cast %mul3A_1340 : vector<16xf32> to vector<16xf32>
        tpu.vector_store %arg7[%swap3A_1434], %swap3A_1437 {strides = array<i32>} : memref<1280xf32, #tpu.memory_space<vmem>>, vector<16xf32>,
        %mul3A_1438 = arith.constant 64 : i32
        %mul3A_1439 = arith.muli %add3A_1421, %mul3A_1438 : i32
        %add3A_1440 = arith.constant 32 : i32
        %add3A_1441 = arith.addi %mul3A_1439, %add3A_1440 : i32
        %swap3A_1442 = arith.index_cast %add3A_1441 : i32 to index
        %swap3A_1443 = tpu.vector_load %arg7[%swap3A_1442] {strides = array<i32>} : memref<1280xf32, #tpu.memory_space<vmem>>, vector<16xf32>,
        %swap3A_1444 = vector.shape_cast %swap3A_1443 : vector<16xf32> to vector<16xf32>
        %swap3A_1445 = vector.shape_cast %mul3A_1341 : vector<16xf32> to vector<16xf32>
        tpu.vector_store %arg7[%swap3A_1442], %swap3A_1445 {strides = array<i32>} : memref<1280xf32, #tpu.memory_space<vmem>>, vector<16xf32>,
        %mul3A_1446 = arith.constant 64 : i32
        %mul3A_1447 = arith.muli %add3A_1421, %mul3A_1446 : i32
        %add3A_1448 = arith.constant 48 : i32
        %add3A_1449 = arith.addi %mul3A_1447, %add3A_1448 : i32
        %swap3A_1450 = arith.index_cast %add3A_1449 : i32 to index
        %swap3A_1451 = tpu.vector_load %arg7[%swap3A_1450] {strides = array<i32>} : memref<1280xf32, #tpu.memory_space<vmem>>, vector<16xf32>,
        %swap3A_1452 = vector.shape_cast %swap3A_1451 : vector<16xf32> to vector<16xf32>
        %swap3A_1453 = vector.shape_cast %mul3A_1342 : vector<16xf32> to vector<16xf32>
        tpu.vector_store %arg7[%swap3A_1450], %swap3A_1453 {strides = array<i32>} : memref<1280xf32, #tpu.memory_space<vmem>>, vector<16xf32>,
        %add3A_1454 = arith.constant 3 : i32
        %add3A_1455 = arith.addi %mul3A_1007, %add3A_1454 : i32
        %mul3A_1456 = arith.constant 64 : i32
        %mul3A_1457 = arith.muli %add3A_1455, %mul3A_1456 : i32
        %add3A_1458 = arith.constant 0 : i32
        %add3A_1459 = arith.addi %mul3A_1457, %add3A_1458 : i32
        %swap3A_1460 = arith.index_cast %add3A_1459 : i32 to index
        %swap3A_1461 = tpu.vector_load %arg7[%swap3A_1460] {strides = array<i32>} : memref<1280xf32, #tpu.memory_space<vmem>>, vector<16xf32>,
        %swap3A_1462 = vector.shape_cast %swap3A_1461 : vector<16xf32> to vector<16xf32>
        %swap3A_1463 = vector.shape_cast %mul3A_1348 : vector<16xf32> to vector<16xf32>
        tpu.vector_store %arg7[%swap3A_1460], %swap3A_1463 {strides = array<i32>} : memref<1280xf32, #tpu.memory_space<vmem>>, vector<16xf32>,
        %mul3A_1464 = arith.constant 64 : i32
        %mul3A_1465 = arith.muli %add3A_1455, %mul3A_1464 : i32
        %add3A_1466 = arith.constant 16 : i32
        %add3A_1467 = arith.addi %mul3A_1465, %add3A_1466 : i32
        %swap3A_1468 = arith.index_cast %add3A_1467 : i32 to index
        %swap3A_1469 = tpu.vector_load %arg7[%swap3A_1468] {strides = array<i32>} : memref<1280xf32, #tpu.memory_space<vmem>>, vector<16xf32>,
        %swap3A_1470 = vector.shape_cast %swap3A_1469 : vector<16xf32> to vector<16xf32>
        %swap3A_1471 = vector.shape_cast %mul3A_1349 : vector<16xf32> to vector<16xf32>
        tpu.vector_store %arg7[%swap3A_1468], %swap3A_1471 {strides = array<i32>} : memref<1280xf32, #tpu.memory_space<vmem>>, vector<16xf32>,
        %mul3A_1472 = arith.constant 64 : i32
        %mul3A_1473 = arith.muli %add3A_1455, %mul3A_1472 : i32
        %add3A_1474 = arith.constant 32 : i32
        %add3A_1475 = arith.addi %mul3A_1473, %add3A_1474 : i32
        %swap3A_1476 = arith.index_cast %add3A_1475 : i32 to index
        %swap3A_1477 = tpu.vector_load %arg7[%swap3A_1476] {strides = array<i32>} : memref<1280xf32, #tpu.memory_space<vmem>>, vector<16xf32>,
        %swap3A_1478 = vector.shape_cast %swap3A_1477 : vector<16xf32> to vector<16xf32>
        %swap3A_1479 = vector.shape_cast %mul3A_1350 : vector<16xf32> to vector<16xf32>
        tpu.vector_store %arg7[%swap3A_1476], %swap3A_1479 {strides = array<i32>} : memref<1280xf32, #tpu.memory_space<vmem>>, vector<16xf32>,
        %mul3A_1480 = arith.constant 64 : i32
        %mul3A_1481 = arith.muli %add3A_1455, %mul3A_1480 : i32
        %add3A_1482 = arith.constant 48 : i32
        %add3A_1483 = arith.addi %mul3A_1481, %add3A_1482 : i32
        %swap3A_1484 = arith.index_cast %add3A_1483 : i32 to index
        %swap3A_1485 = tpu.vector_load %arg7[%swap3A_1484] {strides = array<i32>} : memref<1280xf32, #tpu.memory_space<vmem>>, vector<16xf32>,
        %swap3A_1486 = vector.shape_cast %swap3A_1485 : vector<16xf32> to vector<16xf32>
        %swap3A_1487 = vector.shape_cast %mul3A_1351 : vector<16xf32> to vector<16xf32>
        tpu.vector_store %arg7[%swap3A_1484], %swap3A_1487 {strides = array<i32>} : memref<1280xf32, #tpu.memory_space<vmem>>, vector<16xf32>,
      }
      %scan3A_577 = arith.constant 4 : i32
      %iota3A_578 = tpu.iota {dimensions = array<i32: 0>} : vector<16xi32>
      %get3A_579 = arith.constant 1 : i32
      %get3A_580 = arith.constant 16 : i32
      %get3A_581 = arith.constant 0 : i32
      %get3A_582 = arith.constant 0 : i32
      %get3A_583 = tpu.memref_slice %arg6[%get3A_579, %get3A_581, %get3A_582] : memref<2x400x64xf32, #tpu.memory_space<vmem>> -> memref<1x400x64xf32, #tpu.memory_space<vmem>>
      %get3A_584 = tpu.memref_squeeze %get3A_583 : memref<1x400x64xf32, #tpu.memory_space<vmem>> -> memref<400x64xf32, #tpu.memory_space<vmem>>
      %get3A_585 = arith.index_cast %get3A_580 : i32 to index
      %get3A_586 = arith.constant 0 : index
      %get3A_587 = tpu.vector_load %get3A_584[%get3A_585, %get3A_586] {strides = array<i32>} : memref<400x64xf32, #tpu.memory_space<vmem>>, vector<1x16xf32>,
      %get3A_588 = vector.shape_cast %get3A_587 : vector<1x16xf32> to vector<16xf32>
      %get3A_589 = arith.constant 1 : i32
      %get3A_590 = arith.constant 16 : i32
      %get3A_591 = arith.constant 0 : i32
      %get3A_592 = arith.constant 0 : i32
      %get3A_593 = tpu.memref_slice %arg6[%get3A_589, %get3A_591, %get3A_592] : memref<2x400x64xf32, #tpu.memory_space<vmem>> -> memref<1x400x64xf32, #tpu.memory_space<vmem>>
      %get3A_594 = tpu.memref_squeeze %get3A_593 : memref<1x400x64xf32, #tpu.memory_space<vmem>> -> memref<400x64xf32, #tpu.memory_space<vmem>>
      %get3A_595 = arith.index_cast %get3A_590 : i32 to index
      %get3A_596 = arith.constant 16 : index
      %get3A_597 = tpu.vector_load %get3A_594[%get3A_595, %get3A_596] {strides = array<i32>} : memref<400x64xf32, #tpu.memory_space<vmem>>, vector<1x16xf32>,
      %get3A_598 = vector.shape_cast %get3A_597 : vector<1x16xf32> to vector<16xf32>
      %get3A_599 = arith.constant 1 : i32
      %get3A_600 = arith.constant 16 : i32
      %get3A_601 = arith.constant 0 : i32
      %get3A_602 = arith.constant 0 : i32
      %get3A_603 = tpu.memref_slice %arg6[%get3A_599, %get3A_601, %get3A_602] : memref<2x400x64xf32, #tpu.memory_space<vmem>> -> memref<1x400x64xf32, #tpu.memory_space<vmem>>
      %get3A_604 = tpu.memref_squeeze %get3A_603 : memref<1x400x64xf32, #tpu.memory_space<vmem>> -> memref<400x64xf32, #tpu.memory_space<vmem>>
      %get3A_605 = arith.index_cast %get3A_600 : i32 to index
      %get3A_606 = arith.constant 32 : index
      %get3A_607 = tpu.vector_load %get3A_604[%get3A_605, %get3A_606] {strides = array<i32>} : memref<400x64xf32, #tpu.memory_space<vmem>>, vector<1x16xf32>,
      %get3A_608 = vector.shape_cast %get3A_607 : vector<1x16xf32> to vector<16xf32>
      %get3A_609 = arith.constant 1 : i32
      %get3A_610 = arith.constant 16 : i32
      %get3A_611 = arith.constant 0 : i32
      %get3A_612 = arith.constant 0 : i32
      %get3A_613 = tpu.memref_slice %arg6[%get3A_609, %get3A_611, %get3A_612] : memref<2x400x64xf32, #tpu.memory_space<vmem>> -> memref<1x400x64xf32, #tpu.memory_space<vmem>>
      %get3A_614 = tpu.memref_squeeze %get3A_613 : memref<1x400x64xf32, #tpu.memory_space<vmem>> -> memref<400x64xf32, #tpu.memory_space<vmem>>
      %get3A_615 = arith.index_cast %get3A_610 : i32 to index
      %get3A_616 = arith.constant 48 : index
      %get3A_617 = tpu.vector_load %get3A_614[%get3A_615, %get3A_616] {strides = array<i32>} : memref<400x64xf32, #tpu.memory_space<vmem>>, vector<1x16xf32>,
      %get3A_618 = vector.shape_cast %get3A_617 : vector<1x16xf32> to vector<16xf32>
      %get3A_619 = arith.constant 1 : i32
      %get3A_620 = arith.constant 17 : i32
      %get3A_621 = arith.constant 0 : i32
      %get3A_622 = arith.constant 0 : i32
      %get3A_623 = tpu.memref_slice %arg6[%get3A_619, %get3A_621, %get3A_622] : memref<2x400x64xf32, #tpu.memory_space<vmem>> -> memref<1x400x64xf32, #tpu.memory_space<vmem>>
      %get3A_624 = tpu.memref_squeeze %get3A_623 : memref<1x400x64xf32, #tpu.memory_space<vmem>> -> memref<400x64xf32, #tpu.memory_space<vmem>>
      %get3A_625 = arith.index_cast %get3A_620 : i32 to index
      %get3A_626 = arith.constant 0 : index
      %get3A_627 = tpu.vector_load %get3A_624[%get3A_625, %get3A_626] {strides = array<i32>} : memref<400x64xf32, #tpu.memory_space<vmem>>, vector<1x16xf32>,
      %get3A_628 = vector.shape_cast %get3A_627 : vector<1x16xf32> to vector<16xf32>
      %get3A_629 = arith.constant 1 : i32
      %get3A_630 = arith.constant 17 : i32
      %get3A_631 = arith.constant 0 : i32
      %get3A_632 = arith.constant 0 : i32
      %get3A_633 = tpu.memref_slice %arg6[%get3A_629, %get3A_631, %get3A_632] : memref<2x400x64xf32, #tpu.memory_space<vmem>> -> memref<1x400x64xf32, #tpu.memory_space<vmem>>
      %get3A_634 = tpu.memref_squeeze %get3A_633 : memref<1x400x64xf32, #tpu.memory_space<vmem>> -> memref<400x64xf32, #tpu.memory_space<vmem>>
      %get3A_635 = arith.index_cast %get3A_630 : i32 to index
      %get3A_636 = arith.constant 16 : index
      %get3A_637 = tpu.vector_load %get3A_634[%get3A_635, %get3A_636] {strides = array<i32>} : memref<400x64xf32, #tpu.memory_space<vmem>>, vector<1x16xf32>,
      %get3A_638 = vector.shape_cast %get3A_637 : vector<1x16xf32> to vector<16xf32>
      %get3A_639 = arith.constant 1 : i32
      %get3A_640 = arith.constant 17 : i32
      %get3A_641 = arith.constant 0 : i32
      %get3A_642 = arith.constant 0 : i32
      %get3A_643 = tpu.memref_slice %arg6[%get3A_639, %get3A_641, %get3A_642] : memref<2x400x64xf32, #tpu.memory_space<vmem>> -> memref<1x400x64xf32, #tpu.memory_space<vmem>>
      %get3A_644 = tpu.memref_squeeze %get3A_643 : memref<1x400x64xf32, #tpu.memory_space<vmem>> -> memref<400x64xf32, #tpu.memory_space<vmem>>
      %get3A_645 = arith.index_cast %get3A_640 : i32 to index
      %get3A_646 = arith.constant 32 : index
      %get3A_647 = tpu.vector_load %get3A_644[%get3A_645, %get3A_646] {strides = array<i32>} : memref<400x64xf32, #tpu.memory_space<vmem>>, vector<1x16xf32>,
      %get3A_648 = vector.shape_cast %get3A_647 : vector<1x16xf32> to vector<16xf32>
      %get3A_649 = arith.constant 1 : i32
      %get3A_650 = arith.constant 17 : i32
      %get3A_651 = arith.constant 0 : i32
      %get3A_652 = arith.constant 0 : i32
      %get3A_653 = tpu.memref_slice %arg6[%get3A_649, %get3A_651, %get3A_652] : memref<2x400x64xf32, #tpu.memory_space<vmem>> -> memref<1x400x64xf32, #tpu.memory_space<vmem>>
      %get3A_654 = tpu.memref_squeeze %get3A_653 : memref<1x400x64xf32, #tpu.memory_space<vmem>> -> memref<400x64xf32, #tpu.memory_space<vmem>>
      %get3A_655 = arith.index_cast %get3A_650 : i32 to index
      %get3A_656 = arith.constant 48 : index
      %get3A_657 = tpu.vector_load %get3A_654[%get3A_655, %get3A_656] {strides = array<i32>} : memref<400x64xf32, #tpu.memory_space<vmem>>, vector<1x16xf32>,
      %get3A_658 = vector.shape_cast %get3A_657 : vector<1x16xf32> to vector<16xf32>
      %get3A_659 = arith.constant 1 : i32
      %get3A_660 = arith.constant 18 : i32
      %get3A_661 = arith.constant 0 : i32
      %get3A_662 = arith.constant 0 : i32
      %get3A_663 = tpu.memref_slice %arg6[%get3A_659, %get3A_661, %get3A_662] : memref<2x400x64xf32, #tpu.memory_space<vmem>> -> memref<1x400x64xf32, #tpu.memory_space<vmem>>
      %get3A_664 = tpu.memref_squeeze %get3A_663 : memref<1x400x64xf32, #tpu.memory_space<vmem>> -> memref<400x64xf32, #tpu.memory_space<vmem>>
      %get3A_665 = arith.index_cast %get3A_660 : i32 to index
      %get3A_666 = arith.constant 0 : index
      %get3A_667 = tpu.vector_load %get3A_664[%get3A_665, %get3A_666] {strides = array<i32>} : memref<400x64xf32, #tpu.memory_space<vmem>>, vector<1x16xf32>,
      %get3A_668 = vector.shape_cast %get3A_667 : vector<1x16xf32> to vector<16xf32>
      %get3A_669 = arith.constant 1 : i32
      %get3A_670 = arith.constant 18 : i32
      %get3A_671 = arith.constant 0 : i32
      %get3A_672 = arith.constant 0 : i32
      %get3A_673 = tpu.memref_slice %arg6[%get3A_669, %get3A_671, %get3A_672] : memref<2x400x64xf32, #tpu.memory_space<vmem>> -> memref<1x400x64xf32, #tpu.memory_space<vmem>>
      %get3A_674 = tpu.memref_squeeze %get3A_673 : memref<1x400x64xf32, #tpu.memory_space<vmem>> -> memref<400x64xf32, #tpu.memory_space<vmem>>
      %get3A_675 = arith.index_cast %get3A_670 : i32 to index
      %get3A_676 = arith.constant 16 : index
      %get3A_677 = tpu.vector_load %get3A_674[%get3A_675, %get3A_676] {strides = array<i32>} : memref<400x64xf32, #tpu.memory_space<vmem>>, vector<1x16xf32>,
      %get3A_678 = vector.shape_cast %get3A_677 : vector<1x16xf32> to vector<16xf32>
      %get3A_679 = arith.constant 1 : i32
      %get3A_680 = arith.constant 18 : i32
      %get3A_681 = arith.constant 0 : i32
      %get3A_682 = arith.constant 0 : i32
      %get3A_683 = tpu.memref_slice %arg6[%get3A_679, %get3A_681, %get3A_682] : memref<2x400x64xf32, #tpu.memory_space<vmem>> -> memref<1x400x64xf32, #tpu.memory_space<vmem>>
      %get3A_684 = tpu.memref_squeeze %get3A_683 : memref<1x400x64xf32, #tpu.memory_space<vmem>> -> memref<400x64xf32, #tpu.memory_space<vmem>>
      %get3A_685 = arith.index_cast %get3A_680 : i32 to index
      %get3A_686 = arith.constant 32 : index
      %get3A_687 = tpu.vector_load %get3A_684[%get3A_685, %get3A_686] {strides = array<i32>} : memref<400x64xf32, #tpu.memory_space<vmem>>, vector<1x16xf32>,
      %get3A_688 = vector.shape_cast %get3A_687 : vector<1x16xf32> to vector<16xf32>
      %get3A_689 = arith.constant 1 : i32
      %get3A_690 = arith.constant 18 : i32
      %get3A_691 = arith.constant 0 : i32
      %get3A_692 = arith.constant 0 : i32
      %get3A_693 = tpu.memref_slice %arg6[%get3A_689, %get3A_691, %get3A_692] : memref<2x400x64xf32, #tpu.memory_space<vmem>> -> memref<1x400x64xf32, #tpu.memory_space<vmem>>
      %get3A_694 = tpu.memref_squeeze %get3A_693 : memref<1x400x64xf32, #tpu.memory_space<vmem>> -> memref<400x64xf32, #tpu.memory_space<vmem>>
      %get3A_695 = arith.index_cast %get3A_690 : i32 to index
      %get3A_696 = arith.constant 48 : index
      %get3A_697 = tpu.vector_load %get3A_694[%get3A_695, %get3A_696] {strides = array<i32>} : memref<400x64xf32, #tpu.memory_space<vmem>>, vector<1x16xf32>,
      %get3A_698 = vector.shape_cast %get3A_697 : vector<1x16xf32> to vector<16xf32>
      %get3A_699 = arith.constant 1 : i32
      %get3A_700 = arith.constant 19 : i32
      %get3A_701 = arith.constant 0 : i32
      %get3A_702 = arith.constant 0 : i32
      %get3A_703 = tpu.memref_slice %arg6[%get3A_699, %get3A_701, %get3A_702] : memref<2x400x64xf32, #tpu.memory_space<vmem>> -> memref<1x400x64xf32, #tpu.memory_space<vmem>>
      %get3A_704 = tpu.memref_squeeze %get3A_703 : memref<1x400x64xf32, #tpu.memory_space<vmem>> -> memref<400x64xf32, #tpu.memory_space<vmem>>
      %get3A_705 = arith.index_cast %get3A_700 : i32 to index
      %get3A_706 = arith.constant 0 : index
      %get3A_707 = tpu.vector_load %get3A_704[%get3A_705, %get3A_706] {strides = array<i32>} : memref<400x64xf32, #tpu.memory_space<vmem>>, vector<1x16xf32>,
      %get3A_708 = vector.shape_cast %get3A_707 : vector<1x16xf32> to vector<16xf32>
      %get3A_709 = arith.constant 1 : i32
      %get3A_710 = arith.constant 19 : i32
      %get3A_711 = arith.constant 0 : i32
      %get3A_712 = arith.constant 0 : i32
      %get3A_713 = tpu.memref_slice %arg6[%get3A_709, %get3A_711, %get3A_712] : memref<2x400x64xf32, #tpu.memory_space<vmem>> -> memref<1x400x64xf32, #tpu.memory_space<vmem>>
      %get3A_714 = tpu.memref_squeeze %get3A_713 : memref<1x400x64xf32, #tpu.memory_space<vmem>> -> memref<400x64xf32, #tpu.memory_space<vmem>>
      %get3A_715 = arith.index_cast %get3A_710 : i32 to index
      %get3A_716 = arith.constant 16 : index
      %get3A_717 = tpu.vector_load %get3A_714[%get3A_715, %get3A_716] {strides = array<i32>} : memref<400x64xf32, #tpu.memory_space<vmem>>, vector<1x16xf32>,
      %get3A_718 = vector.shape_cast %get3A_717 : vector<1x16xf32> to vector<16xf32>
      %get3A_719 = arith.constant 1 : i32
      %get3A_720 = arith.constant 19 : i32
      %get3A_721 = arith.constant 0 : i32
      %get3A_722 = arith.constant 0 : i32
      %get3A_723 = tpu.memref_slice %arg6[%get3A_719, %get3A_721, %get3A_722] : memref<2x400x64xf32, #tpu.memory_space<vmem>> -> memref<1x400x64xf32, #tpu.memory_space<vmem>>
      %get3A_724 = tpu.memref_squeeze %get3A_723 : memref<1x400x64xf32, #tpu.memory_space<vmem>> -> memref<400x64xf32, #tpu.memory_space<vmem>>
      %get3A_725 = arith.index_cast %get3A_720 : i32 to index
      %get3A_726 = arith.constant 32 : index
      %get3A_727 = tpu.vector_load %get3A_724[%get3A_725, %get3A_726] {strides = array<i32>} : memref<400x64xf32, #tpu.memory_space<vmem>>, vector<1x16xf32>,
      %get3A_728 = vector.shape_cast %get3A_727 : vector<1x16xf32> to vector<16xf32>
      %get3A_729 = arith.constant 1 : i32
      %get3A_730 = arith.constant 19 : i32
      %get3A_731 = arith.constant 0 : i32
      %get3A_732 = arith.constant 0 : i32
      %get3A_733 = tpu.memref_slice %arg6[%get3A_729, %get3A_731, %get3A_732] : memref<2x400x64xf32, #tpu.memory_space<vmem>> -> memref<1x400x64xf32, #tpu.memory_space<vmem>>
      %get3A_734 = tpu.memref_squeeze %get3A_733 : memref<1x400x64xf32, #tpu.memory_space<vmem>> -> memref<400x64xf32, #tpu.memory_space<vmem>>
      %get3A_735 = arith.index_cast %get3A_730 : i32 to index
      %get3A_736 = arith.constant 48 : index
      %get3A_737 = tpu.vector_load %get3A_734[%get3A_735, %get3A_736] {strides = array<i32>} : memref<400x64xf32, #tpu.memory_space<vmem>>, vector<1x16xf32>,
      %get3A_738 = vector.shape_cast %get3A_737 : vector<1x16xf32> to vector<16xf32>
      %mul3A_739 = arith.mulf %get3A_588, %get3A_588 : vector<16xf32>
      %mul3A_740 = arith.mulf %get3A_598, %get3A_598 : vector<16xf32>
      %add3A_741 = arith.addf %mul3A_739, %mul3A_740 : vector<16xf32>
      %mul3A_742 = arith.mulf %get3A_608, %get3A_608 : vector<16xf32>
      %add3A_743 = arith.addf %add3A_741, %mul3A_742 : vector<16xf32>
      %mul3A_744 = arith.mulf %get3A_618, %get3A_618 : vector<16xf32>
      %add3A_745 = arith.addf %add3A_743, %mul3A_744 : vector<16xf32>
      %mul3A_746 = arith.mulf %get3A_628, %get3A_628 : vector<16xf32>
      %mul3A_747 = arith.mulf %get3A_638, %get3A_638 : vector<16xf32>
      %add3A_748 = arith.addf %mul3A_746, %mul3A_747 : vector<16xf32>
      %mul3A_749 = arith.mulf %get3A_648, %get3A_648 : vector<16xf32>
      %add3A_750 = arith.addf %add3A_748, %mul3A_749 : vector<16xf32>
      %mul3A_751 = arith.mulf %get3A_658, %get3A_658 : vector<16xf32>
      %add3A_752 = arith.addf %add3A_750, %mul3A_751 : vector<16xf32>
      %mul3A_753 = arith.mulf %get3A_668, %get3A_668 : vector<16xf32>
      %mul3A_754 = arith.mulf %get3A_678, %get3A_678 : vector<16xf32>
      %add3A_755 = arith.addf %mul3A_753, %mul3A_754 : vector<16xf32>
      %mul3A_756 = arith.mulf %get3A_688, %get3A_688 : vector<16xf32>
      %add3A_757 = arith.addf %add3A_755, %mul3A_756 : vector<16xf32>
      %mul3A_758 = arith.mulf %get3A_698, %get3A_698 : vector<16xf32>
      %add3A_759 = arith.addf %add3A_757, %mul3A_758 : vector<16xf32>
      %mul3A_760 = arith.mulf %get3A_708, %get3A_708 : vector<16xf32>
      %mul3A_761 = arith.mulf %get3A_718, %get3A_718 : vector<16xf32>
      %add3A_762 = arith.addf %mul3A_760, %mul3A_761 : vector<16xf32>
      %mul3A_763 = arith.mulf %get3A_728, %get3A_728 : vector<16xf32>
      %add3A_764 = arith.addf %add3A_762, %mul3A_763 : vector<16xf32>
      %mul3A_765 = arith.mulf %get3A_738, %get3A_738 : vector<16xf32>
      %add3A_766 = arith.addf %add3A_764, %mul3A_765 : vector<16xf32>
      %xor3A_767 = arith.constant 8 : i32
      %xor3A_768 = vector.broadcast %xor3A_767 : i32 to vector<16xi32>
      %xor3A_769 = arith.xori %iota3A_578, %xor3A_768 : vector<16xi32>
      %broadcast_in_dim3A_770 = vector.shape_cast %xor3A_769 : vector<16xi32> to vector<16x1xi32>
      %gather3A_771 = vector.shape_cast %broadcast_in_dim3A_770 : vector<16x1xi32> to vector<16xi32>
      %gather3A_772 = tpu.dynamic_gather %add3A_745[%gather3A_771] in [0] : vector<16xf32>, vector<16xi32> -> vector<16xf32>
      %add3A_773 = arith.addf %add3A_745, %gather3A_772 : vector<16xf32>
      %xor3A_774 = arith.constant 4 : i32
      %xor3A_775 = vector.broadcast %xor3A_774 : i32 to vector<16xi32>
      %xor3A_776 = arith.xori %iota3A_578, %xor3A_775 : vector<16xi32>
      %broadcast_in_dim3A_777 = vector.shape_cast %xor3A_776 : vector<16xi32> to vector<16x1xi32>
      %gather3A_778 = vector.shape_cast %broadcast_in_dim3A_777 : vector<16x1xi32> to vector<16xi32>
      %gather3A_779 = tpu.dynamic_gather %add3A_773[%gather3A_778] in [0] : vector<16xf32>, vector<16xi32> -> vector<16xf32>
      %add3A_780 = arith.addf %add3A_773, %gather3A_779 : vector<16xf32>
      %xor3A_781 = arith.constant 8 : i32
      %xor3A_782 = vector.broadcast %xor3A_781 : i32 to vector<16xi32>
      %xor3A_783 = arith.xori %iota3A_578, %xor3A_782 : vector<16xi32>
      %broadcast_in_dim3A_784 = vector.shape_cast %xor3A_783 : vector<16xi32> to vector<16x1xi32>
      %gather3A_785 = vector.shape_cast %broadcast_in_dim3A_784 : vector<16x1xi32> to vector<16xi32>
      %gather3A_786 = tpu.dynamic_gather %add3A_752[%gather3A_785] in [0] : vector<16xf32>, vector<16xi32> -> vector<16xf32>
      %add3A_787 = arith.addf %add3A_752, %gather3A_786 : vector<16xf32>
      %xor3A_788 = arith.constant 4 : i32
      %xor3A_789 = vector.broadcast %xor3A_788 : i32 to vector<16xi32>
      %xor3A_790 = arith.xori %iota3A_578, %xor3A_789 : vector<16xi32>
      %broadcast_in_dim3A_791 = vector.shape_cast %xor3A_790 : vector<16xi32> to vector<16x1xi32>
      %gather3A_792 = vector.shape_cast %broadcast_in_dim3A_791 : vector<16x1xi32> to vector<16xi32>
      %gather3A_793 = tpu.dynamic_gather %add3A_787[%gather3A_792] in [0] : vector<16xf32>, vector<16xi32> -> vector<16xf32>
      %add3A_794 = arith.addf %add3A_787, %gather3A_793 : vector<16xf32>
      %xor3A_795 = arith.constant 8 : i32
      %xor3A_796 = vector.broadcast %xor3A_795 : i32 to vector<16xi32>
      %xor3A_797 = arith.xori %iota3A_578, %xor3A_796 : vector<16xi32>
      %broadcast_in_dim3A_798 = vector.shape_cast %xor3A_797 : vector<16xi32> to vector<16x1xi32>
      %gather3A_799 = vector.shape_cast %broadcast_in_dim3A_798 : vector<16x1xi32> to vector<16xi32>
      %gather3A_800 = tpu.dynamic_gather %add3A_759[%gather3A_799] in [0] : vector<16xf32>, vector<16xi32> -> vector<16xf32>
      %add3A_801 = arith.addf %add3A_759, %gather3A_800 : vector<16xf32>
      %xor3A_802 = arith.constant 4 : i32
      %xor3A_803 = vector.broadcast %xor3A_802 : i32 to vector<16xi32>
      %xor3A_804 = arith.xori %iota3A_578, %xor3A_803 : vector<16xi32>
      %broadcast_in_dim3A_805 = vector.shape_cast %xor3A_804 : vector<16xi32> to vector<16x1xi32>
      %gather3A_806 = vector.shape_cast %broadcast_in_dim3A_805 : vector<16x1xi32> to vector<16xi32>
      %gather3A_807 = tpu.dynamic_gather %add3A_801[%gather3A_806] in [0] : vector<16xf32>, vector<16xi32> -> vector<16xf32>
      %add3A_808 = arith.addf %add3A_801, %gather3A_807 : vector<16xf32>
      %xor3A_809 = arith.constant 8 : i32
      %xor3A_810 = vector.broadcast %xor3A_809 : i32 to vector<16xi32>
      %xor3A_811 = arith.xori %iota3A_578, %xor3A_810 : vector<16xi32>
      %broadcast_in_dim3A_812 = vector.shape_cast %xor3A_811 : vector<16xi32> to vector<16x1xi32>
      %gather3A_813 = vector.shape_cast %broadcast_in_dim3A_812 : vector<16x1xi32> to vector<16xi32>
      %gather3A_814 = tpu.dynamic_gather %add3A_766[%gather3A_813] in [0] : vector<16xf32>, vector<16xi32> -> vector<16xf32>
      %add3A_815 = arith.addf %add3A_766, %gather3A_814 : vector<16xf32>
      %xor3A_816 = arith.constant 4 : i32
      %xor3A_817 = vector.broadcast %xor3A_816 : i32 to vector<16xi32>
      %xor3A_818 = arith.xori %iota3A_578, %xor3A_817 : vector<16xi32>
      %broadcast_in_dim3A_819 = vector.shape_cast %xor3A_818 : vector<16xi32> to vector<16x1xi32>
      %gather3A_820 = vector.shape_cast %broadcast_in_dim3A_819 : vector<16x1xi32> to vector<16xi32>
      %gather3A_821 = tpu.dynamic_gather %add3A_815[%gather3A_820] in [0] : vector<16xf32>, vector<16xi32> -> vector<16xf32>
      %add3A_822 = arith.addf %add3A_815, %gather3A_821 : vector<16xf32>
      %shift_right_arithmetic3A_823 = arith.constant 2 : i32
      %shift_right_arithmetic3A_824 = vector.broadcast %shift_right_arithmetic3A_823 : i32 to vector<16xi32>
      %shift_right_arithmetic3A_825 = arith.shrsi %iota3A_578, %shift_right_arithmetic3A_824 : vector<16xi32>
      %eq3A_826 = arith.constant 1 : i32
      %eq3A_827 = vector.broadcast %eq3A_826 : i32 to vector<16xi32>
      %eq3A_828 = arith.cmpi eq, %shift_right_arithmetic3A_825, %eq3A_827 : vector<16xi32>
      %select_n3A_829 = arith.select %eq3A_828, %add3A_794, %add3A_780 : vector<16xi1>, vector<16xf32>
      %eq3A_830 = arith.constant 2 : i32
      %eq3A_831 = vector.broadcast %eq3A_830 : i32 to vector<16xi32>
      %eq3A_832 = arith.cmpi eq, %shift_right_arithmetic3A_825, %eq3A_831 : vector<16xi32>
      %select_n3A_833 = arith.select %eq3A_832, %add3A_808, %select_n3A_829 : vector<16xi1>, vector<16xf32>
      %eq3A_834 = arith.constant 3 : i32
      %eq3A_835 = vector.broadcast %eq3A_834 : i32 to vector<16xi32>
      %eq3A_836 = arith.cmpi eq, %shift_right_arithmetic3A_825, %eq3A_835 : vector<16xi32>
      %select_n3A_837 = arith.select %eq3A_836, %add3A_822, %select_n3A_833 : vector<16xi1>, vector<16xf32>
      %xor3A_838 = arith.constant 2 : i32
      %xor3A_839 = vector.broadcast %xor3A_838 : i32 to vector<16xi32>
      %xor3A_840 = arith.xori %iota3A_578, %xor3A_839 : vector<16xi32>
      %broadcast_in_dim3A_841 = vector.shape_cast %xor3A_840 : vector<16xi32> to vector<16x1xi32>
      %gather3A_842 = vector.shape_cast %broadcast_in_dim3A_841 : vector<16x1xi32> to vector<16xi32>
      %gather3A_843 = tpu.dynamic_gather %select_n3A_837[%gather3A_842] in [0] : vector<16xf32>, vector<16xi32> -> vector<16xf32>
      %add3A_844 = arith.addf %select_n3A_837, %gather3A_843 : vector<16xf32>
      %xor3A_845 = arith.constant 1 : i32
      %xor3A_846 = vector.broadcast %xor3A_845 : i32 to vector<16xi32>
      %xor3A_847 = arith.xori %iota3A_578, %xor3A_846 : vector<16xi32>
      %broadcast_in_dim3A_848 = vector.shape_cast %xor3A_847 : vector<16xi32> to vector<16x1xi32>
      %gather3A_849 = vector.shape_cast %broadcast_in_dim3A_848 : vector<16x1xi32> to vector<16xi32>
      %gather3A_850 = tpu.dynamic_gather %add3A_844[%gather3A_849] in [0] : vector<16xf32>, vector<16xi32> -> vector<16xf32>
      %add3A_851 = arith.addf %add3A_844, %gather3A_850 : vector<16xf32>
      %bitcast_convert_type3A_852 = tpu.bitcast %add3A_851 : vector<16xf32> -> vector<16xi32>
      %shift_right_arithmetic3A_853 = arith.constant 1 : i32
      %shift_right_arithmetic3A_854 = vector.broadcast %shift_right_arithmetic3A_853 : i32 to vector<16xi32>
      %shift_right_arithmetic3A_855 = arith.shrsi %bitcast_convert_type3A_852, %shift_right_arithmetic3A_854 : vector<16xi32>
      %sub3A_856 = arith.constant 1597463007 : i32
      %sub3A_857 = vector.broadcast %sub3A_856 : i32 to vector<16xi32>
      %sub3A_858 = arith.subi %sub3A_857, %shift_right_arithmetic3A_855 : vector<16xi32>
      %bitcast_convert_type3A_859 = tpu.bitcast %sub3A_858 : vector<16xi32> -> vector<16xf32>
      %mul3A_860 = arith.constant 5.000000e-01 : f32
      %mul3A_861 = vector.broadcast %mul3A_860 : f32 to vector<16xf32>
      %mul3A_862 = arith.mulf %mul3A_861, %add3A_851 : vector<16xf32>
      %mul3A_863 = arith.mulf %mul3A_862, %bitcast_convert_type3A_859 : vector<16xf32>
      %mul3A_864 = arith.mulf %mul3A_863, %bitcast_convert_type3A_859 : vector<16xf32>
      %sub3A_865 = arith.constant 1.500000e+00 : f32
      %sub3A_866 = vector.broadcast %sub3A_865 : f32 to vector<16xf32>
      %sub3A_867 = arith.subf %sub3A_866, %mul3A_864 : vector<16xf32>
      %mul3A_868 = arith.mulf %bitcast_convert_type3A_859, %sub3A_867 : vector<16xf32>
      %mul3A_869 = arith.mulf %mul3A_862, %mul3A_868 : vector<16xf32>
      %mul3A_870 = arith.mulf %mul3A_869, %mul3A_868 : vector<16xf32>
      %sub3A_871 = arith.constant 1.500000e+00 : f32
      %sub3A_872 = vector.broadcast %sub3A_871 : f32 to vector<16xf32>
      %sub3A_873 = arith.subf %sub3A_872, %mul3A_870 : vector<16xf32>
      %mul3A_874 = arith.mulf %mul3A_868, %sub3A_873 : vector<16xf32>
      %gt3A_875 = arith.constant 1.000000e+00 : f32
      %gt3A_876 = vector.broadcast %gt3A_875 : f32 to vector<16xf32>
      %gt3A_877 = arith.cmpf ogt, %add3A_851, %gt3A_876 : vector<16xf32>
      %mul3A_878 = arith.mulf %mul3A_874, %mul3A_874 : vector<16xf32>
      %mul3A_879 = arith.constant 1.000000e-07 : f32
      %mul3A_880 = vector.broadcast %mul3A_879 : f32 to vector<16xf32>
      %mul3A_881 = arith.mulf %mul3A_880, %mul3A_878 : vector<16xf32>
      %sub3A_882 = arith.subf %mul3A_874, %mul3A_881 : vector<16xf32>
      %jit3A_883 = arith.constant 1.000000e+00 : f32
      %broadcast_in_dim3A_884 = vector.broadcast %jit3A_883 : f32 to vector<16xf32>
      %select_n3A_885 = arith.select %gt3A_877, %sub3A_882, %broadcast_in_dim3A_884 : vector<16xi1>, vector<16xf32>
      %broadcast_in_dim3A_886 = arith.constant 0 : i32
      %broadcast_in_dim3A_887 = vector.broadcast %broadcast_in_dim3A_886 : i32 to vector<16xi32>
      %broadcast_in_dim3A_888 = vector.shape_cast %broadcast_in_dim3A_887 : vector<16xi32> to vector<16x1xi32>
      %gather3A_889 = vector.shape_cast %broadcast_in_dim3A_888 : vector<16x1xi32> to vector<16xi32>
      %gather3A_890 = tpu.dynamic_gather %select_n3A_885[%gather3A_889] in [0] : vector<16xf32>, vector<16xi32> -> vector<16xf32>
      %mul3A_891 = arith.mulf %get3A_588, %gather3A_890 : vector<16xf32>
      %mul3A_892 = arith.mulf %get3A_598, %gather3A_890 : vector<16xf32>
      %mul3A_893 = arith.mulf %get3A_608, %gather3A_890 : vector<16xf32>
      %mul3A_894 = arith.mulf %get3A_618, %gather3A_890 : vector<16xf32>
      %broadcast_in_dim3A_895 = arith.constant 4 : i32
      %broadcast_in_dim3A_896 = vector.broadcast %broadcast_in_dim3A_895 : i32 to vector<16xi32>
      %broadcast_in_dim3A_897 = vector.shape_cast %broadcast_in_dim3A_896 : vector<16xi32> to vector<16x1xi32>
      %gather3A_898 = vector.shape_cast %broadcast_in_dim3A_897 : vector<16x1xi32> to vector<16xi32>
      %gather3A_899 = tpu.dynamic_gather %select_n3A_885[%gather3A_898] in [0] : vector<16xf32>, vector<16xi32> -> vector<16xf32>
      %mul3A_900 = arith.mulf %get3A_628, %gather3A_899 : vector<16xf32>
      %mul3A_901 = arith.mulf %get3A_638, %gather3A_899 : vector<16xf32>
      %mul3A_902 = arith.mulf %get3A_648, %gather3A_899 : vector<16xf32>
      %mul3A_903 = arith.mulf %get3A_658, %gather3A_899 : vector<16xf32>
      %broadcast_in_dim3A_904 = arith.constant 8 : i32
      %broadcast_in_dim3A_905 = vector.broadcast %broadcast_in_dim3A_904 : i32 to vector<16xi32>
      %broadcast_in_dim3A_906 = vector.shape_cast %broadcast_in_dim3A_905 : vector<16xi32> to vector<16x1xi32>
      %gather3A_907 = vector.shape_cast %broadcast_in_dim3A_906 : vector<16x1xi32> to vector<16xi32>
      %gather3A_908 = tpu.dynamic_gather %select_n3A_885[%gather3A_907] in [0] : vector<16xf32>, vector<16xi32> -> vector<16xf32>
      %mul3A_909 = arith.mulf %get3A_668, %gather3A_908 : vector<16xf32>
      %mul3A_910 = arith.mulf %get3A_678, %gather3A_908 : vector<16xf32>
      %mul3A_911 = arith.mulf %get3A_688, %gather3A_908 : vector<16xf32>
      %mul3A_912 = arith.mulf %get3A_698, %gather3A_908 : vector<16xf32>
      %broadcast_in_dim3A_913 = arith.constant 12 : i32
      %broadcast_in_dim3A_914 = vector.broadcast %broadcast_in_dim3A_913 : i32 to vector<16xi32>
      %broadcast_in_dim3A_915 = vector.shape_cast %broadcast_in_dim3A_914 : vector<16xi32> to vector<16x1xi32>
      %gather3A_916 = vector.shape_cast %broadcast_in_dim3A_915 : vector<16x1xi32> to vector<16xi32>
      %gather3A_917 = tpu.dynamic_gather %select_n3A_885[%gather3A_916] in [0] : vector<16xf32>, vector<16xi32> -> vector<16xf32>
      %mul3A_918 = arith.mulf %get3A_708, %gather3A_917 : vector<16xf32>
      %mul3A_919 = arith.mulf %get3A_718, %gather3A_917 : vector<16xf32>
      %mul3A_920 = arith.mulf %get3A_728, %gather3A_917 : vector<16xf32>
      %mul3A_921 = arith.mulf %get3A_738, %gather3A_917 : vector<16xf32>
      %swap3A_922 = arith.constant 1024 : index
      %swap3A_923 = tpu.vector_load %arg7[%swap3A_922] {strides = array<i32>} : memref<1280xf32, #tpu.memory_space<vmem>>, vector<16xf32>,
      %swap3A_924 = vector.shape_cast %swap3A_923 : vector<16xf32> to vector<16xf32>
      %swap3A_925 = vector.shape_cast %mul3A_891 : vector<16xf32> to vector<16xf32>
      tpu.vector_store %arg7[%swap3A_922], %swap3A_925 {strides = array<i32>} : memref<1280xf32, #tpu.memory_space<vmem>>, vector<16xf32>,
      %swap3A_926 = arith.constant 1040 : index
      %swap3A_927 = tpu.vector_load %arg7[%swap3A_926] {strides = array<i32>} : memref<1280xf32, #tpu.memory_space<vmem>>, vector<16xf32>,
      %swap3A_928 = vector.shape_cast %swap3A_927 : vector<16xf32> to vector<16xf32>
      %swap3A_929 = vector.shape_cast %mul3A_892 : vector<16xf32> to vector<16xf32>
      tpu.vector_store %arg7[%swap3A_926], %swap3A_929 {strides = array<i32>} : memref<1280xf32, #tpu.memory_space<vmem>>, vector<16xf32>,
      %swap3A_930 = arith.constant 1056 : index
      %swap3A_931 = tpu.vector_load %arg7[%swap3A_930] {strides = array<i32>} : memref<1280xf32, #tpu.memory_space<vmem>>, vector<16xf32>,
      %swap3A_932 = vector.shape_cast %swap3A_931 : vector<16xf32> to vector<16xf32>
      %swap3A_933 = vector.shape_cast %mul3A_893 : vector<16xf32> to vector<16xf32>
      tpu.vector_store %arg7[%swap3A_930], %swap3A_933 {strides = array<i32>} : memref<1280xf32, #tpu.memory_space<vmem>>, vector<16xf32>,
      %swap3A_934 = arith.constant 1072 : index
      %swap3A_935 = tpu.vector_load %arg7[%swap3A_934] {strides = array<i32>} : memref<1280xf32, #tpu.memory_space<vmem>>, vector<16xf32>,
      %swap3A_936 = vector.shape_cast %swap3A_935 : vector<16xf32> to vector<16xf32>
      %swap3A_937 = vector.shape_cast %mul3A_894 : vector<16xf32> to vector<16xf32>
      tpu.vector_store %arg7[%swap3A_934], %swap3A_937 {strides = array<i32>} : memref<1280xf32, #tpu.memory_space<vmem>>, vector<16xf32>,
      %swap3A_938 = arith.constant 1088 : index
      %swap3A_939 = tpu.vector_load %arg7[%swap3A_938] {strides = array<i32>} : memref<1280xf32, #tpu.memory_space<vmem>>, vector<16xf32>,
      %swap3A_940 = vector.shape_cast %swap3A_939 : vector<16xf32> to vector<16xf32>
      %swap3A_941 = vector.shape_cast %mul3A_900 : vector<16xf32> to vector<16xf32>
      tpu.vector_store %arg7[%swap3A_938], %swap3A_941 {strides = array<i32>} : memref<1280xf32, #tpu.memory_space<vmem>>, vector<16xf32>,
      %swap3A_942 = arith.constant 1104 : index
      %swap3A_943 = tpu.vector_load %arg7[%swap3A_942] {strides = array<i32>} : memref<1280xf32, #tpu.memory_space<vmem>>, vector<16xf32>,
      %swap3A_944 = vector.shape_cast %swap3A_943 : vector<16xf32> to vector<16xf32>
      %swap3A_945 = vector.shape_cast %mul3A_901 : vector<16xf32> to vector<16xf32>
      tpu.vector_store %arg7[%swap3A_942], %swap3A_945 {strides = array<i32>} : memref<1280xf32, #tpu.memory_space<vmem>>, vector<16xf32>,
      %swap3A_946 = arith.constant 1120 : index
      %swap3A_947 = tpu.vector_load %arg7[%swap3A_946] {strides = array<i32>} : memref<1280xf32, #tpu.memory_space<vmem>>, vector<16xf32>,
      %swap3A_948 = vector.shape_cast %swap3A_947 : vector<16xf32> to vector<16xf32>
      %swap3A_949 = vector.shape_cast %mul3A_902 : vector<16xf32> to vector<16xf32>
      tpu.vector_store %arg7[%swap3A_946], %swap3A_949 {strides = array<i32>} : memref<1280xf32, #tpu.memory_space<vmem>>, vector<16xf32>,
      %swap3A_950 = arith.constant 1136 : index
      %swap3A_951 = tpu.vector_load %arg7[%swap3A_950] {strides = array<i32>} : memref<1280xf32, #tpu.memory_space<vmem>>, vector<16xf32>,
      %swap3A_952 = vector.shape_cast %swap3A_951 : vector<16xf32> to vector<16xf32>
      %swap3A_953 = vector.shape_cast %mul3A_903 : vector<16xf32> to vector<16xf32>
      tpu.vector_store %arg7[%swap3A_950], %swap3A_953 {strides = array<i32>} : memref<1280xf32, #tpu.memory_space<vmem>>, vector<16xf32>,
      %swap3A_954 = arith.constant 1152 : index
      %swap3A_955 = tpu.vector_load %arg7[%swap3A_954] {strides = array<i32>} : memref<1280xf32, #tpu.memory_space<vmem>>, vector<16xf32>,
      %swap3A_956 = vector.shape_cast %swap3A_955 : vector<16xf32> to vector<16xf32>
      %swap3A_957 = vector.shape_cast %mul3A_909 : vector<16xf32> to vector<16xf32>
      tpu.vector_store %arg7[%swap3A_954], %swap3A_957 {strides = array<i32>} : memref<1280xf32, #tpu.memory_space<vmem>>, vector<16xf32>,
      %swap3A_958 = arith.constant 1168 : index
      %swap3A_959 = tpu.vector_load %arg7[%swap3A_958] {strides = array<i32>} : memref<1280xf32, #tpu.memory_space<vmem>>, vector<16xf32>,
      %swap3A_960 = vector.shape_cast %swap3A_959 : vector<16xf32> to vector<16xf32>
      %swap3A_961 = vector.shape_cast %mul3A_910 : vector<16xf32> to vector<16xf32>
      tpu.vector_store %arg7[%swap3A_958], %swap3A_961 {strides = array<i32>} : memref<1280xf32, #tpu.memory_space<vmem>>, vector<16xf32>,
      %swap3A_962 = arith.constant 1184 : index
      %swap3A_963 = tpu.vector_load %arg7[%swap3A_962] {strides = array<i32>} : memref<1280xf32, #tpu.memory_space<vmem>>, vector<16xf32>,
      %swap3A_964 = vector.shape_cast %swap3A_963 : vector<16xf32> to vector<16xf32>
      %swap3A_965 = vector.shape_cast %mul3A_911 : vector<16xf32> to vector<16xf32>
      tpu.vector_store %arg7[%swap3A_962], %swap3A_965 {strides = array<i32>} : memref<1280xf32, #tpu.memory_space<vmem>>, vector<16xf32>,
      %swap3A_966 = arith.constant 1200 : index
      %swap3A_967 = tpu.vector_load %arg7[%swap3A_966] {strides = array<i32>} : memref<1280xf32, #tpu.memory_space<vmem>>, vector<16xf32>,
      %swap3A_968 = vector.shape_cast %swap3A_967 : vector<16xf32> to vector<16xf32>
      %swap3A_969 = vector.shape_cast %mul3A_912 : vector<16xf32> to vector<16xf32>
      tpu.vector_store %arg7[%swap3A_966], %swap3A_969 {strides = array<i32>} : memref<1280xf32, #tpu.memory_space<vmem>>, vector<16xf32>,
      %scan3A_970 = arith.constant 1 : i32
      %scan3A_971 = arith.constant 0 : i32
      %scan3A_972 = arith.constant 95 : i32
      %scan3A_973 = arith.addi %scan3A_971, %scan3A_972 : i32
      %scan3A_974 = arith.constant 1 : i32
      %scan3A_975:4 = scf.for %scan3A_1005 = %scan3A_971 to %scan3A_973 step %scan3A_974 iter_args(%scan3A_1006 = %mul3A_918, %scan3A_1007 = %mul3A_919, %scan3A_1008 = %mul3A_920, %scan3A_1009 = %mul3A_921) -> (vector<16xf32>, vector<16xf32>, vector<16xf32>, vector<16xf32>)  : i32 {
        %mul3A_1010 = arith.constant 4 : i32
        %mul3A_1011 = arith.muli %mul3A_1010, %scan3A_1005 : i32
        %add3A_1012 = arith.constant 20 : i32
        %add3A_1013 = arith.addi %add3A_1012, %mul3A_1011 : i32
        %iota3A_1014 = tpu.iota {dimensions = array<i32: 0>} : vector<16xi32>
        %add3A_1015 = arith.constant 0 : i32
        %add3A_1016 = arith.addi %add3A_1013, %add3A_1015 : i32
        %get3A_1017 = arith.constant 0 : i32
        %get3A_1018 = arith.constant 0 : i32
        %get3A_1019 = tpu.memref_slice %arg6[%scan3A_970, %get3A_1017, %get3A_1018] : memref<2x400x64xf32, #tpu.memory_space<vmem>> -> memref<1x400x64xf32, #tpu.memory_space<vmem>>
        %get3A_1020 = tpu.memref_squeeze %get3A_1019 : memref<1x400x64xf32, #tpu.memory_space<vmem>> -> memref<400x64xf32, #tpu.memory_space<vmem>>
        %get3A_1021 = arith.index_cast %add3A_1016 : i32 to index
        %get3A_1022 = arith.constant 0 : index
        %get3A_1023 = tpu.vector_load %get3A_1020[%get3A_1021, %get3A_1022] {strides = array<i32>} : memref<400x64xf32, #tpu.memory_space<vmem>>, vector<1x16xf32>,
        %get3A_1024 = vector.shape_cast %get3A_1023 : vector<1x16xf32> to vector<16xf32>
        %add3A_1025 = arith.constant 0 : i32
        %add3A_1026 = arith.addi %add3A_1013, %add3A_1025 : i32
        %get3A_1027 = arith.constant 0 : i32
        %get3A_1028 = arith.constant 0 : i32
        %get3A_1029 = tpu.memref_slice %arg6[%scan3A_970, %get3A_1027, %get3A_1028] : memref<2x400x64xf32, #tpu.memory_space<vmem>> -> memref<1x400x64xf32, #tpu.memory_space<vmem>>
        %get3A_1030 = tpu.memref_squeeze %get3A_1029 : memref<1x400x64xf32, #tpu.memory_space<vmem>> -> memref<400x64xf32, #tpu.memory_space<vmem>>
        %get3A_1031 = arith.index_cast %add3A_1026 : i32 to index
        %get3A_1032 = arith.constant 16 : index
        %get3A_1033 = tpu.vector_load %get3A_1030[%get3A_1031, %get3A_1032] {strides = array<i32>} : memref<400x64xf32, #tpu.memory_space<vmem>>, vector<1x16xf32>,
        %get3A_1034 = vector.shape_cast %get3A_1033 : vector<1x16xf32> to vector<16xf32>
        %add3A_1035 = arith.constant 0 : i32
        %add3A_1036 = arith.addi %add3A_1013, %add3A_1035 : i32
        %get3A_1037 = arith.constant 0 : i32
        %get3A_1038 = arith.constant 0 : i32
        %get3A_1039 = tpu.memref_slice %arg6[%scan3A_970, %get3A_1037, %get3A_1038] : memref<2x400x64xf32, #tpu.memory_space<vmem>> -> memref<1x400x64xf32, #tpu.memory_space<vmem>>
        %get3A_1040 = tpu.memref_squeeze %get3A_1039 : memref<1x400x64xf32, #tpu.memory_space<vmem>> -> memref<400x64xf32, #tpu.memory_space<vmem>>
        %get3A_1041 = arith.index_cast %add3A_1036 : i32 to index
        %get3A_1042 = arith.constant 32 : index
        %get3A_1043 = tpu.vector_load %get3A_1040[%get3A_1041, %get3A_1042] {strides = array<i32>} : memref<400x64xf32, #tpu.memory_space<vmem>>, vector<1x16xf32>,
        %get3A_1044 = vector.shape_cast %get3A_1043 : vector<1x16xf32> to vector<16xf32>
        %add3A_1045 = arith.constant 0 : i32
        %add3A_1046 = arith.addi %add3A_1013, %add3A_1045 : i32
        %get3A_1047 = arith.constant 0 : i32
        %get3A_1048 = arith.constant 0 : i32
        %get3A_1049 = tpu.memref_slice %arg6[%scan3A_970, %get3A_1047, %get3A_1048] : memref<2x400x64xf32, #tpu.memory_space<vmem>> -> memref<1x400x64xf32, #tpu.memory_space<vmem>>
        %get3A_1050 = tpu.memref_squeeze %get3A_1049 : memref<1x400x64xf32, #tpu.memory_space<vmem>> -> memref<400x64xf32, #tpu.memory_space<vmem>>
        %get3A_1051 = arith.index_cast %add3A_1046 : i32 to index
        %get3A_1052 = arith.constant 48 : index
        %get3A_1053 = tpu.vector_load %get3A_1050[%get3A_1051, %get3A_1052] {strides = array<i32>} : memref<400x64xf32, #tpu.memory_space<vmem>>, vector<1x16xf32>,
        %get3A_1054 = vector.shape_cast %get3A_1053 : vector<1x16xf32> to vector<16xf32>
        %add3A_1055 = arith.constant 1 : i32
        %add3A_1056 = arith.addi %add3A_1013, %add3A_1055 : i32
        %get3A_1057 = arith.constant 0 : i32
        %get3A_1058 = arith.constant 0 : i32
        %get3A_1059 = tpu.memref_slice %arg6[%scan3A_970, %get3A_1057, %get3A_1058] : memref<2x400x64xf32, #tpu.memory_space<vmem>> -> memref<1x400x64xf32, #tpu.memory_space<vmem>>
        %get3A_1060 = tpu.memref_squeeze %get3A_1059 : memref<1x400x64xf32, #tpu.memory_space<vmem>> -> memref<400x64xf32, #tpu.memory_space<vmem>>
        %get3A_1061 = arith.index_cast %add3A_1056 : i32 to index
        %get3A_1062 = arith.constant 0 : index
        %get3A_1063 = tpu.vector_load %get3A_1060[%get3A_1061, %get3A_1062] {strides = array<i32>} : memref<400x64xf32, #tpu.memory_space<vmem>>, vector<1x16xf32>,
        %get3A_1064 = vector.shape_cast %get3A_1063 : vector<1x16xf32> to vector<16xf32>
        %add3A_1065 = arith.constant 1 : i32
        %add3A_1066 = arith.addi %add3A_1013, %add3A_1065 : i32
        %get3A_1067 = arith.constant 0 : i32
        %get3A_1068 = arith.constant 0 : i32
        %get3A_1069 = tpu.memref_slice %arg6[%scan3A_970, %get3A_1067, %get3A_1068] : memref<2x400x64xf32, #tpu.memory_space<vmem>> -> memref<1x400x64xf32, #tpu.memory_space<vmem>>
        %get3A_1070 = tpu.memref_squeeze %get3A_1069 : memref<1x400x64xf32, #tpu.memory_space<vmem>> -> memref<400x64xf32, #tpu.memory_space<vmem>>
        %get3A_1071 = arith.index_cast %add3A_1066 : i32 to index
        %get3A_1072 = arith.constant 16 : index
        %get3A_1073 = tpu.vector_load %get3A_1070[%get3A_1071, %get3A_1072] {strides = array<i32>} : memref<400x64xf32, #tpu.memory_space<vmem>>, vector<1x16xf32>,
        %get3A_1074 = vector.shape_cast %get3A_1073 : vector<1x16xf32> to vector<16xf32>
        %add3A_1075 = arith.constant 1 : i32
        %add3A_1076 = arith.addi %add3A_1013, %add3A_1075 : i32
        %get3A_1077 = arith.constant 0 : i32
        %get3A_1078 = arith.constant 0 : i32
        %get3A_1079 = tpu.memref_slice %arg6[%scan3A_970, %get3A_1077, %get3A_1078] : memref<2x400x64xf32, #tpu.memory_space<vmem>> -> memref<1x400x64xf32, #tpu.memory_space<vmem>>
        %get3A_1080 = tpu.memref_squeeze %get3A_1079 : memref<1x400x64xf32, #tpu.memory_space<vmem>> -> memref<400x64xf32, #tpu.memory_space<vmem>>
        %get3A_1081 = arith.index_cast %add3A_1076 : i32 to index
        %get3A_1082 = arith.constant 32 : index
        %get3A_1083 = tpu.vector_load %get3A_1080[%get3A_1081, %get3A_1082] {strides = array<i32>} : memref<400x64xf32, #tpu.memory_space<vmem>>, vector<1x16xf32>,
        %get3A_1084 = vector.shape_cast %get3A_1083 : vector<1x16xf32> to vector<16xf32>
        %add3A_1085 = arith.constant 1 : i32
        %add3A_1086 = arith.addi %add3A_1013, %add3A_1085 : i32
        %get3A_1087 = arith.constant 0 : i32
        %get3A_1088 = arith.constant 0 : i32
        %get3A_1089 = tpu.memref_slice %arg6[%scan3A_970, %get3A_1087, %get3A_1088] : memref<2x400x64xf32, #tpu.memory_space<vmem>> -> memref<1x400x64xf32, #tpu.memory_space<vmem>>
        %get3A_1090 = tpu.memref_squeeze %get3A_1089 : memref<1x400x64xf32, #tpu.memory_space<vmem>> -> memref<400x64xf32, #tpu.memory_space<vmem>>
        %get3A_1091 = arith.index_cast %add3A_1086 : i32 to index
        %get3A_1092 = arith.constant 48 : index
        %get3A_1093 = tpu.vector_load %get3A_1090[%get3A_1091, %get3A_1092] {strides = array<i32>} : memref<400x64xf32, #tpu.memory_space<vmem>>, vector<1x16xf32>,
        %get3A_1094 = vector.shape_cast %get3A_1093 : vector<1x16xf32> to vector<16xf32>
        %add3A_1095 = arith.constant 2 : i32
        %add3A_1096 = arith.addi %add3A_1013, %add3A_1095 : i32
        %get3A_1097 = arith.constant 0 : i32
        %get3A_1098 = arith.constant 0 : i32
        %get3A_1099 = tpu.memref_slice %arg6[%scan3A_970, %get3A_1097, %get3A_1098] : memref<2x400x64xf32, #tpu.memory_space<vmem>> -> memref<1x400x64xf32, #tpu.memory_space<vmem>>
        %get3A_1100 = tpu.memref_squeeze %get3A_1099 : memref<1x400x64xf32, #tpu.memory_space<vmem>> -> memref<400x64xf32, #tpu.memory_space<vmem>>
        %get3A_1101 = arith.index_cast %add3A_1096 : i32 to index
        %get3A_1102 = arith.constant 0 : index
        %get3A_1103 = tpu.vector_load %get3A_1100[%get3A_1101, %get3A_1102] {strides = array<i32>} : memref<400x64xf32, #tpu.memory_space<vmem>>, vector<1x16xf32>,
        %get3A_1104 = vector.shape_cast %get3A_1103 : vector<1x16xf32> to vector<16xf32>
        %add3A_1105 = arith.constant 2 : i32
        %add3A_1106 = arith.addi %add3A_1013, %add3A_1105 : i32
        %get3A_1107 = arith.constant 0 : i32
        %get3A_1108 = arith.constant 0 : i32
        %get3A_1109 = tpu.memref_slice %arg6[%scan3A_970, %get3A_1107, %get3A_1108] : memref<2x400x64xf32, #tpu.memory_space<vmem>> -> memref<1x400x64xf32, #tpu.memory_space<vmem>>
        %get3A_1110 = tpu.memref_squeeze %get3A_1109 : memref<1x400x64xf32, #tpu.memory_space<vmem>> -> memref<400x64xf32, #tpu.memory_space<vmem>>
        %get3A_1111 = arith.index_cast %add3A_1106 : i32 to index
        %get3A_1112 = arith.constant 16 : index
        %get3A_1113 = tpu.vector_load %get3A_1110[%get3A_1111, %get3A_1112] {strides = array<i32>} : memref<400x64xf32, #tpu.memory_space<vmem>>, vector<1x16xf32>,
        %get3A_1114 = vector.shape_cast %get3A_1113 : vector<1x16xf32> to vector<16xf32>
        %add3A_1115 = arith.constant 2 : i32
        %add3A_1116 = arith.addi %add3A_1013, %add3A_1115 : i32
        %get3A_1117 = arith.constant 0 : i32
        %get3A_1118 = arith.constant 0 : i32
        %get3A_1119 = tpu.memref_slice %arg6[%scan3A_970, %get3A_1117, %get3A_1118] : memref<2x400x64xf32, #tpu.memory_space<vmem>> -> memref<1x400x64xf32, #tpu.memory_space<vmem>>
        %get3A_1120 = tpu.memref_squeeze %get3A_1119 : memref<1x400x64xf32, #tpu.memory_space<vmem>> -> memref<400x64xf32, #tpu.memory_space<vmem>>
        %get3A_1121 = arith.index_cast %add3A_1116 : i32 to index
        %get3A_1122 = arith.constant 32 : index
        %get3A_1123 = tpu.vector_load %get3A_1120[%get3A_1121, %get3A_1122] {strides = array<i32>} : memref<400x64xf32, #tpu.memory_space<vmem>>, vector<1x16xf32>,
        %get3A_1124 = vector.shape_cast %get3A_1123 : vector<1x16xf32> to vector<16xf32>
        %add3A_1125 = arith.constant 2 : i32
        %add3A_1126 = arith.addi %add3A_1013, %add3A_1125 : i32
        %get3A_1127 = arith.constant 0 : i32
        %get3A_1128 = arith.constant 0 : i32
        %get3A_1129 = tpu.memref_slice %arg6[%scan3A_970, %get3A_1127, %get3A_1128] : memref<2x400x64xf32, #tpu.memory_space<vmem>> -> memref<1x400x64xf32, #tpu.memory_space<vmem>>
        %get3A_1130 = tpu.memref_squeeze %get3A_1129 : memref<1x400x64xf32, #tpu.memory_space<vmem>> -> memref<400x64xf32, #tpu.memory_space<vmem>>
        %get3A_1131 = arith.index_cast %add3A_1126 : i32 to index
        %get3A_1132 = arith.constant 48 : index
        %get3A_1133 = tpu.vector_load %get3A_1130[%get3A_1131, %get3A_1132] {strides = array<i32>} : memref<400x64xf32, #tpu.memory_space<vmem>>, vector<1x16xf32>,
        %get3A_1134 = vector.shape_cast %get3A_1133 : vector<1x16xf32> to vector<16xf32>
        %add3A_1135 = arith.constant 3 : i32
        %add3A_1136 = arith.addi %add3A_1013, %add3A_1135 : i32
        %get3A_1137 = arith.constant 0 : i32
        %get3A_1138 = arith.constant 0 : i32
        %get3A_1139 = tpu.memref_slice %arg6[%scan3A_970, %get3A_1137, %get3A_1138] : memref<2x400x64xf32, #tpu.memory_space<vmem>> -> memref<1x400x64xf32, #tpu.memory_space<vmem>>
        %get3A_1140 = tpu.memref_squeeze %get3A_1139 : memref<1x400x64xf32, #tpu.memory_space<vmem>> -> memref<400x64xf32, #tpu.memory_space<vmem>>
        %get3A_1141 = arith.index_cast %add3A_1136 : i32 to index
        %get3A_1142 = arith.constant 0 : index
        %get3A_1143 = tpu.vector_load %get3A_1140[%get3A_1141, %get3A_1142] {strides = array<i32>} : memref<400x64xf32, #tpu.memory_space<vmem>>, vector<1x16xf32>,
        %get3A_1144 = vector.shape_cast %get3A_1143 : vector<1x16xf32> to vector<16xf32>
        %add3A_1145 = arith.constant 3 : i32
        %add3A_1146 = arith.addi %add3A_1013, %add3A_1145 : i32
        %get3A_1147 = arith.constant 0 : i32
        %get3A_1148 = arith.constant 0 : i32
        %get3A_1149 = tpu.memref_slice %arg6[%scan3A_970, %get3A_1147, %get3A_1148] : memref<2x400x64xf32, #tpu.memory_space<vmem>> -> memref<1x400x64xf32, #tpu.memory_space<vmem>>
        %get3A_1150 = tpu.memref_squeeze %get3A_1149 : memref<1x400x64xf32, #tpu.memory_space<vmem>> -> memref<400x64xf32, #tpu.memory_space<vmem>>
        %get3A_1151 = arith.index_cast %add3A_1146 : i32 to index
        %get3A_1152 = arith.constant 16 : index
        %get3A_1153 = tpu.vector_load %get3A_1150[%get3A_1151, %get3A_1152] {strides = array<i32>} : memref<400x64xf32, #tpu.memory_space<vmem>>, vector<1x16xf32>,
        %get3A_1154 = vector.shape_cast %get3A_1153 : vector<1x16xf32> to vector<16xf32>
        %add3A_1155 = arith.constant 3 : i32
        %add3A_1156 = arith.addi %add3A_1013, %add3A_1155 : i32
        %get3A_1157 = arith.constant 0 : i32
        %get3A_1158 = arith.constant 0 : i32
        %get3A_1159 = tpu.memref_slice %arg6[%scan3A_970, %get3A_1157, %get3A_1158] : memref<2x400x64xf32, #tpu.memory_space<vmem>> -> memref<1x400x64xf32, #tpu.memory_space<vmem>>
        %get3A_1160 = tpu.memref_squeeze %get3A_1159 : memref<1x400x64xf32, #tpu.memory_space<vmem>> -> memref<400x64xf32, #tpu.memory_space<vmem>>
        %get3A_1161 = arith.index_cast %add3A_1156 : i32 to index
        %get3A_1162 = arith.constant 32 : index
        %get3A_1163 = tpu.vector_load %get3A_1160[%get3A_1161, %get3A_1162] {strides = array<i32>} : memref<400x64xf32, #tpu.memory_space<vmem>>, vector<1x16xf32>,
        %get3A_1164 = vector.shape_cast %get3A_1163 : vector<1x16xf32> to vector<16xf32>
        %add3A_1165 = arith.constant 3 : i32
        %add3A_1166 = arith.addi %add3A_1013, %add3A_1165 : i32
        %get3A_1167 = arith.constant 0 : i32
        %get3A_1168 = arith.constant 0 : i32
        %get3A_1169 = tpu.memref_slice %arg6[%scan3A_970, %get3A_1167, %get3A_1168] : memref<2x400x64xf32, #tpu.memory_space<vmem>> -> memref<1x400x64xf32, #tpu.memory_space<vmem>>
        %get3A_1170 = tpu.memref_squeeze %get3A_1169 : memref<1x400x64xf32, #tpu.memory_space<vmem>> -> memref<400x64xf32, #tpu.memory_space<vmem>>
        %get3A_1171 = arith.index_cast %add3A_1166 : i32 to index
        %get3A_1172 = arith.constant 48 : index
        %get3A_1173 = tpu.vector_load %get3A_1170[%get3A_1171, %get3A_1172] {strides = array<i32>} : memref<400x64xf32, #tpu.memory_space<vmem>>, vector<1x16xf32>,
        %get3A_1174 = vector.shape_cast %get3A_1173 : vector<1x16xf32> to vector<16xf32>
        %mul3A_1175 = arith.mulf %get3A_1024, %get3A_1024 : vector<16xf32>
        %mul3A_1176 = arith.mulf %get3A_1034, %get3A_1034 : vector<16xf32>
        %add3A_1177 = arith.addf %mul3A_1175, %mul3A_1176 : vector<16xf32>
        %mul3A_1178 = arith.mulf %get3A_1044, %get3A_1044 : vector<16xf32>
        %add3A_1179 = arith.addf %add3A_1177, %mul3A_1178 : vector<16xf32>
        %mul3A_1180 = arith.mulf %get3A_1054, %get3A_1054 : vector<16xf32>
        %add3A_1181 = arith.addf %add3A_1179, %mul3A_1180 : vector<16xf32>
        %mul3A_1182 = arith.mulf %get3A_1064, %get3A_1064 : vector<16xf32>
        %mul3A_1183 = arith.mulf %get3A_1074, %get3A_1074 : vector<16xf32>
        %add3A_1184 = arith.addf %mul3A_1182, %mul3A_1183 : vector<16xf32>
        %mul3A_1185 = arith.mulf %get3A_1084, %get3A_1084 : vector<16xf32>
        %add3A_1186 = arith.addf %add3A_1184, %mul3A_1185 : vector<16xf32>
        %mul3A_1187 = arith.mulf %get3A_1094, %get3A_1094 : vector<16xf32>
        %add3A_1188 = arith.addf %add3A_1186, %mul3A_1187 : vector<16xf32>
        %mul3A_1189 = arith.mulf %get3A_1104, %get3A_1104 : vector<16xf32>
        %mul3A_1190 = arith.mulf %get3A_1114, %get3A_1114 : vector<16xf32>
        %add3A_1191 = arith.addf %mul3A_1189, %mul3A_1190 : vector<16xf32>
        %mul3A_1192 = arith.mulf %get3A_1124, %get3A_1124 : vector<16xf32>
        %add3A_1193 = arith.addf %add3A_1191, %mul3A_1192 : vector<16xf32>
        %mul3A_1194 = arith.mulf %get3A_1134, %get3A_1134 : vector<16xf32>
        %add3A_1195 = arith.addf %add3A_1193, %mul3A_1194 : vector<16xf32>
        %mul3A_1196 = arith.mulf %get3A_1144, %get3A_1144 : vector<16xf32>
        %mul3A_1197 = arith.mulf %get3A_1154, %get3A_1154 : vector<16xf32>
        %add3A_1198 = arith.addf %mul3A_1196, %mul3A_1197 : vector<16xf32>
        %mul3A_1199 = arith.mulf %get3A_1164, %get3A_1164 : vector<16xf32>
        %add3A_1200 = arith.addf %add3A_1198, %mul3A_1199 : vector<16xf32>
        %mul3A_1201 = arith.mulf %get3A_1174, %get3A_1174 : vector<16xf32>
        %add3A_1202 = arith.addf %add3A_1200, %mul3A_1201 : vector<16xf32>
        %xor3A_1203 = arith.constant 8 : i32
        %xor3A_1204 = vector.broadcast %xor3A_1203 : i32 to vector<16xi32>
        %xor3A_1205 = arith.xori %iota3A_1014, %xor3A_1204 : vector<16xi32>
        %broadcast_in_dim3A_1206 = vector.shape_cast %xor3A_1205 : vector<16xi32> to vector<16x1xi32>
        %gather3A_1207 = vector.shape_cast %broadcast_in_dim3A_1206 : vector<16x1xi32> to vector<16xi32>
        %gather3A_1208 = tpu.dynamic_gather %add3A_1181[%gather3A_1207] in [0] : vector<16xf32>, vector<16xi32> -> vector<16xf32>
        %add3A_1209 = arith.addf %add3A_1181, %gather3A_1208 : vector<16xf32>
        %xor3A_1210 = arith.constant 4 : i32
        %xor3A_1211 = vector.broadcast %xor3A_1210 : i32 to vector<16xi32>
        %xor3A_1212 = arith.xori %iota3A_1014, %xor3A_1211 : vector<16xi32>
        %broadcast_in_dim3A_1213 = vector.shape_cast %xor3A_1212 : vector<16xi32> to vector<16x1xi32>
        %gather3A_1214 = vector.shape_cast %broadcast_in_dim3A_1213 : vector<16x1xi32> to vector<16xi32>
        %gather3A_1215 = tpu.dynamic_gather %add3A_1209[%gather3A_1214] in [0] : vector<16xf32>, vector<16xi32> -> vector<16xf32>
        %add3A_1216 = arith.addf %add3A_1209, %gather3A_1215 : vector<16xf32>
        %xor3A_1217 = arith.constant 8 : i32
        %xor3A_1218 = vector.broadcast %xor3A_1217 : i32 to vector<16xi32>
        %xor3A_1219 = arith.xori %iota3A_1014, %xor3A_1218 : vector<16xi32>
        %broadcast_in_dim3A_1220 = vector.shape_cast %xor3A_1219 : vector<16xi32> to vector<16x1xi32>
        %gather3A_1221 = vector.shape_cast %broadcast_in_dim3A_1220 : vector<16x1xi32> to vector<16xi32>
        %gather3A_1222 = tpu.dynamic_gather %add3A_1188[%gather3A_1221] in [0] : vector<16xf32>, vector<16xi32> -> vector<16xf32>
        %add3A_1223 = arith.addf %add3A_1188, %gather3A_1222 : vector<16xf32>
        %xor3A_1224 = arith.constant 4 : i32
        %xor3A_1225 = vector.broadcast %xor3A_1224 : i32 to vector<16xi32>
        %xor3A_1226 = arith.xori %iota3A_1014, %xor3A_1225 : vector<16xi32>
        %broadcast_in_dim3A_1227 = vector.shape_cast %xor3A_1226 : vector<16xi32> to vector<16x1xi32>
        %gather3A_1228 = vector.shape_cast %broadcast_in_dim3A_1227 : vector<16x1xi32> to vector<16xi32>
        %gather3A_1229 = tpu.dynamic_gather %add3A_1223[%gather3A_1228] in [0] : vector<16xf32>, vector<16xi32> -> vector<16xf32>
        %add3A_1230 = arith.addf %add3A_1223, %gather3A_1229 : vector<16xf32>
        %xor3A_1231 = arith.constant 8 : i32
        %xor3A_1232 = vector.broadcast %xor3A_1231 : i32 to vector<16xi32>
        %xor3A_1233 = arith.xori %iota3A_1014, %xor3A_1232 : vector<16xi32>
        %broadcast_in_dim3A_1234 = vector.shape_cast %xor3A_1233 : vector<16xi32> to vector<16x1xi32>
        %gather3A_1235 = vector.shape_cast %broadcast_in_dim3A_1234 : vector<16x1xi32> to vector<16xi32>
        %gather3A_1236 = tpu.dynamic_gather %add3A_1195[%gather3A_1235] in [0] : vector<16xf32>, vector<16xi32> -> vector<16xf32>
        %add3A_1237 = arith.addf %add3A_1195, %gather3A_1236 : vector<16xf32>
        %xor3A_1238 = arith.constant 4 : i32
        %xor3A_1239 = vector.broadcast %xor3A_1238 : i32 to vector<16xi32>
        %xor3A_1240 = arith.xori %iota3A_1014, %xor3A_1239 : vector<16xi32>
        %broadcast_in_dim3A_1241 = vector.shape_cast %xor3A_1240 : vector<16xi32> to vector<16x1xi32>
        %gather3A_1242 = vector.shape_cast %broadcast_in_dim3A_1241 : vector<16x1xi32> to vector<16xi32>
        %gather3A_1243 = tpu.dynamic_gather %add3A_1237[%gather3A_1242] in [0] : vector<16xf32>, vector<16xi32> -> vector<16xf32>
        %add3A_1244 = arith.addf %add3A_1237, %gather3A_1243 : vector<16xf32>
        %xor3A_1245 = arith.constant 8 : i32
        %xor3A_1246 = vector.broadcast %xor3A_1245 : i32 to vector<16xi32>
        %xor3A_1247 = arith.xori %iota3A_1014, %xor3A_1246 : vector<16xi32>
        %broadcast_in_dim3A_1248 = vector.shape_cast %xor3A_1247 : vector<16xi32> to vector<16x1xi32>
        %gather3A_1249 = vector.shape_cast %broadcast_in_dim3A_1248 : vector<16x1xi32> to vector<16xi32>
        %gather3A_1250 = tpu.dynamic_gather %add3A_1202[%gather3A_1249] in [0] : vector<16xf32>, vector<16xi32> -> vector<16xf32>
        %add3A_1251 = arith.addf %add3A_1202, %gather3A_1250 : vector<16xf32>
        %xor3A_1252 = arith.constant 4 : i32
        %xor3A_1253 = vector.broadcast %xor3A_1252 : i32 to vector<16xi32>
        %xor3A_1254 = arith.xori %iota3A_1014, %xor3A_1253 : vector<16xi32>
        %broadcast_in_dim3A_1255 = vector.shape_cast %xor3A_1254 : vector<16xi32> to vector<16x1xi32>
        %gather3A_1256 = vector.shape_cast %broadcast_in_dim3A_1255 : vector<16x1xi32> to vector<16xi32>
        %gather3A_1257 = tpu.dynamic_gather %add3A_1251[%gather3A_1256] in [0] : vector<16xf32>, vector<16xi32> -> vector<16xf32>
        %add3A_1258 = arith.addf %add3A_1251, %gather3A_1257 : vector<16xf32>
        %shift_right_arithmetic3A_1259 = arith.constant 2 : i32
        %shift_right_arithmetic3A_1260 = vector.broadcast %shift_right_arithmetic3A_1259 : i32 to vector<16xi32>
        %shift_right_arithmetic3A_1261 = arith.shrsi %iota3A_1014, %shift_right_arithmetic3A_1260 : vector<16xi32>
        %eq3A_1262 = arith.constant 1 : i32
        %eq3A_1263 = vector.broadcast %eq3A_1262 : i32 to vector<16xi32>
        %eq3A_1264 = arith.cmpi eq, %shift_right_arithmetic3A_1261, %eq3A_1263 : vector<16xi32>
        %select_n3A_1265 = arith.select %eq3A_1264, %add3A_1230, %add3A_1216 : vector<16xi1>, vector<16xf32>
        %eq3A_1266 = arith.constant 2 : i32
        %eq3A_1267 = vector.broadcast %eq3A_1266 : i32 to vector<16xi32>
        %eq3A_1268 = arith.cmpi eq, %shift_right_arithmetic3A_1261, %eq3A_1267 : vector<16xi32>
        %select_n3A_1269 = arith.select %eq3A_1268, %add3A_1244, %select_n3A_1265 : vector<16xi1>, vector<16xf32>
        %eq3A_1270 = arith.constant 3 : i32
        %eq3A_1271 = vector.broadcast %eq3A_1270 : i32 to vector<16xi32>
        %eq3A_1272 = arith.cmpi eq, %shift_right_arithmetic3A_1261, %eq3A_1271 : vector<16xi32>
        %select_n3A_1273 = arith.select %eq3A_1272, %add3A_1258, %select_n3A_1269 : vector<16xi1>, vector<16xf32>
        %xor3A_1274 = arith.constant 2 : i32
        %xor3A_1275 = vector.broadcast %xor3A_1274 : i32 to vector<16xi32>
        %xor3A_1276 = arith.xori %iota3A_1014, %xor3A_1275 : vector<16xi32>
        %broadcast_in_dim3A_1277 = vector.shape_cast %xor3A_1276 : vector<16xi32> to vector<16x1xi32>
        %gather3A_1278 = vector.shape_cast %broadcast_in_dim3A_1277 : vector<16x1xi32> to vector<16xi32>
        %gather3A_1279 = tpu.dynamic_gather %select_n3A_1273[%gather3A_1278] in [0] : vector<16xf32>, vector<16xi32> -> vector<16xf32>
        %add3A_1280 = arith.addf %select_n3A_1273, %gather3A_1279 : vector<16xf32>
        %xor3A_1281 = arith.constant 1 : i32
        %xor3A_1282 = vector.broadcast %xor3A_1281 : i32 to vector<16xi32>
        %xor3A_1283 = arith.xori %iota3A_1014, %xor3A_1282 : vector<16xi32>
        %broadcast_in_dim3A_1284 = vector.shape_cast %xor3A_1283 : vector<16xi32> to vector<16x1xi32>
        %gather3A_1285 = vector.shape_cast %broadcast_in_dim3A_1284 : vector<16x1xi32> to vector<16xi32>
        %gather3A_1286 = tpu.dynamic_gather %add3A_1280[%gather3A_1285] in [0] : vector<16xf32>, vector<16xi32> -> vector<16xf32>
        %add3A_1287 = arith.addf %add3A_1280, %gather3A_1286 : vector<16xf32>
        %bitcast_convert_type3A_1288 = tpu.bitcast %add3A_1287 : vector<16xf32> -> vector<16xi32>
        %shift_right_arithmetic3A_1289 = arith.constant 1 : i32
        %shift_right_arithmetic3A_1290 = vector.broadcast %shift_right_arithmetic3A_1289 : i32 to vector<16xi32>
        %shift_right_arithmetic3A_1291 = arith.shrsi %bitcast_convert_type3A_1288, %shift_right_arithmetic3A_1290 : vector<16xi32>
        %sub3A_1292 = arith.constant 1597463007 : i32
        %sub3A_1293 = vector.broadcast %sub3A_1292 : i32 to vector<16xi32>
        %sub3A_1294 = arith.subi %sub3A_1293, %shift_right_arithmetic3A_1291 : vector<16xi32>
        %bitcast_convert_type3A_1295 = tpu.bitcast %sub3A_1294 : vector<16xi32> -> vector<16xf32>
        %mul3A_1296 = arith.constant 5.000000e-01 : f32
        %mul3A_1297 = vector.broadcast %mul3A_1296 : f32 to vector<16xf32>
        %mul3A_1298 = arith.mulf %mul3A_1297, %add3A_1287 : vector<16xf32>
        %mul3A_1299 = arith.mulf %mul3A_1298, %bitcast_convert_type3A_1295 : vector<16xf32>
        %mul3A_1300 = arith.mulf %mul3A_1299, %bitcast_convert_type3A_1295 : vector<16xf32>
        %sub3A_1301 = arith.constant 1.500000e+00 : f32
        %sub3A_1302 = vector.broadcast %sub3A_1301 : f32 to vector<16xf32>
        %sub3A_1303 = arith.subf %sub3A_1302, %mul3A_1300 : vector<16xf32>
        %mul3A_1304 = arith.mulf %bitcast_convert_type3A_1295, %sub3A_1303 : vector<16xf32>
        %mul3A_1305 = arith.mulf %mul3A_1298, %mul3A_1304 : vector<16xf32>
        %mul3A_1306 = arith.mulf %mul3A_1305, %mul3A_1304 : vector<16xf32>
        %sub3A_1307 = arith.constant 1.500000e+00 : f32
        %sub3A_1308 = vector.broadcast %sub3A_1307 : f32 to vector<16xf32>
        %sub3A_1309 = arith.subf %sub3A_1308, %mul3A_1306 : vector<16xf32>
        %mul3A_1310 = arith.mulf %mul3A_1304, %sub3A_1309 : vector<16xf32>
        %gt3A_1311 = arith.constant 1.000000e+00 : f32
        %gt3A_1312 = vector.broadcast %gt3A_1311 : f32 to vector<16xf32>
        %gt3A_1313 = arith.cmpf ogt, %add3A_1287, %gt3A_1312 : vector<16xf32>
        %mul3A_1314 = arith.mulf %mul3A_1310, %mul3A_1310 : vector<16xf32>
        %mul3A_1315 = arith.constant 1.000000e-07 : f32
        %mul3A_1316 = vector.broadcast %mul3A_1315 : f32 to vector<16xf32>
        %mul3A_1317 = arith.mulf %mul3A_1316, %mul3A_1314 : vector<16xf32>
        %sub3A_1318 = arith.subf %mul3A_1310, %mul3A_1317 : vector<16xf32>
        %jit3A_1319 = arith.constant 1.000000e+00 : f32
        %broadcast_in_dim3A_1320 = vector.broadcast %jit3A_1319 : f32 to vector<16xf32>
        %select_n3A_1321 = arith.select %gt3A_1313, %sub3A_1318, %broadcast_in_dim3A_1320 : vector<16xi1>, vector<16xf32>
        %broadcast_in_dim3A_1322 = arith.constant 0 : i32
        %broadcast_in_dim3A_1323 = vector.broadcast %broadcast_in_dim3A_1322 : i32 to vector<16xi32>
        %broadcast_in_dim3A_1324 = vector.shape_cast %broadcast_in_dim3A_1323 : vector<16xi32> to vector<16x1xi32>
        %gather3A_1325 = vector.shape_cast %broadcast_in_dim3A_1324 : vector<16x1xi32> to vector<16xi32>
        %gather3A_1326 = tpu.dynamic_gather %select_n3A_1321[%gather3A_1325] in [0] : vector<16xf32>, vector<16xi32> -> vector<16xf32>
        %mul3A_1327 = arith.mulf %get3A_1024, %gather3A_1326 : vector<16xf32>
        %mul3A_1328 = arith.mulf %get3A_1034, %gather3A_1326 : vector<16xf32>
        %mul3A_1329 = arith.mulf %get3A_1044, %gather3A_1326 : vector<16xf32>
        %mul3A_1330 = arith.mulf %get3A_1054, %gather3A_1326 : vector<16xf32>
        %broadcast_in_dim3A_1331 = arith.constant 4 : i32
        %broadcast_in_dim3A_1332 = vector.broadcast %broadcast_in_dim3A_1331 : i32 to vector<16xi32>
        %broadcast_in_dim3A_1333 = vector.shape_cast %broadcast_in_dim3A_1332 : vector<16xi32> to vector<16x1xi32>
        %gather3A_1334 = vector.shape_cast %broadcast_in_dim3A_1333 : vector<16x1xi32> to vector<16xi32>
        %gather3A_1335 = tpu.dynamic_gather %select_n3A_1321[%gather3A_1334] in [0] : vector<16xf32>, vector<16xi32> -> vector<16xf32>
        %mul3A_1336 = arith.mulf %get3A_1064, %gather3A_1335 : vector<16xf32>
        %mul3A_1337 = arith.mulf %get3A_1074, %gather3A_1335 : vector<16xf32>
        %mul3A_1338 = arith.mulf %get3A_1084, %gather3A_1335 : vector<16xf32>
        %mul3A_1339 = arith.mulf %get3A_1094, %gather3A_1335 : vector<16xf32>
        %broadcast_in_dim3A_1340 = arith.constant 8 : i32
        %broadcast_in_dim3A_1341 = vector.broadcast %broadcast_in_dim3A_1340 : i32 to vector<16xi32>
        %broadcast_in_dim3A_1342 = vector.shape_cast %broadcast_in_dim3A_1341 : vector<16xi32> to vector<16x1xi32>
        %gather3A_1343 = vector.shape_cast %broadcast_in_dim3A_1342 : vector<16x1xi32> to vector<16xi32>
        %gather3A_1344 = tpu.dynamic_gather %select_n3A_1321[%gather3A_1343] in [0] : vector<16xf32>, vector<16xi32> -> vector<16xf32>
        %mul3A_1345 = arith.mulf %get3A_1104, %gather3A_1344 : vector<16xf32>
        %mul3A_1346 = arith.mulf %get3A_1114, %gather3A_1344 : vector<16xf32>
        %mul3A_1347 = arith.mulf %get3A_1124, %gather3A_1344 : vector<16xf32>
        %mul3A_1348 = arith.mulf %get3A_1134, %gather3A_1344 : vector<16xf32>
        %broadcast_in_dim3A_1349 = arith.constant 12 : i32
        %broadcast_in_dim3A_1350 = vector.broadcast %broadcast_in_dim3A_1349 : i32 to vector<16xi32>
        %broadcast_in_dim3A_1351 = vector.shape_cast %broadcast_in_dim3A_1350 : vector<16xi32> to vector<16x1xi32>
        %gather3A_1352 = vector.shape_cast %broadcast_in_dim3A_1351 : vector<16x1xi32> to vector<16xi32>
        %gather3A_1353 = tpu.dynamic_gather %select_n3A_1321[%gather3A_1352] in [0] : vector<16xf32>, vector<16xi32> -> vector<16xf32>
        %mul3A_1354 = arith.mulf %get3A_1144, %gather3A_1353 : vector<16xf32>
        %mul3A_1355 = arith.mulf %get3A_1154, %gather3A_1353 : vector<16xf32>
        %mul3A_1356 = arith.mulf %get3A_1164, %gather3A_1353 : vector<16xf32>
        %mul3A_1357 = arith.mulf %get3A_1174, %gather3A_1353 : vector<16xf32>
        %add3A_1358 = arith.addf %mul3A_1327, %mul3A_1336 : vector<16xf32>
        %add3A_1359 = arith.addf %mul3A_1345, %mul3A_1354 : vector<16xf32>
        %add3A_1360 = arith.addf %add3A_1358, %add3A_1359 : vector<16xf32>
        %add3A_1361 = arith.addf %scan3A_1006, %add3A_1360 : vector<16xf32>
        %add3A_1362 = arith.addf %mul3A_1328, %mul3A_1337 : vector<16xf32>
        %add3A_1363 = arith.addf %mul3A_1346, %mul3A_1355 : vector<16xf32>
        %add3A_1364 = arith.addf %add3A_1362, %add3A_1363 : vector<16xf32>
        %add3A_1365 = arith.addf %scan3A_1007, %add3A_1364 : vector<16xf32>
        %add3A_1366 = arith.addf %mul3A_1329, %mul3A_1338 : vector<16xf32>
        %add3A_1367 = arith.addf %mul3A_1347, %mul3A_1356 : vector<16xf32>
        %add3A_1368 = arith.addf %add3A_1366, %add3A_1367 : vector<16xf32>
        %add3A_1369 = arith.addf %scan3A_1008, %add3A_1368 : vector<16xf32>
        %add3A_1370 = arith.addf %mul3A_1330, %mul3A_1339 : vector<16xf32>
        %add3A_1371 = arith.addf %mul3A_1348, %mul3A_1357 : vector<16xf32>
        %add3A_1372 = arith.addf %add3A_1370, %add3A_1371 : vector<16xf32>
        %add3A_1373 = arith.addf %scan3A_1009, %add3A_1372 : vector<16xf32>
        scf.yield %add3A_1361, %add3A_1365, %add3A_1369, %add3A_1373 : vector<16xf32>, vector<16xf32>, vector<16xf32>, vector<16xf32>
      }
      %scan3A_976 = arith.constant 95 : i32
      %swap3A_977 = arith.constant 1216 : index
      %swap3A_978 = tpu.vector_load %arg7[%swap3A_977] {strides = array<i32>} : memref<1280xf32, #tpu.memory_space<vmem>>, vector<16xf32>,
      %swap3A_979 = vector.shape_cast %swap3A_978 : vector<16xf32> to vector<16xf32>
      %swap3A_980 = vector.shape_cast %scan3A_975#0 : vector<16xf32> to vector<16xf32>
      tpu.vector_store %arg7[%swap3A_977], %swap3A_980 {strides = array<i32>} : memref<1280xf32, #tpu.memory_space<vmem>>, vector<16xf32>,
      %swap3A_981 = arith.constant 1232 : index
      %swap3A_982 = tpu.vector_load %arg7[%swap3A_981] {strides = array<i32>} : memref<1280xf32, #tpu.memory_space<vmem>>, vector<16xf32>,
      %swap3A_983 = vector.shape_cast %swap3A_982 : vector<16xf32> to vector<16xf32>
      %swap3A_984 = vector.shape_cast %scan3A_975#1 : vector<16xf32> to vector<16xf32>
      tpu.vector_store %arg7[%swap3A_981], %swap3A_984 {strides = array<i32>} : memref<1280xf32, #tpu.memory_space<vmem>>, vector<16xf32>,
      %swap3A_985 = arith.constant 1248 : index
      %swap3A_986 = tpu.vector_load %arg7[%swap3A_985] {strides = array<i32>} : memref<1280xf32, #tpu.memory_space<vmem>>, vector<16xf32>,
      %swap3A_987 = vector.shape_cast %swap3A_986 : vector<16xf32> to vector<16xf32>
      %swap3A_988 = vector.shape_cast %scan3A_975#2 : vector<16xf32> to vector<16xf32>
      tpu.vector_store %arg7[%swap3A_985], %swap3A_988 {strides = array<i32>} : memref<1280xf32, #tpu.memory_space<vmem>>, vector<16xf32>,
      %swap3A_989 = arith.constant 1264 : index
      %swap3A_990 = tpu.vector_load %arg7[%swap3A_989] {strides = array<i32>} : memref<1280xf32, #tpu.memory_space<vmem>>, vector<16xf32>,
      %swap3A_991 = vector.shape_cast %swap3A_990 : vector<16xf32> to vector<16xf32>
      %swap3A_992 = vector.shape_cast %scan3A_975#3 : vector<16xf32> to vector<16xf32>
      tpu.vector_store %arg7[%swap3A_989], %swap3A_992 {strides = array<i32>} : memref<1280xf32, #tpu.memory_space<vmem>>, vector<16xf32>,
      %add3A_993 = arith.addi %mul3A_2, %add3A_555 : i32
      %mul3A_994 = arith.constant 20 : i32
      %mul3A_995 = arith.muli %add3A_993, %mul3A_994 : i32
      %mul3A_996 = arith.constant 64 : i32
      %mul3A_997 = arith.muli %mul3A_995, %mul3A_996 : i32
      "tpu.region"() ({
        %run_scoped3A = tpu.sem_alloc : memref<!tpu.dma_semaphore, #tpu.memory_space<semaphore_mem>>
        %dma_start3A_1005 = tpu.memref_slice %arg4[%mul3A_997] : memref<1310720xf32, #tpu.memory_space<hbm>> -> memref<1280xf32, #tpu.memory_space<hbm>>
        %dma_start3A_1006 = tpu.memref_slice %arg4[%mul3A_997] : memref<1310720xf32, #tpu.memory_space<hbm>> -> memref<1280xf32, #tpu.memory_space<hbm>>
        tpu.enqueue_dma source(%arg7 : memref<1280xf32, #tpu.memory_space<vmem>>) target(%dma_start3A_1006 : memref<1280xf32, #tpu.memory_space<hbm>>) target_semaphore(%run_scoped3A : memref<!tpu.dma_semaphore, #tpu.memory_space<semaphore_mem>>)
        %dma_wait3A_1007 = tpu.memref_slice %arg4[%mul3A_997] : memref<1310720xf32, #tpu.memory_space<hbm>> -> memref<1280xf32, #tpu.memory_space<hbm>>
        %dma_wait3A_1008 = tpu.memref_slice %arg4[%mul3A_997] : memref<1310720xf32, #tpu.memory_space<hbm>> -> memref<1280xf32, #tpu.memory_space<hbm>>
        tpu.wait_dma2 semaphore(%run_scoped3A : memref<!tpu.dma_semaphore, #tpu.memory_space<semaphore_mem>>) src(%arg7 : memref<1280xf32, #tpu.memory_space<vmem>>) dst(%dma_wait3A_1008 : memref<1280xf32, #tpu.memory_space<hbm>>)
        tpu.yield
      }) : () -> ()
      %add3A_998 = arith.constant 2 : i32
      %add3A_999 = arith.addi %add3A_555, %add3A_998 : i32
      %lt3A_1000 = arith.constant 32 : i32
      %lt3A_1001 = arith.cmpi slt, %add3A_999, %lt3A_1000 : i32
      %convert_element_type3A_1002 = arith.extui %lt3A_1001 : i1 to i32
      %cond3A_1003 = arith.constant 0 : i32
      %cond3A_1004 = arith.cmpi ne, %convert_element_type3A_1002, %cond3A_1003 : i32
      scf.if %cond3A_1004 {
        %add3A_1005 = arith.constant 2 : i32
        %add3A_1006 = arith.addi %add3A_555, %add3A_1005 : i32
        %mul3A_1007 = arith.constant 400 : i32
        %mul3A_1008 = arith.muli %add3A_1006, %mul3A_1007 : i32
        %add3A_1009 = arith.constant 0 : i32
        %add3A_1010 = arith.addi %mul3A_1008, %add3A_1009 : i32
        %dma_start3A_1011 = arith.constant 1 : i32
        %dma_start3A_1012 = arith.constant 0 : i32
        %dma_start3A_1013 = arith.constant 0 : i32
        %dma_start3A_1014 = tpu.memref_slice %arg6[%dma_start3A_1011, %dma_start3A_1012, %dma_start3A_1013] : memref<2x400x64xf32, #tpu.memory_space<vmem>> -> memref<1x80x64xf32, #tpu.memory_space<vmem>>
        %dma_start3A_1015 = tpu.memref_squeeze %dma_start3A_1014 : memref<1x80x64xf32, #tpu.memory_space<vmem>> -> memref<80x64xf32, #tpu.memory_space<vmem>>
        %dma_start3A_1016 = tpu.memref_slice %arg5[%add3A_1010] : memref<12800xi32, #tpu.memory_space<vmem>> -> memref<80xi32, #tpu.memory_space<vmem>>
        %dma_start3A_1017 = arith.constant 0 : i32
        %dma_start3A_1018 = arith.constant 0 : i32
        %dma_start3A_1019 = tpu.memref_slice %arg3[%dma_start3A_1017, %dma_start3A_1018] : memref<100352x64xf32, #tpu.memory_space<hbm>> -> memref<100352x64xf32, #tpu.memory_space<hbm>>
        tpu.enqueue_indirect_dma source(%dma_start3A_1019 : memref<100352x64xf32, #tpu.memory_space<hbm>>) target(%dma_start3A_1015 : memref<80x64xf32, #tpu.memory_space<vmem>>) offsets(%dma_start3A_1016 : memref<80xi32, #tpu.memory_space<vmem>>) semaphore(%arg9 : memref<!tpu.dma_semaphore, #tpu.memory_space<semaphore_mem>>)
        %mul3A_1020 = arith.constant 400 : i32
        %mul3A_1021 = arith.muli %add3A_1006, %mul3A_1020 : i32
        %add3A_1022 = arith.constant 80 : i32
        %add3A_1023 = arith.addi %mul3A_1021, %add3A_1022 : i32
        %dma_start3A_1024 = arith.constant 1 : i32
        %dma_start3A_1025 = arith.constant 80 : i32
        %dma_start3A_1026 = arith.constant 0 : i32
        %dma_start3A_1027 = tpu.memref_slice %arg6[%dma_start3A_1024, %dma_start3A_1025, %dma_start3A_1026] : memref<2x400x64xf32, #tpu.memory_space<vmem>> -> memref<1x80x64xf32, #tpu.memory_space<vmem>>
        %dma_start3A_1028 = tpu.memref_squeeze %dma_start3A_1027 : memref<1x80x64xf32, #tpu.memory_space<vmem>> -> memref<80x64xf32, #tpu.memory_space<vmem>>
        %dma_start3A_1029 = tpu.memref_slice %arg5[%add3A_1023] : memref<12800xi32, #tpu.memory_space<vmem>> -> memref<80xi32, #tpu.memory_space<vmem>>
        %dma_start3A_1030 = arith.constant 0 : i32
        %dma_start3A_1031 = arith.constant 0 : i32
        %dma_start3A_1032 = tpu.memref_slice %arg3[%dma_start3A_1030, %dma_start3A_1031] : memref<100352x64xf32, #tpu.memory_space<hbm>> -> memref<100352x64xf32, #tpu.memory_space<hbm>>
        tpu.enqueue_indirect_dma source(%dma_start3A_1032 : memref<100352x64xf32, #tpu.memory_space<hbm>>) target(%dma_start3A_1028 : memref<80x64xf32, #tpu.memory_space<vmem>>) offsets(%dma_start3A_1029 : memref<80xi32, #tpu.memory_space<vmem>>) semaphore(%arg9 : memref<!tpu.dma_semaphore, #tpu.memory_space<semaphore_mem>>)
        %mul3A_1033 = arith.constant 400 : i32
        %mul3A_1034 = arith.muli %add3A_1006, %mul3A_1033 : i32
        %add3A_1035 = arith.constant 160 : i32
        %add3A_1036 = arith.addi %mul3A_1034, %add3A_1035 : i32
        %dma_start3A_1037 = arith.constant 1 : i32
        %dma_start3A_1038 = arith.constant 160 : i32
        %dma_start3A_1039 = arith.constant 0 : i32
        %dma_start3A_1040 = tpu.memref_slice %arg6[%dma_start3A_1037, %dma_start3A_1038, %dma_start3A_1039] : memref<2x400x64xf32, #tpu.memory_space<vmem>> -> memref<1x80x64xf32, #tpu.memory_space<vmem>>
        %dma_start3A_1041 = tpu.memref_squeeze %dma_start3A_1040 : memref<1x80x64xf32, #tpu.memory_space<vmem>> -> memref<80x64xf32, #tpu.memory_space<vmem>>
        %dma_start3A_1042 = tpu.memref_slice %arg5[%add3A_1036] : memref<12800xi32, #tpu.memory_space<vmem>> -> memref<80xi32, #tpu.memory_space<vmem>>
        %dma_start3A_1043 = arith.constant 0 : i32
        %dma_start3A_1044 = arith.constant 0 : i32
        %dma_start3A_1045 = tpu.memref_slice %arg3[%dma_start3A_1043, %dma_start3A_1044] : memref<100352x64xf32, #tpu.memory_space<hbm>> -> memref<100352x64xf32, #tpu.memory_space<hbm>>
        tpu.enqueue_indirect_dma source(%dma_start3A_1045 : memref<100352x64xf32, #tpu.memory_space<hbm>>) target(%dma_start3A_1041 : memref<80x64xf32, #tpu.memory_space<vmem>>) offsets(%dma_start3A_1042 : memref<80xi32, #tpu.memory_space<vmem>>) semaphore(%arg9 : memref<!tpu.dma_semaphore, #tpu.memory_space<semaphore_mem>>)
        %mul3A_1046 = arith.constant 400 : i32
        %mul3A_1047 = arith.muli %add3A_1006, %mul3A_1046 : i32
        %add3A_1048 = arith.constant 240 : i32
        %add3A_1049 = arith.addi %mul3A_1047, %add3A_1048 : i32
        %dma_start3A_1050 = arith.constant 1 : i32
        %dma_start3A_1051 = arith.constant 240 : i32
        %dma_start3A_1052 = arith.constant 0 : i32
        %dma_start3A_1053 = tpu.memref_slice %arg6[%dma_start3A_1050, %dma_start3A_1051, %dma_start3A_1052] : memref<2x400x64xf32, #tpu.memory_space<vmem>> -> memref<1x80x64xf32, #tpu.memory_space<vmem>>
        %dma_start3A_1054 = tpu.memref_squeeze %dma_start3A_1053 : memref<1x80x64xf32, #tpu.memory_space<vmem>> -> memref<80x64xf32, #tpu.memory_space<vmem>>
        %dma_start3A_1055 = tpu.memref_slice %arg5[%add3A_1049] : memref<12800xi32, #tpu.memory_space<vmem>> -> memref<80xi32, #tpu.memory_space<vmem>>
        %dma_start3A_1056 = arith.constant 0 : i32
        %dma_start3A_1057 = arith.constant 0 : i32
        %dma_start3A_1058 = tpu.memref_slice %arg3[%dma_start3A_1056, %dma_start3A_1057] : memref<100352x64xf32, #tpu.memory_space<hbm>> -> memref<100352x64xf32, #tpu.memory_space<hbm>>
        tpu.enqueue_indirect_dma source(%dma_start3A_1058 : memref<100352x64xf32, #tpu.memory_space<hbm>>) target(%dma_start3A_1054 : memref<80x64xf32, #tpu.memory_space<vmem>>) offsets(%dma_start3A_1055 : memref<80xi32, #tpu.memory_space<vmem>>) semaphore(%arg9 : memref<!tpu.dma_semaphore, #tpu.memory_space<semaphore_mem>>)
        %mul3A_1059 = arith.constant 400 : i32
        %mul3A_1060 = arith.muli %add3A_1006, %mul3A_1059 : i32
        %add3A_1061 = arith.constant 320 : i32
        %add3A_1062 = arith.addi %mul3A_1060, %add3A_1061 : i32
        %dma_start3A_1063 = arith.constant 1 : i32
        %dma_start3A_1064 = arith.constant 320 : i32
        %dma_start3A_1065 = arith.constant 0 : i32
        %dma_start3A_1066 = tpu.memref_slice %arg6[%dma_start3A_1063, %dma_start3A_1064, %dma_start3A_1065] : memref<2x400x64xf32, #tpu.memory_space<vmem>> -> memref<1x80x64xf32, #tpu.memory_space<vmem>>
        %dma_start3A_1067 = tpu.memref_squeeze %dma_start3A_1066 : memref<1x80x64xf32, #tpu.memory_space<vmem>> -> memref<80x64xf32, #tpu.memory_space<vmem>>
        %dma_start3A_1068 = tpu.memref_slice %arg5[%add3A_1062] : memref<12800xi32, #tpu.memory_space<vmem>> -> memref<80xi32, #tpu.memory_space<vmem>>
        %dma_start3A_1069 = arith.constant 0 : i32
        %dma_start3A_1070 = arith.constant 0 : i32
        %dma_start3A_1071 = tpu.memref_slice %arg3[%dma_start3A_1069, %dma_start3A_1070] : memref<100352x64xf32, #tpu.memory_space<hbm>> -> memref<100352x64xf32, #tpu.memory_space<hbm>>
        tpu.enqueue_indirect_dma source(%dma_start3A_1071 : memref<100352x64xf32, #tpu.memory_space<hbm>>) target(%dma_start3A_1067 : memref<80x64xf32, #tpu.memory_space<vmem>>) offsets(%dma_start3A_1068 : memref<80xi32, #tpu.memory_space<vmem>>) semaphore(%arg9 : memref<!tpu.dma_semaphore, #tpu.memory_space<semaphore_mem>>)
      } else {
      }
    }
    %scan3A_114 = arith.constant 16 : i32
    return
  }
}

module attributes {stable_mosaic.version = 14 : i64} {
  func.func @_pack_body(%arg0: i32, %arg1: memref<64x512xf32, #tpu.memory_space<vmem>>, %arg2: memref<64x512xf32, #tpu.memory_space<vmem>>, %arg3: memref<512x128xf32, #tpu.memory_space<vmem>>) attributes {dimension_semantics = [#tpu.dimension_semantics<arbitrary>], iteration_bounds = array<i64: 98>, scalar_prefetch = 0 : i64, scratch_operands = 0 : i64, tpu.core_type = #tpu.core_type<tc>, window_params = [{transform_indices = @transform_0, window_bounds = array<i64: 64, 512>}, {transform_indices = @transform_1, window_bounds = array<i64: 64, 512>}, {transform_indices = @transform_2, window_bounds = array<i64: 512, 128>}]} {
    %iota3A = tpu.iota {dimensions = array<i32: 0>} : vector<64x64xi32>
    %iota3A_0 = tpu.iota {dimensions = array<i32: 1>} : vector<64x64xi32>
    %add3A = arith.constant 0 : i32
    %add3A_1 = vector.broadcast %add3A : i32 to vector<64x64xi32>
    %add3A_2 = arith.addi %iota3A, %add3A_1 : vector<64x64xi32>
    %eq3A = arith.cmpi eq, %add3A_2, %iota3A_0 : vector<64x64xi32>
    %convert_element_type3A = arith.extui %eq3A : vector<64x64xi1> to vector<64x64xi32>
    %convert_element_type3A_3 = arith.sitofp %convert_element_type3A : vector<64x64xi32> to vector<64x64xf32>
    %get3A = arith.constant 0 : index
    %get3A_4 = arith.constant 0 : index
    %get3A_5 = vector.load %arg1[%get3A, %get3A_4] : memref<64x512xf32, #tpu.memory_space<vmem>>, vector<64x512xf32>
    %dot_general3A = arith.constant dense<0.000000e+00> : vector<512x64xf32>
    %dot_general3A_6 = tpu.matmul %get3A_5, %convert_element_type3A_3, %dot_general3A {dimension_numbers = #tpu.dot_dimension_numbers<[0], [0], [1], [1], [0, 1, 1, 1], [], []>, transpose_lhs_hint = false} : vector<64x512xf32>, vector<64x64xf32>, vector<512x64xf32> -> vector<512x64xf32>
    %get3A_7 = arith.constant 0 : index
    %get3A_8 = arith.constant 0 : index
    %get3A_9 = vector.load %arg2[%get3A_7, %get3A_8] : memref<64x512xf32, #tpu.memory_space<vmem>>, vector<64x512xf32>
    %dot_general3A_10 = arith.constant dense<0.000000e+00> : vector<512x64xf32>
    %dot_general3A_11 = tpu.matmul %get3A_9, %convert_element_type3A_3, %dot_general3A_10 {dimension_numbers = #tpu.dot_dimension_numbers<[0], [0], [1], [1], [0, 1, 1, 1], [], []>, transpose_lhs_hint = false} : vector<64x512xf32>, vector<64x64xf32>, vector<512x64xf32> -> vector<512x64xf32>
    %concatenate3A = tpu.concatenate %dot_general3A_6, %dot_general3A_11 in 1 : vector<512x64xf32>, vector<512x64xf32> -> vector<512x128xf32>
    %swap3A = arith.constant 0 : index
    %swap3A_12 = arith.constant 0 : index
    %swap3A_13 = vector.load %arg3[%swap3A, %swap3A_12] : memref<512x128xf32, #tpu.memory_space<vmem>>, vector<512x128xf32>
    tpu.vector_store %arg3[%swap3A, %swap3A_12], %concatenate3A {strides = array<i32>} : memref<512x128xf32, #tpu.memory_space<vmem>>, vector<512x128xf32>,
    return
  }
  func.func @transform_0(%arg0: i32) -> (i32, i32) {
    %c0_i32 = arith.constant 0 : i32
    %c0_i32_0 = arith.constant 0 : i32
    return %c0_i32, %arg0 : i32, i32
  }
  func.func @transform_1(%arg0: i32) -> (i32, i32) {
    %add3A = arith.constant 98 : i32
    %add3A_0 = arith.addi %arg0, %add3A : i32
    %c0_i32 = arith.constant 0 : i32
    %c0_i32_1 = arith.constant 0 : i32
    return %c0_i32, %add3A_0 : i32, i32
  }
  func.func @transform_2(%arg0: i32) -> (i32, i32) {
    %c0_i32 = arith.constant 0 : i32
    %c0_i32_0 = arith.constant 0 : i32
    return %arg0, %c0_i32 : i32, i32
  }
}

</mosaic_0001>

<sc_bundles>
// kernel: kernel.4.cloned.1.call-start
scs
__scs_entry_jumppad:
0x0: {  	(pc) =	sbr.rel $0x88, $3  }
0x1: {  	(tag) =	ssettag $0x0;
	lr =	simm.s32 $0x1  }
0x2: {  	[smem:$0x3F9F] =	sst lr;
	_ =	strace $0xD0000000  }
0x3: {  	_ = 	snop  }
0x4: {  	_ = 	snop  }
0x5: {  	_ = 	snop  }
0x6: {  	_ = 	snop  }
0x7: {  	_ = 	snop  }
__scs_overlays_trampoline_lowered:
0x8: {  	[smem:$0x3FAE] =	sst s0  }
0x9: {  	[smem:$0x3FAF] =	sst s1  }
0xa: {  	[smem:$0x3FB0] =	sst s2  }
0xb: {  	[smem:$0x3FB1] =	sst s3  }
0xc: {  	[smem:$0x3FB2] =	sst s4  }
0xd: {  	[smem:$0x3FB3] =	sst s5  }
0xe: {  	[smem:$0x3FB4] =	sst s6  }
0xf: {  	[smem:$0x3FB5] =	sst s7  }
0x10: {  	[smem:$0x3FB6] =	sst s8  }
0x11: {  	[smem:$0x3FB7] =	sst s9;
	s0 =	simm.s32 @!p0 $0x0  }
0x12: {  	s1 =	sld [smem:$0x3F9D];
	s0 =	simm.s32 @p0 $0x1  }
0x13: {  	[smem:$0x3FB8] =	sst s0;
	s0 =	simm.s32 @!p1 $0x0  }
0x14: {  	s2 =	sld [smem:$0x3F9C];
	s0 =	simm.s32 @p1 $0x1  }
0x15: {  	[smem:$0x3FB9] =	sst s0;
	s0 =	simm.s32 @!p2 $0x0  }
0x16: {  	s3 =	sld [smem:$0x3FDB];
	s0 =	simm.s32 @p2 $0x1  }
0x17: {  	s4 =	simm.s32 $0x1BF5;
	[smem:$0x3FBB] =	sst s0  }
0x18: {  	s0 =	sld [smem:$0x3F9E];
	_ =	swait.ge [sflag:s4], $0x0  }
0x19: {  	s7 =	sld [smem:$0x3F9F]  }
0x1a: {  	s8 =	sadd.s32 $0xFFFFE003, lr  }
0x1b: {  	s9 =	sadd.s32 $0xFFFFFEF7, lr;
	s5 =	simm.s32 $0xFFFFFFFF;
	p2 =	slt.u32 s8, $0xFFFFF086  }
0x1c: {  	p1 =	slt.u32 s9, $0xF7A;
	s5 =	simm.s32 @!p2 $0x0  }
0x1d: {  	s5 =	simm.s32 @p1 $0x1;
	p0 =	seq.s32 s7, s2  }
0x1e: {  	s7 =	smul.u32 @!p0 $0xF7A, s2;
	p2 =	seq.s32 @!p0 s5, $0x0  }
0x1f: {  	s9 =	smul.u32 $0xF7A, s1;
	s8 =	simm.s32 @!p0 $0x1BF5;
	p2 =	por !p2, p0  }
0x20: {  	[sflag:s8] =	ssyncset.s32 @!p0 $0xFFFFF086;
	s6 =	sadd.s32 @!p0 s3, s7;
	s7 =	simm.s32 @!p0 $0x108  }
0x21: {  	s3 =	sadd.s32 s3, s9;
	s6 =	sadd.s32 @!p0 $0x88, s6;
	s7 =	simm.s32 @p2 $0x1082  }
0x22: {  	[simem:s7], [sflag:s8] =	dma.local @!p0 [hbm:s6], $0xF7A  }
0x23: {  	s9 =	sor.u32 $0xD0000000, s2;
	s6 =	simm.s32 $0x108;
	_ =	swait.ge @!p0 [sflag:s8], $0x0  }
0x24: {  	s3 =	sadd.s32 $0x88, s3;
	s6 =	simm.s32 @!p1 $0x1082;
	[sflag:s4] =	ssyncset.s32 $0xFFFFF086  }
0x25: {  	[simem:s6], [sflag:s4] =	dma.local [hbm:s3], $0xF7A  }
0x26: {  	[smem:$0x3F9F] =	sst s1;
	(tag) =	ssettag s2;
	_ =	strace s9  }
0x27: {  	s1 =	sld [smem:$0x3FAF]  }
0x28: {  	s2 =	sld [smem:$0x3FB0]  }
0x29: {  	s4 =	sld [smem:$0x3FB2]  }
0x2a: {  	p0 =	seq.s32 s5, $0x0;
	s5 =	sld [smem:$0x3FB3]  }
0x2b: {  	s6 =	sld [smem:$0x3FB4]  }
0x2c: {  	s7 =	sld [smem:$0x3FB5]  }
0x2d: {  	s3 =	simm.s32 $0x108;
	s8 =	sld [smem:$0x3FB6]  }
0x2e: {  	s3 =	simm.s32 @!p0 $0x1082;
	s9 =	sld [smem:$0x3FB7]  }
0x2f: {  	lr =	sadd.s32 s0, s3;
	s0 =	sld [smem:$0x3FAE]  }
0x30: {  	s3 =	sld [smem:$0x3FB1]  }
0x31: {  	[smem:$0x3FBA] =	sst s10  }
0x32: {  	s10 =	sld [smem:$0x3FB8];
	_ =	sdelay $0x3  }
0x33: {  	p0 =	seq.s32 s10, $0x1;
	s10 =	sld [smem:$0x3FBA];
	_ =	sdelay $0x3  }
0x34: {  	[smem:$0x3FBA] =	sst s10  }
0x35: {  	s10 =	sld [smem:$0x3FB9];
	_ =	sdelay $0x3  }
0x36: {  	p1 =	seq.s32 s10, $0x1;
	s10 =	sld [smem:$0x3FBA];
	_ =	sdelay $0x3  }
0x37: {  	[smem:$0x3FBA] =	sst s10  }
0x38: {  	s10 =	sld [smem:$0x3FBB]  }
0x39: {  	_ = 	snop;
	(pc) =	sbr.ind lr, $3  }
0x3a: {  	_ = 	snop  }
0x3b: {  	_ = 	snop  }
0x3c: {  	p2 =	seq.s32 s10, $0x1;
	s10 =	sld [smem:$0x3FBA]  }
0x3d: {  	_ =	shalt  }
0x3e: {  	_ =	shalt  }
0x3f: {  	_ =	shalt  }
0x40: {  	_ =	shalt  }
0x41: {  	_ =	shalt  }
0x42: {  	_ =	shalt  }
0x43: {  	_ =	shalt  }
0x44: {  	_ =	shalt  }
0x45: {  	_ =	shalt  }
0x46: {  	_ =	shalt  }
0x47: {  	_ =	shalt  }
0x48: {  	_ =	shalt  }
0x49: {  	_ =	shalt  }
0x4a: {  	_ =	shalt  }
0x4b: {  	_ =	shalt  }
0x4c: {  	_ =	shalt  }
0x4d: {  	_ =	shalt  }
0x4e: {  	_ =	shalt  }
0x4f: {  	_ =	shalt  }
0x50: {  	_ =	shalt  }
0x51: {  	_ =	shalt  }
0x52: {  	_ =	shalt  }
0x53: {  	_ =	shalt  }
0x54: {  	_ =	shalt  }
0x55: {  	_ =	shalt  }
0x56: {  	_ =	shalt  }
0x57: {  	_ =	shalt  }
0x58: {  	_ =	shalt  }
0x59: {  	_ =	shalt  }
0x5a: {  	_ =	shalt  }
0x5b: {  	_ =	shalt  }
0x5c: {  	_ =	shalt  }
0x5d: {  	_ =	shalt  }
0x5e: {  	_ =	shalt  }
0x5f: {  	_ =	shalt  }
0x60: {  	_ =	shalt  }
0x61: {  	_ =	shalt  }
0x62: {  	_ =	shalt  }
0x63: {  	_ =	shalt  }
0x64: {  	_ =	shalt  }
0x65: {  	_ =	shalt  }
0x66: {  	_ =	shalt  }
0x67: {  	_ =	shalt  }
0x68: {  	_ =	shalt  }
0x69: {  	_ =	shalt  }
0x6a: {  	_ =	shalt  }
0x6b: {  	_ =	shalt  }
0x6c: {  	_ =	shalt  }
0x6d: {  	_ =	shalt  }
0x6e: {  	_ =	shalt  }
0x6f: {  	_ =	shalt  }
0x70: {  	_ =	shalt  }
0x71: {  	_ =	shalt  }
0x72: {  	_ =	shalt  }
0x73: {  	_ =	shalt  }
0x74: {  	_ =	shalt  }
0x75: {  	_ =	shalt  }
0x76: {  	_ =	shalt  }
0x77: {  	_ =	shalt  }
0x78: {  	_ =	shalt  }
0x79: {  	_ =	shalt  }
0x7a: {  	_ =	shalt  }
0x7b: {  	_ =	shalt  }
0x7c: {  	_ =	shalt  }
0x7d: {  	_ =	shalt  }
0x7e: {  	_ =	shalt  }
0x7f: {  	_ =	shalt  }
0x80: {  	_ =	shalt  }
0x81: {  	_ =	shalt  }
0x82: {  	_ =	shalt  }
0x83: {  	_ =	shalt  }
0x84: {  	_ =	shalt  }
0x85: {  	_ =	shalt  }
0x86: {  	_ =	shalt  }
0x87: {  	_ =	shalt  }
.Lfunc_end0:
.L_simem_size_0:
called_computation_lowered:
.L_overlay_start_0:
0x88: {  	s2 =	sld [smem:$0x3FD9]  }
0x89: {  	s3 =	sld [smem:$0x3FFE];
	_ =	sdelay $0x1  }
0x8a: {  	s1 =	srdreg.scid  }
0x8b: {  	s0 =	sand.u32 $0x1, s1  }
0x8c: {  	s17 =	sshll.u32 s0, $0xA;
	s2 =	sadd.s32 s3, s2  }
0x8d: {  	s2 =	sadd.s32 s2, s17  }
0x8e: {  	[smem:$0x3FC6] =	sst s2  }
0x8f: {  	_ = 	snop  }
0x90: {  	s2 =	sld [smem:$0x3FD0];
	(tm) =	ssettm $0x1  }
0x91: {  	s18 =	sld [smem:$0x3FFB];
	_ =	sdelay $0x3  }
0x92: {  	_ =	strace s18  }
0x93: {  	s3 =	sld [smem:$0x3FFC];
	_ =	sdelay $0x3  }
0x94: {  	_ =	strace s3  }
0x95: {  	s3 =	sld [smem:$0x3FFD];
	_ =	sdelay $0x3  }
0x96: {  	_ =	strace s3  }
0x97: {  	_ =	strace $0x8FFFFFFF  }
0x98: {  	s19 =	sld [smem:$0x3FDB];
	_ =	sdelay $0x1  }
0x99: {  	s4 =	simm.s32 $_scs_section_size  }
0x9a: {  	s5 =	simm.s32 $_size__tile_overlayer_lowered;
	s6 =	simm.s32 $_tile_overlayer_lowered  }
0x9b: {  	s22 =	simm.s32 $0x1BFF;
	s21 =	sshll.u32 s6, $0x1;
	s3 =	sadd.s32 s4, s19  }
0x9c: {  	s7 =	simm.s32 $0x0;
	s20 =	sshll.u32 s5, $0x1;
	s5 =	sadd.s32 s21, s3  }
0x9d: {  	[timem:s7], [sflag:s22] =	dma.local [hbm:s5], s20  }
0x9e: {  	_ =	swait.ge [sflag:s22], s20  }
0x9f: {  	s4 =	ssub.s32 $0x0, s20;
	[sflag:s22] =	ssyncset.done $0x0  }
0xa0: {  	[sflag:s22] =	ssyncadd.s32 s4;
	_ =	sdelay $0x1  }
0xa1: {  	s23 =	simm.s32 $0x1B8B  }
0xa2: {  	_ =	swait.ge [sflag:s23], $0x1  }
0xa3: {  	[sflag:s23] =	ssyncset.done $0x0  }
0xa4: {  	s25 =	simm.s32 $0x1B8E;
	s24 =	sld [smem:$0x3FFE];
	[sflag:s23] =	ssyncadd.s32 $0xFFFFFFFF  }
0xa5: {  	s26 =	simm.s32 $execute0_lowered;
	[smem:$0x3FD2] =	sst s25  }
0xa6: {  	s5 =	sshll.u32 s26, $0x1;
	_ =	strace $0x80000046;
	[dreg:$0x1] =	wrdreg $0xFFFFFFFF  }
0xa7: {  	s28 =	simm.s32 $_size_execute0_lowered;
	s3 =	sadd.s32 s3, s5;
	[dreg:$0x0] =	wrdreg $0x0  }
0xa8: {  	s5 =	sshll.u32 s28, $0x1;
	[dreg:$0x2] =	wrdreg s3  }
0xa9: {  	[dreg:$0x3] =	wrdreg s5  }
0xaa: {  	[dreg:$0x4] =	wrdreg $0xC0  }
0xab: {  	_ =	task [dreg:s7], $0x5FFFF  }
0xac: {  	[dreg:$0x1] =	wrdreg $0xFFFFFFFF  }
0xad: {  	[dreg:$0x0] =	wrdreg $0x60  }
0xae: {  	[dreg:$0x2] =	wrdreg s24  }
0xaf: {  	[dreg:$0x3] =	wrdreg s2  }
0xb0: {  	[dreg:$0x4] =	wrdreg $0x9  }
0xb1: {  	_ =	task.clear_ibuf [dreg:s7], $0x5FFFF;
	_ =	strace $0x90000046  }
0xb2: {  	s29 =	simm.s32 $0x9;
	_ =	strace $0x80000048  }
0xb3: {  	_ =	swait.ge [sflag:s29], $0x1  }
0xb4: {  	[sflag:s29] =	ssyncadd.s32 $0xFFFFFFFF  }
0xb5: {  	_ =	strace $0x90000048  }
0xb6: {  	_ =	sfence  }
0xb7: {  	s30 =	sld [smem:$0x0];
	_ =	sdelay $0x2  }
0xb8: {  	s31 =	sshll.u32 s1, $0xD;
	s1 =	sshrl.u32 s1, $0x2  }
0xb9: {  	s3 =	sand.u32 $0x4000, s31;
	s1 =	sadd.s32 s1, s30  }
0xba: {  	s0 =	sor.u32 s3, s0;
	s1 =	sshll.u32 s1, $0x11  }
0xbb: {  	s0 =	sor.u32 s1, s0  }
0xbc: {  	s0 =	sadd.s32 $0x8F2B, s0  }
0xbd: {  	[sflag:s0] =	ssyncadd.remote.s32 $0x1  }
0xbe: {  	_ =	sfence.sel $0xFFFF  }
0xbf: {  	[dreg:$0x0] =	wrdreg $0xFFFFFFFF;
	(pc) =	sbr.abs _section_cstart, $3  }
0xc0: {  	[dreg:$0x1] =	wrdreg $0xFFFFFFFF  }
0xc1: {  	_ =	task.clear_ibuf [dreg:s7], $0x2FFFF;
	_ =	strace $0x9FFFFFFF  }
0xc2: {  	(tm) =	ssettm $0x7FFFFFFF  }
0xc3: {  	_ =	shalt  }
tec
execute0_lowered:
.L_overlay_start_1:
0x0: {  	(tag) =	ssettag $0x1  }
0x1: {  	v0 =	vimm.s32 $0xFEDCBA98  }
0x2: {  	s0 =	rddreg [dreg:$0x0];
	v1 =	vimm.s32 $0x76543210;
	v2 =	vimm.s32 $0xBA98FEDC;
	v3 =	vimm.s32 $0x32107654  }
0x3: {  	s1 =	srdreg.scid;
	s3 =	stileid.u32;
	v4 =	vimm.s32 $0x54761032;
	v5 =	vimm.s32 $0xEFCDAB89;
	v0 =	vunpack.c.l.s4.s8 v0  }
0x4: {  	s2 =	rddreg [dreg:$0x1];
	s13 =	simm.s32 $0x3;
	v6 =	vimm.s32 $0x67452301;
	s15 =	simm.s32 $0x6E00;
	v1 =	vunpack.c.l.s4.s8 v1;
	v2 =	vunpack.c.l.s4.s8 v2  }
0x5: {  	s16 =	simm.s32 $0x140;
	s17 =	simm.s32 $0x8200;
	s18 =	simm.s32 $0x190;
	v3 =	vunpack.c.l.s4.s8 v3;
	v5 =	vunpack.c.l.s4.s8 v5;
	v0 =	vunpack.c.0.s8.s32 v0  }
0x6: {  	s19 =	simm.s32 $0x9600;
	s20 =	simm.s32 $0x1E0;
	s21 =	simm.s32 $0xAA00;
	v6 =	vunpack.c.l.s4.s8 v6;
	v1 =	vunpack.c.0.s8.s32 v1;
	v2 =	vunpack.c.0.s8.s32 v2  }
0x7: {  	s22 =	simm.s32 $0x230;
	s23 =	simm.s32 $0xBE00;
	s24 =	simm.s32 $0x280;
	v3 =	vunpack.c.0.s8.s32 v3;
	v62 =	vunpack.c.0.s8.s32 v5;
	v0 =	vand.u32 $0xF, v0  }
0x8: {  	s25 =	simm.s32 $0xD200;
	s28 =	simm.s32 $0xE600;
	s29 =	simm.s32 $0x1;
	v63 =	vunpack.c.0.s8.s32 v6;
	v0 =	vcombine.low v0, v1;
	v1 =	vimm.s32 $0xDCFE98BA  }
0x9: {  	s30 =	simm.s32 $0xFA00;
	s1 =	sand.u32 $0x1, s1;
	s4 =	sshll.u32 s3, $0x1;
	v4 =	vunpack.c.l.s4.s8 v4;
	v1 =	vunpack.c.l.s4.s8 v1  }
0xa: {  	s31 =	simm.s32 $0x2;
	s3 =	simm.s32 $0x0;
	s7 =	sor.u32 s1, s4;
	v2 =	vcombine.low v3, v2;
	v59 =	vcombine.low v63, v62  }
.Ltmp0:
0xb: {  	[smem:$0x7FF] =	sst s3;
	s1 =	ssub.s32 $0x2, s1;
	v3 =	vunpack.c.0.s8.s32 v4;
	v1 =	vunpack.c.0.s8.s32 v1;
	(pc) =	sbr.rel .LBB2_1-.Ltmp0, $4  }
0xc: {  	s4 =	smul.u32 $0x640, s7;
	_ =	strace $0x80000047;
	s5 =	sshrl.u32 s1, $0x1;
	v2 =	vand.u32 $0xF, v2;
	[tilespmem:$0x1FFC0] =	vst v59  }
0xd: {  	v56 =	vimm.s32 $0x0;
	s11 =	sshll.u32 s7, $0x5;
	s26 =	ssub.s32 s1, s5;
	s1 =	simm.s32 $0x0;
	[tilespmem:$0x1FFD0] =	vst v2;
	v58 =	vcombine.low v3, v1  }
0xe: {  	vm0 =	vmmov $0xf;
	vm1 =	vmmov $0xff;
	vm2 =	vmmov $0xfff;
	s6 =	sadd.s32 s4, s0;
	s4 =	sadd.s32 $0xCC00, s0;
	s12 =	smax.u32 s26, $0x1;
	[tilespmem:$0x1FFF0] =	vst v0  }
0xf: {  	v57 =	vimm.s32 $0x4;
	v60 =	vimm.s32 $0x8;
	v61 =	vimm.s32 $0xC;
	s26 =	simm.s32 $0x2D0;
	s5 =	sadd.s32 $0x400, s6;
	s6 =	simm.s32 $0x50;
	[tilespmem:$0x1FFE0] =	vst v58  }
.LBB2_14:
0x10: {  	s1 =	sadd.s32 $0x1, s1  }
0x11: {  	p0 =	sne.s32 s1, s12  }
.Ltmp1:
0x12: {  	_ = 	snop;
	(pc) =	sbr.rel @!p0 .LBB2_15-.Ltmp1, $1  }
0x13: {  	_ =	sdelay $0x3  }
.LBB2_1:
0x14: {  	[tilespmem:s3], [sflag:$0x3] =	stream.linear.gather [hbm4b:s5+s3], $0x3200, $0x38;
	[tilespmem:$0xFF00] =	vst v63  }
0x15: {  	_ =	swait.ge [sflag:s13], $0x3200  }
0x16: {  	[sflag:s13] =	ssyncset.done $0x0  }
0x17: {  	s0 =	simm.s32 $0x0;
	s7 =	simm.s32 $0x40;
	[sflag:s13] =	ssyncadd.s32 $0xFFFFCE00  }
.LBB2_2:
0x18: {  	p0 =	sne.s32 s7, $0xC7C0;
	v1 =	vld [tilespmem:s0+$0x0];
	_ =	sdelay $0x3  }
.Ltmp2:
0x19: {  	(pc) =	sbr.rel @p0 .LBB2_2-.Ltmp2, $4  }
0x1a: {  	vm3 =	vgt.s32 v1, $0xC3FF  }
0x1b: {  	v1 =	vshll.u32 v1, $0x1;
	v3 =	vsel vm3, $0xFFFE7801, v56  }
0x1c: {  	v1 =	vadd.s32 v1, v3  }
0x1d: {  	[tilespmem:s0+$0x0] =	vst v1;
	s0 =	sshra.s32 s7, $0x2;
	s7 =	sadd.s32 $0x40, s7  }
0x1e: {  	v1 =	vld [tilespmem:s0+$0x0];
	_ =	sdelay $0x4  }
0x1f: {  	vm3 =	vgt.s32 v1, $0xC3FF  }
0x20: {  	v1 =	vshll.u32 v1, $0x1;
	v3 =	vsel vm3, $0xFFFE7801, v56  }
0x21: {  	v1 =	vadd.s32 v1, v3  }
0x22: {  	s7 =	simm.s32 $0x3200;
	[tilespmem:s0+$0x0] =	vst v1;
	s0 =	simm.s32 $0x0  }
0x23: {  	[tilespmem:s7], [sflag:$0x1] =	stream.indirect.gather [hbm4b:s4+s6], $0x40, s0, s6, $0xb8;
	[tilespmem:$0xFF00] =	vst v63  }
0x24: {  	s9 =	simm.s32 $0x4600  }
0x25: {  	[tilespmem:s9], [sflag:$0x1] =	stream.indirect.gather [hbm4b:s4+s6], $0x40, s6, s6, $0xb8;
	[tilespmem:$0xFF00] =	vst v63  }
0x26: {  	s10 =	simm.s32 $0xA0;
	s8 =	simm.s32 $0x5A00  }
0x27: {  	[tilespmem:s8], [sflag:$0x1] =	stream.indirect.gather [hbm4b:s4+s6], $0x40, s10, s6, $0xb8;
	[tilespmem:$0xFF00] =	vst v63  }
0x28: {  	s14 =	simm.s32 $0xF0  }
0x29: {  	[tilespmem:s15], [sflag:$0x1] =	stream.indirect.gather [hbm4b:s4+s6], $0x40, s14, s6, $0xb8;
	[tilespmem:$0xFF00] =	vst v63  }
0x2a: {  	_ = 	snop  }
0x2b: {  	[tilespmem:s17], [sflag:$0x1] =	stream.indirect.gather [hbm4b:s4+s6], $0x40, s16, s6, $0xb8;
	[tilespmem:$0xFF00] =	vst v63  }
0x2c: {  	_ = 	snop  }
0x2d: {  	[tilespmem:s19], [sflag:$0x2] =	stream.indirect.gather [hbm4b:s4+s6], $0x40, s18, s6, $0xb8;
	[tilespmem:$0xFF00] =	vst v63  }
0x2e: {  	_ = 	snop  }
0x2f: {  	[tilespmem:s21], [sflag:$0x2] =	stream.indirect.gather [hbm4b:s4+s6], $0x40, s20, s6, $0xb8;
	[tilespmem:$0xFF00] =	vst v63  }
0x30: {  	_ = 	snop  }
0x31: {  	[tilespmem:s23], [sflag:$0x2] =	stream.indirect.gather [hbm4b:s4+s6], $0x40, s22, s6, $0xb8;
	[tilespmem:$0xFF00] =	vst v63  }
0x32: {  	_ = 	snop  }
0x33: {  	[tilespmem:s25], [sflag:$0x2] =	stream.indirect.gather [hbm4b:s4+s6], $0x40, s24, s6, $0xb8;
	[tilespmem:$0xFF00] =	vst v63  }
0x34: {  	_ = 	snop  }
0x35: {  	[tilespmem:s28], [sflag:$0x2] =	stream.indirect.gather [hbm4b:s4+s6], $0x40, s26, s6, $0xb8;
	[tilespmem:$0xFF00] =	vst v63  }
.LBB2_4:
0x36: {  	_ =	swait.ge [sflag:s29], $0x6400  }
0x37: {  	[sflag:s29] =	ssyncset.done $0x0  }
0x38: {  	s7 =	simm.s32 $0x0;
	[sflag:s29] =	ssyncadd.s32 $0xFFFF9C00  }
0x39: {  	v14 =	vld [tilespmem:s7+$0x32E0]  }
0x3a: {  	v17 =	vld [tilespmem:s7+$0x32D0]  }
0x3b: {  	v9 =	vld [tilespmem:s7+$0x3220]  }
0x3c: {  	v18 =	vld [tilespmem:s7+$0x32A0]  }
0x3d: {  	v8 =	vld [tilespmem:s7+$0x3280]  }
0x3e: {  	v12 =	vld [tilespmem:s7+$0x3290]  }
0x3f: {  	v15 =	vld [tilespmem:s7+$0x3250]  }
0x40: {  	v10 =	vld [tilespmem:s7+$0x3240]  }
0x41: {  	v21 =	vld [tilespmem:s7+$0x3200]  }
0x42: {  	v24 =	vld [tilespmem:s7+$0x3210]  }
0x43: {  	v26 =	vld [tilespmem:s7+$0x32C0];
	v1 =	vmul.f32 v14, v14  }
0x44: {  	v13 =	vld [tilespmem:s7+$0x3260];
	v3 =	vmul.f32 v17, v17;
	v4 =	vmul.f32 v18, v18  }
0x45: {  	v11 =	vld [tilespmem:s7+$0x3270];
	v5 =	vmul.f32 v9, v9;
	v6 =	vmul.f32 v8, v8  }
0x46: {  	v27 =	vld [tilespmem:s7+$0x3230];
	v7 =	vmul.f32 v21, v21;
	v16 =	vmul.f32 v15, v15  }
0x47: {  	v22 =	vld [tilespmem:s7+$0x32B0];
	v19 =	vmul.f32 v24, v24;
	v20 =	vmul.f32 v10, v10  }
0x48: {  	v32 =	vld [tilespmem:s7+$0x32F0];
	v23 =	vmul.f32 v12, v12;
	v25 =	vmul.f32 v26, v26  }
0x49: {  	v28 =	vmul.f32 v13, v13;
	v7 =	vadd.f32 v19, v7;
	v16 =	vadd.f32 v16, v20  }
0x4a: {  	v19 =	vmul.f32 v11, v11;
	v6 =	vadd.f32 v23, v6;
	v3 =	vadd.f32 v3, v25  }
0x4b: {  	v20 =	vmul.f32 v27, v27;
	v5 =	vadd.f32 v5, v7;
	v7 =	vadd.f32 v28, v16  }
0x4c: {  	v16 =	vmul.f32 v22, v22;
	v4 =	vadd.f32 v4, v6;
	v1 =	vadd.f32 v1, v3  }
0x4d: {  	v3 =	vmul.f32 v32, v32;
	v5 =	vadd.f32 v20, v5;
	v6 =	vadd.f32 v19, v7  }
0x4e: {  	v4 =	vadd.f32 v16, v4  }
0x4f: {  	v1 =	vadd.f32 v3, v1;
	v3 =	vperm.xlane v5, v0;
	v7 =	vperm.xlane v6, v0  }
0x50: {  	v16 =	vperm.xlane v4, v0  }
0x51: {  	v19 =	vperm.xlane v1, v0;
	v3 =	vadd.f32 v3, v5;
	v5 =	vadd.f32 v7, v6  }
0x52: {  	v4 =	vadd.f32 v16, v4  }
0x53: {  	v1 =	vadd.f32 v19, v1;
	v6 =	vperm.xlane v3, v2;
	v7 =	vperm.xlane v5, v2  }
0x54: {  	v16 =	vperm.xlane v4, v2  }
0x55: {  	v19 =	vperm.xlane v1, v2;
	v3 =	vadd.f32 v6, v3;
	v5 =	vadd.f32 v7, v5  }
0x56: {  	v4 =	vadd.f32 v16, v4  }
0x57: {  	v1 =	vadd.f32 v19, v1;
	v3 =	vsel vm0, v3, v5  }
0x58: {  	v3 =	vsel vm1, v3, v4  }
0x59: {  	s8 =	simm.s32 $0x100;
	v1 =	vsel vm2, v3, v1  }
0x5a: {  	v33 =	vld [tilespmem:s8+$0x32E0];
	v3 =	vperm.xlane v1, v58  }
0x5b: {  	v31 =	vld [tilespmem:s8+$0x32A0]  }
0x5c: {  	v36 =	vld [tilespmem:s8+$0x3290];
	v1 =	vadd.f32 v1, v3  }
0x5d: {  	v37 =	vld [tilespmem:s8+$0x32C0]  }
0x5e: {  	v30 =	vld [tilespmem:s8+$0x3240];
	v3 =	vperm.xlane v1, v59  }
0x5f: {  	v39 =	vld [tilespmem:s8+$0x3200]  }
0x60: {  	v38 =	vld [tilespmem:s8+$0x3210];
	v40 =	vadd.f32 v1, v3  }
0x61: {  	v34 =	vld [tilespmem:s8+$0x32F0]  }
0x62: {  	v25 =	vld [tilespmem:s8+$0x32D0];
	v1 =	vshra.s32 v40, $0x1;
	v4 =	vmul.f32 $5.000000000e-01, v40  }
0x63: {  	v19 =	vld [tilespmem:s8+$0x3280];
	v3 =	vsub.s32 $0x5F3759DF, v1  }
0x64: {  	v44 =	vmul.f32 v36, v36;
	v23 =	vld [tilespmem:s8+$0x3250];
	v1 =	vmul.f32 v3, v4  }
0x65: {  	v46 =	vmul.f32 v37, v37;
	v62 =	vmul.f32 v39, v39;
	v28 =	vld [tilespmem:s8+$0x32B0]  }
0x66: {  	v63 =	vmul.f32 v38, v38;
	v20 =	vld [tilespmem:s8+$0x3220];
	v1 =	vmul.f32 v3, v1  }
0x67: {  	v29 =	vld [tilespmem:s8+$0x3260];
	v48 =	vmul.f32 v30, v30;
	v6 =	vmul.f32 v25, v25  }
0x68: {  	v49 =	vmul.f32 v34, v34;
	v16 =	vld [tilespmem:s8+$0x3270];
	v41 =	vmul.f32 v19, v19;
	v45 =	vsub.f32 $1.500000000e+00, v1  }
0x69: {  	v35 =	vld [tilespmem:s8+$0x3230];
	v47 =	vmul.f32 v23, v23;
	v5 =	vmul.f32 v33, v33;
	v6 =	vadd.f32 v6, v46  }
0x6a: {  	v7 =	vmul.f32 v31, v31;
	v44 =	vadd.f32 v44, v41;
	v41 =	vmul.f32 v3, v45  }
0x6b: {  	v43 =	vmul.f32 v28, v28;
	v42 =	vmul.f32 v20, v20;
	v5 =	vadd.f32 v5, v6  }
0x6c: {  	v6 =	vmul.f32 v29, v29;
	v3 =	vadd.f32 v7, v44;
	v50 =	vmul.f32 v41, v4  }
0x6d: {  	v1 =	vmul.f32 v16, v16;
	v44 =	vadd.f32 v63, v62;
	v45 =	vadd.f32 v47, v48  }
0x6e: {  	s9 =	simm.s32 $0x800;
	v7 =	vmul.f32 v35, v35;
	v4 =	vadd.f32 v49, v5;
	v5 =	vmul.f32 v50, v41  }
.LBB2_5:
0x6f: {  	p0 =	sne.s32 s9, $0xC00;
	v42 =	vadd.f32 v42, v44;
	v6 =	vadd.f32 v6, v45;
	s10 =	smov.u32 s9;
	s9 =	sadd.s32 $0x400, s9  }
0x70: {  	v3 =	vadd.f32 v43, v3;
	v43 =	vperm.xlane v4, v0;
	v5 =	vsub.f32 $1.500000000e+00, v5  }
0x71: {  	v7 =	vadd.f32 v7, v42;
	v1 =	vadd.f32 v1, v6  }
0x72: {  	v6 =	vperm.xlane v3, v0;
	v4 =	vadd.f32 v43, v4;
	v5 =	vmul.f32 v5, v41  }
0x73: {  	v41 =	vperm.xlane v7, v0;
	v42 =	vperm.xlane v1, v0  }
0x74: {  	v3 =	vadd.f32 v6, v3;
	v6 =	vperm.xlane v4, v2;
	v43 =	vmul.f32 v5, v5  }
0x75: {  	v7 =	vadd.f32 v41, v7;
	v1 =	vadd.f32 v42, v1  }
0x76: {  	v41 =	vperm.xlane v3, v2;
	v4 =	vadd.f32 v6, v4;
	v6 =	vmul.f32 $-1.000000010e-07, v43  }
0x77: {  	v42 =	vperm.xlane v7, v2;
	v43 =	vperm.xlane v1, v2  }
0x78: {  	v5 =	vadd.f32 v6, v5  }
0x79: {  	vm3 =	vgt.f32 v40, $1.000000000e+00;
	v6 =	vadd.f32 v42, v7;
	v1 =	vadd.f32 v43, v1  }
0x7a: {  	v3 =	vadd.f32 v41, v3;
	v5 =	vnsel vm3, $0x3F800000, v5  }
0x7b: {  	v1 =	vsel vm0, v6, v1;
	v6 =	vperm.xlane v5, v56;
	v7 =	vperm.xlane v5, v57  }
0x7c: {  	v1 =	vsel vm1, v1, v3;
	v3 =	vperm.xlane v5, v60;
	v5 =	vperm.xlane v5, v61  }
0x7d: {  	s10 =	sshra.s32 s10, $0x2;
	v1 =	vsel vm2, v1, v4;
	v4 =	vmul.f32 v6, v21;
	v40 =	vmul.f32 v6, v24;
	v21 =	vmovc v39  }
0x7e: {  	v24 =	vmovc v38;
	v41 =	vld [tilespmem:s10+$0x32B0];
	v39 =	vperm.xlane v1, v58;
	v42 =	vmul.f32 v3, v12;
	v12 =	vmov v36  }
0x7f: {  	v36 =	vmul.f32 v3, v18;
	v38 =	vmul.f32 v3, v22;
	v22 =	vmovc v28;
	v18 =	vmov v31;
	v44 =	vld [tilespmem:s10+$0x3270];
	[tilespmem:s7+$0xFA00] =	vst v4  }
0x80: {  	v31 =	vmul.f32 v5, v26;
	v46 =	vmul.f32 v5, v17;
	v4 =	vld [tilespmem:s10+$0x32E0];
	v1 =	vadd.f32 v1, v39;
	[tilespmem:s7+$0xFA10] =	vst v40  }
0x81: {  	v17 =	vmovc v25;
	v39 =	vmul.f32 v5, v14;
	v5 =	vmul.f32 v5, v32;
	v14 =	vmov v33;
	[tilespmem:s7+$0xFAA0] =	vst v36;
	v25 =	vld [tilespmem:s10+$0x32D0]  }
0x82: {  	v43 =	vmul.f32 v6, v9;
	v9 =	vmovc v20;
	v26 =	vmov v37;
	v32 =	vperm.xlane v1, v59;
	[tilespmem:s7+$0xFAC0] =	vst v31;
	v20 =	vld [tilespmem:s10+$0x3220]  }
0x83: {  	v6 =	vmul.f32 v6, v27;
	v45 =	vmul.f32 v7, v10;
	v10 =	vmovc v30;
	v31 =	vld [tilespmem:s10+$0x32A0];
	[tilespmem:s7+$0xFAD0] =	vst v46;
	v28 =	vmov v41  }
0x84: {  	v47 =	vmul.f32 v7, v13;
	v46 =	vld [tilespmem:s10+$0x3260];
	v40 =	vadd.f32 v1, v32;
	v1 =	vmul.f32 v7, v15;
	[tilespmem:s7+$0xFAE0] =	vst v39  }
0x85: {  	v7 =	vmul.f32 v7, v11;
	v11 =	vmovc v16;
	v16 =	vmov v44;
	v48 =	vld [tilespmem:s10+$0x3280];
	v49 =	vmul.f32 v4, v4;
	[tilespmem:s7+$0xFAB0] =	vst v38  }
0x86: {  	v13 =	vmovc v29;
	v15 =	vmovc v23;
	v33 =	vmov v4;
	v36 =	vld [tilespmem:s10+$0x3290];
	v30 =	vshra.s32 v40, $0x1;
	v50 =	vmul.f32 $5.000000000e-01, v40;
	[tilespmem:s7+$0xFA90] =	vst v42  }
0x87: {  	v27 =	vmov v35;
	v32 =	vmov v34;
	v23 =	vld [tilespmem:s10+$0x3250];
	v4 =	vsub.s32 $0x5F3759DF, v30;
	[tilespmem:s7+$0xFAF0] =	vst v5  }
0x88: {  	v30 =	vld [tilespmem:s10+$0x3240];
	v5 =	vmul.f32 v4, v50;
	[tilespmem:s7+$0xFA30] =	vst v6  }
0x89: {  	v6 =	vmul.f32 v25, v25;
	v37 =	vld [tilespmem:s10+$0x32C0];
	[tilespmem:s7+$0xFA20] =	vst v43;
	v29 =	vmov v46  }
0x8a: {  	v51 =	vmul.f32 v31, v31;
	v39 =	vld [tilespmem:s10+$0x3200];
	v5 =	vmul.f32 v4, v5;
	[tilespmem:s7+$0xFA40] =	vst v45  }
0x8b: {  	v42 =	vmul.f32 v20, v20;
	v45 =	vmul.f32 v48, v48;
	v38 =	vld [tilespmem:s10+$0x3210];
	[tilespmem:s7+$0xFA50] =	vst v1  }
0x8c: {  	v43 =	vmul.f32 v41, v28;
	v52 =	vmul.f32 v36, v36;
	v34 =	vld [tilespmem:s10+$0x32F0];
	v5 =	vsub.f32 $1.500000000e+00, v5;
	[tilespmem:s7+$0xFA70] =	vst v7  }
0x8d: {  	v1 =	vmul.f32 v44, v16;
	v35 =	vld [tilespmem:s10+$0x3230];
	[tilespmem:s7+$0xFA60] =	vst v47  }
0x8e: {  	v7 =	vadd.f32 v52, v45;
	v44 =	vmul.f32 v37, v37;
	v41 =	vmul.f32 v4, v5  }
0x8f: {  	v5 =	vmul.f32 v23, v23;
	v4 =	vmul.f32 v39, v39  }
.Ltmp3:
0x90: {  	v47 =	vmul.f32 v3, v8;
	v8 =	vmovc v19;
	v45 =	vmul.f32 v38, v38;
	v44 =	vadd.f32 v6, v44;
	(pc) =	sbr.rel @p0 .LBB2_5-.Ltmp3, $4  }
0x91: {  	v52 =	vmul.f32 v30, v30;
	v19 =	vmovc v48;
	v3 =	vadd.f32 v51, v7;
	v6 =	vmul.f32 v46, v29  }
0x92: {  	v48 =	vmul.f32 v34, v34;
	v46 =	vadd.f32 v49, v44;
	v49 =	vmul.f32 v41, v50;
	[tilespmem:s7+$0xFA80] =	vst v47;
	s7 =	smov.u32 s8;
	s8 =	smov.u32 s10  }
0x93: {  	v44 =	vadd.f32 v45, v4;
	v45 =	vadd.f32 v5, v52  }
0x94: {  	v7 =	vmul.f32 v35, v35;
	v4 =	vadd.f32 v48, v46;
	v5 =	vmul.f32 v49, v41  }
0x95: {  	v42 =	vadd.f32 v42, v44;
	v6 =	vadd.f32 v6, v45;
	_ =	sdelay $0x1  }
0x96: {  	v7 =	vadd.f32 v7, v42;
	v1 =	vadd.f32 v1, v6  }
0x97: {  	v3 =	vadd.f32 v43, v3  }
0x98: {  	v6 =	vperm.xlane v7, v0;
	v54 =	vperm.xlane v1, v0  }
0x99: {  	v43 =	vperm.xlane v3, v0  }
0x9a: {  	v55 =	vperm.xlane v4, v0;
	v6 =	vadd.f32 v6, v7;
	v1 =	vadd.f32 v54, v1  }
0x9b: {  	v3 =	vadd.f32 v43, v3  }
0x9c: {  	v4 =	vadd.f32 v55, v4;
	v7 =	vperm.xlane v6, v2;
	v42 =	vperm.xlane v1, v2  }
0x9d: {  	v43 =	vperm.xlane v3, v2  }
0x9e: {  	v44 =	vperm.xlane v4, v2;
	v6 =	vadd.f32 v7, v6;
	v1 =	vadd.f32 v42, v1  }
0x9f: {  	v3 =	vadd.f32 v43, v3  }
0xa0: {  	v4 =	vadd.f32 v44, v4;
	v1 =	vsel vm0, v6, v1  }
0xa1: {  	v1 =	vsel vm1, v1, v3  }
0xa2: {  	v1 =	vsel vm2, v1, v4  }
0xa3: {  	v3 =	vperm.xlane v1, v58;
	_ =	sdelay $0x1  }
0xa4: {  	v1 =	vadd.f32 v1, v3;
	_ =	sdelay $0x1  }
0xa5: {  	v3 =	vperm.xlane v1, v59;
	_ =	sdelay $0x1  }
0xa6: {  	v4 =	vsub.f32 $1.500000000e+00, v5;
	v1 =	vadd.f32 v1, v3;
	_ =	sdelay $0x1  }
0xa7: {  	v3 =	vmul.f32 v4, v41;
	v4 =	vshra.s32 v1, $0x1;
	v5 =	vmul.f32 $5.000000000e-01, v1  }
0xa8: {  	v4 =	vsub.s32 $0x5F3759DF, v4  }
0xa9: {  	v6 =	vmul.f32 v3, v3;
	v7 =	vmul.f32 v4, v5;
	_ =	sdelay $0x1  }
0xaa: {  	v6 =	vmul.f32 $-1.000000010e-07, v6;
	v7 =	vmul.f32 v4, v7;
	_ =	sdelay $0x1  }
0xab: {  	v3 =	vadd.f32 v6, v3;
	v6 =	vsub.f32 $1.500000000e+00, v7  }
0xac: {  	vm3 =	vgt.f32 v40, $1.000000000e+00  }
0xad: {  	v3 =	vnsel vm3, $0x3F800000, v3;
	v4 =	vmul.f32 v4, v6  }
0xae: {  	v7 =	vperm.xlane v3, v60  }
0xaf: {  	v62 =	vperm.xlane v3, v61;
	v5 =	vmul.f32 v4, v5  }
0xb0: {  	v18 =	vmul.f32 v7, v18  }
0xb1: {  	v17 =	vmul.f32 v62, v17;
	v5 =	vmul.f32 v5, v4  }
0xb2: {  	v6 =	vperm.xlane v3, v56;
	v14 =	vmul.f32 v62, v14;
	[tilespmem:s7+$0xFAA0] =	vst v18  }
0xb3: {  	v12 =	vmul.f32 v7, v12;
	[tilespmem:s7+$0xFAD0] =	vst v17;
	v5 =	vsub.f32 $1.500000000e+00, v5  }
0xb4: {  	v3 =	vperm.xlane v3, v57;
	v21 =	vmul.f32 v6, v21;
	[tilespmem:s7+$0xFAE0] =	vst v14  }
0xb5: {  	v24 =	vmul.f32 v6, v24;
	[tilespmem:s7+$0xFA90] =	vst v12;
	v4 =	vmul.f32 v5, v4  }
0xb6: {  	vm3 =	vgt.f32 v1, $1.000000000e+00;
	v1 =	vmul.f32 v3, v11;
	[tilespmem:s7+$0xFA00] =	vst v21  }
0xb7: {  	v17 =	vmul.f32 v62, v32;
	[tilespmem:s7+$0xFA10] =	vst v24;
	v14 =	vmul.f32 v4, v4  }
0xb8: {  	[tilespmem:s7+$0xFA70] =	vst v1;
	v5 =	vmul.f32 v7, v22  }
0xb9: {  	v21 =	vmul.f32 v62, v26;
	[tilespmem:s7+$0xFAF0] =	vst v17;
	v12 =	vmul.f32 $-1.000000010e-07, v14  }
0xba: {  	[tilespmem:s7+$0xFAB0] =	vst v5;
	v5 =	vmul.f32 v6, v27  }
0xbb: {  	v1 =	vmul.f32 v7, v8;
	[tilespmem:s7+$0xFAC0] =	vst v21;
	v4 =	vadd.f32 v12, v4  }
0xbc: {  	[tilespmem:s7+$0xFA30] =	vst v5;
	v5 =	vmul.f32 v3, v15  }
0xbd: {  	[tilespmem:s7+$0xFA80] =	vst v1;
	v6 =	vmul.f32 v6, v9;
	v9 =	vmul.f32 v3, v10;
	v4 =	vnsel vm3, $0x3F800000, v4  }
0xbe: {  	v3 =	vmul.f32 v3, v13;
	[tilespmem:s7+$0xFA50] =	vst v5;
	v5 =	vperm.xlane v4, v56  }
0xbf: {  	[tilespmem:s7+$0xFA20] =	vst v6  }
0xc0: {  	[tilespmem:s7+$0xFA60] =	vst v3;
	v3 =	vperm.xlane v4, v60;
	v6 =	vmul.f32 v5, v39  }
0xc1: {  	[tilespmem:s7+$0xFA40] =	vst v9;
	v1 =	vperm.xlane v4, v61;
	v7 =	vmul.f32 v5, v38  }
0xc2: {  	v8 =	vmul.f32 v3, v31;
	[tilespmem:s8+$0xFA00] =	vst v6  }
0xc3: {  	v6 =	vmul.f32 v1, v37;
	[tilespmem:s8+$0xFA10] =	vst v7  }
0xc4: {  	v7 =	vmul.f32 v1, v25;
	[tilespmem:s8+$0xFAA0] =	vst v8  }
0xc5: {  	v8 =	vmul.f32 v1, v33;
	[tilespmem:s8+$0xFAC0] =	vst v6  }
0xc6: {  	v1 =	vmul.f32 v1, v34;
	[tilespmem:s8+$0xFAD0] =	vst v7  }
0xc7: {  	v4 =	vperm.xlane v4, v57;
	v6 =	vmul.f32 v3, v28;
	[tilespmem:s8+$0xFAE0] =	vst v8  }
0xc8: {  	v7 =	vmul.f32 v3, v36;
	[tilespmem:s8+$0xFAF0] =	vst v1  }
0xc9: {  	v1 =	vmul.f32 v4, v30;
	[tilespmem:s8+$0xFAB0] =	vst v6  }
0xca: {  	v3 =	vmul.f32 v3, v19;
	[tilespmem:s8+$0xFA90] =	vst v7  }
0xcb: {  	v6 =	vmul.f32 v5, v35;
	[tilespmem:s8+$0xFA40] =	vst v1  }
0xcc: {  	v5 =	vmul.f32 v5, v20;
	[tilespmem:s8+$0xFA80] =	vst v3  }
0xcd: {  	v1 =	vmul.f32 v4, v29;
	[tilespmem:s8+$0xFA30] =	vst v6  }
0xce: {  	v6 =	vmul.f32 v4, v23;
	[tilespmem:s8+$0xFA20] =	vst v5  }
0xcf: {  	v5 =	vmul.f32 v4, v16;
	[tilespmem:s8+$0xFA60] =	vst v1  }
0xd0: {  	[tilespmem:s8+$0xFA50] =	vst v6  }
0xd1: {  	[tilespmem:s8+$0xFA70] =	vst v5  }
0xd2: {  	v1 =	vld [tilespmem:$0x3600]  }
0xd3: {  	v3 =	vld [tilespmem:$0x3610]  }
0xd4: {  	v4 =	vld [tilespmem:$0x3620]  }
0xd5: {  	v5 =	vld [tilespmem:$0x3630]  }
0xd6: {  	v6 =	vld [tilespmem:$0x3640]  }
0xd7: {  	v7 =	vld [tilespmem:$0x3650]  }
0xd8: {  	v8 =	vld [tilespmem:$0x3660]  }
0xd9: {  	v9 =	vld [tilespmem:$0x3670]  }
0xda: {  	v10 =	vld [tilespmem:$0x3680]  }
0xdb: {  	v11 =	vld [tilespmem:$0x3690]  }
0xdc: {  	v28 =	vld [tilespmem:$0x36D0]  }
0xdd: {  	v29 =	vld [tilespmem:$0x36C0];
	v12 =	vmul.f32 v1, v1  }
0xde: {  	v13 =	vld [tilespmem:$0x36A0];
	v14 =	vmul.f32 v3, v3;
	v15 =	vmul.f32 v4, v4  }
0xdf: {  	v30 =	vld [tilespmem:$0x36E0];
	v16 =	vmul.f32 v6, v6;
	v17 =	vmul.f32 v7, v7  }
0xe0: {  	v18 =	vld [tilespmem:$0x36B0];
	v19 =	vmul.f32 v8, v8;
	v20 =	vmul.f32 v11, v11;
	v12 =	vadd.f32 v14, v12  }
0xe1: {  	v31 =	vld [tilespmem:$0x36F0];
	v21 =	vmul.f32 v28, v28;
	v16 =	vadd.f32 v17, v16;
	v17 =	vmul.f32 v10, v10  }
0xe2: {  	v14 =	vmul.f32 v5, v5;
	v12 =	vadd.f32 v15, v12;
	v15 =	vmul.f32 v29, v29  }
0xe3: {  	v16 =	vadd.f32 v19, v16;
	v17 =	vadd.f32 v20, v17;
	v19 =	vmul.f32 v13, v13  }
0xe4: {  	v20 =	vmul.f32 v9, v9;
	v15 =	vadd.f32 v21, v15;
	v21 =	vmul.f32 v30, v30  }
0xe5: {  	v12 =	vadd.f32 v14, v12;
	v14 =	vadd.f32 v19, v17;
	v17 =	vmul.f32 v18, v18  }
0xe6: {  	v16 =	vadd.f32 v20, v16;
	v19 =	vmul.f32 v31, v31;
	v15 =	vadd.f32 v21, v15  }
0xe7: {  	v14 =	vadd.f32 v17, v14  }
0xe8: {  	v17 =	vperm.xlane v12, v0;
	v15 =	vadd.f32 v19, v15;
	v19 =	vperm.xlane v16, v0  }
0xe9: {  	v20 =	vperm.xlane v14, v0  }
0xea: {  	v12 =	vadd.f32 v17, v12;
	v16 =	vadd.f32 v19, v16;
	v17 =	vperm.xlane v15, v0  }
0xeb: {  	v14 =	vadd.f32 v20, v14  }
0xec: {  	v19 =	vperm.xlane v12, v2;
	v20 =	vperm.xlane v16, v2;
	v15 =	vadd.f32 v17, v15  }
0xed: {  	v17 =	vperm.xlane v14, v2  }
0xee: {  	v12 =	vadd.f32 v19, v12;
	v16 =	vadd.f32 v20, v16;
	v19 =	vperm.xlane v15, v2  }
0xef: {  	v14 =	vadd.f32 v17, v14  }
0xf0: {  	v15 =	vadd.f32 v19, v15;
	v12 =	vsel vm0, v12, v16  }
0xf1: {  	v12 =	vsel vm1, v12, v14  }
0xf2: {  	v12 =	vsel vm2, v12, v15  }
0xf3: {  	v14 =	vperm.xlane v12, v58;
	_ =	sdelay $0x1  }
0xf4: {  	v12 =	vadd.f32 v12, v14;
	_ =	sdelay $0x1  }
0xf5: {  	v14 =	vperm.xlane v12, v59;
	_ =	sdelay $0x1  }
0xf6: {  	v12 =	vadd.f32 v12, v14;
	_ =	sdelay $0x1  }
0xf7: {  	v14 =	vshra.s32 v12, $0x1;
	v15 =	vmul.f32 $5.000000000e-01, v12  }
0xf8: {  	v14 =	vsub.s32 $0x5F3759DF, v14  }
0xf9: {  	v16 =	vmul.f32 v14, v15;
	_ =	sdelay $0x1  }
0xfa: {  	v16 =	vmul.f32 v14, v16;
	_ =	sdelay $0x1  }
0xfb: {  	v16 =	vsub.f32 $1.500000000e+00, v16;
	_ =	sdelay $0x1  }
0xfc: {  	v14 =	vmul.f32 v14, v16;
	_ =	sdelay $0x1  }
0xfd: {  	v15 =	vmul.f32 v14, v15;
	_ =	sdelay $0x1  }
0xfe: {  	v15 =	vmul.f32 v15, v14;
	_ =	sdelay $0x1  }
0xff: {  	v15 =	vsub.f32 $1.500000000e+00, v15;
	_ =	sdelay $0x1  }
0x100: {  	v14 =	vmul.f32 v15, v14;
	_ =	sdelay $0x1  }
0x101: {  	v15 =	vmul.f32 v14, v14;
	_ =	sdelay $0x1  }
0x102: {  	v15 =	vmul.f32 $-1.000000010e-07, v15;
	_ =	sdelay $0x1  }
0x103: {  	v14 =	vadd.f32 v15, v14  }
0x104: {  	vm3 =	vgt.f32 v12, $1.000000000e+00  }
0x105: {  	v32 =	vnsel vm3, $0x3F800000, v14  }
0x106: {  	v12 =	vperm.xlane v32, v56;
	_ =	sdelay $0x1  }
0x107: {  	v1 =	vmul.f32 v12, v1  }
0x108: {  	v3 =	vmul.f32 v12, v3  }
0x109: {  	v14 =	vperm.xlane v32, v57;
	v4 =	vmul.f32 v12, v4;
	[tilespmem:$0xFE00] =	vst v1  }
0x10a: {  	v1 =	vmul.f32 v12, v5;
	[tilespmem:$0xFE10] =	vst v3  }
0x10b: {  	v3 =	vmul.f32 v14, v6;
	[tilespmem:$0xFE20] =	vst v4  }
0x10c: {  	v4 =	vmul.f32 v14, v7;
	[tilespmem:$0xFE30] =	vst v1  }
0x10d: {  	v5 =	vperm.xlane v32, v60;
	v1 =	vmul.f32 v14, v8;
	[tilespmem:$0xFE40] =	vst v3  }
0x10e: {  	v3 =	vmul.f32 v14, v9;
	[tilespmem:$0xFE50] =	vst v4  }
0x10f: {  	v4 =	vmul.f32 v5, v10;
	[tilespmem:$0xFE60] =	vst v1  }
0x110: {  	v1 =	vmul.f32 v5, v11;
	[tilespmem:$0xFE70] =	vst v3  }
0x111: {  	v3 =	vmul.f32 v5, v13;
	[tilespmem:$0xFE80] =	vst v4  }
0x112: {  	v4 =	vmul.f32 v5, v18;
	[tilespmem:$0xFE90] =	vst v1  }
0x113: {  	[tilespmem:$0xFEA0] =	vst v3  }
0x114: {  	s10 =	simm.s32 $0x5F0;
	[tilespmem:$0xFEB0] =	vst v4  }
0x115: {  	v41 =	vld [tilespmem:s10+$0x3140]  }
0x116: {  	v3 =	vld [tilespmem:s10+$0x31F0]  }
0x117: {  	v33 =	vld [tilespmem:s10+$0x3130]  }
0x118: {  	v5 =	vld [tilespmem:s10+$0x31D0]  }
0x119: {  	v7 =	vld [tilespmem:s10+$0x31E0]  }
0x11a: {  	v39 =	vld [tilespmem:s10+$0x3190]  }
0x11b: {  	v40 =	vld [tilespmem:s10+$0x3110]  }
0x11c: {  	v46 =	vld [tilespmem:s10+$0x3120]  }
0x11d: {  	v35 =	vld [tilespmem:s10+$0x3150]  }
0x11e: {  	v37 =	vld [tilespmem:s10+$0x3160]  }
0x11f: {  	v45 =	vld [tilespmem:s10+$0x31A0];
	v1 =	vmul.f32 v41, v41  }
0x120: {  	v44 =	vld [tilespmem:s10+$0x3170];
	[tilespmem:$0x1FF90] =	vst v3;
	v3 =	vmul.f32 v3, v3;
	v4 =	vmul.f32 v33, v33  }
0x121: {  	v9 =	vld [tilespmem:s10+$0x31B0];
	[tilespmem:$0x1FFA0] =	vst v5;
	v5 =	vmul.f32 v5, v5;
	v6 =	vmul.f32 v40, v40  }
0x122: {  	v48 =	vld [tilespmem:s10+$0x3180];
	[tilespmem:$0x1FFB0] =	vst v7;
	v7 =	vmul.f32 v7, v7;
	v8 =	vmul.f32 v46, v46  }
0x123: {  	v47 =	vld [tilespmem:s10+$0x31C0];
	v13 =	vmul.f32 v35, v35;
	v14 =	vmul.f32 v37, v37  }
0x124: {  	v49 =	vld [tilespmem:s10+$0x3200];
	v15 =	vmul.f32 v39, v39;
	v16 =	vmul.f32 v45, v45  }
0x125: {  	v6 =	vadd.f32 v8, v6;
	v8 =	vadd.f32 v14, v13;
	v13 =	vmul.f32 v44, v44  }
0x126: {  	v14 =	vmul.f32 v9, v9;
	v15 =	vadd.f32 v16, v15;
	v5 =	vadd.f32 v7, v5  }
0x127: {  	v7 =	vmul.f32 v48, v48;
	v4 =	vadd.f32 v4, v6;
	v6 =	vadd.f32 v13, v8  }
0x128: {  	v8 =	vmul.f32 v47, v47;
	v13 =	vadd.f32 v14, v15;
	v3 =	vadd.f32 v3, v5  }
0x129: {  	v5 =	vmul.f32 v49, v49;
	v1 =	vadd.f32 v1, v4;
	v4 =	vadd.f32 v7, v6  }
0x12a: {  	v6 =	vadd.f32 v8, v13  }
0x12b: {  	v3 =	vadd.f32 v5, v3;
	v5 =	vperm.xlane v1, v0;
	v7 =	vperm.xlane v4, v0  }
0x12c: {  	v8 =	vperm.xlane v6, v0  }
0x12d: {  	v1 =	vadd.f32 v5, v1;
	v4 =	vadd.f32 v7, v4;
	v5 =	vperm.xlane v3, v0  }
0x12e: {  	v6 =	vadd.f32 v8, v6  }
0x12f: {  	v7 =	vperm.xlane v1, v2;
	v8 =	vperm.xlane v4, v2;
	v3 =	vadd.f32 v5, v3  }
0x130: {  	v5 =	vperm.xlane v6, v2  }
0x131: {  	v1 =	vadd.f32 v7, v1;
	v4 =	vadd.f32 v8, v4;
	v7 =	vperm.xlane v3, v2  }
0x132: {  	v5 =	vadd.f32 v5, v6  }
0x133: {  	v3 =	vadd.f32 v7, v3;
	v1 =	vsel vm0, v1, v4  }
0x134: {  	s14 =	simm.s32 $0x6F0;
	v1 =	vsel vm1, v1, v5  }
0x135: {  	v17 =	vld [tilespmem:s14+$0x3130];
	v1 =	vsel vm2, v1, v3  }
0x136: {  	v20 =	vld [tilespmem:s14+$0x3110];
	v3 =	vperm.xlane v1, v58  }
0x137: {  	v27 =	vld [tilespmem:s14+$0x3120]  }
0x138: {  	v23 =	vld [tilespmem:s14+$0x3150];
	v1 =	vadd.f32 v1, v3  }
0x139: {  	v25 =	vld [tilespmem:s14+$0x3160]  }
0x13a: {  	v21 =	vld [tilespmem:s14+$0x31A0];
	v3 =	vperm.xlane v1, v59  }
0x13b: {  	v19 =	vld [tilespmem:s14+$0x3170]  }
0x13c: {  	v24 =	vld [tilespmem:s14+$0x3180];
	v1 =	vadd.f32 v1, v3  }
0x13d: {  	v16 =	vld [tilespmem:s14+$0x3190]  }
0x13e: {  	v34 =	vmul.f32 v17, v17;
	v14 =	vld [tilespmem:s14+$0x31D0];
	v6 =	vshra.s32 v1, $0x1;
	v7 =	vmul.f32 $5.000000000e-01, v1  }
0x13f: {  	v63 =	vmul.f32 v20, v20;
	v50 =	vmul.f32 v27, v27;
	v15 =	vld [tilespmem:s14+$0x31E0];
	v6 =	vsub.s32 $0x5F3759DF, v6  }
0x140: {  	v52 =	vmul.f32 v23, v23;
	v13 =	vld [tilespmem:s14+$0x31B0];
	v26 =	vmul.f32 v6, v7  }
0x141: {  	v53 =	vmul.f32 v25, v25;
	v55 =	vmul.f32 v21, v21;
	v5 =	vld [tilespmem:s14+$0x31F0]  }
0x142: {  	v22 =	vld [tilespmem:s14+$0x3140];
	v62 =	vmul.f32 v19, v19;
	v42 =	vadd.f32 v50, v63;
	v51 =	vmul.f32 v6, v26  }
0x143: {  	v18 =	vld [tilespmem:s14+$0x31C0];
	v50 =	vadd.f32 v53, v52;
	v52 =	vmul.f32 v24, v24;
	v54 =	vmul.f32 v16, v16  }
0x144: {  	v38 =	vmul.f32 v14, v14;
	v43 =	vmul.f32 v15, v15;
	v26 =	vld [tilespmem:s14+$0x3200];
	v51 =	vsub.f32 $1.500000000e+00, v51  }
0x145: {  	v34 =	vadd.f32 v34, v42;
	v63 =	vadd.f32 v55, v54;
	v36 =	vmul.f32 v13, v13  }
0x146: {  	v38 =	vadd.f32 v43, v38;
	v12 =	vmovc v5;
	v5 =	vmul.f32 v5, v5;
	v6 =	vmul.f32 v6, v51  }
0x147: {  	v36 =	vadd.f32 v36, v63;
	v3 =	vmul.f32 v22, v22;
	v51 =	vadd.f32 v62, v50  }
0x148: {  	v4 =	vmul.f32 v18, v18;
	v5 =	vadd.f32 v5, v38;
	v7 =	vmul.f32 v6, v7  }
0x149: {  	v3 =	vadd.f32 v3, v34;
	v55 =	vmul.f32 v26, v26;
	v54 =	vadd.f32 v52, v51  }
0x14a: {  	v4 =	vadd.f32 v4, v36;
	v7 =	vmul.f32 v7, v6  }
0x14b: {  	v62 =	vperm.xlane v3, v0;
	v5 =	vadd.f32 v55, v5;
	v63 =	vperm.xlane v54, v0  }
0x14c: {  	v50 =	vperm.xlane v4, v0;
	v52 =	vperm.xlane v32, v61;
	v7 =	vsub.f32 $1.500000000e+00, v7  }
0x14d: {  	v3 =	vadd.f32 v62, v3;
	v51 =	vperm.xlane v5, v0;
	v34 =	vadd.f32 v63, v54  }
0x14e: {  	v4 =	vadd.f32 v50, v4;
	v32 =	vmul.f32 v52, v30;
	v6 =	vmul.f32 v7, v6  }
0x14f: {  	v5 =	vadd.f32 v51, v5;
	v7 =	vperm.xlane v3, v2;
	v53 =	vperm.xlane v34, v2  }
0x150: {  	s8 =	simm.s32 $0x7F0;
	v54 =	vperm.xlane v4, v2;
	v55 =	vmul.f32 v6, v6  }
0x151: {  	v30 =	vld [tilespmem:s8+$0x31F0];
	v62 =	vperm.xlane v5, v2;
	v3 =	vadd.f32 v7, v3;
	v7 =	vadd.f32 v53, v34  }
0x152: {  	v4 =	vadd.f32 v54, v4;
	v42 =	vmul.f32 $-1.000000010e-07, v55  }
0x153: {  	vm3 =	vgt.f32 v1, $1.000000000e+00;
	v5 =	vadd.f32 v62, v5;
	v3 =	vsel vm0, v3, v7  }
0x154: {  	v36 =	vmul.f32 v52, v29;
	v29 =	vld [tilespmem:s8+$0x3140];
	v3 =	vsel vm1, v3, v4;
	v4 =	vadd.f32 v42, v6  }
0x155: {  	v1 =	vmul.f32 v52, v31;
	v34 =	vmul.f32 v52, v28;
	v3 =	vsel vm2, v3, v5  }
0x156: {  	v62 =	vmul.f32 v30, v30;
	v5 =	vperm.xlane v3, v58;
	v4 =	vnsel vm3, $0x3F800000, v4  }
0x157: {  	v6 =	vperm.xlane v4, v56;
	v7 =	vperm.xlane v4, v57  }
0x158: {  	v43 =	vperm.xlane v4, v60;
	v42 =	vperm.xlane v4, v61  }
0x159: {  	v38 =	vld [tilespmem:s8+$0x31B0];
	v60 =	vmul.f32 v29, v29;
	v4 =	vmul.f32 v6, v41  }
0x15a: {  	v31 =	vld [tilespmem:s8+$0x3130];
	v48 =	vmul.f32 v7, v48;
	v47 =	vmul.f32 v43, v47  }
0x15b: {  	v28 =	vld [tilespmem:s8+$0x31C0];
	v63 =	vadd.f32 v3, v5;
	v49 =	vmul.f32 v42, v49;
	v51 =	vmul.f32 v6, v40  }
0x15c: {  	v5 =	vld [tilespmem:s8+$0x3190];
	v53 =	vmul.f32 v6, v46;
	v56 =	vmul.f32 v6, v33  }
0x15d: {  	v41 =	vld [tilespmem:s8+$0x31D0];
	v6 =	vperm.xlane v63, v59;
	v33 =	vmul.f32 v7, v35  }
0x15e: {  	v40 =	vld [tilespmem:s8+$0x31E0];
	v37 =	vmul.f32 v7, v37;
	v3 =	vadd.f32 v48, v4;
	v4 =	vadd.f32 v49, v47  }
0x15f: {  	v35 =	vld [tilespmem:s8+$0x3110];
	v57 =	vmul.f32 v7, v44;
	v46 =	vmul.f32 v43, v39  }
0x160: {  	v45 =	vmul.f32 v43, v45;
	v44 =	vadd.f32 v63, v6;
	v4 =	vadd.f32 v4, v3;
	v3 =	vld [tilespmem:s8+$0x3120]  }
0x161: {  	v59 =	vmul.f32 v28, v28;
	v63 =	vmul.f32 v38, v38  }
0x162: {  	v50 =	vld [tilespmem:s8+$0x3160];
	v48 =	vadd.f32 v33, v51;
	v51 =	vadd.f32 v37, v53;
	v58 =	vmul.f32 $5.000000000e-01, v44  }
0x163: {  	v52 =	vld [tilespmem:s8+$0x3170];
	v6 =	vmul.f32 v41, v41;
	v39 =	vadd.f32 v4, v1;
	v4 =	vshra.s32 v44, $0x1  }
0x164: {  	v47 =	vld [tilespmem:s8+$0x3150];
	v7 =	vmul.f32 v40, v40;
	v1 =	vmul.f32 v31, v31;
	v61 =	vsub.s32 $0x5F3759DF, v4  }
0x165: {  	s7 =	simm.s32 $0x23C0;
	v11 =	vmovc v9;
	v49 =	vld [tilespmem:s8+$0x31A0];
	v33 =	vmovc v5;
	v4 =	vmul.f32 v35, v35;
	v55 =	vmul.f32 v61, v58;
	v37 =	vmov v3  }
.LBB2_7:
0x166: {  	_ =	sdelay $0x1  }
0x167: {  	v37 =	vmul.f32 v37, v3;
	v10 =	vmul.f32 v61, v55  }
0x168: {  	v0 =	vld [tilespmem:s8+$0x3180];
	v33 =	vmul.f32 v33, v5;
	v56 =	vadd.f32 v57, v56;
	v6 =	vadd.f32 v7, v6;
	v55 =	vmovc v47  }
0x169: {  	v9 =	vsub.f32 $1.500000000e+00, v10;
	v2 =	vmul.f32 v50, v50;
	v57 =	vmul.f32 v47, v55  }
0x16a: {  	v4 =	vadd.f32 v37, v4;
	v6 =	vadd.f32 v62, v6;
	v53 =	vmovc v50;
	v50 =	vld [tilespmem:s8+$0x3200];
	v8 =	vmul.f32 v49, v49  }
0x16b: {  	v7 =	vmul.f32 v61, v9;
	v2 =	vadd.f32 v2, v57;
	v57 =	vmul.f32 v52, v52  }
0x16c: {  	v10 =	vld [tilespmem:$0x1FFF0];
	v1 =	vadd.f32 v1, v4;
	v8 =	vadd.f32 v8, v33  }
0x16d: {  	v4 =	vmul.f32 v0, v0;
	v9 =	vmul.f32 v7, v58;
	v2 =	vadd.f32 v57, v2  }
0x16e: {  	v1 =	vadd.f32 v60, v1;
	v8 =	vadd.f32 v63, v8  }
0x16f: {  	v9 =	vmul.f32 v9, v7;
	v2 =	vadd.f32 v4, v2;
	v4 =	vmul.f32 v50, v50  }
0x170: {  	v8 =	vadd.f32 v59, v8  }
0x171: {  	v9 =	vsub.f32 $1.500000000e+00, v9;
	v4 =	vadd.f32 v4, v6;
	v6 =	vperm.xlane v1, v10  }
0x172: {  	v61 =	vperm.xlane v8, v10;
	v60 =	vperm.xlane v2, v10  }
0x173: {  	v7 =	vmul.f32 v9, v7;
	v9 =	vld [tilespmem:$0x1FFB0];
	v1 =	vadd.f32 v6, v1;
	v6 =	vperm.xlane v4, v10;
	v10 =	vmovc v15  }
0x174: {  	[tilespmem:$0x1FFB0] =	vst v10;
	v10 =	vld [tilespmem:$0x1FFD0];
	_ =	sdelay $0x2  }
0x175: {  	v62 =	vld [tilespmem:$0x1FFA0];
	v2 =	vadd.f32 v60, v2  }
0x176: {  	v8 =	vadd.f32 v61, v8;
	v57 =	vmul.f32 v7, v7;
	v4 =	vadd.f32 v6, v4  }
0x177: {  	v54 =	vmovc v49;
	v47 =	vmovc v19;
	v19 =	vmov v52;
	v49 =	vperm.xlane v1, v10;
	v52 =	vperm.xlane v2, v10  }
0x178: {  	vm3 =	vgt.f32 v44, $1.000000000e+00;
	v6 =	vperm.xlane v8, v10;
	v59 =	vperm.xlane v4, v10;
	v10 =	vld [tilespmem:$0x1FF90]  }
0x179: {  	v33 =	vmul.f32 v43, v11;
	v1 =	vadd.f32 v49, v1;
	v2 =	vadd.f32 v52, v2  }
0x17a: {  	v43 =	vmul.f32 v42, v62;
	v6 =	vadd.f32 v6, v8;
	v8 =	vmul.f32 $-1.000000010e-07, v57  }
0x17b: {  	v9 =	vmul.f32 v42, v9;
	v4 =	vadd.f32 v59, v4;
	v1 =	vsel vm0, v1, v2  }
0x17c: {  	v58 =	vadd.f32 v43, v46;
	v1 =	vsel vm1, v1, v6;
	v6 =	vadd.f32 v8, v7  }
0x17d: {  	v2 =	vadd.f32 v9, v45;
	v60 =	vmul.f32 v42, v10;
	v10 =	vmovc v12;
	v1 =	vsel vm2, v1, v4  }
0x17e: {  	v9 =	vld [tilespmem:$0x1FFE0];
	[tilespmem:$0x1FF90] =	vst v10;
	v4 =	vadd.f32 v58, v48;
	v10 =	vimm.s32 $0x0;
	v6 =	vnsel vm3, $0x3F800000, v6  }
0x17f: {  	s8 =	sshra.s32 s7, $0x2;
	v63 =	vmovc v14;
	v7 =	vadd.f32 v60, v33;
	v62 =	vperm.xlane v6, v10;
	v10 =	vimm.s32 $0x4  }
0x180: {  	v37 =	vld [tilespmem:s8+$0x3120];
	[tilespmem:$0x1FFA0] =	vst v63;
	v36 =	vadd.f32 v4, v36;
	v63 =	vperm.xlane v6, v10;
	v10 =	vimm.s32 $0x8  }
0x181: {  	v61 =	vld [tilespmem:s8+$0x3140];
	v43 =	vperm.xlane v6, v10;
	v10 =	vimm.s32 $0xC;
	v4 =	vmul.f32 v62, v22  }
0x182: {  	v8 =	vld [tilespmem:s8+$0x31C0];
	v7 =	vadd.f32 v7, v56;
	v42 =	vperm.xlane v6, v10;
	v6 =	vmul.f32 v63, v24  }
0x183: {  	v12 =	vmov v30;
	v30 =	vld [tilespmem:s8+$0x31F0];
	v2 =	vadd.f32 v2, v51;
	v9 =	vperm.xlane v1, v9  }
0x184: {  	v11 =	vmovc v13;
	v56 =	vmul.f32 v62, v17;
	v32 =	vadd.f32 v7, v32;
	v4 =	vadd.f32 v6, v4;
	v6 =	vld [tilespmem:$0x1FFC0]  }
0x185: {  	v13 =	vmovc v38;
	v38 =	vld [tilespmem:s8+$0x31B0];
	v1 =	vadd.f32 v1, v9;
	v7 =	vmul.f32 v62, v20;
	v9 =	vmul.f32 v62, v27  }
0x186: {  	v15 =	vmovc v40;
	v40 =	vld [tilespmem:s8+$0x31E0];
	v34 =	vadd.f32 v2, v34;
	v51 =	vmul.f32 v63, v23;
	v57 =	vmul.f32 v63, v47  }
0x187: {  	v14 =	vmovc v41;
	v33 =	vld [tilespmem:s8+$0x3190];
	v22 =	vmovc v29;
	v29 =	vmov v61;
	v2 =	vmul.f32 v43, v18;
	v10 =	vmul.f32 v42, v26  }
0x188: {  	v24 =	vmovc v0;
	v0 =	vld [tilespmem:s8+$0x3130];
	v20 =	vmovc v35;
	v60 =	vmul.f32 v61, v29;
	v62 =	vmul.f32 v30, v30;
	v18 =	vmov v28  }
0x189: {  	v35 =	vld [tilespmem:s8+$0x3110];
	v28 =	vmovc v8;
	v46 =	vmul.f32 v43, v16;
	v2 =	vadd.f32 v10, v2;
	v6 =	vperm.xlane v1, v6  }
0x18a: {  	p0 =	sne.s32 s7, $0x18FC0;
	v41 =	vld [tilespmem:s8+$0x31D0];
	v17 =	vmovc v31;
	v45 =	vmul.f32 v43, v21;
	v59 =	vmul.f32 v8, v28;
	v48 =	vadd.f32 v51, v7  }
.Ltmp4:
0x18b: {  	v27 =	vmovc v3;
	v7 =	vmul.f32 v40, v40;
	v2 =	vadd.f32 v2, v4;
	v44 =	vadd.f32 v1, v6;
	(pc) =	sbr.rel @p0 .LBB2_7-.Ltmp4, $4  }
0x18c: {  	v49 =	vld [tilespmem:s8+$0x31A0];
	v23 =	vmovc v55;
	v3 =	vmovc v37;
	v16 =	vmov v5;
	v10 =	vmul.f32 v63, v25;
	v63 =	vmul.f32 v38, v38  }
0x18d: {  	v52 =	vld [tilespmem:s8+$0x3170];
	v5 =	vmovc v33;
	v31 =	vmovc v0;
	v39 =	vadd.f32 v2, v39;
	v2 =	vshra.s32 v44, $0x1;
	v58 =	vmul.f32 $5.000000000e-01, v44  }
0x18e: {  	v47 =	vld [tilespmem:s8+$0x3150];
	v21 =	vmovc v54;
	v26 =	vmovc v50;
	v4 =	vmul.f32 v35, v35;
	v1 =	vmul.f32 v0, v31;
	v61 =	vsub.s32 $0x5F3759DF, v2  }
0x18f: {  	s7 =	sadd.s32 $0x400, s7;
	v50 =	vld [tilespmem:s8+$0x3160];
	v25 =	vmovc v53;
	v51 =	vadd.f32 v10, v9;
	v6 =	vmul.f32 v41, v41;
	v55 =	vmul.f32 v61, v58  }
0x190: {  	_ =	sdelay $0x2  }
0x191: {  	v0 =	vld [tilespmem:s8+$0x3180];
	v2 =	vmul.f32 v37, v3  }
0x192: {  	v8 =	vmul.f32 v47, v47;
	v9 =	vmul.f32 v50, v50  }
0x193: {  	v53 =	vld [tilespmem:s8+$0x3200];
	v10 =	vmul.f32 v33, v5;
	v54 =	vmul.f32 v49, v49  }
0x194: {  	v2 =	vadd.f32 v2, v4;
	v4 =	vadd.f32 v9, v8;
	v8 =	vmul.f32 v52, v52  }
0x195: {  	v6 =	vadd.f32 v7, v6;
	v9 =	vadd.f32 v54, v10;
	v54 =	vld [tilespmem:$0x1FFF0]  }
0x196: {  	v1 =	vadd.f32 v1, v2;
	v2 =	vadd.f32 v8, v4;
	v4 =	vmul.f32 v0, v0  }
0x197: {  	v6 =	vadd.f32 v62, v6;
	v7 =	vadd.f32 v63, v9  }
0x198: {  	v1 =	vadd.f32 v60, v1;
	v2 =	vadd.f32 v4, v2;
	v4 =	vmul.f32 v53, v53  }
0x199: {  	v7 =	vadd.f32 v59, v7;
	v59 =	vld [tilespmem:$0x1FFD0]  }
0x19a: {  	v4 =	vadd.f32 v4, v6;
	v6 =	vperm.xlane v1, v54;
	v8 =	vperm.xlane v2, v54;
	_ =	sdelay $0x1  }
0x19b: {  	v9 =	vperm.xlane v7, v54;
	v1 =	vadd.f32 v6, v1;
	v2 =	vadd.f32 v8, v2  }
0x19c: {  	v6 =	vperm.xlane v4, v54  }
0x19d: {  	v7 =	vadd.f32 v9, v7;
	v8 =	vperm.xlane v1, v59;
	v9 =	vperm.xlane v2, v59  }
0x19e: {  	v4 =	vadd.f32 v6, v4  }
0x19f: {  	v6 =	vperm.xlane v7, v59;
	v1 =	vadd.f32 v8, v1;
	v2 =	vadd.f32 v9, v2  }
0x1a0: {  	v62 =	vld [tilespmem:$0x1FFE0];
	v8 =	vperm.xlane v4, v59  }
0x1a1: {  	v6 =	vadd.f32 v6, v7;
	v1 =	vsel vm0, v1, v2;
	v2 =	vmul.f32 v61, v55  }
0x1a2: {  	v4 =	vadd.f32 v8, v4  }
0x1a3: {  	v1 =	vsel vm1, v1, v6;
	v2 =	vsub.f32 $1.500000000e+00, v2  }
0x1a4: {  	v1 =	vsel vm2, v1, v4  }
0x1a5: {  	v4 =	vperm.xlane v1, v62;
	v2 =	vmul.f32 v61, v2  }
0x1a6: {  	v60 =	vld [tilespmem:$0x1FFC0]  }
0x1a7: {  	v1 =	vadd.f32 v1, v4;
	v4 =	vmul.f32 v2, v58;
	_ =	sdelay $0x1  }
0x1a8: {  	v4 =	vmul.f32 v4, v2;
	_ =	sdelay $0x1  }
0x1a9: {  	v6 =	vperm.xlane v1, v60;
	v4 =	vsub.f32 $1.500000000e+00, v4;
	_ =	sdelay $0x1  }
0x1aa: {  	v1 =	vadd.f32 v1, v6;
	v2 =	vmul.f32 v4, v2;
	_ =	sdelay $0x1  }
0x1ab: {  	v6 =	vshra.s32 v1, $0x1;
	v7 =	vmul.f32 $5.000000000e-01, v1;
	v8 =	vmul.f32 v2, v2  }
0x1ac: {  	v10 =	vmul.f32 v43, v11;
	v4 =	vsub.s32 $0x5F3759DF, v6  }
0x1ad: {  	v11 =	vld [tilespmem:$0x1FFB0];
	v6 =	vmul.f32 v4, v7;
	v8 =	vmul.f32 $-1.000000010e-07, v8  }
0x1ae: {  	v9 =	vadd.f32 v57, v56;
	v56 =	vld [tilespmem:$0x1FF90]  }
0x1af: {  	v6 =	vmul.f32 v4, v6;
	v2 =	vadd.f32 v8, v2;
	v8 =	vld [tilespmem:$0x1FFA0];
	_ =	sdelay $0x1  }
0x1b0: {  	v6 =	vsub.f32 $1.500000000e+00, v6  }
0x1b1: {  	vm3 =	vgt.f32 v44, $1.000000000e+00;
	v11 =	vmul.f32 v42, v11  }
0x1b2: {  	v63 =	vimm.s32 $0x8;
	v33 =	vmul.f32 v42, v56;
	v4 =	vmul.f32 v4, v6  }
0x1b3: {  	v58 =	vimm.s32 $0x4;
	v2 =	vnsel vm3, $0x3F800000, v2;
	v8 =	vmul.f32 v42, v8  }
0x1b4: {  	v10 =	vadd.f32 v33, v10;
	v7 =	vmul.f32 v4, v7;
	v61 =	vperm.xlane v2, v58  }
0x1b5: {  	v57 =	vimm.s32 $0x0;
	v6 =	vadd.f32 v8, v46;
	v8 =	vadd.f32 v11, v45  }
0x1b6: {  	v9 =	vadd.f32 v10, v9;
	v7 =	vmul.f32 v7, v4;
	v19 =	vmul.f32 v61, v19  }
0x1b7: {  	v11 =	vperm.xlane v2, v57;
	v8 =	vadd.f32 v8, v51;
	v51 =	vimm.s32 $0xC  }
0x1b8: {  	v6 =	vadd.f32 v6, v48;
	v48 =	vperm.xlane v2, v63;
	v2 =	vperm.xlane v2, v51  }
0x1b9: {  	v7 =	vsub.f32 $1.500000000e+00, v7;
	v10 =	vmul.f32 v11, v22;
	v22 =	vmul.f32 v61, v24  }
0x1ba: {  	v18 =	vmul.f32 v48, v18;
	v24 =	vmul.f32 v2, v26  }
0x1bb: {  	v20 =	vmul.f32 v11, v20;
	v4 =	vmul.f32 v7, v4  }
0x1bc: {  	v10 =	vadd.f32 v22, v10;
	v22 =	vmul.f32 v11, v27;
	v18 =	vadd.f32 v24, v18  }
0x1bd: {  	v7 =	vadd.f32 v8, v34;
	v8 =	vmul.f32 v11, v17;
	v11 =	vmul.f32 v61, v23  }
0x1be: {  	v17 =	vmul.f32 v61, v25;
	v10 =	vadd.f32 v18, v10;
	v18 =	vmul.f32 v4, v4  }
0x1bf: {  	v9 =	vadd.f32 v9, v32;
	v16 =	vmul.f32 v48, v16;
	v13 =	vmul.f32 v48, v13  }
0x1c0: {  	v6 =	vadd.f32 v6, v36;
	v14 =	vmul.f32 v2, v14;
	v18 =	vmul.f32 $-1.000000010e-07, v18  }
0x1c1: {  	v15 =	vmul.f32 v2, v15;
	v2 =	vmul.f32 v2, v12;
	v11 =	vadd.f32 v11, v20  }
0x1c2: {  	v20 =	vmul.f32 v48, v21;
	v17 =	vadd.f32 v17, v22;
	v4 =	vadd.f32 v18, v4  }
0x1c3: {  	vm3 =	vgt.f32 v1, $1.000000000e+00;
	v8 =	vadd.f32 v19, v8;
	v1 =	vadd.f32 v14, v16  }
0x1c4: {  	v2 =	vadd.f32 v2, v13;
	v12 =	vadd.f32 v15, v20;
	v4 =	vnsel vm3, $0x3F800000, v4  }
0x1c5: {  	v1 =	vadd.f32 v1, v11;
	v13 =	vperm.xlane v4, v57;
	v14 =	vperm.xlane v4, v58  }
0x1c6: {  	v2 =	vadd.f32 v2, v8;
	v11 =	vperm.xlane v4, v63;
	v4 =	vperm.xlane v4, v51  }
0x1c7: {  	v12 =	vadd.f32 v12, v17;
	v15 =	vmul.f32 v13, v29;
	v0 =	vmul.f32 v14, v0  }
0x1c8: {  	v10 =	vadd.f32 v10, v39;
	v8 =	vmul.f32 v11, v28;
	v16 =	vmul.f32 v13, v35  }
0x1c9: {  	v1 =	vadd.f32 v1, v6;
	v3 =	vmul.f32 v13, v3;
	v6 =	vmul.f32 v13, v31  }
0x1ca: {  	v7 =	vadd.f32 v12, v7;
	v12 =	vmul.f32 v14, v47;
	v13 =	vmul.f32 v14, v50  }
0x1cb: {  	v2 =	vadd.f32 v2, v9;
	v9 =	vmul.f32 v14, v52;
	v5 =	vmul.f32 v11, v5  }
0x1cc: {  	v14 =	vmul.f32 v11, v49;
	v0 =	vadd.f32 v0, v15;
	v15 =	vmul.f32 v4, v41  }
0x1cd: {  	v11 =	vmul.f32 v11, v38;
	v3 =	vadd.f32 v13, v3;
	v13 =	vmul.f32 v4, v40  }
0x1ce: {  	v12 =	vadd.f32 v12, v16;
	v5 =	vadd.f32 v15, v5;
	v15 =	vmul.f32 v4, v30  }
0x1cf: {  	v6 =	vadd.f32 v9, v6;
	v4 =	vmul.f32 v4, v53;
	v9 =	vadd.f32 v13, v14  }
0x1d0: {  	v11 =	vadd.f32 v15, v11;
	v5 =	vadd.f32 v5, v12  }
0x1d1: {  	v4 =	vadd.f32 v4, v8;
	v3 =	vadd.f32 v9, v3  }
0x1d2: {  	v6 =	vadd.f32 v11, v6;
	v1 =	vadd.f32 v5, v1  }
0x1d3: {  	s7 =	sshll.u32 s0, $0x1;
	v0 =	vadd.f32 v4, v0;
	v3 =	vadd.f32 v3, v7  }
0x1d4: {  	s14 =	sadd.s32 s11, s7;
	v2 =	vadd.f32 v6, v2;
	[tilespmem:$0xFEC0] =	vst v1  }
0x1d5: {  	s8 =	smul.u32 $0xA0, s14;
	v0 =	vadd.f32 v0, v10;
	[tilespmem:$0xFED0] =	vst v3  }
0x1d6: {  	[tilespmem:$0xFEE0] =	vst v2  }
0x1d7: {  	p0 =	seq.s32 s0, $0xF;
	s8 =	sadd.s32 s2, s8;
	[tilespmem:$0xFEF0] =	vst v0  }
0x1d8: {  	[hbm4b:s8+s3] =	stream.linear.scatter [tilespmem:s30], [sflag:$0x3], $0x500, $0x38;
	[tilespmem:$0xFF00] =	vst v63  }
0x1d9: {  	s8 =	smul.u32 @!p0 $0xC80, s0  }
0x1da: {  	_ =	swait.ge [sflag:s13], $0x500  }
0x1db: {  	s10 =	simm.s32 @!p0 $0x50;
	[sflag:s13] =	ssyncset.done $0x0;
	s8 =	sshra.s32 @!p0 s8, $0x2  }
0x1dc: {  	s14 =	simm.s32 @!p0 $0x3200;
	[sflag:s13] =	ssyncadd.s32 $0xFFFFFB00;
	s9 =	sadd.s32 @!p0 $0x320, s8  }
0x1dd: {  	[tilespmem:s14], [sflag:$0x1] =	stream.indirect.gather @!p0 [hbm4b:s4+s10], $0x40, s9, s10, $0xb8;
	[tilespmem:$0xFF00] =	vst v63  }
0x1de: {  	s9 =	sadd.s32 @!p0 $0x370, s8;
	s14 =	simm.s32 @!p0 $0x4600  }
0x1df: {  	[tilespmem:s14], [sflag:$0x1] =	stream.indirect.gather @!p0 [hbm4b:s4+s10], $0x40, s9, s10, $0xb8;
	[tilespmem:$0xFF00] =	vst v63  }
0x1e0: {  	s9 =	sadd.s32 @!p0 $0x3C0, s8;
	s14 =	simm.s32 @!p0 $0x5A00  }
0x1e1: {  	[tilespmem:s14], [sflag:$0x1] =	stream.indirect.gather @!p0 [hbm4b:s4+s10], $0x40, s9, s10, $0xb8;
	[tilespmem:$0xFF00] =	vst v63  }
0x1e2: {  	s9 =	sadd.s32 @!p0 $0x410, s8;
	s14 =	simm.s32 @!p0 $0x6E00  }
0x1e3: {  	[tilespmem:s14], [sflag:$0x1] =	stream.indirect.gather @!p0 [hbm4b:s4+s10], $0x40, s9, s10, $0xb8;
	[tilespmem:$0xFF00] =	vst v63  }
0x1e4: {  	s8 =	sadd.s32 @!p0 $0x460, s8;
	s9 =	simm.s32 @!p0 $0x8200  }
0x1e5: {  	[tilespmem:s9], [sflag:$0x1] =	stream.indirect.gather @!p0 [hbm4b:s4+s10], $0x40, s8, s10, $0xb8;
	[tilespmem:$0xFF00] =	vst v63  }
0x1e6: {  	_ =	swait.ge [sflag:s31], $0x6400  }
0x1e7: {  	[sflag:s31] =	ssyncset.done $0x0  }
0x1e8: {  	s8 =	simm.s32 $0x0;
	[sflag:s31] =	ssyncadd.s32 $0xFFFF9C00  }
0x1e9: {  	v14 =	vld [tilespmem:s8+$0x96E0]  }
0x1ea: {  	v17 =	vld [tilespmem:s8+$0x96D0]  }
0x1eb: {  	v9 =	vld [tilespmem:s8+$0x9620]  }
0x1ec: {  	v18 =	vld [tilespmem:s8+$0x96A0]  }
0x1ed: {  	v8 =	vld [tilespmem:s8+$0x9680]  }
0x1ee: {  	v12 =	vld [tilespmem:s8+$0x9690]  }
0x1ef: {  	v15 =	vld [tilespmem:s8+$0x9650]  }
0x1f0: {  	v10 =	vld [tilespmem:s8+$0x9640]  }
0x1f1: {  	v21 =	vld [tilespmem:s8+$0x9600]  }
0x1f2: {  	v23 =	vld [tilespmem:s8+$0x9610]  }
0x1f3: {  	v26 =	vld [tilespmem:s8+$0x96C0];
	v0 =	vmul.f32 v14, v14  }
0x1f4: {  	v13 =	vld [tilespmem:s8+$0x9660];
	v1 =	vmul.f32 v17, v17;
	v2 =	vmul.f32 v18, v18  }
0x1f5: {  	v11 =	vld [tilespmem:s8+$0x9670];
	v3 =	vmul.f32 v9, v9;
	v4 =	vmul.f32 v8, v8  }
0x1f6: {  	v27 =	vld [tilespmem:s8+$0x9630];
	v5 =	vmul.f32 v21, v21;
	v6 =	vmul.f32 v15, v15  }
0x1f7: {  	v22 =	vld [tilespmem:s8+$0x96B0];
	v7 =	vmul.f32 v23, v23;
	v16 =	vmul.f32 v10, v10  }
0x1f8: {  	v31 =	vld [tilespmem:s8+$0x96F0];
	v19 =	vmul.f32 v12, v12;
	v20 =	vmul.f32 v26, v26  }
0x1f9: {  	v24 =	vmul.f32 v13, v13;
	v5 =	vadd.f32 v7, v5;
	v6 =	vadd.f32 v6, v16  }
0x1fa: {  	v7 =	vmul.f32 v11, v11;
	v4 =	vadd.f32 v19, v4;
	v1 =	vadd.f32 v1, v20  }
0x1fb: {  	v16 =	vmul.f32 v27, v27;
	v3 =	vadd.f32 v3, v5;
	v5 =	vadd.f32 v24, v6  }
0x1fc: {  	v6 =	vmul.f32 v22, v22;
	v2 =	vadd.f32 v2, v4;
	v0 =	vadd.f32 v0, v1  }
0x1fd: {  	v1 =	vmul.f32 v31, v31;
	v3 =	vadd.f32 v16, v3;
	v4 =	vadd.f32 v7, v5  }
0x1fe: {  	v2 =	vadd.f32 v6, v2  }
0x1ff: {  	v0 =	vadd.f32 v1, v0;
	v1 =	vperm.xlane v3, v54;
	v5 =	vperm.xlane v4, v54  }
0x200: {  	v6 =	vperm.xlane v2, v54  }
0x201: {  	v7 =	vperm.xlane v0, v54;
	v1 =	vadd.f32 v1, v3;
	v3 =	vadd.f32 v5, v4  }
0x202: {  	v2 =	vadd.f32 v6, v2  }
0x203: {  	v0 =	vadd.f32 v7, v0;
	v4 =	vperm.xlane v1, v59;
	v5 =	vperm.xlane v3, v59  }
0x204: {  	v6 =	vperm.xlane v2, v59  }
0x205: {  	v7 =	vperm.xlane v0, v59;
	v1 =	vadd.f32 v4, v1;
	v3 =	vadd.f32 v5, v3  }
0x206: {  	v2 =	vadd.f32 v6, v2  }
0x207: {  	s9 =	simm.s32 $0x100;
	v0 =	vadd.f32 v7, v0;
	v1 =	vsel vm0, v1, v3  }
0x208: {  	v32 =	vld [tilespmem:s9+$0x96E0];
	v1 =	vsel vm1, v1, v2  }
0x209: {  	v25 =	vld [tilespmem:s9+$0x96D0];
	v0 =	vsel vm2, v1, v0  }
0x20a: {  	v30 =	vld [tilespmem:s9+$0x96A0];
	v1 =	vperm.xlane v0, v62  }
0x20b: {  	v36 =	vld [tilespmem:s9+$0x9690]  }
0x20c: {  	v37 =	vld [tilespmem:s9+$0x96C0];
	v0 =	vadd.f32 v0, v1  }
0x20d: {  	v38 =	vld [tilespmem:s9+$0x9610]  }
0x20e: {  	v33 =	vld [tilespmem:s9+$0x9640];
	v1 =	vperm.xlane v0, v60  }
0x20f: {  	v19 =	vld [tilespmem:s9+$0x9680]  }
0x210: {  	v24 =	vld [tilespmem:s9+$0x9650];
	v40 =	vadd.f32 v0, v1  }
0x211: {  	v39 =	vld [tilespmem:s9+$0x9600]  }
0x212: {  	v29 =	vld [tilespmem:s9+$0x9660];
	v55 =	vmul.f32 v30, v30;
	v0 =	vshra.s32 v40, $0x1;
	v2 =	vmul.f32 $5.000000000e-01, v40  }
0x213: {  	v35 =	vld [tilespmem:s9+$0x9630];
	v57 =	vmul.f32 v37, v37;
	v61 =	vmul.f32 v38, v38;
	v0 =	vsub.s32 $0x5F3759DF, v0  }
0x214: {  	v63 =	vmul.f32 v33, v33;
	v20 =	vld [tilespmem:s9+$0x9620];
	v1 =	vmul.f32 v0, v2  }
0x215: {  	v16 =	vld [tilespmem:s9+$0x9670];
	v58 =	vmul.f32 v24, v24;
	v6 =	vmul.f32 v19, v19  }
0x216: {  	v34 =	vld [tilespmem:s9+$0x96F0];
	v7 =	vmul.f32 v36, v36;
	v1 =	vmul.f32 v0, v1  }
0x217: {  	v42 =	vmul.f32 v29, v29;
	v45 =	vadd.f32 v58, v63;
	v3 =	vmul.f32 v25, v25  }
0x218: {  	v28 =	vld [tilespmem:s9+$0x96B0];
	v43 =	vmul.f32 v35, v35;
	v6 =	vadd.f32 v7, v6;
	v56 =	vsub.f32 $1.500000000e+00, v1  }
0x219: {  	v4 =	vmul.f32 v32, v32;
	v5 =	vmul.f32 v20, v20;
	v7 =	vadd.f32 v3, v57  }
0x21a: {  	v3 =	vadd.f32 v55, v6;
	v6 =	vmul.f32 v16, v16;
	v41 =	vmul.f32 v0, v56  }
0x21b: {  	v4 =	vadd.f32 v4, v7;
	v7 =	vmul.f32 v34, v34;
	v0 =	vmul.f32 v39, v39  }
0x21c: {  	v55 =	vimm.s32 $0x0;
	v57 =	vimm.s32 $0x8;
	v2 =	vmul.f32 v41, v2  }
0x21d: {  	v4 =	vadd.f32 v7, v4;
	v1 =	vmul.f32 v28, v28;
	v44 =	vadd.f32 v61, v0  }
0x21e: {  	s10 =	simm.s32 $0x800;
	v58 =	vmovc v59;
	v59 =	vmovc v62;
	v56 =	vimm.s32 $0x4;
	v61 =	vimm.s32 $0xC;
	v7 =	vmul.f32 v2, v41  }
.LBB2_9:
0x21f: {  	p1 =	sne.s32 s10, $0xC00;
	v0 =	vadd.f32 v5, v44;
	v2 =	vadd.f32 v42, v45;
	s14 =	smov.u32 s10;
	s10 =	sadd.s32 $0x400, s10  }
0x220: {  	v1 =	vadd.f32 v1, v3;
	v3 =	vperm.xlane v4, v54;
	v5 =	vsub.f32 $1.500000000e+00, v7  }
0x221: {  	v0 =	vadd.f32 v43, v0;
	v2 =	vadd.f32 v6, v2  }
0x222: {  	v6 =	vperm.xlane v1, v54;
	v3 =	vadd.f32 v3, v4;
	v4 =	vmul.f32 v5, v41  }
0x223: {  	v5 =	vperm.xlane v0, v54;
	v7 =	vperm.xlane v2, v54  }
0x224: {  	v1 =	vadd.f32 v6, v1;
	v6 =	vperm.xlane v3, v58;
	v41 =	vmul.f32 v4, v4  }
0x225: {  	v0 =	vadd.f32 v5, v0;
	v2 =	vadd.f32 v7, v2  }
0x226: {  	v5 =	vperm.xlane v1, v58;
	v3 =	vadd.f32 v6, v3;
	v6 =	vmul.f32 $-1.000000010e-07, v41  }
0x227: {  	v7 =	vperm.xlane v0, v58;
	v41 =	vperm.xlane v2, v58  }
0x228: {  	v4 =	vadd.f32 v6, v4  }
0x229: {  	vm3 =	vgt.f32 v40, $1.000000000e+00;
	v0 =	vadd.f32 v7, v0;
	v2 =	vadd.f32 v41, v2  }
0x22a: {  	v1 =	vadd.f32 v5, v1;
	v4 =	vnsel vm3, $0x3F800000, v4  }
0x22b: {  	v0 =	vsel vm0, v0, v2;
	v2 =	vperm.xlane v4, v55;
	v5 =	vperm.xlane v4, v56  }
0x22c: {  	v7 =	vperm.xlane v4, v57;
	v0 =	vsel vm1, v0, v1;
	v1 =	vperm.xlane v4, v61  }
0x22d: {  	s14 =	sshra.s32 s14, $0x2;
	v0 =	vsel vm2, v0, v3;
	v3 =	vmul.f32 v2, v21;
	v4 =	vmul.f32 v2, v23;
	v21 =	vmovc v39  }
0x22e: {  	v41 =	vmul.f32 v7, v12;
	v12 =	vmovc v36;
	v23 =	vmov v38;
	v6 =	vld [tilespmem:s14+$0x96B0];
	v39 =	vperm.xlane v0, v59  }
0x22f: {  	v36 =	vmul.f32 v7, v18;
	v38 =	vmul.f32 v7, v22;
	v22 =	vmovc v28;
	v18 =	vmov v30;
	v42 =	vld [tilespmem:s14+$0x9670];
	[tilespmem:s8+$0xFA00] =	vst v3  }
0x230: {  	v30 =	vmul.f32 v1, v26;
	v40 =	vmul.f32 v1, v17;
	v3 =	vld [tilespmem:s14+$0x96E0];
	v0 =	vadd.f32 v0, v39;
	[tilespmem:s8+$0xFA10] =	vst v4  }
0x231: {  	v17 =	vmovc v25;
	v4 =	vmul.f32 v1, v14;
	v1 =	vmul.f32 v1, v31;
	v14 =	vmov v32;
	[tilespmem:s8+$0xFAA0] =	vst v36;
	v25 =	vld [tilespmem:s14+$0x96D0]  }
0x232: {  	v26 =	vmovc v37;
	v39 =	vmul.f32 v2, v9;
	v9 =	vmov v20;
	v31 =	vperm.xlane v0, v60;
	[tilespmem:s8+$0xFAC0] =	vst v30;
	v20 =	vld [tilespmem:s14+$0x9620]  }
0x233: {  	v43 =	vmul.f32 v5, v10;
	v10 =	vmovc v33;
	v2 =	vmul.f32 v2, v27;
	v30 =	vld [tilespmem:s14+$0x96A0];
	[tilespmem:s8+$0xFAD0] =	vst v40;
	v28 =	vmov v6  }
0x234: {  	v45 =	vmul.f32 v5, v13;
	v44 =	vld [tilespmem:s14+$0x9660];
	v40 =	vadd.f32 v0, v31;
	v0 =	vmul.f32 v5, v15;
	[tilespmem:s8+$0xFAE0] =	vst v4  }
0x235: {  	v47 =	vmul.f32 v5, v11;
	v11 =	vmovc v16;
	v16 =	vmov v42;
	v4 =	vld [tilespmem:s14+$0x9680];
	v46 =	vmul.f32 v3, v3;
	[tilespmem:s8+$0xFAB0] =	vst v38  }
0x236: {  	v13 =	vmovc v29;
	v15 =	vmovc v24;
	v32 =	vmov v3;
	v36 =	vld [tilespmem:s14+$0x9690];
	v5 =	vshra.s32 v40, $0x1;
	v48 =	vmul.f32 $5.000000000e-01, v40;
	[tilespmem:s8+$0xFA90] =	vst v41  }
0x237: {  	v27 =	vmov v35;
	v31 =	vmov v34;
	v24 =	vld [tilespmem:s14+$0x9650];
	v3 =	vsub.s32 $0x5F3759DF, v5;
	[tilespmem:s8+$0xFAF0] =	vst v1  }
0x238: {  	v33 =	vld [tilespmem:s14+$0x9640];
	v1 =	vmul.f32 v3, v48;
	[tilespmem:s8+$0xFA30] =	vst v2  }
0x239: {  	v2 =	vmul.f32 v25, v25;
	v37 =	vld [tilespmem:s14+$0x96C0];
	[tilespmem:s8+$0xFA20] =	vst v39;
	v29 =	vmov v44  }
0x23a: {  	v49 =	vmul.f32 v30, v30;
	v39 =	vld [tilespmem:s14+$0x9600];
	v35 =	vmul.f32 v3, v1;
	[tilespmem:s8+$0xFA40] =	vst v43  }
0x23b: {  	v5 =	vmul.f32 v20, v20;
	v41 =	vmul.f32 v4, v4;
	v38 =	vld [tilespmem:s14+$0x9610];
	[tilespmem:s8+$0xFA50] =	vst v0  }
0x23c: {  	v1 =	vmul.f32 v6, v28;
	v0 =	vmul.f32 v36, v36;
	v34 =	vld [tilespmem:s14+$0x96F0];
	v43 =	vsub.f32 $1.500000000e+00, v35;
	[tilespmem:s8+$0xFA70] =	vst v47  }
0x23d: {  	v6 =	vmul.f32 v42, v16;
	v35 =	vld [tilespmem:s14+$0x9630];
	[tilespmem:s8+$0xFA60] =	vst v45  }
0x23e: {  	v0 =	vadd.f32 v0, v41;
	v42 =	vmul.f32 v37, v37;
	v41 =	vmul.f32 v3, v43  }
0x23f: {  	v45 =	vmul.f32 v24, v24;
	v43 =	vmul.f32 v39, v39  }
.Ltmp5:
0x240: {  	v7 =	vmul.f32 v7, v8;
	v8 =	vmovc v19;
	v47 =	vmul.f32 v38, v38;
	v2 =	vadd.f32 v2, v42;
	(pc) =	sbr.rel @p1 .LBB2_9-.Ltmp5, $4  }
0x241: {  	v19 =	vmovc v4;
	v50 =	vmul.f32 v33, v33;
	v3 =	vadd.f32 v49, v0;
	v42 =	vmul.f32 v44, v29  }
0x242: {  	v0 =	vadd.f32 v46, v2;
	v2 =	vmul.f32 v34, v34;
	v46 =	vmul.f32 v41, v48;
	[tilespmem:s8+$0xFA80] =	vst v7;
	s8 =	smov.u32 s9;
	s9 =	smov.u32 s14  }
0x243: {  	v45 =	vadd.f32 v45, v50;
	v44 =	vadd.f32 v47, v43  }
0x244: {  	v43 =	vmul.f32 v35, v35;
	v4 =	vadd.f32 v2, v0;
	v7 =	vmul.f32 v46, v41  }
0x245: {  	v0 =	vadd.f32 v5, v44;
	v2 =	vadd.f32 v42, v45;
	_ =	sdelay $0x1  }
0x246: {  	v0 =	vadd.f32 v43, v0;
	v2 =	vadd.f32 v6, v2  }
0x247: {  	v1 =	vadd.f32 v1, v3  }
0x248: {  	v3 =	vperm.xlane v0, v54;
	v5 =	vperm.xlane v2, v54  }
0x249: {  	v6 =	vperm.xlane v1, v54  }
0x24a: {  	v53 =	vperm.xlane v4, v54;
	v0 =	vadd.f32 v3, v0;
	v2 =	vadd.f32 v5, v2  }
0x24b: {  	v1 =	vadd.f32 v6, v1  }
0x24c: {  	v3 =	vadd.f32 v53, v4;
	v4 =	vperm.xlane v0, v58;
	v5 =	vperm.xlane v2, v58  }
0x24d: {  	v6 =	vperm.xlane v1, v58  }
0x24e: {  	v42 =	vperm.xlane v3, v58;
	v0 =	vadd.f32 v4, v0;
	v2 =	vadd.f32 v5, v2  }
0x24f: {  	v1 =	vadd.f32 v6, v1  }
0x250: {  	v3 =	vadd.f32 v42, v3;
	v0 =	vsel vm0, v0, v2  }
0x251: {  	v0 =	vsel vm1, v0, v1  }
0x252: {  	v0 =	vsel vm2, v0, v3  }
0x253: {  	v1 =	vperm.xlane v0, v59;
	_ =	sdelay $0x1  }
0x254: {  	v0 =	vadd.f32 v0, v1;
	_ =	sdelay $0x1  }
0x255: {  	v1 =	vperm.xlane v0, v60;
	_ =	sdelay $0x1  }
0x256: {  	v2 =	vsub.f32 $1.500000000e+00, v7;
	v0 =	vadd.f32 v0, v1;
	_ =	sdelay $0x1  }
0x257: {  	v1 =	vmul.f32 v2, v41;
	v2 =	vshra.s32 v0, $0x1;
	v3 =	vmul.f32 $5.000000000e-01, v0  }
0x258: {  	v2 =	vsub.s32 $0x5F3759DF, v2  }
0x259: {  	v4 =	vmul.f32 v1, v1;
	v5 =	vmul.f32 v2, v3;
	_ =	sdelay $0x1  }
0x25a: {  	v4 =	vmul.f32 $-1.000000010e-07, v4;
	v5 =	vmul.f32 v2, v5;
	_ =	sdelay $0x1  }
0x25b: {  	v1 =	vadd.f32 v4, v1;
	v4 =	vsub.f32 $1.500000000e+00, v5  }
0x25c: {  	vm3 =	vgt.f32 v40, $1.000000000e+00  }
0x25d: {  	v1 =	vnsel vm3, $0x3F800000, v1;
	v2 =	vmul.f32 v2, v4  }
0x25e: {  	v5 =	vperm.xlane v1, v57  }
0x25f: {  	v6 =	vperm.xlane v1, v61;
	v3 =	vmul.f32 v2, v3  }
0x260: {  	v4 =	vperm.xlane v1, v55;
	v18 =	vmul.f32 v5, v18  }
0x261: {  	v17 =	vmul.f32 v6, v17;
	v3 =	vmul.f32 v3, v2  }
0x262: {  	v14 =	vmul.f32 v6, v14;
	[tilespmem:s8+$0xFAA0] =	vst v18  }
0x263: {  	v7 =	vmul.f32 v4, v21;
	[tilespmem:s8+$0xFAD0] =	vst v17;
	v3 =	vsub.f32 $1.500000000e+00, v3  }
0x264: {  	v1 =	vperm.xlane v1, v56;
	v21 =	vmul.f32 v4, v23;
	[tilespmem:s8+$0xFAE0] =	vst v14  }
0x265: {  	[tilespmem:s8+$0xFA00] =	vst v7;
	v7 =	vmul.f32 v6, v26;
	v2 =	vmul.f32 v3, v2  }
0x266: {  	vm3 =	vgt.f32 v0, $1.000000000e+00;
	v0 =	vmul.f32 v1, v11;
	[tilespmem:s8+$0xFA10] =	vst v21  }
0x267: {  	[tilespmem:s8+$0xFAC0] =	vst v7;
	v7 =	vmul.f32 v5, v12;
	v12 =	vmul.f32 v2, v2  }
0x268: {  	[tilespmem:s8+$0xFA70] =	vst v0;
	v3 =	vmul.f32 v5, v22  }
0x269: {  	v6 =	vmul.f32 v6, v31;
	[tilespmem:s8+$0xFA90] =	vst v7;
	v7 =	vmul.f32 $-1.000000010e-07, v12  }
0x26a: {  	[tilespmem:s8+$0xFAB0] =	vst v3;
	v3 =	vmul.f32 v4, v27  }
0x26b: {  	v0 =	vmul.f32 v5, v8;
	[tilespmem:s8+$0xFAF0] =	vst v6;
	v2 =	vadd.f32 v7, v2  }
0x26c: {  	[tilespmem:s8+$0xFA30] =	vst v3;
	v3 =	vmul.f32 v1, v15  }
0x26d: {  	v6 =	vmul.f32 v1, v10;
	[tilespmem:s8+$0xFA80] =	vst v0;
	v4 =	vmul.f32 v4, v9;
	v2 =	vnsel vm3, $0x3F800000, v2  }
0x26e: {  	v1 =	vmul.f32 v1, v13;
	[tilespmem:s8+$0xFA50] =	vst v3;
	v3 =	vperm.xlane v2, v55  }
0x26f: {  	[tilespmem:s8+$0xFA20] =	vst v4  }
0x270: {  	[tilespmem:s8+$0xFA60] =	vst v1;
	v1 =	vperm.xlane v2, v57;
	v4 =	vmul.f32 v3, v39  }
0x271: {  	[tilespmem:s8+$0xFA40] =	vst v6;
	v0 =	vperm.xlane v2, v61;
	v5 =	vmul.f32 v3, v38  }
0x272: {  	v6 =	vmul.f32 v1, v30;
	[tilespmem:s9+$0xFA00] =	vst v4  }
0x273: {  	v4 =	vmul.f32 v0, v37;
	[tilespmem:s9+$0xFA10] =	vst v5  }
0x274: {  	v5 =	vmul.f32 v0, v25;
	[tilespmem:s9+$0xFAA0] =	vst v6  }
0x275: {  	v6 =	vmul.f32 v0, v32;
	[tilespmem:s9+$0xFAC0] =	vst v4  }
0x276: {  	v0 =	vmul.f32 v0, v34;
	[tilespmem:s9+$0xFAD0] =	vst v5  }
0x277: {  	v2 =	vperm.xlane v2, v56;
	v4 =	vmul.f32 v1, v28;
	[tilespmem:s9+$0xFAE0] =	vst v6  }
0x278: {  	v5 =	vmul.f32 v1, v36;
	[tilespmem:s9+$0xFAF0] =	vst v0  }
0x279: {  	v0 =	vmul.f32 v2, v33;
	[tilespmem:s9+$0xFAB0] =	vst v4  }
0x27a: {  	v1 =	vmul.f32 v1, v19;
	[tilespmem:s9+$0xFA90] =	vst v5  }
0x27b: {  	v4 =	vmul.f32 v3, v35;
	[tilespmem:s9+$0xFA40] =	vst v0  }
0x27c: {  	v3 =	vmul.f32 v3, v20;
	[tilespmem:s9+$0xFA80] =	vst v1  }
0x27d: {  	v0 =	vmul.f32 v2, v29;
	[tilespmem:s9+$0xFA30] =	vst v4  }
0x27e: {  	v4 =	vmul.f32 v2, v24;
	[tilespmem:s9+$0xFA20] =	vst v3  }
0x27f: {  	v3 =	vmul.f32 v2, v16;
	[tilespmem:s9+$0xFA60] =	vst v0  }
0x280: {  	[tilespmem:s9+$0xFA50] =	vst v4  }
0x281: {  	[tilespmem:s9+$0xFA70] =	vst v3  }
0x282: {  	v0 =	vld [tilespmem:$0x9A00]  }
0x283: {  	v1 =	vld [tilespmem:$0x9A10]  }
0x284: {  	v2 =	vld [tilespmem:$0x9A20]  }
0x285: {  	v3 =	vld [tilespmem:$0x9A30]  }
0x286: {  	v4 =	vld [tilespmem:$0x9A40]  }
0x287: {  	v5 =	vld [tilespmem:$0x9A50]  }
0x288: {  	v6 =	vld [tilespmem:$0x9A60]  }
0x289: {  	v7 =	vld [tilespmem:$0x9A70]  }
0x28a: {  	v8 =	vld [tilespmem:$0x9A80]  }
0x28b: {  	v9 =	vld [tilespmem:$0x9A90]  }
0x28c: {  	v28 =	vld [tilespmem:$0x9AD0]  }
0x28d: {  	v29 =	vld [tilespmem:$0x9AC0];
	v10 =	vmul.f32 v0, v0  }
0x28e: {  	v11 =	vld [tilespmem:$0x9AA0];
	v12 =	vmul.f32 v1, v1;
	v13 =	vmul.f32 v2, v2  }
0x28f: {  	v30 =	vld [tilespmem:$0x9AE0];
	v14 =	vmul.f32 v4, v4;
	v15 =	vmul.f32 v5, v5  }
0x290: {  	v16 =	vld [tilespmem:$0x9AB0];
	v17 =	vmul.f32 v6, v6;
	v18 =	vmul.f32 v9, v9;
	v10 =	vadd.f32 v12, v10  }
0x291: {  	v31 =	vld [tilespmem:$0x9AF0];
	v19 =	vmul.f32 v28, v28;
	v14 =	vadd.f32 v15, v14;
	v15 =	vmul.f32 v8, v8  }
0x292: {  	v12 =	vmul.f32 v3, v3;
	v10 =	vadd.f32 v13, v10;
	v13 =	vmul.f32 v29, v29  }
0x293: {  	v14 =	vadd.f32 v17, v14;
	v15 =	vadd.f32 v18, v15;
	v17 =	vmul.f32 v11, v11  }
0x294: {  	v18 =	vmul.f32 v7, v7;
	v13 =	vadd.f32 v19, v13;
	v19 =	vmul.f32 v30, v30  }
0x295: {  	v10 =	vadd.f32 v12, v10;
	v12 =	vadd.f32 v17, v15;
	v15 =	vmul.f32 v16, v16  }
0x296: {  	v14 =	vadd.f32 v18, v14;
	v17 =	vmul.f32 v31, v31;
	v13 =	vadd.f32 v19, v13  }
0x297: {  	v12 =	vadd.f32 v15, v12  }
0x298: {  	v15 =	vperm.xlane v10, v54;
	v13 =	vadd.f32 v17, v13;
	v17 =	vperm.xlane v14, v54  }
0x299: {  	v18 =	vperm.xlane v12, v54  }
0x29a: {  	v10 =	vadd.f32 v15, v10;
	v14 =	vadd.f32 v17, v14;
	v15 =	vperm.xlane v13, v54  }
0x29b: {  	v12 =	vadd.f32 v18, v12  }
0x29c: {  	v17 =	vperm.xlane v10, v58;
	v18 =	vperm.xlane v14, v58;
	v13 =	vadd.f32 v15, v13  }
0x29d: {  	v15 =	vperm.xlane v12, v58  }
0x29e: {  	v10 =	vadd.f32 v17, v10;
	v14 =	vadd.f32 v18, v14;
	v17 =	vperm.xlane v13, v58  }
0x29f: {  	v12 =	vadd.f32 v15, v12  }
0x2a0: {  	v13 =	vadd.f32 v17, v13;
	v10 =	vsel vm0, v10, v14  }
0x2a1: {  	v10 =	vsel vm1, v10, v12  }
0x2a2: {  	v10 =	vsel vm2, v10, v13  }
0x2a3: {  	v12 =	vperm.xlane v10, v59;
	_ =	sdelay $0x1  }
0x2a4: {  	v10 =	vadd.f32 v10, v12;
	_ =	sdelay $0x1  }
0x2a5: {  	v12 =	vperm.xlane v10, v60;
	_ =	sdelay $0x1  }
0x2a6: {  	v10 =	vadd.f32 v10, v12;
	_ =	sdelay $0x1  }
0x2a7: {  	v12 =	vshra.s32 v10, $0x1;
	v13 =	vmul.f32 $5.000000000e-01, v10  }
0x2a8: {  	v12 =	vsub.s32 $0x5F3759DF, v12  }
0x2a9: {  	v14 =	vmul.f32 v12, v13;
	_ =	sdelay $0x1  }
0x2aa: {  	v14 =	vmul.f32 v12, v14;
	_ =	sdelay $0x1  }
0x2ab: {  	v14 =	vsub.f32 $1.500000000e+00, v14;
	_ =	sdelay $0x1  }
0x2ac: {  	v12 =	vmul.f32 v12, v14;
	_ =	sdelay $0x1  }
0x2ad: {  	v13 =	vmul.f32 v12, v13;
	_ =	sdelay $0x1  }
0x2ae: {  	v13 =	vmul.f32 v13, v12;
	_ =	sdelay $0x1  }
0x2af: {  	v13 =	vsub.f32 $1.500000000e+00, v13;
	_ =	sdelay $0x1  }
0x2b0: {  	v12 =	vmul.f32 v13, v12;
	_ =	sdelay $0x1  }
0x2b1: {  	v13 =	vmul.f32 v12, v12;
	_ =	sdelay $0x1  }
0x2b2: {  	v13 =	vmul.f32 $-1.000000010e-07, v13;
	_ =	sdelay $0x1  }
0x2b3: {  	v12 =	vadd.f32 v13, v12  }
0x2b4: {  	vm3 =	vgt.f32 v10, $1.000000000e+00  }
0x2b5: {  	v33 =	vnsel vm3, $0x3F800000, v12  }
0x2b6: {  	v10 =	vperm.xlane v33, v55;
	_ =	sdelay $0x1  }
0x2b7: {  	v0 =	vmul.f32 v10, v0  }
0x2b8: {  	v1 =	vmul.f32 v10, v1  }
0x2b9: {  	v12 =	vperm.xlane v33, v56;
	v2 =	vmul.f32 v10, v2;
	[tilespmem:$0xFE00] =	vst v0  }
0x2ba: {  	v0 =	vmul.f32 v10, v3;
	[tilespmem:$0xFE10] =	vst v1  }
0x2bb: {  	v1 =	vmul.f32 v12, v4;
	[tilespmem:$0xFE20] =	vst v2  }
0x2bc: {  	v2 =	vmul.f32 v12, v5;
	[tilespmem:$0xFE30] =	vst v0  }
0x2bd: {  	v3 =	vperm.xlane v33, v57;
	v0 =	vmul.f32 v12, v6;
	[tilespmem:$0xFE40] =	vst v1  }
0x2be: {  	v1 =	vmul.f32 v12, v7;
	[tilespmem:$0xFE50] =	vst v2  }
0x2bf: {  	v2 =	vmul.f32 v3, v8;
	[tilespmem:$0xFE60] =	vst v0  }
0x2c0: {  	v0 =	vmul.f32 v3, v9;
	[tilespmem:$0xFE70] =	vst v1  }
0x2c1: {  	v1 =	vmul.f32 v3, v11;
	[tilespmem:$0xFE80] =	vst v2  }
0x2c2: {  	v2 =	vmul.f32 v3, v16;
	[tilespmem:$0xFE90] =	vst v0  }
0x2c3: {  	[tilespmem:$0xFEA0] =	vst v1  }
0x2c4: {  	s10 =	simm.s32 $0x0;
	[tilespmem:$0xFEB0] =	vst v2  }
0x2c5: {  	v32 =	vld [tilespmem:s10+$0x9B30]  }
0x2c6: {  	v10 =	vld [tilespmem:s10+$0x9BE0]  }
0x2c7: {  	v36 =	vld [tilespmem:s10+$0x9B20]  }
0x2c8: {  	v3 =	vld [tilespmem:s10+$0x9BC0]  }
0x2c9: {  	v5 =	vld [tilespmem:s10+$0x9BD0]  }
0x2ca: {  	v39 =	vld [tilespmem:s10+$0x9B80]  }
0x2cb: {  	v40 =	vld [tilespmem:s10+$0x9B00]  }
0x2cc: {  	v47 =	vld [tilespmem:s10+$0x9B10]  }
0x2cd: {  	v44 =	vld [tilespmem:s10+$0x9B40]  }
0x2ce: {  	v37 =	vld [tilespmem:s10+$0x9B50]  }
0x2cf: {  	v45 =	vld [tilespmem:s10+$0x9B90];
	v0 =	vmul.f32 v32, v32  }
0x2d0: {  	v46 =	vld [tilespmem:s10+$0x9B60];
	v1 =	vmul.f32 v10, v10;
	v2 =	vmul.f32 v36, v36  }
0x2d1: {  	v8 =	vld [tilespmem:s10+$0x9BA0];
	[tilespmem:$0x1FF40] =	vst v3;
	v3 =	vmul.f32 v3, v3;
	v4 =	vmul.f32 v40, v40  }
0x2d2: {  	v48 =	vld [tilespmem:s10+$0x9B70];
	[tilespmem:$0x1FF50] =	vst v5;
	v5 =	vmul.f32 v5, v5;
	v6 =	vmul.f32 v47, v47  }
0x2d3: {  	v41 =	vld [tilespmem:s10+$0x9BB0];
	v7 =	vmul.f32 v44, v44;
	v12 =	vmul.f32 v37, v37  }
0x2d4: {  	v49 =	vld [tilespmem:s10+$0x9BF0];
	v13 =	vmul.f32 v39, v39;
	v9 =	vmul.f32 v45, v45  }
0x2d5: {  	v4 =	vadd.f32 v6, v4;
	v6 =	vadd.f32 v12, v7;
	v7 =	vmul.f32 v46, v46  }
0x2d6: {  	v12 =	vmul.f32 v8, v8;
	v13 =	vadd.f32 v9, v13;
	v3 =	vadd.f32 v5, v3  }
0x2d7: {  	v5 =	vmul.f32 v48, v48;
	v2 =	vadd.f32 v2, v4;
	v4 =	vadd.f32 v7, v6  }
0x2d8: {  	v6 =	vmul.f32 v41, v41;
	v7 =	vadd.f32 v12, v13;
	v1 =	vadd.f32 v1, v3  }
0x2d9: {  	v3 =	vmul.f32 v49, v49;
	v0 =	vadd.f32 v0, v2;
	v2 =	vadd.f32 v5, v4  }
0x2da: {  	v4 =	vadd.f32 v6, v7  }
0x2db: {  	v1 =	vadd.f32 v3, v1;
	v3 =	vperm.xlane v0, v54;
	v5 =	vperm.xlane v2, v54  }
0x2dc: {  	v6 =	vperm.xlane v4, v54  }
0x2dd: {  	v0 =	vadd.f32 v3, v0;
	v2 =	vadd.f32 v5, v2;
	v3 =	vperm.xlane v1, v54  }
0x2de: {  	v4 =	vadd.f32 v6, v4  }
0x2df: {  	v5 =	vperm.xlane v0, v58;
	v6 =	vperm.xlane v2, v58;
	v1 =	vadd.f32 v3, v1  }
0x2e0: {  	v3 =	vperm.xlane v4, v58  }
0x2e1: {  	v0 =	vadd.f32 v5, v0;
	v2 =	vadd.f32 v6, v2;
	v5 =	vperm.xlane v1, v58  }
0x2e2: {  	v3 =	vadd.f32 v3, v4  }
0x2e3: {  	s14 =	simm.s32 $0x100;
	v1 =	vadd.f32 v5, v1;
	v0 =	vsel vm0, v0, v2  }
0x2e4: {  	v18 =	vld [tilespmem:s14+$0x9BB0];
	v0 =	vsel vm1, v0, v3  }
0x2e5: {  	v23 =	vld [tilespmem:s14+$0x9B30];
	v0 =	vsel vm2, v0, v1  }
0x2e6: {  	v11 =	vld [tilespmem:s14+$0x9B80];
	v1 =	vperm.xlane v0, v59  }
0x2e7: {  	v20 =	vld [tilespmem:s14+$0x9B00]  }
0x2e8: {  	v27 =	vld [tilespmem:s14+$0x9B10];
	v0 =	vadd.f32 v0, v1  }
0x2e9: {  	v22 =	vld [tilespmem:s14+$0x9B40]  }
0x2ea: {  	v24 =	vld [tilespmem:s14+$0x9B50];
	v1 =	vperm.xlane v0, v60  }
0x2eb: {  	v21 =	vld [tilespmem:s14+$0x9B90]  }
0x2ec: {  	v19 =	vld [tilespmem:s14+$0x9B60];
	v0 =	vadd.f32 v0, v1  }
0x2ed: {  	[tilespmem:$0x1FF60] =	vst v8;
	v8 =	vld [tilespmem:s14+$0x9BC0]  }
0x2ee: {  	v35 =	vmul.f32 v20, v20;
	v9 =	vld [tilespmem:s14+$0x9BD0];
	v4 =	vshra.s32 v0, $0x1;
	v5 =	vmul.f32 $5.000000000e-01, v0  }
0x2ef: {  	v62 =	vmul.f32 v27, v27;
	v50 =	vmul.f32 v22, v22;
	v7 =	vld [tilespmem:s14+$0x9BA0];
	v4 =	vsub.s32 $0x5F3759DF, v4  }
0x2f0: {  	v51 =	vmul.f32 v24, v24;
	v6 =	vld [tilespmem:s14+$0x9B20];
	v26 =	vmul.f32 v4, v5  }
0x2f1: {  	v52 =	vmul.f32 v11, v11;
	v53 =	vmul.f32 v21, v21;
	v35 =	vadd.f32 v62, v35;
	v3 =	vld [tilespmem:s14+$0x9BE0]  }
0x2f2: {  	v25 =	vld [tilespmem:s14+$0x9B70];
	v42 =	vadd.f32 v51, v50;
	v62 =	vmul.f32 v19, v19;
	v63 =	vmul.f32 v4, v26  }
0x2f3: {  	v34 =	vmul.f32 v8, v8;
	v38 =	vmul.f32 v9, v9  }
0x2f4: {  	v42 =	vadd.f32 v62, v42;
	v15 =	vmovc v7;
	v7 =	vmul.f32 v7, v7;
	v26 =	vld [tilespmem:s14+$0x9BF0];
	v43 =	vsub.f32 $1.500000000e+00, v63  }
0x2f5: {  	v34 =	vadd.f32 v38, v34;
	v2 =	vmul.f32 v18, v18;
	v14 =	vmovc v6;
	v6 =	vmul.f32 v6, v6  }
0x2f6: {  	[tilespmem:$0x1FF70] =	vst v3;
	v3 =	vmul.f32 v3, v3;
	v63 =	vadd.f32 v53, v52;
	v4 =	vmul.f32 v4, v43  }
0x2f7: {  	v6 =	vadd.f32 v6, v35;
	v1 =	vmul.f32 v23, v23;
	v43 =	vmul.f32 v25, v25  }
0x2f8: {  	v3 =	vadd.f32 v3, v34;
	v7 =	vadd.f32 v7, v63;
	v5 =	vmul.f32 v4, v5  }
0x2f9: {  	v1 =	vadd.f32 v1, v6;
	v50 =	vmul.f32 v26, v26;
	v6 =	vadd.f32 v43, v42  }
0x2fa: {  	v53 =	vperm.xlane v33, v61;
	v2 =	vadd.f32 v2, v7;
	v5 =	vmul.f32 v5, v4  }
0x2fb: {  	v7 =	vperm.xlane v1, v54;
	v3 =	vadd.f32 v50, v3;
	v51 =	vperm.xlane v6, v54  }
0x2fc: {  	v34 =	vmul.f32 v53, v28;
	v52 =	vperm.xlane v2, v54;
	v5 =	vsub.f32 $1.500000000e+00, v5  }
0x2fd: {  	v1 =	vadd.f32 v7, v1;
	v7 =	vperm.xlane v3, v54;
	v6 =	vadd.f32 v51, v6  }
0x2fe: {  	s9 =	simm.s32 $0x200;
	v33 =	vmul.f32 v53, v30;
	v2 =	vadd.f32 v52, v2;
	v4 =	vmul.f32 v5, v4  }
0x2ff: {  	v38 =	vld [tilespmem:s9+$0x9BA0];
	v3 =	vadd.f32 v7, v3;
	v5 =	vperm.xlane v1, v58;
	v62 =	vperm.xlane v6, v58  }
0x300: {  	v30 =	vld [tilespmem:s9+$0x9BE0];
	v7 =	vperm.xlane v2, v58;
	v63 =	vmul.f32 v4, v4  }
0x301: {  	v28 =	vld [tilespmem:s9+$0x9BB0];
	v1 =	vadd.f32 v5, v1;
	v5 =	vadd.f32 v62, v6;
	v6 =	vperm.xlane v3, v58  }
0x302: {  	vm3 =	vgt.f32 v0, $1.000000000e+00;
	v2 =	vadd.f32 v7, v2;
	v7 =	vmul.f32 $-1.000000010e-07, v63  }
0x303: {  	v35 =	vmul.f32 v53, v29;
	v3 =	vadd.f32 v6, v3;
	v1 =	vsel vm0, v1, v5  }
0x304: {  	v0 =	vmul.f32 v53, v31;
	v1 =	vsel vm1, v1, v2;
	v2 =	vadd.f32 v7, v4  }
0x305: {  	v62 =	vmul.f32 v30, v30;
	v63 =	vmul.f32 v38, v38;
	v1 =	vsel vm2, v1, v3  }
0x306: {  	v3 =	vperm.xlane v1, v59;
	v59 =	vmul.f32 v28, v28;
	v2 =	vnsel vm3, $0x3F800000, v2  }
0x307: {  	v4 =	vperm.xlane v2, v55;
	v5 =	vperm.xlane v2, v56  }
0x308: {  	v43 =	vperm.xlane v2, v57;
	v42 =	vperm.xlane v2, v61  }
0x309: {  	v29 =	vld [tilespmem:s9+$0x9B30];
	v2 =	vmul.f32 v4, v32;
	v6 =	vmul.f32 v5, v48  }
0x30a: {  	v32 =	vld [tilespmem:s9+$0x9B20];
	v7 =	vmul.f32 v43, v41;
	v31 =	vmul.f32 v42, v49  }
0x30b: {  	v1 =	vadd.f32 v1, v3;
	v41 =	vld [tilespmem:s9+$0x9BC0];
	v3 =	vmul.f32 v4, v40;
	v50 =	vmul.f32 v4, v47  }
0x30c: {  	v40 =	vld [tilespmem:s9+$0x9BD0];
	v56 =	vmul.f32 v4, v36;
	v53 =	vmul.f32 v5, v37  }
0x30d: {  	v36 =	vld [tilespmem:s9+$0x9B00];
	v57 =	vmul.f32 v5, v46;
	v46 =	vmul.f32 v43, v39  }
0x30e: {  	v37 =	vld [tilespmem:s9+$0x9B10];
	v2 =	vadd.f32 v6, v2;
	v4 =	vadd.f32 v31, v7;
	v6 =	vperm.xlane v1, v60  }
0x30f: {  	v45 =	vmul.f32 v43, v45;
	v31 =	vld [tilespmem:s9+$0x9B80];
	v7 =	vmul.f32 v5, v44  }
0x310: {  	v60 =	vmul.f32 v29, v29;
	v2 =	vadd.f32 v4, v2;
	v44 =	vadd.f32 v1, v6  }
0x311: {  	v51 =	vld [tilespmem:s9+$0x9B50];
	v50 =	vadd.f32 v53, v50;
	v49 =	vadd.f32 v7, v3;
	v1 =	vmul.f32 v32, v32  }
0x312: {  	v17 =	vmovc v11;
	v12 =	vmovc v58;
	v52 =	vld [tilespmem:s9+$0x9B60];
	v39 =	vadd.f32 v2, v0;
	v0 =	vshra.s32 v44, $0x1;
	v58 =	vmul.f32 $5.000000000e-01, v44  }
0x313: {  	v11 =	vmovc v54;
	[tilespmem:$0x1FF80] =	vst v8;
	v47 =	vld [tilespmem:s9+$0x9B40];
	v6 =	vmul.f32 v41, v41;
	v4 =	vmul.f32 v36, v36;
	v61 =	vsub.s32 $0x5F3759DF, v0  }
0x314: {  	s8 =	simm.s32 $0xC00;
	v16 =	vmovc v9;
	v48 =	vld [tilespmem:s9+$0x9B90];
	v7 =	vmul.f32 v40, v40;
	v3 =	vmovc v37;
	v5 =	vmov v31;
	v55 =	vmul.f32 v61, v58  }
.LBB2_11:
0x315: {  	_ = 	snop  }
0x316: {  	v2 =	vmul.f32 v3, v37;
	v3 =	vmul.f32 v61, v55;
	_ =	sdelay $0x1  }
0x317: {  	v0 =	vld [tilespmem:s9+$0x9B70];
	v5 =	vmul.f32 v5, v31;
	v3 =	vsub.f32 $1.500000000e+00, v3;
	v55 =	vmov v47  }
0x318: {  	v56 =	vadd.f32 v57, v56;
	v8 =	vmul.f32 v51, v51;
	v57 =	vmul.f32 v47, v55  }
0x319: {  	v53 =	vmov v51;
	v51 =	vld [tilespmem:s9+$0x9BF0];
	v9 =	vmul.f32 v48, v48;
	v3 =	vmul.f32 v61, v3  }
0x31a: {  	v2 =	vadd.f32 v2, v4;
	v4 =	vadd.f32 v8, v57;
	v8 =	vmul.f32 v52, v52  }
0x31b: {  	v6 =	vadd.f32 v7, v6;
	v5 =	vadd.f32 v9, v5;
	v7 =	vmul.f32 v3, v58  }
0x31c: {  	v1 =	vadd.f32 v1, v2;
	v2 =	vadd.f32 v8, v4;
	v4 =	vmul.f32 v0, v0  }
0x31d: {  	v13 =	vld [tilespmem:$0x1FF40];
	v6 =	vadd.f32 v62, v6;
	v5 =	vadd.f32 v63, v5;
	v7 =	vmul.f32 v7, v3  }
0x31e: {  	v1 =	vadd.f32 v60, v1;
	v2 =	vadd.f32 v4, v2;
	v4 =	vmul.f32 v51, v51  }
0x31f: {  	v58 =	vld [tilespmem:$0x1FF80];
	v5 =	vadd.f32 v59, v5;
	v7 =	vsub.f32 $1.500000000e+00, v7  }
0x320: {  	v9 =	vmovc v15;
	v4 =	vadd.f32 v4, v6;
	v6 =	vperm.xlane v1, v11;
	v62 =	vperm.xlane v2, v11  }
0x321: {  	v63 =	vperm.xlane v5, v11;
	v3 =	vmul.f32 v7, v3  }
0x322: {  	v57 =	vmul.f32 v42, v13;
	v8 =	vld [tilespmem:$0x1FF60];
	[tilespmem:$0x1FF60] =	vst v9;
	v1 =	vadd.f32 v6, v1;
	v2 =	vadd.f32 v62, v2  }
0x323: {  	v9 =	vmovc v16;
	v7 =	vld [tilespmem:$0x1FF50];
	v5 =	vadd.f32 v63, v5;
	v6 =	vperm.xlane v4, v11;
	v60 =	vmul.f32 v3, v3  }
0x324: {  	v13 =	vmov v58;
	[tilespmem:$0x1FF50] =	vst v9;
	v9 =	vperm.xlane v1, v12;
	v59 =	vperm.xlane v2, v12  }
0x325: {  	v62 =	vmul.f32 v42, v10;
	v10 =	vld [tilespmem:$0x1FF70];
	v4 =	vadd.f32 v6, v4;
	v6 =	vperm.xlane v5, v12  }
0x326: {  	vm3 =	vgt.f32 v44, $1.000000000e+00;
	v1 =	vadd.f32 v9, v1;
	v2 =	vadd.f32 v59, v2  }
0x327: {  	[tilespmem:$0x1FF40] =	vst v13;
	v13 =	vmovc v41;
	v9 =	vperm.xlane v4, v12;
	v5 =	vadd.f32 v6, v5;
	v6 =	vmul.f32 $-1.000000010e-07, v60  }
0x328: {  	v61 =	vadd.f32 v57, v46;
	v8 =	vmul.f32 v43, v8;
	v7 =	vmul.f32 v42, v7  }
0x329: {  	v4 =	vadd.f32 v9, v4;
	v1 =	vsel vm0, v1, v2;
	v3 =	vadd.f32 v6, v3  }
0x32a: {  	s9 =	sshra.s32 s8, $0x2;
	[tilespmem:$0x1FF80] =	vst v13;
	v13 =	vmovc v10;
	v10 =	vmovc v30;
	v2 =	vadd.f32 v7, v45;
	v9 =	vimm.s32 $0x0;
	v1 =	vsel vm1, v1, v5  }
0x32b: {  	v30 =	vld [tilespmem:s9+$0x9BE0];
	[tilespmem:$0x1FF70] =	vst v10;
	v10 =	vimm.s32 $0x4;
	v1 =	vsel vm2, v1, v4;
	v3 =	vnsel vm3, $0x3F800000, v3  }
0x32c: {  	v7 =	vld [tilespmem:$0x1FFE0];
	v4 =	vadd.f32 v61, v49;
	v63 =	vperm.xlane v3, v10;
	v10 =	vimm.s32 $0x8  }
0x32d: {  	v9 =	vperm.xlane v3, v9;
	v43 =	vperm.xlane v3, v10;
	v10 =	vimm.s32 $0xC  }
0x32e: {  	v15 =	vmov v38;
	v38 =	vld [tilespmem:s9+$0x9BA0];
	v5 =	vadd.f32 v62, v8;
	v42 =	vperm.xlane v3, v10  }
0x32f: {  	v6 =	vld [tilespmem:s9+$0x9BB0];
	v35 =	vadd.f32 v4, v35;
	v3 =	vmul.f32 v9, v23;
	v4 =	vmul.f32 v63, v25  }
0x330: {  	v54 =	vmovc v48;
	v47 =	vmovc v19;
	v19 =	vmov v52;
	v8 =	vld [tilespmem:s9+$0x9B30];
	v2 =	vadd.f32 v2, v50;
	v5 =	vadd.f32 v5, v56  }
0x331: {  	v16 =	vmovc v40;
	v62 =	vmul.f32 v30, v30;
	v7 =	vperm.xlane v1, v7;
	v3 =	vadd.f32 v4, v3;
	v4 =	vld [tilespmem:$0x1FFC0]  }
0x332: {  	v40 =	vld [tilespmem:s9+$0x9BD0];
	v34 =	vadd.f32 v2, v34;
	v25 =	vmovc v0;
	v50 =	vmul.f32 v9, v27;
	v56 =	vmul.f32 v9, v14  }
0x333: {  	v41 =	vld [tilespmem:s9+$0x9BC0];
	v33 =	vadd.f32 v5, v33;
	v23 =	vmovc v29;
	v2 =	vmul.f32 v43, v18;
	v10 =	vmul.f32 v42, v26  }
0x334: {  	v0 =	vld [tilespmem:s9+$0x9B20];
	v14 =	vmovc v32;
	v57 =	vmul.f32 v63, v47;
	v46 =	vmul.f32 v43, v17;
	v1 =	vadd.f32 v1, v7  }
0x335: {  	v5 =	vld [tilespmem:s9+$0x9B80];
	v18 =	vmovc v28;
	v45 =	vmul.f32 v43, v21;
	v7 =	vmul.f32 v9, v20;
	v2 =	vadd.f32 v10, v2  }
0x336: {  	v28 =	vmovc v6;
	v29 =	vmovc v8;
	v9 =	vmul.f32 v63, v22;
	v20 =	vmov v36;
	v36 =	vld [tilespmem:s9+$0x9B00];
	v4 =	vperm.xlane v1, v4  }
0x337: {  	p1 =	sne.s32 s8, $0x17800;
	v27 =	vmovc v37;
	v60 =	vmul.f32 v8, v29;
	v59 =	vmul.f32 v6, v28;
	v2 =	vadd.f32 v2, v3;
	v3 =	vld [tilespmem:s9+$0x9B10]  }
.Ltmp6:
0x338: {  	v17 =	vmovc v31;
	v6 =	vmul.f32 v41, v41;
	v10 =	vmul.f32 v63, v24;
	v44 =	vadd.f32 v1, v4;
	(pc) =	sbr.rel @p1 .LBB2_11-.Ltmp6, $4  }
0x339: {  	v48 =	vld [tilespmem:s9+$0x9B90];
	v21 =	vmovc v54;
	v63 =	vmul.f32 v38, v38;
	v49 =	vadd.f32 v9, v7;
	v7 =	vmul.f32 v40, v40  }
0x33a: {  	v52 =	vld [tilespmem:s9+$0x9B60];
	v26 =	vmovc v51;
	v32 =	vmovc v0;
	v39 =	vadd.f32 v2, v39;
	v2 =	vshra.s32 v44, $0x1;
	v58 =	vmul.f32 $5.000000000e-01, v44  }
0x33b: {  	v47 =	vld [tilespmem:s9+$0x9B40];
	v22 =	vmovc v55;
	v24 =	vmovc v53;
	v50 =	vadd.f32 v10, v50;
	v1 =	vmul.f32 v0, v32;
	v61 =	vsub.s32 $0x5F3759DF, v2  }
0x33c: {  	s8 =	sadd.s32 $0x400, s8;
	v51 =	vld [tilespmem:s9+$0x9B50];
	v31 =	vmovc v5;
	v10 =	vmovc v13;
	v4 =	vmul.f32 v36, v36;
	v37 =	vmov v3;
	v55 =	vmul.f32 v61, v58  }
0x33d: {  	_ =	sdelay $0x2  }
0x33e: {  	v54 =	vld [tilespmem:s9+$0x9B70];
	v0 =	vmul.f32 v3, v37  }
0x33f: {  	v2 =	vmul.f32 v47, v47;
	v3 =	vmul.f32 v51, v51  }
0x340: {  	v5 =	vmul.f32 v5, v31;
	v0 =	vadd.f32 v0, v4  }
0x341: {  	v53 =	vld [tilespmem:s9+$0x9BF0];
	v8 =	vmul.f32 v48, v48;
	v2 =	vadd.f32 v3, v2;
	v3 =	vmul.f32 v52, v52  }
0x342: {  	v0 =	vadd.f32 v1, v0  }
0x343: {  	v8 =	vadd.f32 v8, v5;
	v1 =	vadd.f32 v3, v2;
	v2 =	vmul.f32 v54, v54  }
0x344: {  	v9 =	vadd.f32 v7, v6;
	v0 =	vadd.f32 v60, v0  }
0x345: {  	v3 =	vadd.f32 v63, v8;
	v1 =	vadd.f32 v2, v1  }
0x346: {  	v13 =	vadd.f32 v62, v9;
	v2 =	vmul.f32 v53, v53  }
0x347: {  	v3 =	vadd.f32 v59, v3;
	v59 =	vperm.xlane v0, v11;
	v60 =	vperm.xlane v1, v11  }
0x348: {  	v2 =	vadd.f32 v2, v13  }
0x349: {  	v0 =	vadd.f32 v59, v0;
	v1 =	vadd.f32 v60, v1  }
0x34a: {  	v62 =	vperm.xlane v3, v11;
	v63 =	vperm.xlane v2, v11  }
0x34b: {  	v9 =	vperm.xlane v0, v12;
	v13 =	vperm.xlane v1, v12  }
0x34c: {  	v3 =	vadd.f32 v62, v3;
	v2 =	vadd.f32 v63, v2  }
0x34d: {  	v0 =	vadd.f32 v9, v0;
	v1 =	vadd.f32 v13, v1  }
0x34e: {  	v59 =	vperm.xlane v3, v12  }
0x34f: {  	v60 =	vperm.xlane v2, v12;
	v0 =	vsel vm0, v0, v1;
	v1 =	vmul.f32 v61, v55;
	v55 =	vld [tilespmem:$0x1FFE0]  }
0x350: {  	v3 =	vadd.f32 v59, v3  }
0x351: {  	v2 =	vadd.f32 v60, v2  }
0x352: {  	v0 =	vsel vm1, v0, v3  }
0x353: {  	v59 =	vld [tilespmem:$0x1FFC0];
	v1 =	vsub.f32 $1.500000000e+00, v1;
	v0 =	vsel vm2, v0, v2  }
0x354: {  	v2 =	vperm.xlane v0, v55  }
0x355: {  	v1 =	vmul.f32 v61, v1  }
0x356: {  	v0 =	vadd.f32 v0, v2  }
0x357: {  	v2 =	vmul.f32 v1, v58  }
0x358: {  	v3 =	vperm.xlane v0, v59  }
0x359: {  	v13 =	vld [tilespmem:$0x1FF60];
	v2 =	vmul.f32 v2, v1  }
0x35a: {  	v0 =	vadd.f32 v0, v3  }
0x35b: {  	v2 =	vsub.f32 $1.500000000e+00, v2  }
0x35c: {  	v3 =	vshra.s32 v0, $0x1;
	v61 =	vmul.f32 $5.000000000e-01, v0  }
0x35d: {  	v1 =	vmul.f32 v2, v1;
	v2 =	vsub.s32 $0x5F3759DF, v3  }
0x35e: {  	v7 =	vmul.f32 v43, v13;
	v43 =	vld [tilespmem:$0x1FF40];
	v3 =	vmul.f32 v2, v61  }
0x35f: {  	v62 =	vmul.f32 v1, v1  }
0x360: {  	v3 =	vmul.f32 v2, v3  }
0x361: {  	v5 =	vmul.f32 $-1.000000010e-07, v62  }
0x362: {  	v3 =	vsub.f32 $1.500000000e+00, v3  }
0x363: {  	vm3 =	vgt.f32 v44, $1.000000000e+00;
	v1 =	vadd.f32 v5, v1;
	v5 =	vmul.f32 v42, v43  }
0x364: {  	v44 =	vimm.s32 $0x4;
	v43 =	vimm.s32 $0x0;
	v2 =	vmul.f32 v2, v3  }
0x365: {  	v3 =	vld [tilespmem:$0x1FF50];
	v5 =	vadd.f32 v5, v46;
	v46 =	vmul.f32 v42, v10;
	v1 =	vnsel vm3, $0x3F800000, v1  }
0x366: {  	v9 =	vperm.xlane v1, v43;
	v8 =	vperm.xlane v1, v44  }
0x367: {  	v4 =	vmul.f32 v2, v61;
	v7 =	vadd.f32 v46, v7;
	v46 =	vimm.s32 $0x8  }
0x368: {  	v5 =	vadd.f32 v5, v49;
	v10 =	vperm.xlane v1, v46;
	v49 =	vmul.f32 v9, v23  }
0x369: {  	v63 =	vadd.f32 v57, v56;
	v60 =	vmul.f32 v9, v20;
	v4 =	vmul.f32 v4, v2  }
0x36a: {  	vm3 =	vgt.f32 v0, $1.000000000e+00;
	v61 =	vmul.f32 v9, v27;
	v3 =	vmul.f32 v42, v3  }
0x36b: {  	v9 =	vmul.f32 v9, v14;
	v13 =	vmul.f32 v8, v22;
	v4 =	vsub.f32 $1.500000000e+00, v4  }
0x36c: {  	v6 =	vadd.f32 v7, v63;
	v63 =	vmul.f32 v8, v24;
	v3 =	vadd.f32 v3, v45  }
0x36d: {  	v27 =	vld [tilespmem:$0x1FF80];
	v18 =	vmul.f32 v10, v18;
	v45 =	vimm.s32 $0xC;
	v2 =	vmul.f32 v4, v2  }
0x36e: {  	v1 =	vperm.xlane v1, v45;
	v3 =	vadd.f32 v3, v50;
	v50 =	vmul.f32 v8, v25  }
0x36f: {  	v6 =	vadd.f32 v6, v33;
	v33 =	vld [tilespmem:$0x1FF70];
	v8 =	vmul.f32 v8, v19;
	v62 =	vmul.f32 v2, v2  }
0x370: {  	v5 =	vadd.f32 v5, v35;
	v25 =	vmul.f32 v10, v17;
	v56 =	vmul.f32 v1, v26  }
0x371: {  	v24 =	vadd.f32 v63, v61;
	v26 =	vmul.f32 v10, v21;
	v14 =	vmul.f32 $-1.000000010e-07, v62  }
0x372: {  	v4 =	vadd.f32 v13, v60;
	v13 =	vmul.f32 v1, v27;
	v10 =	vmul.f32 v10, v15  }
0x373: {  	v0 =	vmul.f32 v1, v16;
	v57 =	vadd.f32 v50, v49;
	v2 =	vadd.f32 v14, v2  }
0x374: {  	v3 =	vadd.f32 v3, v34;
	v1 =	vmul.f32 v1, v33;
	v58 =	vadd.f32 v56, v18  }
0x375: {  	v8 =	vadd.f32 v8, v9;
	v0 =	vadd.f32 v0, v26;
	v2 =	vnsel vm3, $0x3F800000, v2  }
0x376: {  	v13 =	vadd.f32 v13, v25;
	v7 =	vadd.f32 v58, v57;
	v34 =	vperm.xlane v2, v43  }
0x377: {  	v0 =	vadd.f32 v0, v24;
	v35 =	vperm.xlane v2, v44;
	v49 =	vperm.xlane v2, v46  }
0x378: {  	v7 =	vadd.f32 v7, v39;
	v2 =	vperm.xlane v2, v45;
	v39 =	vmul.f32 v34, v29  }
0x379: {  	v1 =	vadd.f32 v1, v10;
	v42 =	vmul.f32 v34, v36;
	v43 =	vmul.f32 v34, v37  }
0x37a: {  	v0 =	vadd.f32 v0, v3;
	v44 =	vmul.f32 v34, v32;
	v3 =	vmul.f32 v35, v54  }
0x37b: {  	v4 =	vadd.f32 v13, v4;
	v50 =	vmul.f32 v35, v47;
	v51 =	vmul.f32 v35, v51  }
0x37c: {  	v1 =	vadd.f32 v1, v8;
	v10 =	vmul.f32 v35, v52;
	v52 =	vmul.f32 v49, v28  }
0x37d: {  	v4 =	vadd.f32 v4, v5;
	v54 =	vmul.f32 v49, v31;
	v56 =	vmul.f32 v2, v41  }
0x37e: {  	v1 =	vadd.f32 v1, v6;
	v58 =	vmul.f32 v49, v48;
	v60 =	vmul.f32 v2, v40  }
0x37f: {  	v9 =	vmul.f32 v49, v38;
	v3 =	vadd.f32 v3, v39;
	v6 =	vadd.f32 v50, v42  }
0x380: {  	v61 =	vmul.f32 v2, v30;
	v57 =	vadd.f32 v51, v43;
	v8 =	vadd.f32 v56, v54  }
0x381: {  	v2 =	vmul.f32 v2, v53;
	v5 =	vadd.f32 v10, v44;
	v62 =	vadd.f32 v60, v58  }
0x382: {  	v9 =	vadd.f32 v61, v9;
	v6 =	vadd.f32 v8, v6  }
0x383: {  	v2 =	vadd.f32 v2, v52;
	v63 =	vadd.f32 v62, v57  }
0x384: {  	v5 =	vadd.f32 v9, v5;
	v4 =	vadd.f32 v6, v4  }
0x385: {  	s7 =	sadd.s32 s7, s11;
	v2 =	vadd.f32 v2, v3;
	v0 =	vadd.f32 v63, v0  }
0x386: {  	s7 =	smul.u32 $0xA0, s7;
	v1 =	vadd.f32 v5, v1;
	[tilespmem:$0xFEC0] =	vst v4  }
0x387: {  	v2 =	vadd.f32 v2, v7;
	[tilespmem:$0xFED0] =	vst v0  }
0x388: {  	s7 =	sadd.s32 s2, s7;
	[tilespmem:$0xFEE0] =	vst v1  }
.Ltmp7:
0x389: {  	s7 =	sadd.s32 $0xA0, s7;
	[tilespmem:$0xFEF0] =	vst v2;
	(pc) =	sbr.rel @p0 .LBB2_14-.Ltmp7, $4  }
0x38a: {  	[hbm4b:s7+s3] =	stream.linear.scatter [tilespmem:s30], [sflag:$0x3], $0x500, $0x38;
	[tilespmem:$0xFF00] =	vst v63  }
0x38b: {  	_ =	swait.ge [sflag:s13], $0x500  }
0x38c: {  	v56 =	vimm.s32 $0x0;
	v60 =	vimm.s32 $0x8;
	[sflag:s13] =	ssyncset.done $0x0  }
0x38d: {  	v61 =	vimm.s32 $0xC;
	v58 =	vmovc v55;
	v57 =	vimm.s32 $0x4;
	v0 =	vmovc v11;
	v2 =	vmov v12;
	[sflag:s13] =	ssyncadd.s32 $0xFFFFFB00  }
0x38e: {  	s7 =	smul.u32 $0xC80, s0;
	_ =	sdelay $0x1  }
0x38f: {  	s7 =	sshra.s32 s7, $0x2  }
0x390: {  	s8 =	sadd.s32 $0x4B0, s7  }
0x391: {  	[tilespmem:s19], [sflag:$0x2] =	stream.indirect.gather [hbm4b:s4+s6], $0x40, s8, s6, $0xb8;
	[tilespmem:$0xFF00] =	vst v63  }
0x392: {  	s9 =	sadd.s32 $0x500, s7  }
0x393: {  	[tilespmem:s21], [sflag:$0x2] =	stream.indirect.gather [hbm4b:s4+s6], $0x40, s9, s6, $0xb8;
	[tilespmem:$0xFF00] =	vst v63  }
0x394: {  	s10 =	sadd.s32 $0x550, s7  }
0x395: {  	[tilespmem:s23], [sflag:$0x2] =	stream.indirect.gather [hbm4b:s4+s6], $0x40, s10, s6, $0xb8;
	[tilespmem:$0xFF00] =	vst v63  }
.Ltmp8:
0x396: {  	_ = 	snop;
	(pc) =	sbr.rel .LBB2_4-.Ltmp8, $4  }
0x397: {  	s14 =	sadd.s32 $0x5A0, s7  }
0x398: {  	[tilespmem:s25], [sflag:$0x2] =	stream.indirect.gather [hbm4b:s4+s6], $0x40, s14, s6, $0xb8;
	[tilespmem:$0xFF00] =	vst v63  }
0x399: {  	s0 =	sadd.s32 $0x1, s0;
	s7 =	sadd.s32 $0x5F0, s7  }
0x39a: {  	[tilespmem:s28], [sflag:$0x2] =	stream.indirect.gather [hbm4b:s4+s6], $0x40, s7, s6, $0xb8;
	[tilespmem:$0xFF00] =	vst v63  }
.LBB2_15:
0x39b: {  	_ =	sfence.sel $0x180000  }
0x39c: {  	[bflag:$0x0] =	sbarrier.arrive $0xFFFF  }
0x39d: {  	_ =	strace $0x90000047  }
0x39e: {  	s0 =	stileid.u32;
	[bflag:$0x2] =	sbarrier.arrive $0xFFFF  }
0x39f: {  	p0 =	sne.s32 s0, $0x0;
	s0 =	rddreg [dreg:$0x2]  }
0x3a0: {  	s0 =	sadd.s32 @!p0 $0x100000, s0  }
0x3a1: {  	[sflag:s0] =	ssyncadd.tile.s32 @!p0 $0x1;
	_ =	shalt  }
.Lfunc_end2:
_tile_overlayer_lowered:
.L_overlay_start_2:
0x3a2: {  	(tag) =	ssettag $0x2  }
0x3a3: {  	s0 =	rddreg [dreg:$0x0];
	s2 =	stileid.u32  }
0x3a4: {  	s1 =	rddreg [dreg:$0x1];
	p0 =	sne.s32 s2, $0x0  }
0x3a5: {  	s3 =	rddreg [dreg:$0x2];
	[bflag:$0x3] =	sbarrier.arrive $0xFFFF;
	s2 =	simm.s32 @!p0 $0x1C03  }
0x3a6: {  	[timem:s3], [sflag:s2] =	dma.local @!p0 [hbm:s0], s1  }
0x3a7: {  	s0 =	simm.s32 @!p0 $0x3  }
0x3a8: {  	_ =	swait.ge @!p0 [sflag:s0], s1  }
0x3a9: {  	s1 =	ssub.s32 @!p0 $0x0, s1;
	[sflag:s0] =	ssyncset.done @!p0 $0x0  }
0x3aa: {  	[sflag:s0] =	ssyncadd.s32 @!p0 s1  }
0x3ab: {  	[bflag:$0x3] =	sbarrier.arrive $0xFFFF  }
0x3ac: {  	_ =	shalt  }

</sc_bundles>
